<compile_context>
chip_gen: v7x
topology: tpu7x:2x2x1
jax: 0.10.2.dev20260603
libtpu: 0.0.44.dev20260713+nightly
codegen_flags: <defaults>
</compile_context>

<pallas_src>
import jax
import jax.numpy as jnp
from jax import lax
from jax.experimental import pallas as pl
from jax.experimental.pallas import tpu as pltpu
from jax.experimental.pallas import tpu_sc as plsc

_N = 10000
_E = 320000
_H = 128
_G = 64
_C = 8

_NC = 2
_NS = 16
_NW = _NC * _NS
_WIN = 125
_WPW = _E // (_NW * _WIN)
_HPW = _WPW // 2
_CH = 1000
_NCH = _N // _CH
_TCH = (_NCH + _NS - 1) // _NS
_DW = _H


def _zero_acc(zero_hbm, acc, sid, sem):
    @pl.loop(0, _TCH)
    def _zero(t):
        j = sid + t * _NS

        @pl.when(j < _NCH)
        def _():
            r0 = pl.multiple_of(j * _CH, 8)
            pltpu.async_copy(zero_hbm, acc.at[pl.ds(r0, _CH)], sem)

    @pl.loop(0, _TCH)
    def _zwait(t):
        j = sid + t * _NS

        @pl.when(j < _NCH)
        def _():
            r0 = pl.multiple_of(j * _CH, 8)
            pltpu.make_async_copy(zero_hbm, acc.at[pl.ds(r0, _CH)], sem).wait()


def _write_partial(acc, out_hbm, cid, sid, sem):
    @pl.loop(0, _TCH)
    def _out(t):
        j = sid + t * _NS

        @pl.when(j < _NCH)
        def _():
            r0 = pl.multiple_of(j * _CH, 8)
            pltpu.async_copy(acc.at[pl.ds(r0, _CH)],
                             out_hbm.at[pl.ds(cid * _N + r0, _CH)], sem)

    @pl.loop(0, _TCH)
    def _owait(t):
        j = sid + t * _NS

        @pl.when(j < _NCH)
        def _():
            r0 = pl.multiple_of(j * _CH, 8)
            pltpu.make_async_copy(acc.at[pl.ds(r0, _CH)],
                                  out_hbm.at[pl.ds(cid * _N + r0, _CH)],
                                  sem).wait()


def _sc_scatter_body(z_hbm, src_hbm, dst_hbm, zero_hbm, out_hbm,
                     sidx, didx, rows0, rows1, acc,
                     gsem0, gsem1, zsem):
    cid = lax.axis_index("c")
    sid = lax.axis_index("s")
    wid = sid * _NC + cid
    base = pl.multiple_of(wid * _WPW, 8)

    pltpu.async_copy(src_hbm.at[pl.ds(base, _HPW)], sidx, gsem0)
    pltpu.async_copy(dst_hbm.at[pl.ds(base, _HPW)], didx, gsem1)

    _zero_acc(zero_hbm, acc, sid, zsem)
    pltpu.make_async_copy(src_hbm.at[pl.ds(base, _HPW)], sidx, gsem0).wait()
    pltpu.make_async_copy(dst_hbm.at[pl.ds(base, _HPW)], didx, gsem1).wait()
    plsc.subcore_barrier()

    pltpu.async_copy(z_hbm.at[sidx.at[0]], rows0, gsem0)
    pltpu.async_copy(z_hbm.at[sidx.at[1]], rows1, gsem1)

    @pl.loop(0, _WPW // 2)
    def _edges(t):
        j = 2 * t

        @pl.when(t == _HPW // 2)
        def _():
            pltpu.sync_copy(src_hbm.at[pl.ds(base + _HPW, _HPW)], sidx)
            pltpu.sync_copy(dst_hbm.at[pl.ds(base + _HPW, _HPW)], didx)
            pltpu.async_copy(z_hbm.at[sidx.at[0]], rows0, gsem0)
            pltpu.async_copy(z_hbm.at[sidx.at[1]], rows1, gsem1)

        jl = lax.rem(j, _HPW)
        not_last = jnp.logical_and(t != _HPW // 2 - 1, t != _WPW // 2 - 1)

        pltpu.make_async_copy(z_hbm.at[sidx.at[jl]], rows0, gsem0).wait()
        pltpu.sync_copy(rows0, acc.at[didx.at[jl]], add=True)

        @pl.when(not_last)
        def _():
            pltpu.async_copy(z_hbm.at[sidx.at[jl + 2]], rows0, gsem0)

        pltpu.make_async_copy(z_hbm.at[sidx.at[jl + 1]], rows1, gsem1).wait()
        pltpu.sync_copy(rows1, acc.at[didx.at[jl + 1]], add=True)

        @pl.when(not_last)
        def _():
            pltpu.async_copy(z_hbm.at[sidx.at[jl + 3]], rows1, gsem1)

    plsc.subcore_barrier()
    _write_partial(acc, out_hbm, cid, sid, gsem0)


def _sc_scatter(z, src2, dst2, zero_chunk):
    f = pl.kernel(
        _sc_scatter_body,
        out_type=jax.ShapeDtypeStruct((2 * _N, _H), jnp.float32),
        mesh=plsc.VectorSubcoreMesh(core_axis_name="c", subcore_axis_name="s"),
        scratch_types=[
            pltpu.VMEM((_HPW, _WIN), jnp.int32),
            pltpu.VMEM((_HPW, _WIN), jnp.int32),
            pltpu.VMEM((_WIN, _H), jnp.float32),
            pltpu.VMEM((_WIN, _H), jnp.float32),
            pltpu.VMEM_SHARED((_N, _H), jnp.float32),
            pltpu.SemaphoreType.DMA,
            pltpu.SemaphoreType.DMA,
            pltpu.SemaphoreType.DMA,
        ],
    )
    return f(z, src2, dst2, zero_chunk)


def _sc_degree_body(dst_hbm, ones_hbm, zero_hbm, out_hbm,
                    didx, ones_v, acc, sem0, zsem):
    cid = lax.axis_index("c")
    sid = lax.axis_index("s")
    wid = sid * _NC + cid
    base = pl.multiple_of(wid * _WPW, 8)

    pltpu.async_copy(dst_hbm.at[pl.ds(base, _WPW)], didx, sem0)
    pltpu.sync_copy(ones_hbm, ones_v)

    _zero_acc(zero_hbm, acc, sid, zsem)
    pltpu.make_async_copy(dst_hbm.at[pl.ds(base, _WPW)], didx, sem0).wait()
    plsc.subcore_barrier()

    @pl.loop(0, _WPW // 16)
    def _edges(b):
        hs = [pltpu.async_copy(ones_v, acc.at[didx.at[b * 16 + k]], zsem,
                               add=True)
              for k in range(16)]
        for h in hs:
            h.wait()

    plsc.subcore_barrier()
    _write_partial(acc, out_hbm, cid, sid, sem0)


def _sc_degree(dst2, ones_win, zero_chunk):
    f = pl.kernel(
        _sc_degree_body,
        out_type=jax.ShapeDtypeStruct((2 * _N, _DW), jnp.float32),
        mesh=plsc.VectorSubcoreMesh(core_axis_name="c", subcore_axis_name="s"),
        scratch_types=[
            pltpu.VMEM((_WPW, _WIN), jnp.int32),
            pltpu.VMEM((_WIN, _DW), jnp.float32),
            pltpu.VMEM_SHARED((_N, _DW), jnp.float32),
            pltpu.SemaphoreType.DMA,
            pltpu.SemaphoreType.DMA,
        ],
    )
    return f(dst2, ones_win, zero_chunk)


_R = 2000


def _tmm_body(x_ref, w_ref, y_ref):
    y_ref[...] = jnp.dot(x_ref[...], w_ref[...],
                         preferred_element_type=jnp.float32)


def _tc_matmul(x, w0):
    return pl.pallas_call(
        _tmm_body,
        grid=(_N // _R,),
        in_specs=[
            pl.BlockSpec((_R, _H), lambda i: (i, 0)),
            pl.BlockSpec((_H, _H), lambda i: (0, 0)),
        ],
        out_specs=pl.BlockSpec((_R, _H), lambda i: (i, 0)),
        out_shape=jax.ShapeDtypeStruct((_N, _H), jnp.float32),
    )(x, w0)


_NB = _N // _R


def _t0_body(y_ref, d0_ref, d1_ref, z_ref, dinv_ref):
    d = d0_ref[...][:, :1] + d1_ref[...][:, :1]
    dinv = jnp.broadcast_to(lax.rsqrt(1.0 + d), (_R, _H))
    dinv_ref[...] = dinv
    z_ref[...] = y_ref[...] * dinv


def _tc_first(y, degp):
    return pl.pallas_call(
        _t0_body,
        grid=(_NB,),
        in_specs=[
            pl.BlockSpec((_R, _H), lambda i: (i, 0)),
            pl.BlockSpec((_R, _DW), lambda i: (i, 0)),
            pl.BlockSpec((_R, _DW), lambda i: (i + _NB, 0)),
        ],
        out_specs=[
            pl.BlockSpec((_R, _H), lambda i: (i, 0)),
            pl.BlockSpec((_R, _H), lambda i: (i, 0)),
        ],
        out_shape=[
            jax.ShapeDtypeStruct((_N, _H), jnp.float32),
            jax.ShapeDtypeStruct((_N, _H), jnp.float32),
        ],
    )(y, degp, degp)


def _tmid_body(p0_ref, p1_ref, z_ref, dinv_ref, b_ref, w_ref, zo_ref):
    dinv = dinv_ref[...]
    h = jnp.maximum(
        dinv * (p0_ref[...] + p1_ref[...] + z_ref[...]) + b_ref[...], 0.0)
    zo_ref[...] = jnp.dot(h, w_ref[...],
                          preferred_element_type=jnp.float32) * dinv


def _tc_mid(p, z, dinv, b, w):
    return pl.pallas_call(
        _tmid_body,
        grid=(_NB,),
        in_specs=[
            pl.BlockSpec((_R, _H), lambda i: (i, 0)),
            pl.BlockSpec((_R, _H), lambda i: (i + _NB, 0)),
            pl.BlockSpec((_R, _H), lambda i: (i, 0)),
            pl.BlockSpec((_R, _H), lambda i: (i, 0)),
            pl.BlockSpec((1, _H), lambda i: (0, 0)),
            pl.BlockSpec((_H, _H), lambda i: (0, 0)),
        ],
        out_specs=pl.BlockSpec((_R, _H), lambda i: (i, 0)),
        out_shape=jax.ShapeDtypeStruct((_N, _H), jnp.float32),
    )(p, p, z, dinv, b, w)


def _t4_body(p0_ref, p1_ref, z_ref, dinv_ref, b_ref, batch_ref, wc_ref,
             bc_ref, sums_ref, cnt_ref, out_ref):
    i = pl.program_id(0)
    h = dinv_ref[...] * (p0_ref[...] + p1_ref[...] + z_ref[...]) + b_ref[...]
    gids = lax.broadcasted_iota(jnp.int32, (_R, _G), 1)
    m = (batch_ref[...] == gids).astype(jnp.float32)
    s = lax.dot_general(m, h, (((0,), (0,)), ((), ())),
                        preferred_element_type=jnp.float32)
    c = jnp.broadcast_to(jnp.sum(m, axis=0)[:, None], (_G, _H))

    @pl.when(i == 0)
    def _():
        sums_ref[...] = s
        cnt_ref[...] = c

    @pl.when(i > 0)
    def _():
        sums_ref[...] += s
        cnt_ref[...] += c

    @pl.when(i == _NB - 1)
    def _():
        mean = sums_ref[...] / jnp.maximum(cnt_ref[...], 1.0)
        out_ref[...] = jnp.dot(mean, wc_ref[...],
                               preferred_element_type=jnp.float32) + bc_ref[...]


def _tc_pool(p, z, dinv, b, batch2d, wc_pad, bc_pad):
    outs = pl.pallas_call(
        _t4_body,
        grid=(_NB,),
        in_specs=[
            pl.BlockSpec((_R, _H), lambda i: (i, 0)),
            pl.BlockSpec((_R, _H), lambda i: (i + _NB, 0)),
            pl.BlockSpec((_R, _H), lambda i: (i, 0)),
            pl.BlockSpec((_R, _H), lambda i: (i, 0)),
            pl.BlockSpec((1, _H), lambda i: (0, 0)),
            pl.BlockSpec((_R, 1), lambda i: (i, 0)),
            pl.BlockSpec((_H, _H), lambda i: (0, 0)),
            pl.BlockSpec((1, _H), lambda i: (0, 0)),
        ],
        out_specs=[
            pl.BlockSpec((_G, _H), lambda i: (0, 0)),
            pl.BlockSpec((_G, _H), lambda i: (0, 0)),
            pl.BlockSpec((_G, _H), lambda i: (0, 0)),
        ],
        out_shape=[
            jax.ShapeDtypeStruct((_G, _H), jnp.float32),
            jax.ShapeDtypeStruct((_G, _H), jnp.float32),
            jax.ShapeDtypeStruct((_G, _H), jnp.float32),
        ],
    )(p, p, z, dinv, b, batch2d, wc_pad, bc_pad)
    return outs[2]


def kernel(x, edge_index, batch, W0, b0, W1, b1, W2, b2, W3, b3, Wc, bc):
    src2 = edge_index[0].reshape(_E // _WIN, _WIN)
    dst2 = edge_index[1].reshape(_E // _WIN, _WIN)
    zero_chunk = jnp.zeros((_CH, _H), jnp.float32)
    ones_win = jnp.ones((_WIN, _DW), jnp.float32)

    degp = _sc_degree(dst2, ones_win, jnp.zeros((_CH, _DW), jnp.float32))
    y0 = _tc_matmul(x, W0)

    z, dinv = _tc_first(y0, degp)

    for b, w in ((b0, W1), (b1, W2), (b2, W3)):
        p = _sc_scatter(z, src2, dst2, zero_chunk)
        z = _tc_mid(p, z, dinv, b.reshape(1, _H), w)

    p = _sc_scatter(z, src2, dst2, zero_chunk)

    wc_pad = jnp.zeros((_H, _H), jnp.float32).at[:, :_C].set(Wc)
    bc_pad = jnp.zeros((1, _H), jnp.float32).at[0, :_C].set(bc)
    out = _tc_pool(p, z, dinv, b3.reshape(1, _H),
                   batch.reshape(_N, 1), wc_pad, bc_pad)
    return out[:, :_C]

# --- scband reference (transcript-rebuilt; emitter-appended) ---
"""Pipeline reference for scband-tiny-gcn-21251498181385 (READ-ONLY COPY).

The authoritative reference and input builder live on the scoring server;
editing this copy changes nothing except your own understanding.
"""

import jax, jax.numpy as jnp
import numpy as np

N = 10000
E = 320000
F_IN = 128
H = 128
C = 8
G = 64


def setup_inputs(seed: int = 0) -> dict:
    key = jax.random.key(seed)
    ks = jax.random.split(key, 12)
    x = jax.random.normal(ks[0], (N, F_IN), dtype=jnp.float32)
    edge_index = jax.random.randint(ks[1], (2, E), 0, N, dtype=jnp.int32)
    batch = jnp.sort(jax.random.randint(ks[2], (N,), 0, G, dtype=jnp.int32))

    def glorot(k, shape):
        lim = float(np.sqrt(6.0 / (shape[0] + shape[1])))
        return jax.random.uniform(k, shape, dtype=jnp.float32, minval=-lim, maxval=lim)

    inp = {"x": x, "edge_index": edge_index, "batch": batch}
    dims = [(F_IN, H), (H, H), (H, H), (H, H)]
    for i, (di, do) in enumerate(dims):
        inp["W%d" % i] = glorot(ks[3 + i], (di, do))
        inp["b%d" % i] = jnp.zeros((do,), dtype=jnp.float32)
    inp["Wc"] = glorot(ks[10], (H, C))
    inp["bc"] = jnp.zeros((C,), dtype=jnp.float32)
    return inp


def _gcn_forward(x, edge_index, batch, W0, b0, W1, b1, W2, b2, W3, b3, Wc, bc):
    # GCNConv semantics (PyG defaults): add self-loops, symmetric normalization,
    # x' = D^{-1/2} (A + I) D^{-1/2} (x W) + b
    loop = jnp.arange(N, dtype=edge_index.dtype)
    src = jnp.concatenate([edge_index[0], loop])
    dst = jnp.concatenate([edge_index[1], loop])
    deg = jnp.zeros((N,), dtype=jnp.float32).at[dst].add(1.0)
    dinv = jax.lax.rsqrt(deg)
    norm = dinv[src] * dinv[dst]

    def conv(h, W, b):
        h = h @ W
        m = h[src] * norm[:, None]
        agg = jnp.zeros_like(h).at[dst].add(m)
        return agg + b

    h = x
    params = [(W0, b0), (W1, b1), (W2, b2), (W3, b3)]
    for i, (W, b) in enumerate(params):
        h = conv(h, W, b)
        if i < len(params) - 1:
            h = jax.nn.relu(h)
            # dropout p=0.0 at inference -> identity

    # global_mean_pool over graph ids in `batch`
    sums = jax.ops.segment_sum(h, batch, num_segments=G)
    counts = jax.ops.segment_sum(jnp.ones((N,), dtype=jnp.float32), batch, num_segments=G)
    mean = sums / jnp.maximum(counts, 1.0)[:, None]
    return mean @ Wc + bc


def reference(x, edge_index, batch, W0, b0, W1, b1, W2, b2, W3, b3, Wc, bc):
    return _gcn_forward(x, edge_index, batch, W0, b0, W1, b1, W2, b2, W3, b3, Wc, bc)

if __name__ == "__main__":
    import jax
    _d = setup_inputs()
    print(jax.jit(kernel)(*tuple(_d.values())))

</pallas_src>

<mosaic_0001>
#map = affine_map<(d0, d1) -> (0, 0)>
module attributes {stable_mosaic.version = 14 : i64} {
  func.func @_sc_degree_body(%arg0: i32, %arg1: i32, %arg2: memref<2560x125xi32, #tpu.memory_space<hbm>>, %arg3: memref<125x128xf32, #tpu.memory_space<hbm>>, %arg4: memref<1000x128xf32, #tpu.memory_space<hbm>>, %arg5: memref<20000x128xf32, #tpu.memory_space<hbm>>, %arg6: memref<80x125xi32, #tpu.memory_space<vmem>>, %arg7: memref<125x128xf32, #tpu.memory_space<vmem>>, %arg8: memref<10000x128xf32, #tpu.memory_space<vmem_shared>>, %arg9: memref<!tpu.dma_semaphore, #tpu.memory_space<semaphore_mem>>, %arg10: memref<!tpu.dma_semaphore, #tpu.memory_space<semaphore_mem>>) attributes {dimension_semantics = [#tpu.dimension_semantics<core_parallel>, #tpu.dimension_semantics<subcore_parallel>], iteration_bounds = array<i64: 2, 16>, scalar_prefetch = 0 : i64, scratch_operands = 5 : i64, tpu.core_type = #tpu.core_type<sc_vector_subcore>, window_params = [{transform_indices = #map}, {transform_indices = #map}, {transform_indices = #map}, {transform_indices = #map}]} {
    %mul3A = arith.constant 2 : i32
    %mul3A_0 = arith.muli %arg1, %mul3A : i32
    %add3A = arith.addi %mul3A_0, %arg0 : i32
    %mul3A_1 = arith.constant 80 : i32
    %mul3A_2 = arith.muli %add3A, %mul3A_1 : i32
    %multiple_of3A = tpu.assume_multiple %mul3A_2, 8 : i32
    %dma_start3A = arith.constant 0 : i32
    %dma_start3A_3 = tpu.memref_slice %arg2[%multiple_of3A, %dma_start3A] : memref<2560x125xi32, #tpu.memory_space<hbm>> -> memref<80x125xi32, #tpu.memory_space<hbm>>
    %dma_start3A_4 = arith.constant 0 : i32
    %dma_start3A_5 = tpu.memref_slice %arg2[%multiple_of3A, %dma_start3A_4] : memref<2560x125xi32, #tpu.memory_space<hbm>> -> memref<80x125xi32, #tpu.memory_space<hbm>>
    tpu.enqueue_dma source(%dma_start3A_5 : memref<80x125xi32, #tpu.memory_space<hbm>>) target(%arg6 : memref<80x125xi32, #tpu.memory_space<vmem>>) target_semaphore(%arg9 : memref<!tpu.dma_semaphore, #tpu.memory_space<semaphore_mem>>)
    "tpu.region"() ({
      %run_scoped3A = tpu.sem_alloc : memref<!tpu.dma_semaphore, #tpu.memory_space<semaphore_mem>>
      tpu.enqueue_dma source(%arg3 : memref<125x128xf32, #tpu.memory_space<hbm>>) target(%arg7 : memref<125x128xf32, #tpu.memory_space<vmem>>) target_semaphore(%run_scoped3A : memref<!tpu.dma_semaphore, #tpu.memory_space<semaphore_mem>>)
      tpu.wait_dma2 semaphore(%run_scoped3A : memref<!tpu.dma_semaphore, #tpu.memory_space<semaphore_mem>>) src(%arg3 : memref<125x128xf32, #tpu.memory_space<hbm>>) dst(%arg7 : memref<125x128xf32, #tpu.memory_space<vmem>>)
      tpu.yield
    }) : () -> ()
    %scan3A = arith.constant 0 : i32
    %mul3A_6 = arith.constant 1 : i32
    %mul3A_7 = arith.muli %scan3A, %mul3A_6 : i32
    %add3A_8 = arith.constant 0 : i32
    %add3A_9 = arith.addi %add3A_8, %mul3A_7 : i32
    %mul3A_10 = arith.constant 16 : i32
    %mul3A_11 = arith.muli %add3A_9, %mul3A_10 : i32
    %add3A_12 = arith.addi %arg1, %mul3A_11 : i32
    %lt3A = arith.constant 10 : i32
    %lt3A_13 = arith.cmpi slt, %add3A_12, %lt3A : i32
    %convert_element_type3A = arith.extui %lt3A_13 : i1 to i32
    %cond3A = arith.constant 0 : i32
    %cond3A_14 = arith.cmpi ne, %convert_element_type3A, %cond3A : i32
    scf.if %cond3A_14 {
      %mul3A_67 = arith.constant 1000 : i32
      %mul3A_68 = arith.muli %add3A_12, %mul3A_67 : i32
      %multiple_of3A_69 = tpu.assume_multiple %mul3A_68, 8 : i32
      %dma_start3A_70 = arith.constant 0 : i32
      %dma_start3A_71 = tpu.memref_slice %arg8[%multiple_of3A_69, %dma_start3A_70] : memref<10000x128xf32, #tpu.memory_space<vmem_shared>> -> memref<1000x128xf32, #tpu.memory_space<vmem_shared>>
      tpu.enqueue_dma source(%arg4 : memref<1000x128xf32, #tpu.memory_space<hbm>>) target(%dma_start3A_71 : memref<1000x128xf32, #tpu.memory_space<vmem_shared>>) target_semaphore(%arg10 : memref<!tpu.dma_semaphore, #tpu.memory_space<semaphore_mem>>)
    } else {
    }
    %scan3A_15 = arith.constant 1 : i32
    %scan3A_16 = arith.constant 0 : i32
    %mul3A_17 = arith.constant 1 : i32
    %mul3A_18 = arith.muli %scan3A_16, %mul3A_17 : i32
    %add3A_19 = arith.constant 0 : i32
    %add3A_20 = arith.addi %add3A_19, %mul3A_18 : i32
    %mul3A_21 = arith.constant 16 : i32
    %mul3A_22 = arith.muli %add3A_20, %mul3A_21 : i32
    %add3A_23 = arith.addi %arg1, %mul3A_22 : i32
    %lt3A_24 = arith.constant 10 : i32
    %lt3A_25 = arith.cmpi slt, %add3A_23, %lt3A_24 : i32
    %convert_element_type3A_26 = arith.extui %lt3A_25 : i1 to i32
    %cond3A_27 = arith.constant 0 : i32
    %cond3A_28 = arith.cmpi ne, %convert_element_type3A_26, %cond3A_27 : i32
    scf.if %cond3A_28 {
      %mul3A_67 = arith.constant 1000 : i32
      %mul3A_68 = arith.muli %add3A_23, %mul3A_67 : i32
      %multiple_of3A_69 = tpu.assume_multiple %mul3A_68, 8 : i32
      %dma_wait3A_70 = arith.constant 0 : i32
      %dma_wait3A_71 = tpu.memref_slice %arg8[%multiple_of3A_69, %dma_wait3A_70] : memref<10000x128xf32, #tpu.memory_space<vmem_shared>> -> memref<1000x128xf32, #tpu.memory_space<vmem_shared>>
      tpu.wait_dma2 semaphore(%arg10 : memref<!tpu.dma_semaphore, #tpu.memory_space<semaphore_mem>>) src(%arg4 : memref<1000x128xf32, #tpu.memory_space<hbm>>) dst(%dma_wait3A_71 : memref<1000x128xf32, #tpu.memory_space<vmem_shared>>)
    } else {
    }
    %scan3A_29 = arith.constant 1 : i32
    %dma_wait3A = arith.constant 0 : i32
    %dma_wait3A_30 = tpu.memref_slice %arg2[%multiple_of3A, %dma_wait3A] : memref<2560x125xi32, #tpu.memory_space<hbm>> -> memref<80x125xi32, #tpu.memory_space<hbm>>
    %dma_wait3A_31 = arith.constant 0 : i32
    %dma_wait3A_32 = tpu.memref_slice %arg2[%multiple_of3A, %dma_wait3A_31] : memref<2560x125xi32, #tpu.memory_space<hbm>> -> memref<80x125xi32, #tpu.memory_space<hbm>>
    tpu.wait_dma2 semaphore(%arg9 : memref<!tpu.dma_semaphore, #tpu.memory_space<semaphore_mem>>) src(%dma_wait3A_32 : memref<80x125xi32, #tpu.memory_space<hbm>>) dst(%arg6 : memref<80x125xi32, #tpu.memory_space<vmem>>)
    %barrier3A = arith.constant 0 : index
    tpu.barrier barrier_id(%barrier3A)
    %scan3A_33 = arith.constant 0 : i32
    %scan3A_34 = arith.constant 5 : i32
    %scan3A_35 = arith.addi %scan3A_33, %scan3A_34 : i32
    %scan3A_36 = arith.constant 1 : i32
    scf.for %scan3A_67 = %scan3A_33 to %scan3A_35 step %scan3A_36  : i32 {
      %mul3A_68 = arith.constant 1 : i32
      %mul3A_69 = arith.muli %scan3A_67, %mul3A_68 : i32
      %add3A_70 = arith.constant 0 : i32
      %add3A_71 = arith.addi %add3A_70, %mul3A_69 : i32
      %mul3A_72 = arith.constant 16 : i32
      %mul3A_73 = arith.muli %add3A_71, %mul3A_72 : i32
      %add3A_74 = arith.constant 0 : i32
      %add3A_75 = arith.addi %mul3A_73, %add3A_74 : i32
      %dma_start3A_76 = arith.constant 0 : i32
      %dma_start3A_77 = tpu.memref_slice %arg6[%add3A_75, %dma_start3A_76] : memref<80x125xi32, #tpu.memory_space<vmem>> -> memref<1x125xi32, #tpu.memory_space<vmem>>
      %dma_start3A_78 = tpu.memref_squeeze %dma_start3A_77 : memref<1x125xi32, #tpu.memory_space<vmem>> -> memref<125xi32, #tpu.memory_space<vmem>>
      %dma_start3A_79 = arith.constant 0 : i32
      %dma_start3A_80 = arith.constant 0 : i32
      %dma_start3A_81 = tpu.memref_slice %arg8[%dma_start3A_79, %dma_start3A_80] : memref<10000x128xf32, #tpu.memory_space<vmem_shared>> -> memref<10000x128xf32, #tpu.memory_space<vmem_shared>>
      tpu.enqueue_indirect_dma source(%arg7 : memref<125x128xf32, #tpu.memory_space<vmem>>) target(%dma_start3A_81 : memref<10000x128xf32, #tpu.memory_space<vmem_shared>>) offsets(%dma_start3A_78 : memref<125xi32, #tpu.memory_space<vmem>>) semaphore(%arg10 : memref<!tpu.dma_semaphore, #tpu.memory_space<semaphore_mem>>) {add = true}
      %mul3A_82 = arith.constant 16 : i32
      %mul3A_83 = arith.muli %add3A_71, %mul3A_82 : i32
      %add3A_84 = arith.constant 1 : i32
      %add3A_85 = arith.addi %mul3A_83, %add3A_84 : i32
      %dma_start3A_86 = arith.constant 0 : i32
      %dma_start3A_87 = tpu.memref_slice %arg6[%add3A_85, %dma_start3A_86] : memref<80x125xi32, #tpu.memory_space<vmem>> -> memref<1x125xi32, #tpu.memory_space<vmem>>
      %dma_start3A_88 = tpu.memref_squeeze %dma_start3A_87 : memref<1x125xi32, #tpu.memory_space<vmem>> -> memref<125xi32, #tpu.memory_space<vmem>>
      %dma_start3A_89 = arith.constant 0 : i32
      %dma_start3A_90 = arith.constant 0 : i32
      %dma_start3A_91 = tpu.memref_slice %arg8[%dma_start3A_89, %dma_start3A_90] : memref<10000x128xf32, #tpu.memory_space<vmem_shared>> -> memref<10000x128xf32, #tpu.memory_space<vmem_shared>>
      tpu.enqueue_indirect_dma source(%arg7 : memref<125x128xf32, #tpu.memory_space<vmem>>) target(%dma_start3A_91 : memref<10000x128xf32, #tpu.memory_space<vmem_shared>>) offsets(%dma_start3A_88 : memref<125xi32, #tpu.memory_space<vmem>>) semaphore(%arg10 : memref<!tpu.dma_semaphore, #tpu.memory_space<semaphore_mem>>) {add = true}
      %mul3A_92 = arith.constant 16 : i32
      %mul3A_93 = arith.muli %add3A_71, %mul3A_92 : i32
      %add3A_94 = arith.constant 2 : i32
      %add3A_95 = arith.addi %mul3A_93, %add3A_94 : i32
      %dma_start3A_96 = arith.constant 0 : i32
      %dma_start3A_97 = tpu.memref_slice %arg6[%add3A_95, %dma_start3A_96] : memref<80x125xi32, #tpu.memory_space<vmem>> -> memref<1x125xi32, #tpu.memory_space<vmem>>
      %dma_start3A_98 = tpu.memref_squeeze %dma_start3A_97 : memref<1x125xi32, #tpu.memory_space<vmem>> -> memref<125xi32, #tpu.memory_space<vmem>>
      %dma_start3A_99 = arith.constant 0 : i32
      %dma_start3A_100 = arith.constant 0 : i32
      %dma_start3A_101 = tpu.memref_slice %arg8[%dma_start3A_99, %dma_start3A_100] : memref<10000x128xf32, #tpu.memory_space<vmem_shared>> -> memref<10000x128xf32, #tpu.memory_space<vmem_shared>>
      tpu.enqueue_indirect_dma source(%arg7 : memref<125x128xf32, #tpu.memory_space<vmem>>) target(%dma_start3A_101 : memref<10000x128xf32, #tpu.memory_space<vmem_shared>>) offsets(%dma_start3A_98 : memref<125xi32, #tpu.memory_space<vmem>>) semaphore(%arg10 : memref<!tpu.dma_semaphore, #tpu.memory_space<semaphore_mem>>) {add = true}
      %mul3A_102 = arith.constant 16 : i32
      %mul3A_103 = arith.muli %add3A_71, %mul3A_102 : i32
      %add3A_104 = arith.constant 3 : i32
      %add3A_105 = arith.addi %mul3A_103, %add3A_104 : i32
      %dma_start3A_106 = arith.constant 0 : i32
      %dma_start3A_107 = tpu.memref_slice %arg6[%add3A_105, %dma_start3A_106] : memref<80x125xi32, #tpu.memory_space<vmem>> -> memref<1x125xi32, #tpu.memory_space<vmem>>
      %dma_start3A_108 = tpu.memref_squeeze %dma_start3A_107 : memref<1x125xi32, #tpu.memory_space<vmem>> -> memref<125xi32, #tpu.memory_space<vmem>>
      %dma_start3A_109 = arith.constant 0 : i32
      %dma_start3A_110 = arith.constant 0 : i32
      %dma_start3A_111 = tpu.memref_slice %arg8[%dma_start3A_109, %dma_start3A_110] : memref<10000x128xf32, #tpu.memory_space<vmem_shared>> -> memref<10000x128xf32, #tpu.memory_space<vmem_shared>>
      tpu.enqueue_indirect_dma source(%arg7 : memref<125x128xf32, #tpu.memory_space<vmem>>) target(%dma_start3A_111 : memref<10000x128xf32, #tpu.memory_space<vmem_shared>>) offsets(%dma_start3A_108 : memref<125xi32, #tpu.memory_space<vmem>>) semaphore(%arg10 : memref<!tpu.dma_semaphore, #tpu.memory_space<semaphore_mem>>) {add = true}
      %mul3A_112 = arith.constant 16 : i32
      %mul3A_113 = arith.muli %add3A_71, %mul3A_112 : i32
      %add3A_114 = arith.constant 4 : i32
      %add3A_115 = arith.addi %mul3A_113, %add3A_114 : i32
      %dma_start3A_116 = arith.constant 0 : i32
      %dma_start3A_117 = tpu.memref_slice %arg6[%add3A_115, %dma_start3A_116] : memref<80x125xi32, #tpu.memory_space<vmem>> -> memref<1x125xi32, #tpu.memory_space<vmem>>
      %dma_start3A_118 = tpu.memref_squeeze %dma_start3A_117 : memref<1x125xi32, #tpu.memory_space<vmem>> -> memref<125xi32, #tpu.memory_space<vmem>>
      %dma_start3A_119 = arith.constant 0 : i32
      %dma_start3A_120 = arith.constant 0 : i32
      %dma_start3A_121 = tpu.memref_slice %arg8[%dma_start3A_119, %dma_start3A_120] : memref<10000x128xf32, #tpu.memory_space<vmem_shared>> -> memref<10000x128xf32, #tpu.memory_space<vmem_shared>>
      tpu.enqueue_indirect_dma source(%arg7 : memref<125x128xf32, #tpu.memory_space<vmem>>) target(%dma_start3A_121 : memref<10000x128xf32, #tpu.memory_space<vmem_shared>>) offsets(%dma_start3A_118 : memref<125xi32, #tpu.memory_space<vmem>>) semaphore(%arg10 : memref<!tpu.dma_semaphore, #tpu.memory_space<semaphore_mem>>) {add = true}
      %mul3A_122 = arith.constant 16 : i32
      %mul3A_123 = arith.muli %add3A_71, %mul3A_122 : i32
      %add3A_124 = arith.constant 5 : i32
      %add3A_125 = arith.addi %mul3A_123, %add3A_124 : i32
      %dma_start3A_126 = arith.constant 0 : i32
      %dma_start3A_127 = tpu.memref_slice %arg6[%add3A_125, %dma_start3A_126] : memref<80x125xi32, #tpu.memory_space<vmem>> -> memref<1x125xi32, #tpu.memory_space<vmem>>
      %dma_start3A_128 = tpu.memref_squeeze %dma_start3A_127 : memref<1x125xi32, #tpu.memory_space<vmem>> -> memref<125xi32, #tpu.memory_space<vmem>>
      %dma_start3A_129 = arith.constant 0 : i32
      %dma_start3A_130 = arith.constant 0 : i32
      %dma_start3A_131 = tpu.memref_slice %arg8[%dma_start3A_129, %dma_start3A_130] : memref<10000x128xf32, #tpu.memory_space<vmem_shared>> -> memref<10000x128xf32, #tpu.memory_space<vmem_shared>>
      tpu.enqueue_indirect_dma source(%arg7 : memref<125x128xf32, #tpu.memory_space<vmem>>) target(%dma_start3A_131 : memref<10000x128xf32, #tpu.memory_space<vmem_shared>>) offsets(%dma_start3A_128 : memref<125xi32, #tpu.memory_space<vmem>>) semaphore(%arg10 : memref<!tpu.dma_semaphore, #tpu.memory_space<semaphore_mem>>) {add = true}
      %mul3A_132 = arith.constant 16 : i32
      %mul3A_133 = arith.muli %add3A_71, %mul3A_132 : i32
      %add3A_134 = arith.constant 6 : i32
      %add3A_135 = arith.addi %mul3A_133, %add3A_134 : i32
      %dma_start3A_136 = arith.constant 0 : i32
      %dma_start3A_137 = tpu.memref_slice %arg6[%add3A_135, %dma_start3A_136] : memref<80x125xi32, #tpu.memory_space<vmem>> -> memref<1x125xi32, #tpu.memory_space<vmem>>
      %dma_start3A_138 = tpu.memref_squeeze %dma_start3A_137 : memref<1x125xi32, #tpu.memory_space<vmem>> -> memref<125xi32, #tpu.memory_space<vmem>>
      %dma_start3A_139 = arith.constant 0 : i32
      %dma_start3A_140 = arith.constant 0 : i32
      %dma_start3A_141 = tpu.memref_slice %arg8[%dma_start3A_139, %dma_start3A_140] : memref<10000x128xf32, #tpu.memory_space<vmem_shared>> -> memref<10000x128xf32, #tpu.memory_space<vmem_shared>>
      tpu.enqueue_indirect_dma source(%arg7 : memref<125x128xf32, #tpu.memory_space<vmem>>) target(%dma_start3A_141 : memref<10000x128xf32, #tpu.memory_space<vmem_shared>>) offsets(%dma_start3A_138 : memref<125xi32, #tpu.memory_space<vmem>>) semaphore(%arg10 : memref<!tpu.dma_semaphore, #tpu.memory_space<semaphore_mem>>) {add = true}
      %mul3A_142 = arith.constant 16 : i32
      %mul3A_143 = arith.muli %add3A_71, %mul3A_142 : i32
      %add3A_144 = arith.constant 7 : i32
      %add3A_145 = arith.addi %mul3A_143, %add3A_144 : i32
      %dma_start3A_146 = arith.constant 0 : i32
      %dma_start3A_147 = tpu.memref_slice %arg6[%add3A_145, %dma_start3A_146] : memref<80x125xi32, #tpu.memory_space<vmem>> -> memref<1x125xi32, #tpu.memory_space<vmem>>
      %dma_start3A_148 = tpu.memref_squeeze %dma_start3A_147 : memref<1x125xi32, #tpu.memory_space<vmem>> -> memref<125xi32, #tpu.memory_space<vmem>>
      %dma_start3A_149 = arith.constant 0 : i32
      %dma_start3A_150 = arith.constant 0 : i32
      %dma_start3A_151 = tpu.memref_slice %arg8[%dma_start3A_149, %dma_start3A_150] : memref<10000x128xf32, #tpu.memory_space<vmem_shared>> -> memref<10000x128xf32, #tpu.memory_space<vmem_shared>>
      tpu.enqueue_indirect_dma source(%arg7 : memref<125x128xf32, #tpu.memory_space<vmem>>) target(%dma_start3A_151 : memref<10000x128xf32, #tpu.memory_space<vmem_shared>>) offsets(%dma_start3A_148 : memref<125xi32, #tpu.memory_space<vmem>>) semaphore(%arg10 : memref<!tpu.dma_semaphore, #tpu.memory_space<semaphore_mem>>) {add = true}
      %mul3A_152 = arith.constant 16 : i32
      %mul3A_153 = arith.muli %add3A_71, %mul3A_152 : i32
      %add3A_154 = arith.constant 8 : i32
      %add3A_155 = arith.addi %mul3A_153, %add3A_154 : i32
      %dma_start3A_156 = arith.constant 0 : i32
      %dma_start3A_157 = tpu.memref_slice %arg6[%add3A_155, %dma_start3A_156] : memref<80x125xi32, #tpu.memory_space<vmem>> -> memref<1x125xi32, #tpu.memory_space<vmem>>
      %dma_start3A_158 = tpu.memref_squeeze %dma_start3A_157 : memref<1x125xi32, #tpu.memory_space<vmem>> -> memref<125xi32, #tpu.memory_space<vmem>>
      %dma_start3A_159 = arith.constant 0 : i32
      %dma_start3A_160 = arith.constant 0 : i32
      %dma_start3A_161 = tpu.memref_slice %arg8[%dma_start3A_159, %dma_start3A_160] : memref<10000x128xf32, #tpu.memory_space<vmem_shared>> -> memref<10000x128xf32, #tpu.memory_space<vmem_shared>>
      tpu.enqueue_indirect_dma source(%arg7 : memref<125x128xf32, #tpu.memory_space<vmem>>) target(%dma_start3A_161 : memref<10000x128xf32, #tpu.memory_space<vmem_shared>>) offsets(%dma_start3A_158 : memref<125xi32, #tpu.memory_space<vmem>>) semaphore(%arg10 : memref<!tpu.dma_semaphore, #tpu.memory_space<semaphore_mem>>) {add = true}
      %mul3A_162 = arith.constant 16 : i32
      %mul3A_163 = arith.muli %add3A_71, %mul3A_162 : i32
      %add3A_164 = arith.constant 9 : i32
      %add3A_165 = arith.addi %mul3A_163, %add3A_164 : i32
      %dma_start3A_166 = arith.constant 0 : i32
      %dma_start3A_167 = tpu.memref_slice %arg6[%add3A_165, %dma_start3A_166] : memref<80x125xi32, #tpu.memory_space<vmem>> -> memref<1x125xi32, #tpu.memory_space<vmem>>
      %dma_start3A_168 = tpu.memref_squeeze %dma_start3A_167 : memref<1x125xi32, #tpu.memory_space<vmem>> -> memref<125xi32, #tpu.memory_space<vmem>>
      %dma_start3A_169 = arith.constant 0 : i32
      %dma_start3A_170 = arith.constant 0 : i32
      %dma_start3A_171 = tpu.memref_slice %arg8[%dma_start3A_169, %dma_start3A_170] : memref<10000x128xf32, #tpu.memory_space<vmem_shared>> -> memref<10000x128xf32, #tpu.memory_space<vmem_shared>>
      tpu.enqueue_indirect_dma source(%arg7 : memref<125x128xf32, #tpu.memory_space<vmem>>) target(%dma_start3A_171 : memref<10000x128xf32, #tpu.memory_space<vmem_shared>>) offsets(%dma_start3A_168 : memref<125xi32, #tpu.memory_space<vmem>>) semaphore(%arg10 : memref<!tpu.dma_semaphore, #tpu.memory_space<semaphore_mem>>) {add = true}
      %mul3A_172 = arith.constant 16 : i32
      %mul3A_173 = arith.muli %add3A_71, %mul3A_172 : i32
      %add3A_174 = arith.constant 10 : i32
      %add3A_175 = arith.addi %mul3A_173, %add3A_174 : i32
      %dma_start3A_176 = arith.constant 0 : i32
      %dma_start3A_177 = tpu.memref_slice %arg6[%add3A_175, %dma_start3A_176] : memref<80x125xi32, #tpu.memory_space<vmem>> -> memref<1x125xi32, #tpu.memory_space<vmem>>
      %dma_start3A_178 = tpu.memref_squeeze %dma_start3A_177 : memref<1x125xi32, #tpu.memory_space<vmem>> -> memref<125xi32, #tpu.memory_space<vmem>>
      %dma_start3A_179 = arith.constant 0 : i32
      %dma_start3A_180 = arith.constant 0 : i32
      %dma_start3A_181 = tpu.memref_slice %arg8[%dma_start3A_179, %dma_start3A_180] : memref<10000x128xf32, #tpu.memory_space<vmem_shared>> -> memref<10000x128xf32, #tpu.memory_space<vmem_shared>>
      tpu.enqueue_indirect_dma source(%arg7 : memref<125x128xf32, #tpu.memory_space<vmem>>) target(%dma_start3A_181 : memref<10000x128xf32, #tpu.memory_space<vmem_shared>>) offsets(%dma_start3A_178 : memref<125xi32, #tpu.memory_space<vmem>>) semaphore(%arg10 : memref<!tpu.dma_semaphore, #tpu.memory_space<semaphore_mem>>) {add = true}
      %mul3A_182 = arith.constant 16 : i32
      %mul3A_183 = arith.muli %add3A_71, %mul3A_182 : i32
      %add3A_184 = arith.constant 11 : i32
      %add3A_185 = arith.addi %mul3A_183, %add3A_184 : i32
      %dma_start3A_186 = arith.constant 0 : i32
      %dma_start3A_187 = tpu.memref_slice %arg6[%add3A_185, %dma_start3A_186] : memref<80x125xi32, #tpu.memory_space<vmem>> -> memref<1x125xi32, #tpu.memory_space<vmem>>
      %dma_start3A_188 = tpu.memref_squeeze %dma_start3A_187 : memref<1x125xi32, #tpu.memory_space<vmem>> -> memref<125xi32, #tpu.memory_space<vmem>>
      %dma_start3A_189 = arith.constant 0 : i32
      %dma_start3A_190 = arith.constant 0 : i32
      %dma_start3A_191 = tpu.memref_slice %arg8[%dma_start3A_189, %dma_start3A_190] : memref<10000x128xf32, #tpu.memory_space<vmem_shared>> -> memref<10000x128xf32, #tpu.memory_space<vmem_shared>>
      tpu.enqueue_indirect_dma source(%arg7 : memref<125x128xf32, #tpu.memory_space<vmem>>) target(%dma_start3A_191 : memref<10000x128xf32, #tpu.memory_space<vmem_shared>>) offsets(%dma_start3A_188 : memref<125xi32, #tpu.memory_space<vmem>>) semaphore(%arg10 : memref<!tpu.dma_semaphore, #tpu.memory_space<semaphore_mem>>) {add = true}
      %mul3A_192 = arith.constant 16 : i32
      %mul3A_193 = arith.muli %add3A_71, %mul3A_192 : i32
      %add3A_194 = arith.constant 12 : i32
      %add3A_195 = arith.addi %mul3A_193, %add3A_194 : i32
      %dma_start3A_196 = arith.constant 0 : i32
      %dma_start3A_197 = tpu.memref_slice %arg6[%add3A_195, %dma_start3A_196] : memref<80x125xi32, #tpu.memory_space<vmem>> -> memref<1x125xi32, #tpu.memory_space<vmem>>
      %dma_start3A_198 = tpu.memref_squeeze %dma_start3A_197 : memref<1x125xi32, #tpu.memory_space<vmem>> -> memref<125xi32, #tpu.memory_space<vmem>>
      %dma_start3A_199 = arith.constant 0 : i32
      %dma_start3A_200 = arith.constant 0 : i32
      %dma_start3A_201 = tpu.memref_slice %arg8[%dma_start3A_199, %dma_start3A_200] : memref<10000x128xf32, #tpu.memory_space<vmem_shared>> -> memref<10000x128xf32, #tpu.memory_space<vmem_shared>>
      tpu.enqueue_indirect_dma source(%arg7 : memref<125x128xf32, #tpu.memory_space<vmem>>) target(%dma_start3A_201 : memref<10000x128xf32, #tpu.memory_space<vmem_shared>>) offsets(%dma_start3A_198 : memref<125xi32, #tpu.memory_space<vmem>>) semaphore(%arg10 : memref<!tpu.dma_semaphore, #tpu.memory_space<semaphore_mem>>) {add = true}
      %mul3A_202 = arith.constant 16 : i32
      %mul3A_203 = arith.muli %add3A_71, %mul3A_202 : i32
      %add3A_204 = arith.constant 13 : i32
      %add3A_205 = arith.addi %mul3A_203, %add3A_204 : i32
      %dma_start3A_206 = arith.constant 0 : i32
      %dma_start3A_207 = tpu.memref_slice %arg6[%add3A_205, %dma_start3A_206] : memref<80x125xi32, #tpu.memory_space<vmem>> -> memref<1x125xi32, #tpu.memory_space<vmem>>
      %dma_start3A_208 = tpu.memref_squeeze %dma_start3A_207 : memref<1x125xi32, #tpu.memory_space<vmem>> -> memref<125xi32, #tpu.memory_space<vmem>>
      %dma_start3A_209 = arith.constant 0 : i32
      %dma_start3A_210 = arith.constant 0 : i32
      %dma_start3A_211 = tpu.memref_slice %arg8[%dma_start3A_209, %dma_start3A_210] : memref<10000x128xf32, #tpu.memory_space<vmem_shared>> -> memref<10000x128xf32, #tpu.memory_space<vmem_shared>>
      tpu.enqueue_indirect_dma source(%arg7 : memref<125x128xf32, #tpu.memory_space<vmem>>) target(%dma_start3A_211 : memref<10000x128xf32, #tpu.memory_space<vmem_shared>>) offsets(%dma_start3A_208 : memref<125xi32, #tpu.memory_space<vmem>>) semaphore(%arg10 : memref<!tpu.dma_semaphore, #tpu.memory_space<semaphore_mem>>) {add = true}
      %mul3A_212 = arith.constant 16 : i32
      %mul3A_213 = arith.muli %add3A_71, %mul3A_212 : i32
      %add3A_214 = arith.constant 14 : i32
      %add3A_215 = arith.addi %mul3A_213, %add3A_214 : i32
      %dma_start3A_216 = arith.constant 0 : i32
      %dma_start3A_217 = tpu.memref_slice %arg6[%add3A_215, %dma_start3A_216] : memref<80x125xi32, #tpu.memory_space<vmem>> -> memref<1x125xi32, #tpu.memory_space<vmem>>
      %dma_start3A_218 = tpu.memref_squeeze %dma_start3A_217 : memref<1x125xi32, #tpu.memory_space<vmem>> -> memref<125xi32, #tpu.memory_space<vmem>>
      %dma_start3A_219 = arith.constant 0 : i32
      %dma_start3A_220 = arith.constant 0 : i32
      %dma_start3A_221 = tpu.memref_slice %arg8[%dma_start3A_219, %dma_start3A_220] : memref<10000x128xf32, #tpu.memory_space<vmem_shared>> -> memref<10000x128xf32, #tpu.memory_space<vmem_shared>>
      tpu.enqueue_indirect_dma source(%arg7 : memref<125x128xf32, #tpu.memory_space<vmem>>) target(%dma_start3A_221 : memref<10000x128xf32, #tpu.memory_space<vmem_shared>>) offsets(%dma_start3A_218 : memref<125xi32, #tpu.memory_space<vmem>>) semaphore(%arg10 : memref<!tpu.dma_semaphore, #tpu.memory_space<semaphore_mem>>) {add = true}
      %mul3A_222 = arith.constant 16 : i32
      %mul3A_223 = arith.muli %add3A_71, %mul3A_222 : i32
      %add3A_224 = arith.constant 15 : i32
      %add3A_225 = arith.addi %mul3A_223, %add3A_224 : i32
      %dma_start3A_226 = arith.constant 0 : i32
      %dma_start3A_227 = tpu.memref_slice %arg6[%add3A_225, %dma_start3A_226] : memref<80x125xi32, #tpu.memory_space<vmem>> -> memref<1x125xi32, #tpu.memory_space<vmem>>
      %dma_start3A_228 = tpu.memref_squeeze %dma_start3A_227 : memref<1x125xi32, #tpu.memory_space<vmem>> -> memref<125xi32, #tpu.memory_space<vmem>>
      %dma_start3A_229 = arith.constant 0 : i32
      %dma_start3A_230 = arith.constant 0 : i32
      %dma_start3A_231 = tpu.memref_slice %arg8[%dma_start3A_229, %dma_start3A_230] : memref<10000x128xf32, #tpu.memory_space<vmem_shared>> -> memref<10000x128xf32, #tpu.memory_space<vmem_shared>>
      tpu.enqueue_indirect_dma source(%arg7 : memref<125x128xf32, #tpu.memory_space<vmem>>) target(%dma_start3A_231 : memref<10000x128xf32, #tpu.memory_space<vmem_shared>>) offsets(%dma_start3A_228 : memref<125xi32, #tpu.memory_space<vmem>>) semaphore(%arg10 : memref<!tpu.dma_semaphore, #tpu.memory_space<semaphore_mem>>) {add = true}
      %dma_wait3A_232 = arith.constant 0 : i32
      %dma_wait3A_233 = tpu.memref_slice %arg6[%add3A_75, %dma_wait3A_232] : memref<80x125xi32, #tpu.memory_space<vmem>> -> memref<1x125xi32, #tpu.memory_space<vmem>>
      %dma_wait3A_234 = tpu.memref_squeeze %dma_wait3A_233 : memref<1x125xi32, #tpu.memory_space<vmem>> -> memref<125xi32, #tpu.memory_space<vmem>>
      %dma_wait3A_235 = arith.constant 0 : i32
      %dma_wait3A_236 = arith.constant 0 : i32
      %dma_wait3A_237 = tpu.memref_slice %arg8[%dma_wait3A_235, %dma_wait3A_236] : memref<10000x128xf32, #tpu.memory_space<vmem_shared>> -> memref<10000x128xf32, #tpu.memory_space<vmem_shared>>
      tpu.wait_indirect_dma semaphore(%arg10 : memref<!tpu.dma_semaphore, #tpu.memory_space<semaphore_mem>>) src(%arg7 : memref<125x128xf32, #tpu.memory_space<vmem>>) dst(%dma_wait3A_237 : memref<10000x128xf32, #tpu.memory_space<vmem_shared>>)
      %dma_wait3A_238 = arith.constant 0 : i32
      %dma_wait3A_239 = tpu.memref_slice %arg6[%add3A_85, %dma_wait3A_238] : memref<80x125xi32, #tpu.memory_space<vmem>> -> memref<1x125xi32, #tpu.memory_space<vmem>>
      %dma_wait3A_240 = tpu.memref_squeeze %dma_wait3A_239 : memref<1x125xi32, #tpu.memory_space<vmem>> -> memref<125xi32, #tpu.memory_space<vmem>>
      %dma_wait3A_241 = arith.constant 0 : i32
      %dma_wait3A_242 = arith.constant 0 : i32
      %dma_wait3A_243 = tpu.memref_slice %arg8[%dma_wait3A_241, %dma_wait3A_242] : memref<10000x128xf32, #tpu.memory_space<vmem_shared>> -> memref<10000x128xf32, #tpu.memory_space<vmem_shared>>
      tpu.wait_indirect_dma semaphore(%arg10 : memref<!tpu.dma_semaphore, #tpu.memory_space<semaphore_mem>>) src(%arg7 : memref<125x128xf32, #tpu.memory_space<vmem>>) dst(%dma_wait3A_243 : memref<10000x128xf32, #tpu.memory_space<vmem_shared>>)
      %dma_wait3A_244 = arith.constant 0 : i32
      %dma_wait3A_245 = tpu.memref_slice %arg6[%add3A_95, %dma_wait3A_244] : memref<80x125xi32, #tpu.memory_space<vmem>> -> memref<1x125xi32, #tpu.memory_space<vmem>>
      %dma_wait3A_246 = tpu.memref_squeeze %dma_wait3A_245 : memref<1x125xi32, #tpu.memory_space<vmem>> -> memref<125xi32, #tpu.memory_space<vmem>>
      %dma_wait3A_247 = arith.constant 0 : i32
      %dma_wait3A_248 = arith.constant 0 : i32
      %dma_wait3A_249 = tpu.memref_slice %arg8[%dma_wait3A_247, %dma_wait3A_248] : memref<10000x128xf32, #tpu.memory_space<vmem_shared>> -> memref<10000x128xf32, #tpu.memory_space<vmem_shared>>
      tpu.wait_indirect_dma semaphore(%arg10 : memref<!tpu.dma_semaphore, #tpu.memory_space<semaphore_mem>>) src(%arg7 : memref<125x128xf32, #tpu.memory_space<vmem>>) dst(%dma_wait3A_249 : memref<10000x128xf32, #tpu.memory_space<vmem_shared>>)
      %dma_wait3A_250 = arith.constant 0 : i32
      %dma_wait3A_251 = tpu.memref_slice %arg6[%add3A_105, %dma_wait3A_250] : memref<80x125xi32, #tpu.memory_space<vmem>> -> memref<1x125xi32, #tpu.memory_space<vmem>>
      %dma_wait3A_252 = tpu.memref_squeeze %dma_wait3A_251 : memref<1x125xi32, #tpu.memory_space<vmem>> -> memref<125xi32, #tpu.memory_space<vmem>>
      %dma_wait3A_253 = arith.constant 0 : i32
      %dma_wait3A_254 = arith.constant 0 : i32
      %dma_wait3A_255 = tpu.memref_slice %arg8[%dma_wait3A_253, %dma_wait3A_254] : memref<10000x128xf32, #tpu.memory_space<vmem_shared>> -> memref<10000x128xf32, #tpu.memory_space<vmem_shared>>
      tpu.wait_indirect_dma semaphore(%arg10 : memref<!tpu.dma_semaphore, #tpu.memory_space<semaphore_mem>>) src(%arg7 : memref<125x128xf32, #tpu.memory_space<vmem>>) dst(%dma_wait3A_255 : memref<10000x128xf32, #tpu.memory_space<vmem_shared>>)
      %dma_wait3A_256 = arith.constant 0 : i32
      %dma_wait3A_257 = tpu.memref_slice %arg6[%add3A_115, %dma_wait3A_256] : memref<80x125xi32, #tpu.memory_space<vmem>> -> memref<1x125xi32, #tpu.memory_space<vmem>>
      %dma_wait3A_258 = tpu.memref_squeeze %dma_wait3A_257 : memref<1x125xi32, #tpu.memory_space<vmem>> -> memref<125xi32, #tpu.memory_space<vmem>>
      %dma_wait3A_259 = arith.constant 0 : i32
      %dma_wait3A_260 = arith.constant 0 : i32
      %dma_wait3A_261 = tpu.memref_slice %arg8[%dma_wait3A_259, %dma_wait3A_260] : memref<10000x128xf32, #tpu.memory_space<vmem_shared>> -> memref<10000x128xf32, #tpu.memory_space<vmem_shared>>
      tpu.wait_indirect_dma semaphore(%arg10 : memref<!tpu.dma_semaphore, #tpu.memory_space<semaphore_mem>>) src(%arg7 : memref<125x128xf32, #tpu.memory_space<vmem>>) dst(%dma_wait3A_261 : memref<10000x128xf32, #tpu.memory_space<vmem_shared>>)
      %dma_wait3A_262 = arith.constant 0 : i32
      %dma_wait3A_263 = tpu.memref_slice %arg6[%add3A_125, %dma_wait3A_262] : memref<80x125xi32, #tpu.memory_space<vmem>> -> memref<1x125xi32, #tpu.memory_space<vmem>>
      %dma_wait3A_264 = tpu.memref_squeeze %dma_wait3A_263 : memref<1x125xi32, #tpu.memory_space<vmem>> -> memref<125xi32, #tpu.memory_space<vmem>>
      %dma_wait3A_265 = arith.constant 0 : i32
      %dma_wait3A_266 = arith.constant 0 : i32
      %dma_wait3A_267 = tpu.memref_slice %arg8[%dma_wait3A_265, %dma_wait3A_266] : memref<10000x128xf32, #tpu.memory_space<vmem_shared>> -> memref<10000x128xf32, #tpu.memory_space<vmem_shared>>
      tpu.wait_indirect_dma semaphore(%arg10 : memref<!tpu.dma_semaphore, #tpu.memory_space<semaphore_mem>>) src(%arg7 : memref<125x128xf32, #tpu.memory_space<vmem>>) dst(%dma_wait3A_267 : memref<10000x128xf32, #tpu.memory_space<vmem_shared>>)
      %dma_wait3A_268 = arith.constant 0 : i32
      %dma_wait3A_269 = tpu.memref_slice %arg6[%add3A_135, %dma_wait3A_268] : memref<80x125xi32, #tpu.memory_space<vmem>> -> memref<1x125xi32, #tpu.memory_space<vmem>>
      %dma_wait3A_270 = tpu.memref_squeeze %dma_wait3A_269 : memref<1x125xi32, #tpu.memory_space<vmem>> -> memref<125xi32, #tpu.memory_space<vmem>>
      %dma_wait3A_271 = arith.constant 0 : i32
      %dma_wait3A_272 = arith.constant 0 : i32
      %dma_wait3A_273 = tpu.memref_slice %arg8[%dma_wait3A_271, %dma_wait3A_272] : memref<10000x128xf32, #tpu.memory_space<vmem_shared>> -> memref<10000x128xf32, #tpu.memory_space<vmem_shared>>
      tpu.wait_indirect_dma semaphore(%arg10 : memref<!tpu.dma_semaphore, #tpu.memory_space<semaphore_mem>>) src(%arg7 : memref<125x128xf32, #tpu.memory_space<vmem>>) dst(%dma_wait3A_273 : memref<10000x128xf32, #tpu.memory_space<vmem_shared>>)
      %dma_wait3A_274 = arith.constant 0 : i32
      %dma_wait3A_275 = tpu.memref_slice %arg6[%add3A_145, %dma_wait3A_274] : memref<80x125xi32, #tpu.memory_space<vmem>> -> memref<1x125xi32, #tpu.memory_space<vmem>>
      %dma_wait3A_276 = tpu.memref_squeeze %dma_wait3A_275 : memref<1x125xi32, #tpu.memory_space<vmem>> -> memref<125xi32, #tpu.memory_space<vmem>>
      %dma_wait3A_277 = arith.constant 0 : i32
      %dma_wait3A_278 = arith.constant 0 : i32
      %dma_wait3A_279 = tpu.memref_slice %arg8[%dma_wait3A_277, %dma_wait3A_278] : memref<10000x128xf32, #tpu.memory_space<vmem_shared>> -> memref<10000x128xf32, #tpu.memory_space<vmem_shared>>
      tpu.wait_indirect_dma semaphore(%arg10 : memref<!tpu.dma_semaphore, #tpu.memory_space<semaphore_mem>>) src(%arg7 : memref<125x128xf32, #tpu.memory_space<vmem>>) dst(%dma_wait3A_279 : memref<10000x128xf32, #tpu.memory_space<vmem_shared>>)
      %dma_wait3A_280 = arith.constant 0 : i32
      %dma_wait3A_281 = tpu.memref_slice %arg6[%add3A_155, %dma_wait3A_280] : memref<80x125xi32, #tpu.memory_space<vmem>> -> memref<1x125xi32, #tpu.memory_space<vmem>>
      %dma_wait3A_282 = tpu.memref_squeeze %dma_wait3A_281 : memref<1x125xi32, #tpu.memory_space<vmem>> -> memref<125xi32, #tpu.memory_space<vmem>>
      %dma_wait3A_283 = arith.constant 0 : i32
      %dma_wait3A_284 = arith.constant 0 : i32
      %dma_wait3A_285 = tpu.memref_slice %arg8[%dma_wait3A_283, %dma_wait3A_284] : memref<10000x128xf32, #tpu.memory_space<vmem_shared>> -> memref<10000x128xf32, #tpu.memory_space<vmem_shared>>
      tpu.wait_indirect_dma semaphore(%arg10 : memref<!tpu.dma_semaphore, #tpu.memory_space<semaphore_mem>>) src(%arg7 : memref<125x128xf32, #tpu.memory_space<vmem>>) dst(%dma_wait3A_285 : memref<10000x128xf32, #tpu.memory_space<vmem_shared>>)
      %dma_wait3A_286 = arith.constant 0 : i32
      %dma_wait3A_287 = tpu.memref_slice %arg6[%add3A_165, %dma_wait3A_286] : memref<80x125xi32, #tpu.memory_space<vmem>> -> memref<1x125xi32, #tpu.memory_space<vmem>>
      %dma_wait3A_288 = tpu.memref_squeeze %dma_wait3A_287 : memref<1x125xi32, #tpu.memory_space<vmem>> -> memref<125xi32, #tpu.memory_space<vmem>>
      %dma_wait3A_289 = arith.constant 0 : i32
      %dma_wait3A_290 = arith.constant 0 : i32
      %dma_wait3A_291 = tpu.memref_slice %arg8[%dma_wait3A_289, %dma_wait3A_290] : memref<10000x128xf32, #tpu.memory_space<vmem_shared>> -> memref<10000x128xf32, #tpu.memory_space<vmem_shared>>
      tpu.wait_indirect_dma semaphore(%arg10 : memref<!tpu.dma_semaphore, #tpu.memory_space<semaphore_mem>>) src(%arg7 : memref<125x128xf32, #tpu.memory_space<vmem>>) dst(%dma_wait3A_291 : memref<10000x128xf32, #tpu.memory_space<vmem_shared>>)
      %dma_wait3A_292 = arith.constant 0 : i32
      %dma_wait3A_293 = tpu.memref_slice %arg6[%add3A_175, %dma_wait3A_292] : memref<80x125xi32, #tpu.memory_space<vmem>> -> memref<1x125xi32, #tpu.memory_space<vmem>>
      %dma_wait3A_294 = tpu.memref_squeeze %dma_wait3A_293 : memref<1x125xi32, #tpu.memory_space<vmem>> -> memref<125xi32, #tpu.memory_space<vmem>>
      %dma_wait3A_295 = arith.constant 0 : i32
      %dma_wait3A_296 = arith.constant 0 : i32
      %dma_wait3A_297 = tpu.memref_slice %arg8[%dma_wait3A_295, %dma_wait3A_296] : memref<10000x128xf32, #tpu.memory_space<vmem_shared>> -> memref<10000x128xf32, #tpu.memory_space<vmem_shared>>
      tpu.wait_indirect_dma semaphore(%arg10 : memref<!tpu.dma_semaphore, #tpu.memory_space<semaphore_mem>>) src(%arg7 : memref<125x128xf32, #tpu.memory_space<vmem>>) dst(%dma_wait3A_297 : memref<10000x128xf32, #tpu.memory_space<vmem_shared>>)
      %dma_wait3A_298 = arith.constant 0 : i32
      %dma_wait3A_299 = tpu.memref_slice %arg6[%add3A_185, %dma_wait3A_298] : memref<80x125xi32, #tpu.memory_space<vmem>> -> memref<1x125xi32, #tpu.memory_space<vmem>>
      %dma_wait3A_300 = tpu.memref_squeeze %dma_wait3A_299 : memref<1x125xi32, #tpu.memory_space<vmem>> -> memref<125xi32, #tpu.memory_space<vmem>>
      %dma_wait3A_301 = arith.constant 0 : i32
      %dma_wait3A_302 = arith.constant 0 : i32
      %dma_wait3A_303 = tpu.memref_slice %arg8[%dma_wait3A_301, %dma_wait3A_302] : memref<10000x128xf32, #tpu.memory_space<vmem_shared>> -> memref<10000x128xf32, #tpu.memory_space<vmem_shared>>
      tpu.wait_indirect_dma semaphore(%arg10 : memref<!tpu.dma_semaphore, #tpu.memory_space<semaphore_mem>>) src(%arg7 : memref<125x128xf32, #tpu.memory_space<vmem>>) dst(%dma_wait3A_303 : memref<10000x128xf32, #tpu.memory_space<vmem_shared>>)
      %dma_wait3A_304 = arith.constant 0 : i32
      %dma_wait3A_305 = tpu.memref_slice %arg6[%add3A_195, %dma_wait3A_304] : memref<80x125xi32, #tpu.memory_space<vmem>> -> memref<1x125xi32, #tpu.memory_space<vmem>>
      %dma_wait3A_306 = tpu.memref_squeeze %dma_wait3A_305 : memref<1x125xi32, #tpu.memory_space<vmem>> -> memref<125xi32, #tpu.memory_space<vmem>>
      %dma_wait3A_307 = arith.constant 0 : i32
      %dma_wait3A_308 = arith.constant 0 : i32
      %dma_wait3A_309 = tpu.memref_slice %arg8[%dma_wait3A_307, %dma_wait3A_308] : memref<10000x128xf32, #tpu.memory_space<vmem_shared>> -> memref<10000x128xf32, #tpu.memory_space<vmem_shared>>
      tpu.wait_indirect_dma semaphore(%arg10 : memref<!tpu.dma_semaphore, #tpu.memory_space<semaphore_mem>>) src(%arg7 : memref<125x128xf32, #tpu.memory_space<vmem>>) dst(%dma_wait3A_309 : memref<10000x128xf32, #tpu.memory_space<vmem_shared>>)
      %dma_wait3A_310 = arith.constant 0 : i32
      %dma_wait3A_311 = tpu.memref_slice %arg6[%add3A_205, %dma_wait3A_310] : memref<80x125xi32, #tpu.memory_space<vmem>> -> memref<1x125xi32, #tpu.memory_space<vmem>>
      %dma_wait3A_312 = tpu.memref_squeeze %dma_wait3A_311 : memref<1x125xi32, #tpu.memory_space<vmem>> -> memref<125xi32, #tpu.memory_space<vmem>>
      %dma_wait3A_313 = arith.constant 0 : i32
      %dma_wait3A_314 = arith.constant 0 : i32
      %dma_wait3A_315 = tpu.memref_slice %arg8[%dma_wait3A_313, %dma_wait3A_314] : memref<10000x128xf32, #tpu.memory_space<vmem_shared>> -> memref<10000x128xf32, #tpu.memory_space<vmem_shared>>
      tpu.wait_indirect_dma semaphore(%arg10 : memref<!tpu.dma_semaphore, #tpu.memory_space<semaphore_mem>>) src(%arg7 : memref<125x128xf32, #tpu.memory_space<vmem>>) dst(%dma_wait3A_315 : memref<10000x128xf32, #tpu.memory_space<vmem_shared>>)
      %dma_wait3A_316 = arith.constant 0 : i32
      %dma_wait3A_317 = tpu.memref_slice %arg6[%add3A_215, %dma_wait3A_316] : memref<80x125xi32, #tpu.memory_space<vmem>> -> memref<1x125xi32, #tpu.memory_space<vmem>>
      %dma_wait3A_318 = tpu.memref_squeeze %dma_wait3A_317 : memref<1x125xi32, #tpu.memory_space<vmem>> -> memref<125xi32, #tpu.memory_space<vmem>>
      %dma_wait3A_319 = arith.constant 0 : i32
      %dma_wait3A_320 = arith.constant 0 : i32
      %dma_wait3A_321 = tpu.memref_slice %arg8[%dma_wait3A_319, %dma_wait3A_320] : memref<10000x128xf32, #tpu.memory_space<vmem_shared>> -> memref<10000x128xf32, #tpu.memory_space<vmem_shared>>
      tpu.wait_indirect_dma semaphore(%arg10 : memref<!tpu.dma_semaphore, #tpu.memory_space<semaphore_mem>>) src(%arg7 : memref<125x128xf32, #tpu.memory_space<vmem>>) dst(%dma_wait3A_321 : memref<10000x128xf32, #tpu.memory_space<vmem_shared>>)
      %dma_wait3A_322 = arith.constant 0 : i32
      %dma_wait3A_323 = tpu.memref_slice %arg6[%add3A_225, %dma_wait3A_322] : memref<80x125xi32, #tpu.memory_space<vmem>> -> memref<1x125xi32, #tpu.memory_space<vmem>>
      %dma_wait3A_324 = tpu.memref_squeeze %dma_wait3A_323 : memref<1x125xi32, #tpu.memory_space<vmem>> -> memref<125xi32, #tpu.memory_space<vmem>>
      %dma_wait3A_325 = arith.constant 0 : i32
      %dma_wait3A_326 = arith.constant 0 : i32
      %dma_wait3A_327 = tpu.memref_slice %arg8[%dma_wait3A_325, %dma_wait3A_326] : memref<10000x128xf32, #tpu.memory_space<vmem_shared>> -> memref<10000x128xf32, #tpu.memory_space<vmem_shared>>
      tpu.wait_indirect_dma semaphore(%arg10 : memref<!tpu.dma_semaphore, #tpu.memory_space<semaphore_mem>>) src(%arg7 : memref<125x128xf32, #tpu.memory_space<vmem>>) dst(%dma_wait3A_327 : memref<10000x128xf32, #tpu.memory_space<vmem_shared>>)
    }
    %scan3A_37 = arith.constant 5 : i32
    %barrier3A_38 = arith.constant 0 : index
    tpu.barrier barrier_id(%barrier3A_38)
    %scan3A_39 = arith.constant 0 : i32
    %mul3A_40 = arith.constant 1 : i32
    %mul3A_41 = arith.muli %scan3A_39, %mul3A_40 : i32
    %add3A_42 = arith.constant 0 : i32
    %add3A_43 = arith.addi %add3A_42, %mul3A_41 : i32
    %mul3A_44 = arith.constant 16 : i32
    %mul3A_45 = arith.muli %add3A_43, %mul3A_44 : i32
    %add3A_46 = arith.addi %arg1, %mul3A_45 : i32
    %lt3A_47 = arith.constant 10 : i32
    %lt3A_48 = arith.cmpi slt, %add3A_46, %lt3A_47 : i32
    %convert_element_type3A_49 = arith.extui %lt3A_48 : i1 to i32
    %cond3A_50 = arith.constant 0 : i32
    %cond3A_51 = arith.cmpi ne, %convert_element_type3A_49, %cond3A_50 : i32
    scf.if %cond3A_51 {
      %mul3A_67 = arith.constant 1000 : i32
      %mul3A_68 = arith.muli %add3A_46, %mul3A_67 : i32
      %multiple_of3A_69 = tpu.assume_multiple %mul3A_68, 8 : i32
      %mul3A_70 = arith.constant 10000 : i32
      %mul3A_71 = arith.muli %arg0, %mul3A_70 : i32
      %add3A_72 = arith.addi %mul3A_71, %multiple_of3A_69 : i32
      %dma_start3A_73 = arith.constant 0 : i32
      %dma_start3A_74 = tpu.memref_slice %arg5[%add3A_72, %dma_start3A_73] : memref<20000x128xf32, #tpu.memory_space<hbm>> -> memref<1000x128xf32, #tpu.memory_space<hbm>>
      %dma_start3A_75 = arith.constant 0 : i32
      %dma_start3A_76 = tpu.memref_slice %arg8[%multiple_of3A_69, %dma_start3A_75] : memref<10000x128xf32, #tpu.memory_space<vmem_shared>> -> memref<1000x128xf32, #tpu.memory_space<vmem_shared>>
      tpu.enqueue_dma source(%dma_start3A_76 : memref<1000x128xf32, #tpu.memory_space<vmem_shared>>) target(%dma_start3A_74 : memref<1000x128xf32, #tpu.memory_space<hbm>>) target_semaphore(%arg9 : memref<!tpu.dma_semaphore, #tpu.memory_space<semaphore_mem>>)
    } else {
    }
    %scan3A_52 = arith.constant 1 : i32
    %scan3A_53 = arith.constant 0 : i32
    %mul3A_54 = arith.constant 1 : i32
    %mul3A_55 = arith.muli %scan3A_53, %mul3A_54 : i32
    %add3A_56 = arith.constant 0 : i32
    %add3A_57 = arith.addi %add3A_56, %mul3A_55 : i32
    %mul3A_58 = arith.constant 16 : i32
    %mul3A_59 = arith.muli %add3A_57, %mul3A_58 : i32
    %add3A_60 = arith.addi %arg1, %mul3A_59 : i32
    %lt3A_61 = arith.constant 10 : i32
    %lt3A_62 = arith.cmpi slt, %add3A_60, %lt3A_61 : i32
    %convert_element_type3A_63 = arith.extui %lt3A_62 : i1 to i32
    %cond3A_64 = arith.constant 0 : i32
    %cond3A_65 = arith.cmpi ne, %convert_element_type3A_63, %cond3A_64 : i32
    scf.if %cond3A_65 {
      %mul3A_67 = arith.constant 1000 : i32
      %mul3A_68 = arith.muli %add3A_60, %mul3A_67 : i32
      %multiple_of3A_69 = tpu.assume_multiple %mul3A_68, 8 : i32
      %mul3A_70 = arith.constant 10000 : i32
      %mul3A_71 = arith.muli %arg0, %mul3A_70 : i32
      %add3A_72 = arith.addi %mul3A_71, %multiple_of3A_69 : i32
      %dma_wait3A_73 = arith.constant 0 : i32
      %dma_wait3A_74 = tpu.memref_slice %arg5[%add3A_72, %dma_wait3A_73] : memref<20000x128xf32, #tpu.memory_space<hbm>> -> memref<1000x128xf32, #tpu.memory_space<hbm>>
      %dma_wait3A_75 = arith.constant 0 : i32
      %dma_wait3A_76 = tpu.memref_slice %arg8[%multiple_of3A_69, %dma_wait3A_75] : memref<10000x128xf32, #tpu.memory_space<vmem_shared>> -> memref<1000x128xf32, #tpu.memory_space<vmem_shared>>
      tpu.wait_dma2 semaphore(%arg9 : memref<!tpu.dma_semaphore, #tpu.memory_space<semaphore_mem>>) src(%dma_wait3A_76 : memref<1000x128xf32, #tpu.memory_space<vmem_shared>>) dst(%dma_wait3A_74 : memref<1000x128xf32, #tpu.memory_space<hbm>>)
    } else {
    }
    %scan3A_66 = arith.constant 1 : i32
    return
  }
}

#map = affine_map<(d0, d1) -> (0, 0)>
module attributes {stable_mosaic.version = 14 : i64} {
  func.func @_sc_scatter_body(%arg0: i32, %arg1: i32, %arg2: memref<10000x128xf32, #tpu.memory_space<hbm>>, %arg3: memref<2560x125xi32, #tpu.memory_space<hbm>>, %arg4: memref<2560x125xi32, #tpu.memory_space<hbm>>, %arg5: memref<1000x128xf32, #tpu.memory_space<hbm>>, %arg6: memref<20000x128xf32, #tpu.memory_space<hbm>>, %arg7: memref<40x125xi32, #tpu.memory_space<vmem>>, %arg8: memref<40x125xi32, #tpu.memory_space<vmem>>, %arg9: memref<125x128xf32, #tpu.memory_space<vmem>>, %arg10: memref<125x128xf32, #tpu.memory_space<vmem>>, %arg11: memref<10000x128xf32, #tpu.memory_space<vmem_shared>>, %arg12: memref<!tpu.dma_semaphore, #tpu.memory_space<semaphore_mem>>, %arg13: memref<!tpu.dma_semaphore, #tpu.memory_space<semaphore_mem>>, %arg14: memref<!tpu.dma_semaphore, #tpu.memory_space<semaphore_mem>>) attributes {dimension_semantics = [#tpu.dimension_semantics<core_parallel>, #tpu.dimension_semantics<subcore_parallel>], iteration_bounds = array<i64: 2, 16>, scalar_prefetch = 0 : i64, scratch_operands = 8 : i64, tpu.core_type = #tpu.core_type<sc_vector_subcore>, window_params = [{transform_indices = #map}, {transform_indices = #map}, {transform_indices = #map}, {transform_indices = #map}, {transform_indices = #map}]} {
    %mul3A = arith.constant 2 : i32
    %mul3A_0 = arith.muli %arg1, %mul3A : i32
    %add3A = arith.addi %mul3A_0, %arg0 : i32
    %mul3A_1 = arith.constant 80 : i32
    %mul3A_2 = arith.muli %add3A, %mul3A_1 : i32
    %multiple_of3A = tpu.assume_multiple %mul3A_2, 8 : i32
    %dma_start3A = arith.constant 0 : i32
    %dma_start3A_3 = tpu.memref_slice %arg3[%multiple_of3A, %dma_start3A] : memref<2560x125xi32, #tpu.memory_space<hbm>> -> memref<40x125xi32, #tpu.memory_space<hbm>>
    %dma_start3A_4 = arith.constant 0 : i32
    %dma_start3A_5 = tpu.memref_slice %arg3[%multiple_of3A, %dma_start3A_4] : memref<2560x125xi32, #tpu.memory_space<hbm>> -> memref<40x125xi32, #tpu.memory_space<hbm>>
    tpu.enqueue_dma source(%dma_start3A_5 : memref<40x125xi32, #tpu.memory_space<hbm>>) target(%arg7 : memref<40x125xi32, #tpu.memory_space<vmem>>) target_semaphore(%arg12 : memref<!tpu.dma_semaphore, #tpu.memory_space<semaphore_mem>>)
    %dma_start3A_6 = arith.constant 0 : i32
    %dma_start3A_7 = tpu.memref_slice %arg4[%multiple_of3A, %dma_start3A_6] : memref<2560x125xi32, #tpu.memory_space<hbm>> -> memref<40x125xi32, #tpu.memory_space<hbm>>
    %dma_start3A_8 = arith.constant 0 : i32
    %dma_start3A_9 = tpu.memref_slice %arg4[%multiple_of3A, %dma_start3A_8] : memref<2560x125xi32, #tpu.memory_space<hbm>> -> memref<40x125xi32, #tpu.memory_space<hbm>>
    tpu.enqueue_dma source(%dma_start3A_9 : memref<40x125xi32, #tpu.memory_space<hbm>>) target(%arg8 : memref<40x125xi32, #tpu.memory_space<vmem>>) target_semaphore(%arg13 : memref<!tpu.dma_semaphore, #tpu.memory_space<semaphore_mem>>)
    %scan3A = arith.constant 0 : i32
    %mul3A_10 = arith.constant 1 : i32
    %mul3A_11 = arith.muli %scan3A, %mul3A_10 : i32
    %add3A_12 = arith.constant 0 : i32
    %add3A_13 = arith.addi %add3A_12, %mul3A_11 : i32
    %mul3A_14 = arith.constant 16 : i32
    %mul3A_15 = arith.muli %add3A_13, %mul3A_14 : i32
    %add3A_16 = arith.addi %arg1, %mul3A_15 : i32
    %lt3A = arith.constant 10 : i32
    %lt3A_17 = arith.cmpi slt, %add3A_16, %lt3A : i32
    %convert_element_type3A = arith.extui %lt3A_17 : i1 to i32
    %cond3A = arith.constant 0 : i32
    %cond3A_18 = arith.cmpi ne, %convert_element_type3A, %cond3A : i32
    scf.if %cond3A_18 {
      %mul3A_89 = arith.constant 1000 : i32
      %mul3A_90 = arith.muli %add3A_16, %mul3A_89 : i32
      %multiple_of3A_91 = tpu.assume_multiple %mul3A_90, 8 : i32
      %dma_start3A_92 = arith.constant 0 : i32
      %dma_start3A_93 = tpu.memref_slice %arg11[%multiple_of3A_91, %dma_start3A_92] : memref<10000x128xf32, #tpu.memory_space<vmem_shared>> -> memref<1000x128xf32, #tpu.memory_space<vmem_shared>>
      tpu.enqueue_dma source(%arg5 : memref<1000x128xf32, #tpu.memory_space<hbm>>) target(%dma_start3A_93 : memref<1000x128xf32, #tpu.memory_space<vmem_shared>>) target_semaphore(%arg14 : memref<!tpu.dma_semaphore, #tpu.memory_space<semaphore_mem>>)
    } else {
    }
    %scan3A_19 = arith.constant 1 : i32
    %scan3A_20 = arith.constant 0 : i32
    %mul3A_21 = arith.constant 1 : i32
    %mul3A_22 = arith.muli %scan3A_20, %mul3A_21 : i32
    %add3A_23 = arith.constant 0 : i32
    %add3A_24 = arith.addi %add3A_23, %mul3A_22 : i32
    %mul3A_25 = arith.constant 16 : i32
    %mul3A_26 = arith.muli %add3A_24, %mul3A_25 : i32
    %add3A_27 = arith.addi %arg1, %mul3A_26 : i32
    %lt3A_28 = arith.constant 10 : i32
    %lt3A_29 = arith.cmpi slt, %add3A_27, %lt3A_28 : i32
    %convert_element_type3A_30 = arith.extui %lt3A_29 : i1 to i32
    %cond3A_31 = arith.constant 0 : i32
    %cond3A_32 = arith.cmpi ne, %convert_element_type3A_30, %cond3A_31 : i32
    scf.if %cond3A_32 {
      %mul3A_89 = arith.constant 1000 : i32
      %mul3A_90 = arith.muli %add3A_27, %mul3A_89 : i32
      %multiple_of3A_91 = tpu.assume_multiple %mul3A_90, 8 : i32
      %dma_wait3A_92 = arith.constant 0 : i32
      %dma_wait3A_93 = tpu.memref_slice %arg11[%multiple_of3A_91, %dma_wait3A_92] : memref<10000x128xf32, #tpu.memory_space<vmem_shared>> -> memref<1000x128xf32, #tpu.memory_space<vmem_shared>>
      tpu.wait_dma2 semaphore(%arg14 : memref<!tpu.dma_semaphore, #tpu.memory_space<semaphore_mem>>) src(%arg5 : memref<1000x128xf32, #tpu.memory_space<hbm>>) dst(%dma_wait3A_93 : memref<1000x128xf32, #tpu.memory_space<vmem_shared>>)
    } else {
    }
    %scan3A_33 = arith.constant 1 : i32
    %dma_wait3A = arith.constant 0 : i32
    %dma_wait3A_34 = tpu.memref_slice %arg3[%multiple_of3A, %dma_wait3A] : memref<2560x125xi32, #tpu.memory_space<hbm>> -> memref<40x125xi32, #tpu.memory_space<hbm>>
    %dma_wait3A_35 = arith.constant 0 : i32
    %dma_wait3A_36 = tpu.memref_slice %arg3[%multiple_of3A, %dma_wait3A_35] : memref<2560x125xi32, #tpu.memory_space<hbm>> -> memref<40x125xi32, #tpu.memory_space<hbm>>
    tpu.wait_dma2 semaphore(%arg12 : memref<!tpu.dma_semaphore, #tpu.memory_space<semaphore_mem>>) src(%dma_wait3A_36 : memref<40x125xi32, #tpu.memory_space<hbm>>) dst(%arg7 : memref<40x125xi32, #tpu.memory_space<vmem>>)
    %dma_wait3A_37 = arith.constant 0 : i32
    %dma_wait3A_38 = tpu.memref_slice %arg4[%multiple_of3A, %dma_wait3A_37] : memref<2560x125xi32, #tpu.memory_space<hbm>> -> memref<40x125xi32, #tpu.memory_space<hbm>>
    %dma_wait3A_39 = arith.constant 0 : i32
    %dma_wait3A_40 = tpu.memref_slice %arg4[%multiple_of3A, %dma_wait3A_39] : memref<2560x125xi32, #tpu.memory_space<hbm>> -> memref<40x125xi32, #tpu.memory_space<hbm>>
    tpu.wait_dma2 semaphore(%arg13 : memref<!tpu.dma_semaphore, #tpu.memory_space<semaphore_mem>>) src(%dma_wait3A_40 : memref<40x125xi32, #tpu.memory_space<hbm>>) dst(%arg8 : memref<40x125xi32, #tpu.memory_space<vmem>>)
    %barrier3A = arith.constant 0 : index
    tpu.barrier barrier_id(%barrier3A)
    %dma_start3A_41 = arith.constant 0 : i32
    %dma_start3A_42 = arith.constant 0 : i32
    %dma_start3A_43 = tpu.memref_slice %arg7[%dma_start3A_41, %dma_start3A_42] : memref<40x125xi32, #tpu.memory_space<vmem>> -> memref<1x125xi32, #tpu.memory_space<vmem>>
    %dma_start3A_44 = tpu.memref_squeeze %dma_start3A_43 : memref<1x125xi32, #tpu.memory_space<vmem>> -> memref<125xi32, #tpu.memory_space<vmem>>
    %dma_start3A_45 = arith.constant 0 : i32
    %dma_start3A_46 = arith.constant 0 : i32
    %dma_start3A_47 = tpu.memref_slice %arg2[%dma_start3A_45, %dma_start3A_46] : memref<10000x128xf32, #tpu.memory_space<hbm>> -> memref<10000x128xf32, #tpu.memory_space<hbm>>
    tpu.enqueue_indirect_dma source(%dma_start3A_47 : memref<10000x128xf32, #tpu.memory_space<hbm>>) target(%arg9 : memref<125x128xf32, #tpu.memory_space<vmem>>) offsets(%dma_start3A_44 : memref<125xi32, #tpu.memory_space<vmem>>) semaphore(%arg12 : memref<!tpu.dma_semaphore, #tpu.memory_space<semaphore_mem>>)
    %dma_start3A_48 = arith.constant 1 : i32
    %dma_start3A_49 = arith.constant 0 : i32
    %dma_start3A_50 = tpu.memref_slice %arg7[%dma_start3A_48, %dma_start3A_49] : memref<40x125xi32, #tpu.memory_space<vmem>> -> memref<1x125xi32, #tpu.memory_space<vmem>>
    %dma_start3A_51 = tpu.memref_squeeze %dma_start3A_50 : memref<1x125xi32, #tpu.memory_space<vmem>> -> memref<125xi32, #tpu.memory_space<vmem>>
    %dma_start3A_52 = arith.constant 0 : i32
    %dma_start3A_53 = arith.constant 0 : i32
    %dma_start3A_54 = tpu.memref_slice %arg2[%dma_start3A_52, %dma_start3A_53] : memref<10000x128xf32, #tpu.memory_space<hbm>> -> memref<10000x128xf32, #tpu.memory_space<hbm>>
    tpu.enqueue_indirect_dma source(%dma_start3A_54 : memref<10000x128xf32, #tpu.memory_space<hbm>>) target(%arg10 : memref<125x128xf32, #tpu.memory_space<vmem>>) offsets(%dma_start3A_51 : memref<125xi32, #tpu.memory_space<vmem>>) semaphore(%arg13 : memref<!tpu.dma_semaphore, #tpu.memory_space<semaphore_mem>>)
    %scan3A_55 = arith.constant 0 : i32
    %scan3A_56 = arith.constant 40 : i32
    %scan3A_57 = arith.addi %scan3A_55, %scan3A_56 : i32
    %scan3A_58 = arith.constant 1 : i32
    scf.for %scan3A_89 = %scan3A_55 to %scan3A_57 step %scan3A_58  : i32 {
      %mul3A_90 = arith.constant 1 : i32
      %mul3A_91 = arith.muli %scan3A_89, %mul3A_90 : i32
      %add3A_92 = arith.constant 0 : i32
      %add3A_93 = arith.addi %add3A_92, %mul3A_91 : i32
      %mul3A_94 = arith.constant 2 : i32
      %mul3A_95 = arith.muli %mul3A_94, %add3A_93 : i32
      %eq3A = arith.constant 20 : i32
      %eq3A_96 = arith.cmpi eq, %add3A_93, %eq3A : i32
      %convert_element_type3A_97 = arith.extui %eq3A_96 : i1 to i32
      %cond3A_98 = arith.constant 0 : i32
      %cond3A_99 = arith.cmpi ne, %convert_element_type3A_97, %cond3A_98 : i32
      scf.if %cond3A_99 {
        %add3A_126 = arith.constant 40 : i32
        %add3A_127 = arith.addi %multiple_of3A, %add3A_126 : i32
        "tpu.region"() ({
          %run_scoped3A = tpu.sem_alloc : memref<!tpu.dma_semaphore, #tpu.memory_space<semaphore_mem>>
          %dma_start3A_144 = arith.constant 0 : i32
          %dma_start3A_145 = tpu.memref_slice %arg3[%add3A_127, %dma_start3A_144] : memref<2560x125xi32, #tpu.memory_space<hbm>> -> memref<40x125xi32, #tpu.memory_space<hbm>>
          %dma_start3A_146 = arith.constant 0 : i32
          %dma_start3A_147 = tpu.memref_slice %arg3[%add3A_127, %dma_start3A_146] : memref<2560x125xi32, #tpu.memory_space<hbm>> -> memref<40x125xi32, #tpu.memory_space<hbm>>
          tpu.enqueue_dma source(%dma_start3A_147 : memref<40x125xi32, #tpu.memory_space<hbm>>) target(%arg7 : memref<40x125xi32, #tpu.memory_space<vmem>>) target_semaphore(%run_scoped3A : memref<!tpu.dma_semaphore, #tpu.memory_space<semaphore_mem>>)
          %dma_wait3A_148 = arith.constant 0 : i32
          %dma_wait3A_149 = tpu.memref_slice %arg3[%add3A_127, %dma_wait3A_148] : memref<2560x125xi32, #tpu.memory_space<hbm>> -> memref<40x125xi32, #tpu.memory_space<hbm>>
          %dma_wait3A_150 = arith.constant 0 : i32
          %dma_wait3A_151 = tpu.memref_slice %arg3[%add3A_127, %dma_wait3A_150] : memref<2560x125xi32, #tpu.memory_space<hbm>> -> memref<40x125xi32, #tpu.memory_space<hbm>>
          tpu.wait_dma2 semaphore(%run_scoped3A : memref<!tpu.dma_semaphore, #tpu.memory_space<semaphore_mem>>) src(%dma_wait3A_151 : memref<40x125xi32, #tpu.memory_space<hbm>>) dst(%arg7 : memref<40x125xi32, #tpu.memory_space<vmem>>)
          tpu.yield
        }) : () -> ()
        %add3A_128 = arith.constant 40 : i32
        %add3A_129 = arith.addi %multiple_of3A, %add3A_128 : i32
        "tpu.region"() ({
          %run_scoped3A = tpu.sem_alloc : memref<!tpu.dma_semaphore, #tpu.memory_space<semaphore_mem>>
          %dma_start3A_144 = arith.constant 0 : i32
          %dma_start3A_145 = tpu.memref_slice %arg4[%add3A_129, %dma_start3A_144] : memref<2560x125xi32, #tpu.memory_space<hbm>> -> memref<40x125xi32, #tpu.memory_space<hbm>>
          %dma_start3A_146 = arith.constant 0 : i32
          %dma_start3A_147 = tpu.memref_slice %arg4[%add3A_129, %dma_start3A_146] : memref<2560x125xi32, #tpu.memory_space<hbm>> -> memref<40x125xi32, #tpu.memory_space<hbm>>
          tpu.enqueue_dma source(%dma_start3A_147 : memref<40x125xi32, #tpu.memory_space<hbm>>) target(%arg8 : memref<40x125xi32, #tpu.memory_space<vmem>>) target_semaphore(%run_scoped3A : memref<!tpu.dma_semaphore, #tpu.memory_space<semaphore_mem>>)
          %dma_wait3A_148 = arith.constant 0 : i32
          %dma_wait3A_149 = tpu.memref_slice %arg4[%add3A_129, %dma_wait3A_148] : memref<2560x125xi32, #tpu.memory_space<hbm>> -> memref<40x125xi32, #tpu.memory_space<hbm>>
          %dma_wait3A_150 = arith.constant 0 : i32
          %dma_wait3A_151 = tpu.memref_slice %arg4[%add3A_129, %dma_wait3A_150] : memref<2560x125xi32, #tpu.memory_space<hbm>> -> memref<40x125xi32, #tpu.memory_space<hbm>>
          tpu.wait_dma2 semaphore(%run_scoped3A : memref<!tpu.dma_semaphore, #tpu.memory_space<semaphore_mem>>) src(%dma_wait3A_151 : memref<40x125xi32, #tpu.memory_space<hbm>>) dst(%arg8 : memref<40x125xi32, #tpu.memory_space<vmem>>)
          tpu.yield
        }) : () -> ()
        %dma_start3A_130 = arith.constant 0 : i32
        %dma_start3A_131 = arith.constant 0 : i32
        %dma_start3A_132 = tpu.memref_slice %arg7[%dma_start3A_130, %dma_start3A_131] : memref<40x125xi32, #tpu.memory_space<vmem>> -> memref<1x125xi32, #tpu.memory_space<vmem>>
        %dma_start3A_133 = tpu.memref_squeeze %dma_start3A_132 : memref<1x125xi32, #tpu.memory_space<vmem>> -> memref<125xi32, #tpu.memory_space<vmem>>
        %dma_start3A_134 = arith.constant 0 : i32
        %dma_start3A_135 = arith.constant 0 : i32
        %dma_start3A_136 = tpu.memref_slice %arg2[%dma_start3A_134, %dma_start3A_135] : memref<10000x128xf32, #tpu.memory_space<hbm>> -> memref<10000x128xf32, #tpu.memory_space<hbm>>
        tpu.enqueue_indirect_dma source(%dma_start3A_136 : memref<10000x128xf32, #tpu.memory_space<hbm>>) target(%arg9 : memref<125x128xf32, #tpu.memory_space<vmem>>) offsets(%dma_start3A_133 : memref<125xi32, #tpu.memory_space<vmem>>) semaphore(%arg12 : memref<!tpu.dma_semaphore, #tpu.memory_space<semaphore_mem>>)
        %dma_start3A_137 = arith.constant 1 : i32
        %dma_start3A_138 = arith.constant 0 : i32
        %dma_start3A_139 = tpu.memref_slice %arg7[%dma_start3A_137, %dma_start3A_138] : memref<40x125xi32, #tpu.memory_space<vmem>> -> memref<1x125xi32, #tpu.memory_space<vmem>>
        %dma_start3A_140 = tpu.memref_squeeze %dma_start3A_139 : memref<1x125xi32, #tpu.memory_space<vmem>> -> memref<125xi32, #tpu.memory_space<vmem>>
        %dma_start3A_141 = arith.constant 0 : i32
        %dma_start3A_142 = arith.constant 0 : i32
        %dma_start3A_143 = tpu.memref_slice %arg2[%dma_start3A_141, %dma_start3A_142] : memref<10000x128xf32, #tpu.memory_space<hbm>> -> memref<10000x128xf32, #tpu.memory_space<hbm>>
        tpu.enqueue_indirect_dma source(%dma_start3A_143 : memref<10000x128xf32, #tpu.memory_space<hbm>>) target(%arg10 : memref<125x128xf32, #tpu.memory_space<vmem>>) offsets(%dma_start3A_140 : memref<125xi32, #tpu.memory_space<vmem>>) semaphore(%arg13 : memref<!tpu.dma_semaphore, #tpu.memory_space<semaphore_mem>>)
      } else {
      }
      %rem3A = arith.constant 40 : i32
      %rem3A_100 = arith.remsi %mul3A_95, %rem3A : i32
      %ne3A = arith.constant 19 : i32
      %ne3A_101 = arith.cmpi ne, %add3A_93, %ne3A : i32
      %ne3A_102 = arith.constant 39 : i32
      %ne3A_103 = arith.cmpi ne, %add3A_93, %ne3A_102 : i32
      %and3A = arith.andi %ne3A_101, %ne3A_103 : i1
      %dma_wait3A_104 = arith.constant 0 : i32
      %dma_wait3A_105 = tpu.memref_slice %arg7[%rem3A_100, %dma_wait3A_104] : memref<40x125xi32, #tpu.memory_space<vmem>> -> memref<1x125xi32, #tpu.memory_space<vmem>>
      %dma_wait3A_106 = tpu.memref_squeeze %dma_wait3A_105 : memref<1x125xi32, #tpu.memory_space<vmem>> -> memref<125xi32, #tpu.memory_space<vmem>>
      %dma_wait3A_107 = arith.constant 0 : i32
      %dma_wait3A_108 = arith.constant 0 : i32
      %dma_wait3A_109 = tpu.memref_slice %arg2[%dma_wait3A_107, %dma_wait3A_108] : memref<10000x128xf32, #tpu.memory_space<hbm>> -> memref<10000x128xf32, #tpu.memory_space<hbm>>
      tpu.wait_indirect_dma semaphore(%arg12 : memref<!tpu.dma_semaphore, #tpu.memory_space<semaphore_mem>>) src(%dma_wait3A_109 : memref<10000x128xf32, #tpu.memory_space<hbm>>) dst(%arg9 : memref<125x128xf32, #tpu.memory_space<vmem>>)
      "tpu.region"() ({
        %run_scoped3A = tpu.sem_alloc : memref<!tpu.dma_semaphore, #tpu.memory_space<semaphore_mem>>
        %dma_start3A_126 = arith.constant 0 : i32
        %dma_start3A_127 = tpu.memref_slice %arg8[%rem3A_100, %dma_start3A_126] : memref<40x125xi32, #tpu.memory_space<vmem>> -> memref<1x125xi32, #tpu.memory_space<vmem>>
        %dma_start3A_128 = tpu.memref_squeeze %dma_start3A_127 : memref<1x125xi32, #tpu.memory_space<vmem>> -> memref<125xi32, #tpu.memory_space<vmem>>
        %dma_start3A_129 = arith.constant 0 : i32
        %dma_start3A_130 = arith.constant 0 : i32
        %dma_start3A_131 = tpu.memref_slice %arg11[%dma_start3A_129, %dma_start3A_130] : memref<10000x128xf32, #tpu.memory_space<vmem_shared>> -> memref<10000x128xf32, #tpu.memory_space<vmem_shared>>
        tpu.enqueue_indirect_dma source(%arg9 : memref<125x128xf32, #tpu.memory_space<vmem>>) target(%dma_start3A_131 : memref<10000x128xf32, #tpu.memory_space<vmem_shared>>) offsets(%dma_start3A_128 : memref<125xi32, #tpu.memory_space<vmem>>) semaphore(%run_scoped3A : memref<!tpu.dma_semaphore, #tpu.memory_space<semaphore_mem>>) {add = true}
        %dma_wait3A_132 = arith.constant 0 : i32
        %dma_wait3A_133 = tpu.memref_slice %arg8[%rem3A_100, %dma_wait3A_132] : memref<40x125xi32, #tpu.memory_space<vmem>> -> memref<1x125xi32, #tpu.memory_space<vmem>>
        %dma_wait3A_134 = tpu.memref_squeeze %dma_wait3A_133 : memref<1x125xi32, #tpu.memory_space<vmem>> -> memref<125xi32, #tpu.memory_space<vmem>>
        %dma_wait3A_135 = arith.constant 0 : i32
        %dma_wait3A_136 = arith.constant 0 : i32
        %dma_wait3A_137 = tpu.memref_slice %arg11[%dma_wait3A_135, %dma_wait3A_136] : memref<10000x128xf32, #tpu.memory_space<vmem_shared>> -> memref<10000x128xf32, #tpu.memory_space<vmem_shared>>
        tpu.wait_indirect_dma semaphore(%run_scoped3A : memref<!tpu.dma_semaphore, #tpu.memory_space<semaphore_mem>>) src(%arg9 : memref<125x128xf32, #tpu.memory_space<vmem>>) dst(%dma_wait3A_137 : memref<10000x128xf32, #tpu.memory_space<vmem_shared>>)
        tpu.yield
      }) : () -> ()
      %convert_element_type3A_110 = arith.extui %and3A : i1 to i32
      %cond3A_111 = arith.constant 0 : i32
      %cond3A_112 = arith.cmpi ne, %convert_element_type3A_110, %cond3A_111 : i32
      scf.if %cond3A_112 {
        %add3A_126 = arith.constant 2 : i32
        %add3A_127 = arith.addi %rem3A_100, %add3A_126 : i32
        %dma_start3A_128 = arith.constant 0 : i32
        %dma_start3A_129 = tpu.memref_slice %arg7[%add3A_127, %dma_start3A_128] : memref<40x125xi32, #tpu.memory_space<vmem>> -> memref<1x125xi32, #tpu.memory_space<vmem>>
        %dma_start3A_130 = tpu.memref_squeeze %dma_start3A_129 : memref<1x125xi32, #tpu.memory_space<vmem>> -> memref<125xi32, #tpu.memory_space<vmem>>
        %dma_start3A_131 = arith.constant 0 : i32
        %dma_start3A_132 = arith.constant 0 : i32
        %dma_start3A_133 = tpu.memref_slice %arg2[%dma_start3A_131, %dma_start3A_132] : memref<10000x128xf32, #tpu.memory_space<hbm>> -> memref<10000x128xf32, #tpu.memory_space<hbm>>
        tpu.enqueue_indirect_dma source(%dma_start3A_133 : memref<10000x128xf32, #tpu.memory_space<hbm>>) target(%arg9 : memref<125x128xf32, #tpu.memory_space<vmem>>) offsets(%dma_start3A_130 : memref<125xi32, #tpu.memory_space<vmem>>) semaphore(%arg12 : memref<!tpu.dma_semaphore, #tpu.memory_space<semaphore_mem>>)
      } else {
      }
      %add3A_113 = arith.constant 1 : i32
      %add3A_114 = arith.addi %rem3A_100, %add3A_113 : i32
      %dma_wait3A_115 = arith.constant 0 : i32
      %dma_wait3A_116 = tpu.memref_slice %arg7[%add3A_114, %dma_wait3A_115] : memref<40x125xi32, #tpu.memory_space<vmem>> -> memref<1x125xi32, #tpu.memory_space<vmem>>
      %dma_wait3A_117 = tpu.memref_squeeze %dma_wait3A_116 : memref<1x125xi32, #tpu.memory_space<vmem>> -> memref<125xi32, #tpu.memory_space<vmem>>
      %dma_wait3A_118 = arith.constant 0 : i32
      %dma_wait3A_119 = arith.constant 0 : i32
      %dma_wait3A_120 = tpu.memref_slice %arg2[%dma_wait3A_118, %dma_wait3A_119] : memref<10000x128xf32, #tpu.memory_space<hbm>> -> memref<10000x128xf32, #tpu.memory_space<hbm>>
      tpu.wait_indirect_dma semaphore(%arg13 : memref<!tpu.dma_semaphore, #tpu.memory_space<semaphore_mem>>) src(%dma_wait3A_120 : memref<10000x128xf32, #tpu.memory_space<hbm>>) dst(%arg10 : memref<125x128xf32, #tpu.memory_space<vmem>>)
      %add3A_121 = arith.constant 1 : i32
      %add3A_122 = arith.addi %rem3A_100, %add3A_121 : i32
      "tpu.region"() ({
        %run_scoped3A = tpu.sem_alloc : memref<!tpu.dma_semaphore, #tpu.memory_space<semaphore_mem>>
        %dma_start3A_126 = arith.constant 0 : i32
        %dma_start3A_127 = tpu.memref_slice %arg8[%add3A_122, %dma_start3A_126] : memref<40x125xi32, #tpu.memory_space<vmem>> -> memref<1x125xi32, #tpu.memory_space<vmem>>
        %dma_start3A_128 = tpu.memref_squeeze %dma_start3A_127 : memref<1x125xi32, #tpu.memory_space<vmem>> -> memref<125xi32, #tpu.memory_space<vmem>>
        %dma_start3A_129 = arith.constant 0 : i32
        %dma_start3A_130 = arith.constant 0 : i32
        %dma_start3A_131 = tpu.memref_slice %arg11[%dma_start3A_129, %dma_start3A_130] : memref<10000x128xf32, #tpu.memory_space<vmem_shared>> -> memref<10000x128xf32, #tpu.memory_space<vmem_shared>>
        tpu.enqueue_indirect_dma source(%arg10 : memref<125x128xf32, #tpu.memory_space<vmem>>) target(%dma_start3A_131 : memref<10000x128xf32, #tpu.memory_space<vmem_shared>>) offsets(%dma_start3A_128 : memref<125xi32, #tpu.memory_space<vmem>>) semaphore(%run_scoped3A : memref<!tpu.dma_semaphore, #tpu.memory_space<semaphore_mem>>) {add = true}
        %dma_wait3A_132 = arith.constant 0 : i32
        %dma_wait3A_133 = tpu.memref_slice %arg8[%add3A_122, %dma_wait3A_132] : memref<40x125xi32, #tpu.memory_space<vmem>> -> memref<1x125xi32, #tpu.memory_space<vmem>>
        %dma_wait3A_134 = tpu.memref_squeeze %dma_wait3A_133 : memref<1x125xi32, #tpu.memory_space<vmem>> -> memref<125xi32, #tpu.memory_space<vmem>>
        %dma_wait3A_135 = arith.constant 0 : i32
        %dma_wait3A_136 = arith.constant 0 : i32
        %dma_wait3A_137 = tpu.memref_slice %arg11[%dma_wait3A_135, %dma_wait3A_136] : memref<10000x128xf32, #tpu.memory_space<vmem_shared>> -> memref<10000x128xf32, #tpu.memory_space<vmem_shared>>
        tpu.wait_indirect_dma semaphore(%run_scoped3A : memref<!tpu.dma_semaphore, #tpu.memory_space<semaphore_mem>>) src(%arg10 : memref<125x128xf32, #tpu.memory_space<vmem>>) dst(%dma_wait3A_137 : memref<10000x128xf32, #tpu.memory_space<vmem_shared>>)
        tpu.yield
      }) : () -> ()
      %convert_element_type3A_123 = arith.extui %and3A : i1 to i32
      %cond3A_124 = arith.constant 0 : i32
      %cond3A_125 = arith.cmpi ne, %convert_element_type3A_123, %cond3A_124 : i32
      scf.if %cond3A_125 {
        %add3A_126 = arith.constant 3 : i32
        %add3A_127 = arith.addi %rem3A_100, %add3A_126 : i32
        %dma_start3A_128 = arith.constant 0 : i32
        %dma_start3A_129 = tpu.memref_slice %arg7[%add3A_127, %dma_start3A_128] : memref<40x125xi32, #tpu.memory_space<vmem>> -> memref<1x125xi32, #tpu.memory_space<vmem>>
        %dma_start3A_130 = tpu.memref_squeeze %dma_start3A_129 : memref<1x125xi32, #tpu.memory_space<vmem>> -> memref<125xi32, #tpu.memory_space<vmem>>
        %dma_start3A_131 = arith.constant 0 : i32
        %dma_start3A_132 = arith.constant 0 : i32
        %dma_start3A_133 = tpu.memref_slice %arg2[%dma_start3A_131, %dma_start3A_132] : memref<10000x128xf32, #tpu.memory_space<hbm>> -> memref<10000x128xf32, #tpu.memory_space<hbm>>
        tpu.enqueue_indirect_dma source(%dma_start3A_133 : memref<10000x128xf32, #tpu.memory_space<hbm>>) target(%arg10 : memref<125x128xf32, #tpu.memory_space<vmem>>) offsets(%dma_start3A_130 : memref<125xi32, #tpu.memory_space<vmem>>) semaphore(%arg13 : memref<!tpu.dma_semaphore, #tpu.memory_space<semaphore_mem>>)
      } else {
      }
    }
    %scan3A_59 = arith.constant 40 : i32
    %barrier3A_60 = arith.constant 0 : index
    tpu.barrier barrier_id(%barrier3A_60)
    %scan3A_61 = arith.constant 0 : i32
    %mul3A_62 = arith.constant 1 : i32
    %mul3A_63 = arith.muli %scan3A_61, %mul3A_62 : i32
    %add3A_64 = arith.constant 0 : i32
    %add3A_65 = arith.addi %add3A_64, %mul3A_63 : i32
    %mul3A_66 = arith.constant 16 : i32
    %mul3A_67 = arith.muli %add3A_65, %mul3A_66 : i32
    %add3A_68 = arith.addi %arg1, %mul3A_67 : i32
    %lt3A_69 = arith.constant 10 : i32
    %lt3A_70 = arith.cmpi slt, %add3A_68, %lt3A_69 : i32
    %convert_element_type3A_71 = arith.extui %lt3A_70 : i1 to i32
    %cond3A_72 = arith.constant 0 : i32
    %cond3A_73 = arith.cmpi ne, %convert_element_type3A_71, %cond3A_72 : i32
    scf.if %cond3A_73 {
      %mul3A_89 = arith.constant 1000 : i32
      %mul3A_90 = arith.muli %add3A_68, %mul3A_89 : i32
      %multiple_of3A_91 = tpu.assume_multiple %mul3A_90, 8 : i32
      %mul3A_92 = arith.constant 10000 : i32
      %mul3A_93 = arith.muli %arg0, %mul3A_92 : i32
      %add3A_94 = arith.addi %mul3A_93, %multiple_of3A_91 : i32
      %dma_start3A_95 = arith.constant 0 : i32
      %dma_start3A_96 = tpu.memref_slice %arg6[%add3A_94, %dma_start3A_95] : memref<20000x128xf32, #tpu.memory_space<hbm>> -> memref<1000x128xf32, #tpu.memory_space<hbm>>
      %dma_start3A_97 = arith.constant 0 : i32
      %dma_start3A_98 = tpu.memref_slice %arg11[%multiple_of3A_91, %dma_start3A_97] : memref<10000x128xf32, #tpu.memory_space<vmem_shared>> -> memref<1000x128xf32, #tpu.memory_space<vmem_shared>>
      tpu.enqueue_dma source(%dma_start3A_98 : memref<1000x128xf32, #tpu.memory_space<vmem_shared>>) target(%dma_start3A_96 : memref<1000x128xf32, #tpu.memory_space<hbm>>) target_semaphore(%arg12 : memref<!tpu.dma_semaphore, #tpu.memory_space<semaphore_mem>>)
    } else {
    }
    %scan3A_74 = arith.constant 1 : i32
    %scan3A_75 = arith.constant 0 : i32
    %mul3A_76 = arith.constant 1 : i32
    %mul3A_77 = arith.muli %scan3A_75, %mul3A_76 : i32
    %add3A_78 = arith.constant 0 : i32
    %add3A_79 = arith.addi %add3A_78, %mul3A_77 : i32
    %mul3A_80 = arith.constant 16 : i32
    %mul3A_81 = arith.muli %add3A_79, %mul3A_80 : i32
    %add3A_82 = arith.addi %arg1, %mul3A_81 : i32
    %lt3A_83 = arith.constant 10 : i32
    %lt3A_84 = arith.cmpi slt, %add3A_82, %lt3A_83 : i32
    %convert_element_type3A_85 = arith.extui %lt3A_84 : i1 to i32
    %cond3A_86 = arith.constant 0 : i32
    %cond3A_87 = arith.cmpi ne, %convert_element_type3A_85, %cond3A_86 : i32
    scf.if %cond3A_87 {
      %mul3A_89 = arith.constant 1000 : i32
      %mul3A_90 = arith.muli %add3A_82, %mul3A_89 : i32
      %multiple_of3A_91 = tpu.assume_multiple %mul3A_90, 8 : i32
      %mul3A_92 = arith.constant 10000 : i32
      %mul3A_93 = arith.muli %arg0, %mul3A_92 : i32
      %add3A_94 = arith.addi %mul3A_93, %multiple_of3A_91 : i32
      %dma_wait3A_95 = arith.constant 0 : i32
      %dma_wait3A_96 = tpu.memref_slice %arg6[%add3A_94, %dma_wait3A_95] : memref<20000x128xf32, #tpu.memory_space<hbm>> -> memref<1000x128xf32, #tpu.memory_space<hbm>>
      %dma_wait3A_97 = arith.constant 0 : i32
      %dma_wait3A_98 = tpu.memref_slice %arg11[%multiple_of3A_91, %dma_wait3A_97] : memref<10000x128xf32, #tpu.memory_space<vmem_shared>> -> memref<1000x128xf32, #tpu.memory_space<vmem_shared>>
      tpu.wait_dma2 semaphore(%arg12 : memref<!tpu.dma_semaphore, #tpu.memory_space<semaphore_mem>>) src(%dma_wait3A_98 : memref<1000x128xf32, #tpu.memory_space<vmem_shared>>) dst(%dma_wait3A_96 : memref<1000x128xf32, #tpu.memory_space<hbm>>)
    } else {
    }
    %scan3A_88 = arith.constant 1 : i32
    return
  }
}

#map = affine_map<(d0, d1) -> (0, 0)>
module attributes {stable_mosaic.version = 14 : i64} {
  func.func @_sc_scatter_body(%arg0: i32, %arg1: i32, %arg2: memref<10000x128xf32, #tpu.memory_space<hbm>>, %arg3: memref<2560x125xi32, #tpu.memory_space<hbm>>, %arg4: memref<2560x125xi32, #tpu.memory_space<hbm>>, %arg5: memref<1000x128xf32, #tpu.memory_space<hbm>>, %arg6: memref<20000x128xf32, #tpu.memory_space<hbm>>, %arg7: memref<40x125xi32, #tpu.memory_space<vmem>>, %arg8: memref<40x125xi32, #tpu.memory_space<vmem>>, %arg9: memref<125x128xf32, #tpu.memory_space<vmem>>, %arg10: memref<125x128xf32, #tpu.memory_space<vmem>>, %arg11: memref<10000x128xf32, #tpu.memory_space<vmem_shared>>, %arg12: memref<!tpu.dma_semaphore, #tpu.memory_space<semaphore_mem>>, %arg13: memref<!tpu.dma_semaphore, #tpu.memory_space<semaphore_mem>>, %arg14: memref<!tpu.dma_semaphore, #tpu.memory_space<semaphore_mem>>) attributes {dimension_semantics = [#tpu.dimension_semantics<core_parallel>, #tpu.dimension_semantics<subcore_parallel>], iteration_bounds = array<i64: 2, 16>, scalar_prefetch = 0 : i64, scratch_operands = 8 : i64, tpu.core_type = #tpu.core_type<sc_vector_subcore>, window_params = [{transform_indices = #map}, {transform_indices = #map}, {transform_indices = #map}, {transform_indices = #map}, {transform_indices = #map}]} {
    %mul3A = arith.constant 2 : i32
    %mul3A_0 = arith.muli %arg1, %mul3A : i32
    %add3A = arith.addi %mul3A_0, %arg0 : i32
    %mul3A_1 = arith.constant 80 : i32
    %mul3A_2 = arith.muli %add3A, %mul3A_1 : i32
    %multiple_of3A = tpu.assume_multiple %mul3A_2, 8 : i32
    %dma_start3A = arith.constant 0 : i32
    %dma_start3A_3 = tpu.memref_slice %arg3[%multiple_of3A, %dma_start3A] : memref<2560x125xi32, #tpu.memory_space<hbm>> -> memref<40x125xi32, #tpu.memory_space<hbm>>
    %dma_start3A_4 = arith.constant 0 : i32
    %dma_start3A_5 = tpu.memref_slice %arg3[%multiple_of3A, %dma_start3A_4] : memref<2560x125xi32, #tpu.memory_space<hbm>> -> memref<40x125xi32, #tpu.memory_space<hbm>>
    tpu.enqueue_dma source(%dma_start3A_5 : memref<40x125xi32, #tpu.memory_space<hbm>>) target(%arg7 : memref<40x125xi32, #tpu.memory_space<vmem>>) target_semaphore(%arg12 : memref<!tpu.dma_semaphore, #tpu.memory_space<semaphore_mem>>)
    %dma_start3A_6 = arith.constant 0 : i32
    %dma_start3A_7 = tpu.memref_slice %arg4[%multiple_of3A, %dma_start3A_6] : memref<2560x125xi32, #tpu.memory_space<hbm>> -> memref<40x125xi32, #tpu.memory_space<hbm>>
    %dma_start3A_8 = arith.constant 0 : i32
    %dma_start3A_9 = tpu.memref_slice %arg4[%multiple_of3A, %dma_start3A_8] : memref<2560x125xi32, #tpu.memory_space<hbm>> -> memref<40x125xi32, #tpu.memory_space<hbm>>
    tpu.enqueue_dma source(%dma_start3A_9 : memref<40x125xi32, #tpu.memory_space<hbm>>) target(%arg8 : memref<40x125xi32, #tpu.memory_space<vmem>>) target_semaphore(%arg13 : memref<!tpu.dma_semaphore, #tpu.memory_space<semaphore_mem>>)
    %scan3A = arith.constant 0 : i32
    %mul3A_10 = arith.constant 1 : i32
    %mul3A_11 = arith.muli %scan3A, %mul3A_10 : i32
    %add3A_12 = arith.constant 0 : i32
    %add3A_13 = arith.addi %add3A_12, %mul3A_11 : i32
    %mul3A_14 = arith.constant 16 : i32
    %mul3A_15 = arith.muli %add3A_13, %mul3A_14 : i32
    %add3A_16 = arith.addi %arg1, %mul3A_15 : i32
    %lt3A = arith.constant 10 : i32
    %lt3A_17 = arith.cmpi slt, %add3A_16, %lt3A : i32
    %convert_element_type3A = arith.extui %lt3A_17 : i1 to i32
    %cond3A = arith.constant 0 : i32
    %cond3A_18 = arith.cmpi ne, %convert_element_type3A, %cond3A : i32
    scf.if %cond3A_18 {
      %mul3A_89 = arith.constant 1000 : i32
      %mul3A_90 = arith.muli %add3A_16, %mul3A_89 : i32
      %multiple_of3A_91 = tpu.assume_multiple %mul3A_90, 8 : i32
      %dma_start3A_92 = arith.constant 0 : i32
      %dma_start3A_93 = tpu.memref_slice %arg11[%multiple_of3A_91, %dma_start3A_92] : memref<10000x128xf32, #tpu.memory_space<vmem_shared>> -> memref<1000x128xf32, #tpu.memory_space<vmem_shared>>
      tpu.enqueue_dma source(%arg5 : memref<1000x128xf32, #tpu.memory_space<hbm>>) target(%dma_start3A_93 : memref<1000x128xf32, #tpu.memory_space<vmem_shared>>) target_semaphore(%arg14 : memref<!tpu.dma_semaphore, #tpu.memory_space<semaphore_mem>>)
    } else {
    }
    %scan3A_19 = arith.constant 1 : i32
    %scan3A_20 = arith.constant 0 : i32
    %mul3A_21 = arith.constant 1 : i32
    %mul3A_22 = arith.muli %scan3A_20, %mul3A_21 : i32
    %add3A_23 = arith.constant 0 : i32
    %add3A_24 = arith.addi %add3A_23, %mul3A_22 : i32
    %mul3A_25 = arith.constant 16 : i32
    %mul3A_26 = arith.muli %add3A_24, %mul3A_25 : i32
    %add3A_27 = arith.addi %arg1, %mul3A_26 : i32
    %lt3A_28 = arith.constant 10 : i32
    %lt3A_29 = arith.cmpi slt, %add3A_27, %lt3A_28 : i32
    %convert_element_type3A_30 = arith.extui %lt3A_29 : i1 to i32
    %cond3A_31 = arith.constant 0 : i32
    %cond3A_32 = arith.cmpi ne, %convert_element_type3A_30, %cond3A_31 : i32
    scf.if %cond3A_32 {
      %mul3A_89 = arith.constant 1000 : i32
      %mul3A_90 = arith.muli %add3A_27, %mul3A_89 : i32
      %multiple_of3A_91 = tpu.assume_multiple %mul3A_90, 8 : i32
      %dma_wait3A_92 = arith.constant 0 : i32
      %dma_wait3A_93 = tpu.memref_slice %arg11[%multiple_of3A_91, %dma_wait3A_92] : memref<10000x128xf32, #tpu.memory_space<vmem_shared>> -> memref<1000x128xf32, #tpu.memory_space<vmem_shared>>
      tpu.wait_dma2 semaphore(%arg14 : memref<!tpu.dma_semaphore, #tpu.memory_space<semaphore_mem>>) src(%arg5 : memref<1000x128xf32, #tpu.memory_space<hbm>>) dst(%dma_wait3A_93 : memref<1000x128xf32, #tpu.memory_space<vmem_shared>>)
    } else {
    }
    %scan3A_33 = arith.constant 1 : i32
    %dma_wait3A = arith.constant 0 : i32
    %dma_wait3A_34 = tpu.memref_slice %arg3[%multiple_of3A, %dma_wait3A] : memref<2560x125xi32, #tpu.memory_space<hbm>> -> memref<40x125xi32, #tpu.memory_space<hbm>>
    %dma_wait3A_35 = arith.constant 0 : i32
    %dma_wait3A_36 = tpu.memref_slice %arg3[%multiple_of3A, %dma_wait3A_35] : memref<2560x125xi32, #tpu.memory_space<hbm>> -> memref<40x125xi32, #tpu.memory_space<hbm>>
    tpu.wait_dma2 semaphore(%arg12 : memref<!tpu.dma_semaphore, #tpu.memory_space<semaphore_mem>>) src(%dma_wait3A_36 : memref<40x125xi32, #tpu.memory_space<hbm>>) dst(%arg7 : memref<40x125xi32, #tpu.memory_space<vmem>>)
    %dma_wait3A_37 = arith.constant 0 : i32
    %dma_wait3A_38 = tpu.memref_slice %arg4[%multiple_of3A, %dma_wait3A_37] : memref<2560x125xi32, #tpu.memory_space<hbm>> -> memref<40x125xi32, #tpu.memory_space<hbm>>
    %dma_wait3A_39 = arith.constant 0 : i32
    %dma_wait3A_40 = tpu.memref_slice %arg4[%multiple_of3A, %dma_wait3A_39] : memref<2560x125xi32, #tpu.memory_space<hbm>> -> memref<40x125xi32, #tpu.memory_space<hbm>>
    tpu.wait_dma2 semaphore(%arg13 : memref<!tpu.dma_semaphore, #tpu.memory_space<semaphore_mem>>) src(%dma_wait3A_40 : memref<40x125xi32, #tpu.memory_space<hbm>>) dst(%arg8 : memref<40x125xi32, #tpu.memory_space<vmem>>)
    %barrier3A = arith.constant 0 : index
    tpu.barrier barrier_id(%barrier3A)
    %dma_start3A_41 = arith.constant 0 : i32
    %dma_start3A_42 = arith.constant 0 : i32
    %dma_start3A_43 = tpu.memref_slice %arg7[%dma_start3A_41, %dma_start3A_42] : memref<40x125xi32, #tpu.memory_space<vmem>> -> memref<1x125xi32, #tpu.memory_space<vmem>>
    %dma_start3A_44 = tpu.memref_squeeze %dma_start3A_43 : memref<1x125xi32, #tpu.memory_space<vmem>> -> memref<125xi32, #tpu.memory_space<vmem>>
    %dma_start3A_45 = arith.constant 0 : i32
    %dma_start3A_46 = arith.constant 0 : i32
    %dma_start3A_47 = tpu.memref_slice %arg2[%dma_start3A_45, %dma_start3A_46] : memref<10000x128xf32, #tpu.memory_space<hbm>> -> memref<10000x128xf32, #tpu.memory_space<hbm>>
    tpu.enqueue_indirect_dma source(%dma_start3A_47 : memref<10000x128xf32, #tpu.memory_space<hbm>>) target(%arg9 : memref<125x128xf32, #tpu.memory_space<vmem>>) offsets(%dma_start3A_44 : memref<125xi32, #tpu.memory_space<vmem>>) semaphore(%arg12 : memref<!tpu.dma_semaphore, #tpu.memory_space<semaphore_mem>>)
    %dma_start3A_48 = arith.constant 1 : i32
    %dma_start3A_49 = arith.constant 0 : i32
    %dma_start3A_50 = tpu.memref_slice %arg7[%dma_start3A_48, %dma_start3A_49] : memref<40x125xi32, #tpu.memory_space<vmem>> -> memref<1x125xi32, #tpu.memory_space<vmem>>
    %dma_start3A_51 = tpu.memref_squeeze %dma_start3A_50 : memref<1x125xi32, #tpu.memory_space<vmem>> -> memref<125xi32, #tpu.memory_space<vmem>>
    %dma_start3A_52 = arith.constant 0 : i32
    %dma_start3A_53 = arith.constant 0 : i32
    %dma_start3A_54 = tpu.memref_slice %arg2[%dma_start3A_52, %dma_start3A_53] : memref<10000x128xf32, #tpu.memory_space<hbm>> -> memref<10000x128xf32, #tpu.memory_space<hbm>>
    tpu.enqueue_indirect_dma source(%dma_start3A_54 : memref<10000x128xf32, #tpu.memory_space<hbm>>) target(%arg10 : memref<125x128xf32, #tpu.memory_space<vmem>>) offsets(%dma_start3A_51 : memref<125xi32, #tpu.memory_space<vmem>>) semaphore(%arg13 : memref<!tpu.dma_semaphore, #tpu.memory_space<semaphore_mem>>)
    %scan3A_55 = arith.constant 0 : i32
    %scan3A_56 = arith.constant 40 : i32
    %scan3A_57 = arith.addi %scan3A_55, %scan3A_56 : i32
    %scan3A_58 = arith.constant 1 : i32
    scf.for %scan3A_89 = %scan3A_55 to %scan3A_57 step %scan3A_58  : i32 {
      %mul3A_90 = arith.constant 1 : i32
      %mul3A_91 = arith.muli %scan3A_89, %mul3A_90 : i32
      %add3A_92 = arith.constant 0 : i32
      %add3A_93 = arith.addi %add3A_92, %mul3A_91 : i32
      %mul3A_94 = arith.constant 2 : i32
      %mul3A_95 = arith.muli %mul3A_94, %add3A_93 : i32
      %eq3A = arith.constant 20 : i32
      %eq3A_96 = arith.cmpi eq, %add3A_93, %eq3A : i32
      %convert_element_type3A_97 = arith.extui %eq3A_96 : i1 to i32
      %cond3A_98 = arith.constant 0 : i32
      %cond3A_99 = arith.cmpi ne, %convert_element_type3A_97, %cond3A_98 : i32
      scf.if %cond3A_99 {
        %add3A_126 = arith.constant 40 : i32
        %add3A_127 = arith.addi %multiple_of3A, %add3A_126 : i32
        "tpu.region"() ({
          %run_scoped3A = tpu.sem_alloc : memref<!tpu.dma_semaphore, #tpu.memory_space<semaphore_mem>>
          %dma_start3A_144 = arith.constant 0 : i32
          %dma_start3A_145 = tpu.memref_slice %arg3[%add3A_127, %dma_start3A_144] : memref<2560x125xi32, #tpu.memory_space<hbm>> -> memref<40x125xi32, #tpu.memory_space<hbm>>
          %dma_start3A_146 = arith.constant 0 : i32
          %dma_start3A_147 = tpu.memref_slice %arg3[%add3A_127, %dma_start3A_146] : memref<2560x125xi32, #tpu.memory_space<hbm>> -> memref<40x125xi32, #tpu.memory_space<hbm>>
          tpu.enqueue_dma source(%dma_start3A_147 : memref<40x125xi32, #tpu.memory_space<hbm>>) target(%arg7 : memref<40x125xi32, #tpu.memory_space<vmem>>) target_semaphore(%run_scoped3A : memref<!tpu.dma_semaphore, #tpu.memory_space<semaphore_mem>>)
          %dma_wait3A_148 = arith.constant 0 : i32
          %dma_wait3A_149 = tpu.memref_slice %arg3[%add3A_127, %dma_wait3A_148] : memref<2560x125xi32, #tpu.memory_space<hbm>> -> memref<40x125xi32, #tpu.memory_space<hbm>>
          %dma_wait3A_150 = arith.constant 0 : i32
          %dma_wait3A_151 = tpu.memref_slice %arg3[%add3A_127, %dma_wait3A_150] : memref<2560x125xi32, #tpu.memory_space<hbm>> -> memref<40x125xi32, #tpu.memory_space<hbm>>
          tpu.wait_dma2 semaphore(%run_scoped3A : memref<!tpu.dma_semaphore, #tpu.memory_space<semaphore_mem>>) src(%dma_wait3A_151 : memref<40x125xi32, #tpu.memory_space<hbm>>) dst(%arg7 : memref<40x125xi32, #tpu.memory_space<vmem>>)
          tpu.yield
        }) : () -> ()
        %add3A_128 = arith.constant 40 : i32
        %add3A_129 = arith.addi %multiple_of3A, %add3A_128 : i32
        "tpu.region"() ({
          %run_scoped3A = tpu.sem_alloc : memref<!tpu.dma_semaphore, #tpu.memory_space<semaphore_mem>>
          %dma_start3A_144 = arith.constant 0 : i32
          %dma_start3A_145 = tpu.memref_slice %arg4[%add3A_129, %dma_start3A_144] : memref<2560x125xi32, #tpu.memory_space<hbm>> -> memref<40x125xi32, #tpu.memory_space<hbm>>
          %dma_start3A_146 = arith.constant 0 : i32
          %dma_start3A_147 = tpu.memref_slice %arg4[%add3A_129, %dma_start3A_146] : memref<2560x125xi32, #tpu.memory_space<hbm>> -> memref<40x125xi32, #tpu.memory_space<hbm>>
          tpu.enqueue_dma source(%dma_start3A_147 : memref<40x125xi32, #tpu.memory_space<hbm>>) target(%arg8 : memref<40x125xi32, #tpu.memory_space<vmem>>) target_semaphore(%run_scoped3A : memref<!tpu.dma_semaphore, #tpu.memory_space<semaphore_mem>>)
          %dma_wait3A_148 = arith.constant 0 : i32
          %dma_wait3A_149 = tpu.memref_slice %arg4[%add3A_129, %dma_wait3A_148] : memref<2560x125xi32, #tpu.memory_space<hbm>> -> memref<40x125xi32, #tpu.memory_space<hbm>>
          %dma_wait3A_150 = arith.constant 0 : i32
          %dma_wait3A_151 = tpu.memref_slice %arg4[%add3A_129, %dma_wait3A_150] : memref<2560x125xi32, #tpu.memory_space<hbm>> -> memref<40x125xi32, #tpu.memory_space<hbm>>
          tpu.wait_dma2 semaphore(%run_scoped3A : memref<!tpu.dma_semaphore, #tpu.memory_space<semaphore_mem>>) src(%dma_wait3A_151 : memref<40x125xi32, #tpu.memory_space<hbm>>) dst(%arg8 : memref<40x125xi32, #tpu.memory_space<vmem>>)
          tpu.yield
        }) : () -> ()
        %dma_start3A_130 = arith.constant 0 : i32
        %dma_start3A_131 = arith.constant 0 : i32
        %dma_start3A_132 = tpu.memref_slice %arg7[%dma_start3A_130, %dma_start3A_131] : memref<40x125xi32, #tpu.memory_space<vmem>> -> memref<1x125xi32, #tpu.memory_space<vmem>>
        %dma_start3A_133 = tpu.memref_squeeze %dma_start3A_132 : memref<1x125xi32, #tpu.memory_space<vmem>> -> memref<125xi32, #tpu.memory_space<vmem>>
        %dma_start3A_134 = arith.constant 0 : i32
        %dma_start3A_135 = arith.constant 0 : i32
        %dma_start3A_136 = tpu.memref_slice %arg2[%dma_start3A_134, %dma_start3A_135] : memref<10000x128xf32, #tpu.memory_space<hbm>> -> memref<10000x128xf32, #tpu.memory_space<hbm>>
        tpu.enqueue_indirect_dma source(%dma_start3A_136 : memref<10000x128xf32, #tpu.memory_space<hbm>>) target(%arg9 : memref<125x128xf32, #tpu.memory_space<vmem>>) offsets(%dma_start3A_133 : memref<125xi32, #tpu.memory_space<vmem>>) semaphore(%arg12 : memref<!tpu.dma_semaphore, #tpu.memory_space<semaphore_mem>>)
        %dma_start3A_137 = arith.constant 1 : i32
        %dma_start3A_138 = arith.constant 0 : i32
        %dma_start3A_139 = tpu.memref_slice %arg7[%dma_start3A_137, %dma_start3A_138] : memref<40x125xi32, #tpu.memory_space<vmem>> -> memref<1x125xi32, #tpu.memory_space<vmem>>
        %dma_start3A_140 = tpu.memref_squeeze %dma_start3A_139 : memref<1x125xi32, #tpu.memory_space<vmem>> -> memref<125xi32, #tpu.memory_space<vmem>>
        %dma_start3A_141 = arith.constant 0 : i32
        %dma_start3A_142 = arith.constant 0 : i32
        %dma_start3A_143 = tpu.memref_slice %arg2[%dma_start3A_141, %dma_start3A_142] : memref<10000x128xf32, #tpu.memory_space<hbm>> -> memref<10000x128xf32, #tpu.memory_space<hbm>>
        tpu.enqueue_indirect_dma source(%dma_start3A_143 : memref<10000x128xf32, #tpu.memory_space<hbm>>) target(%arg10 : memref<125x128xf32, #tpu.memory_space<vmem>>) offsets(%dma_start3A_140 : memref<125xi32, #tpu.memory_space<vmem>>) semaphore(%arg13 : memref<!tpu.dma_semaphore, #tpu.memory_space<semaphore_mem>>)
      } else {
      }
      %rem3A = arith.constant 40 : i32
      %rem3A_100 = arith.remsi %mul3A_95, %rem3A : i32
      %ne3A = arith.constant 19 : i32
      %ne3A_101 = arith.cmpi ne, %add3A_93, %ne3A : i32
      %ne3A_102 = arith.constant 39 : i32
      %ne3A_103 = arith.cmpi ne, %add3A_93, %ne3A_102 : i32
      %and3A = arith.andi %ne3A_101, %ne3A_103 : i1
      %dma_wait3A_104 = arith.constant 0 : i32
      %dma_wait3A_105 = tpu.memref_slice %arg7[%rem3A_100, %dma_wait3A_104] : memref<40x125xi32, #tpu.memory_space<vmem>> -> memref<1x125xi32, #tpu.memory_space<vmem>>
      %dma_wait3A_106 = tpu.memref_squeeze %dma_wait3A_105 : memref<1x125xi32, #tpu.memory_space<vmem>> -> memref<125xi32, #tpu.memory_space<vmem>>
      %dma_wait3A_107 = arith.constant 0 : i32
      %dma_wait3A_108 = arith.constant 0 : i32
      %dma_wait3A_109 = tpu.memref_slice %arg2[%dma_wait3A_107, %dma_wait3A_108] : memref<10000x128xf32, #tpu.memory_space<hbm>> -> memref<10000x128xf32, #tpu.memory_space<hbm>>
      tpu.wait_indirect_dma semaphore(%arg12 : memref<!tpu.dma_semaphore, #tpu.memory_space<semaphore_mem>>) src(%dma_wait3A_109 : memref<10000x128xf32, #tpu.memory_space<hbm>>) dst(%arg9 : memref<125x128xf32, #tpu.memory_space<vmem>>)
      "tpu.region"() ({
        %run_scoped3A = tpu.sem_alloc : memref<!tpu.dma_semaphore, #tpu.memory_space<semaphore_mem>>
        %dma_start3A_126 = arith.constant 0 : i32
        %dma_start3A_127 = tpu.memref_slice %arg8[%rem3A_100, %dma_start3A_126] : memref<40x125xi32, #tpu.memory_space<vmem>> -> memref<1x125xi32, #tpu.memory_space<vmem>>
        %dma_start3A_128 = tpu.memref_squeeze %dma_start3A_127 : memref<1x125xi32, #tpu.memory_space<vmem>> -> memref<125xi32, #tpu.memory_space<vmem>>
        %dma_start3A_129 = arith.constant 0 : i32
        %dma_start3A_130 = arith.constant 0 : i32
        %dma_start3A_131 = tpu.memref_slice %arg11[%dma_start3A_129, %dma_start3A_130] : memref<10000x128xf32, #tpu.memory_space<vmem_shared>> -> memref<10000x128xf32, #tpu.memory_space<vmem_shared>>
        tpu.enqueue_indirect_dma source(%arg9 : memref<125x128xf32, #tpu.memory_space<vmem>>) target(%dma_start3A_131 : memref<10000x128xf32, #tpu.memory_space<vmem_shared>>) offsets(%dma_start3A_128 : memref<125xi32, #tpu.memory_space<vmem>>) semaphore(%run_scoped3A : memref<!tpu.dma_semaphore, #tpu.memory_space<semaphore_mem>>) {add = true}
        %dma_wait3A_132 = arith.constant 0 : i32
        %dma_wait3A_133 = tpu.memref_slice %arg8[%rem3A_100, %dma_wait3A_132] : memref<40x125xi32, #tpu.memory_space<vmem>> -> memref<1x125xi32, #tpu.memory_space<vmem>>
        %dma_wait3A_134 = tpu.memref_squeeze %dma_wait3A_133 : memref<1x125xi32, #tpu.memory_space<vmem>> -> memref<125xi32, #tpu.memory_space<vmem>>
        %dma_wait3A_135 = arith.constant 0 : i32
        %dma_wait3A_136 = arith.constant 0 : i32
        %dma_wait3A_137 = tpu.memref_slice %arg11[%dma_wait3A_135, %dma_wait3A_136] : memref<10000x128xf32, #tpu.memory_space<vmem_shared>> -> memref<10000x128xf32, #tpu.memory_space<vmem_shared>>
        tpu.wait_indirect_dma semaphore(%run_scoped3A : memref<!tpu.dma_semaphore, #tpu.memory_space<semaphore_mem>>) src(%arg9 : memref<125x128xf32, #tpu.memory_space<vmem>>) dst(%dma_wait3A_137 : memref<10000x128xf32, #tpu.memory_space<vmem_shared>>)
        tpu.yield
      }) : () -> ()
      %convert_element_type3A_110 = arith.extui %and3A : i1 to i32
      %cond3A_111 = arith.constant 0 : i32
      %cond3A_112 = arith.cmpi ne, %convert_element_type3A_110, %cond3A_111 : i32
      scf.if %cond3A_112 {
        %add3A_126 = arith.constant 2 : i32
        %add3A_127 = arith.addi %rem3A_100, %add3A_126 : i32
        %dma_start3A_128 = arith.constant 0 : i32
        %dma_start3A_129 = tpu.memref_slice %arg7[%add3A_127, %dma_start3A_128] : memref<40x125xi32, #tpu.memory_space<vmem>> -> memref<1x125xi32, #tpu.memory_space<vmem>>
        %dma_start3A_130 = tpu.memref_squeeze %dma_start3A_129 : memref<1x125xi32, #tpu.memory_space<vmem>> -> memref<125xi32, #tpu.memory_space<vmem>>
        %dma_start3A_131 = arith.constant 0 : i32
        %dma_start3A_132 = arith.constant 0 : i32
        %dma_start3A_133 = tpu.memref_slice %arg2[%dma_start3A_131, %dma_start3A_132] : memref<10000x128xf32, #tpu.memory_space<hbm>> -> memref<10000x128xf32, #tpu.memory_space<hbm>>
        tpu.enqueue_indirect_dma source(%dma_start3A_133 : memref<10000x128xf32, #tpu.memory_space<hbm>>) target(%arg9 : memref<125x128xf32, #tpu.memory_space<vmem>>) offsets(%dma_start3A_130 : memref<125xi32, #tpu.memory_space<vmem>>) semaphore(%arg12 : memref<!tpu.dma_semaphore, #tpu.memory_space<semaphore_mem>>)
      } else {
      }
      %add3A_113 = arith.constant 1 : i32
      %add3A_114 = arith.addi %rem3A_100, %add3A_113 : i32
      %dma_wait3A_115 = arith.constant 0 : i32
      %dma_wait3A_116 = tpu.memref_slice %arg7[%add3A_114, %dma_wait3A_115] : memref<40x125xi32, #tpu.memory_space<vmem>> -> memref<1x125xi32, #tpu.memory_space<vmem>>
      %dma_wait3A_117 = tpu.memref_squeeze %dma_wait3A_116 : memref<1x125xi32, #tpu.memory_space<vmem>> -> memref<125xi32, #tpu.memory_space<vmem>>
      %dma_wait3A_118 = arith.constant 0 : i32
      %dma_wait3A_119 = arith.constant 0 : i32
      %dma_wait3A_120 = tpu.memref_slice %arg2[%dma_wait3A_118, %dma_wait3A_119] : memref<10000x128xf32, #tpu.memory_space<hbm>> -> memref<10000x128xf32, #tpu.memory_space<hbm>>
      tpu.wait_indirect_dma semaphore(%arg13 : memref<!tpu.dma_semaphore, #tpu.memory_space<semaphore_mem>>) src(%dma_wait3A_120 : memref<10000x128xf32, #tpu.memory_space<hbm>>) dst(%arg10 : memref<125x128xf32, #tpu.memory_space<vmem>>)
      %add3A_121 = arith.constant 1 : i32
      %add3A_122 = arith.addi %rem3A_100, %add3A_121 : i32
      "tpu.region"() ({
        %run_scoped3A = tpu.sem_alloc : memref<!tpu.dma_semaphore, #tpu.memory_space<semaphore_mem>>
        %dma_start3A_126 = arith.constant 0 : i32
        %dma_start3A_127 = tpu.memref_slice %arg8[%add3A_122, %dma_start3A_126] : memref<40x125xi32, #tpu.memory_space<vmem>> -> memref<1x125xi32, #tpu.memory_space<vmem>>
        %dma_start3A_128 = tpu.memref_squeeze %dma_start3A_127 : memref<1x125xi32, #tpu.memory_space<vmem>> -> memref<125xi32, #tpu.memory_space<vmem>>
        %dma_start3A_129 = arith.constant 0 : i32
        %dma_start3A_130 = arith.constant 0 : i32
        %dma_start3A_131 = tpu.memref_slice %arg11[%dma_start3A_129, %dma_start3A_130] : memref<10000x128xf32, #tpu.memory_space<vmem_shared>> -> memref<10000x128xf32, #tpu.memory_space<vmem_shared>>
        tpu.enqueue_indirect_dma source(%arg10 : memref<125x128xf32, #tpu.memory_space<vmem>>) target(%dma_start3A_131 : memref<10000x128xf32, #tpu.memory_space<vmem_shared>>) offsets(%dma_start3A_128 : memref<125xi32, #tpu.memory_space<vmem>>) semaphore(%run_scoped3A : memref<!tpu.dma_semaphore, #tpu.memory_space<semaphore_mem>>) {add = true}
        %dma_wait3A_132 = arith.constant 0 : i32
        %dma_wait3A_133 = tpu.memref_slice %arg8[%add3A_122, %dma_wait3A_132] : memref<40x125xi32, #tpu.memory_space<vmem>> -> memref<1x125xi32, #tpu.memory_space<vmem>>
        %dma_wait3A_134 = tpu.memref_squeeze %dma_wait3A_133 : memref<1x125xi32, #tpu.memory_space<vmem>> -> memref<125xi32, #tpu.memory_space<vmem>>
        %dma_wait3A_135 = arith.constant 0 : i32
        %dma_wait3A_136 = arith.constant 0 : i32
        %dma_wait3A_137 = tpu.memref_slice %arg11[%dma_wait3A_135, %dma_wait3A_136] : memref<10000x128xf32, #tpu.memory_space<vmem_shared>> -> memref<10000x128xf32, #tpu.memory_space<vmem_shared>>
        tpu.wait_indirect_dma semaphore(%run_scoped3A : memref<!tpu.dma_semaphore, #tpu.memory_space<semaphore_mem>>) src(%arg10 : memref<125x128xf32, #tpu.memory_space<vmem>>) dst(%dma_wait3A_137 : memref<10000x128xf32, #tpu.memory_space<vmem_shared>>)
        tpu.yield
      }) : () -> ()
      %convert_element_type3A_123 = arith.extui %and3A : i1 to i32
      %cond3A_124 = arith.constant 0 : i32
      %cond3A_125 = arith.cmpi ne, %convert_element_type3A_123, %cond3A_124 : i32
      scf.if %cond3A_125 {
        %add3A_126 = arith.constant 3 : i32
        %add3A_127 = arith.addi %rem3A_100, %add3A_126 : i32
        %dma_start3A_128 = arith.constant 0 : i32
        %dma_start3A_129 = tpu.memref_slice %arg7[%add3A_127, %dma_start3A_128] : memref<40x125xi32, #tpu.memory_space<vmem>> -> memref<1x125xi32, #tpu.memory_space<vmem>>
        %dma_start3A_130 = tpu.memref_squeeze %dma_start3A_129 : memref<1x125xi32, #tpu.memory_space<vmem>> -> memref<125xi32, #tpu.memory_space<vmem>>
        %dma_start3A_131 = arith.constant 0 : i32
        %dma_start3A_132 = arith.constant 0 : i32
        %dma_start3A_133 = tpu.memref_slice %arg2[%dma_start3A_131, %dma_start3A_132] : memref<10000x128xf32, #tpu.memory_space<hbm>> -> memref<10000x128xf32, #tpu.memory_space<hbm>>
        tpu.enqueue_indirect_dma source(%dma_start3A_133 : memref<10000x128xf32, #tpu.memory_space<hbm>>) target(%arg10 : memref<125x128xf32, #tpu.memory_space<vmem>>) offsets(%dma_start3A_130 : memref<125xi32, #tpu.memory_space<vmem>>) semaphore(%arg13 : memref<!tpu.dma_semaphore, #tpu.memory_space<semaphore_mem>>)
      } else {
      }
    }
    %scan3A_59 = arith.constant 40 : i32
    %barrier3A_60 = arith.constant 0 : index
    tpu.barrier barrier_id(%barrier3A_60)
    %scan3A_61 = arith.constant 0 : i32
    %mul3A_62 = arith.constant 1 : i32
    %mul3A_63 = arith.muli %scan3A_61, %mul3A_62 : i32
    %add3A_64 = arith.constant 0 : i32
    %add3A_65 = arith.addi %add3A_64, %mul3A_63 : i32
    %mul3A_66 = arith.constant 16 : i32
    %mul3A_67 = arith.muli %add3A_65, %mul3A_66 : i32
    %add3A_68 = arith.addi %arg1, %mul3A_67 : i32
    %lt3A_69 = arith.constant 10 : i32
    %lt3A_70 = arith.cmpi slt, %add3A_68, %lt3A_69 : i32
    %convert_element_type3A_71 = arith.extui %lt3A_70 : i1 to i32
    %cond3A_72 = arith.constant 0 : i32
    %cond3A_73 = arith.cmpi ne, %convert_element_type3A_71, %cond3A_72 : i32
    scf.if %cond3A_73 {
      %mul3A_89 = arith.constant 1000 : i32
      %mul3A_90 = arith.muli %add3A_68, %mul3A_89 : i32
      %multiple_of3A_91 = tpu.assume_multiple %mul3A_90, 8 : i32
      %mul3A_92 = arith.constant 10000 : i32
      %mul3A_93 = arith.muli %arg0, %mul3A_92 : i32
      %add3A_94 = arith.addi %mul3A_93, %multiple_of3A_91 : i32
      %dma_start3A_95 = arith.constant 0 : i32
      %dma_start3A_96 = tpu.memref_slice %arg6[%add3A_94, %dma_start3A_95] : memref<20000x128xf32, #tpu.memory_space<hbm>> -> memref<1000x128xf32, #tpu.memory_space<hbm>>
      %dma_start3A_97 = arith.constant 0 : i32
      %dma_start3A_98 = tpu.memref_slice %arg11[%multiple_of3A_91, %dma_start3A_97] : memref<10000x128xf32, #tpu.memory_space<vmem_shared>> -> memref<1000x128xf32, #tpu.memory_space<vmem_shared>>
      tpu.enqueue_dma source(%dma_start3A_98 : memref<1000x128xf32, #tpu.memory_space<vmem_shared>>) target(%dma_start3A_96 : memref<1000x128xf32, #tpu.memory_space<hbm>>) target_semaphore(%arg12 : memref<!tpu.dma_semaphore, #tpu.memory_space<semaphore_mem>>)
    } else {
    }
    %scan3A_74 = arith.constant 1 : i32
    %scan3A_75 = arith.constant 0 : i32
    %mul3A_76 = arith.constant 1 : i32
    %mul3A_77 = arith.muli %scan3A_75, %mul3A_76 : i32
    %add3A_78 = arith.constant 0 : i32
    %add3A_79 = arith.addi %add3A_78, %mul3A_77 : i32
    %mul3A_80 = arith.constant 16 : i32
    %mul3A_81 = arith.muli %add3A_79, %mul3A_80 : i32
    %add3A_82 = arith.addi %arg1, %mul3A_81 : i32
    %lt3A_83 = arith.constant 10 : i32
    %lt3A_84 = arith.cmpi slt, %add3A_82, %lt3A_83 : i32
    %convert_element_type3A_85 = arith.extui %lt3A_84 : i1 to i32
    %cond3A_86 = arith.constant 0 : i32
    %cond3A_87 = arith.cmpi ne, %convert_element_type3A_85, %cond3A_86 : i32
    scf.if %cond3A_87 {
      %mul3A_89 = arith.constant 1000 : i32
      %mul3A_90 = arith.muli %add3A_82, %mul3A_89 : i32
      %multiple_of3A_91 = tpu.assume_multiple %mul3A_90, 8 : i32
      %mul3A_92 = arith.constant 10000 : i32
      %mul3A_93 = arith.muli %arg0, %mul3A_92 : i32
      %add3A_94 = arith.addi %mul3A_93, %multiple_of3A_91 : i32
      %dma_wait3A_95 = arith.constant 0 : i32
      %dma_wait3A_96 = tpu.memref_slice %arg6[%add3A_94, %dma_wait3A_95] : memref<20000x128xf32, #tpu.memory_space<hbm>> -> memref<1000x128xf32, #tpu.memory_space<hbm>>
      %dma_wait3A_97 = arith.constant 0 : i32
      %dma_wait3A_98 = tpu.memref_slice %arg11[%multiple_of3A_91, %dma_wait3A_97] : memref<10000x128xf32, #tpu.memory_space<vmem_shared>> -> memref<1000x128xf32, #tpu.memory_space<vmem_shared>>
      tpu.wait_dma2 semaphore(%arg12 : memref<!tpu.dma_semaphore, #tpu.memory_space<semaphore_mem>>) src(%dma_wait3A_98 : memref<1000x128xf32, #tpu.memory_space<vmem_shared>>) dst(%dma_wait3A_96 : memref<1000x128xf32, #tpu.memory_space<hbm>>)
    } else {
    }
    %scan3A_88 = arith.constant 1 : i32
    return
  }
}

#map = affine_map<(d0, d1) -> (0, 0)>
module attributes {stable_mosaic.version = 14 : i64} {
  func.func @_sc_scatter_body(%arg0: i32, %arg1: i32, %arg2: memref<10000x128xf32, #tpu.memory_space<hbm>>, %arg3: memref<2560x125xi32, #tpu.memory_space<hbm>>, %arg4: memref<2560x125xi32, #tpu.memory_space<hbm>>, %arg5: memref<1000x128xf32, #tpu.memory_space<hbm>>, %arg6: memref<20000x128xf32, #tpu.memory_space<hbm>>, %arg7: memref<40x125xi32, #tpu.memory_space<vmem>>, %arg8: memref<40x125xi32, #tpu.memory_space<vmem>>, %arg9: memref<125x128xf32, #tpu.memory_space<vmem>>, %arg10: memref<125x128xf32, #tpu.memory_space<vmem>>, %arg11: memref<10000x128xf32, #tpu.memory_space<vmem_shared>>, %arg12: memref<!tpu.dma_semaphore, #tpu.memory_space<semaphore_mem>>, %arg13: memref<!tpu.dma_semaphore, #tpu.memory_space<semaphore_mem>>, %arg14: memref<!tpu.dma_semaphore, #tpu.memory_space<semaphore_mem>>) attributes {dimension_semantics = [#tpu.dimension_semantics<core_parallel>, #tpu.dimension_semantics<subcore_parallel>], iteration_bounds = array<i64: 2, 16>, scalar_prefetch = 0 : i64, scratch_operands = 8 : i64, tpu.core_type = #tpu.core_type<sc_vector_subcore>, window_params = [{transform_indices = #map}, {transform_indices = #map}, {transform_indices = #map}, {transform_indices = #map}, {transform_indices = #map}]} {
    %mul3A = arith.constant 2 : i32
    %mul3A_0 = arith.muli %arg1, %mul3A : i32
    %add3A = arith.addi %mul3A_0, %arg0 : i32
    %mul3A_1 = arith.constant 80 : i32
    %mul3A_2 = arith.muli %add3A, %mul3A_1 : i32
    %multiple_of3A = tpu.assume_multiple %mul3A_2, 8 : i32
    %dma_start3A = arith.constant 0 : i32
    %dma_start3A_3 = tpu.memref_slice %arg3[%multiple_of3A, %dma_start3A] : memref<2560x125xi32, #tpu.memory_space<hbm>> -> memref<40x125xi32, #tpu.memory_space<hbm>>
    %dma_start3A_4 = arith.constant 0 : i32
    %dma_start3A_5 = tpu.memref_slice %arg3[%multiple_of3A, %dma_start3A_4] : memref<2560x125xi32, #tpu.memory_space<hbm>> -> memref<40x125xi32, #tpu.memory_space<hbm>>
    tpu.enqueue_dma source(%dma_start3A_5 : memref<40x125xi32, #tpu.memory_space<hbm>>) target(%arg7 : memref<40x125xi32, #tpu.memory_space<vmem>>) target_semaphore(%arg12 : memref<!tpu.dma_semaphore, #tpu.memory_space<semaphore_mem>>)
    %dma_start3A_6 = arith.constant 0 : i32
    %dma_start3A_7 = tpu.memref_slice %arg4[%multiple_of3A, %dma_start3A_6] : memref<2560x125xi32, #tpu.memory_space<hbm>> -> memref<40x125xi32, #tpu.memory_space<hbm>>
    %dma_start3A_8 = arith.constant 0 : i32
    %dma_start3A_9 = tpu.memref_slice %arg4[%multiple_of3A, %dma_start3A_8] : memref<2560x125xi32, #tpu.memory_space<hbm>> -> memref<40x125xi32, #tpu.memory_space<hbm>>
    tpu.enqueue_dma source(%dma_start3A_9 : memref<40x125xi32, #tpu.memory_space<hbm>>) target(%arg8 : memref<40x125xi32, #tpu.memory_space<vmem>>) target_semaphore(%arg13 : memref<!tpu.dma_semaphore, #tpu.memory_space<semaphore_mem>>)
    %scan3A = arith.constant 0 : i32
    %mul3A_10 = arith.constant 1 : i32
    %mul3A_11 = arith.muli %scan3A, %mul3A_10 : i32
    %add3A_12 = arith.constant 0 : i32
    %add3A_13 = arith.addi %add3A_12, %mul3A_11 : i32
    %mul3A_14 = arith.constant 16 : i32
    %mul3A_15 = arith.muli %add3A_13, %mul3A_14 : i32
    %add3A_16 = arith.addi %arg1, %mul3A_15 : i32
    %lt3A = arith.constant 10 : i32
    %lt3A_17 = arith.cmpi slt, %add3A_16, %lt3A : i32
    %convert_element_type3A = arith.extui %lt3A_17 : i1 to i32
    %cond3A = arith.constant 0 : i32
    %cond3A_18 = arith.cmpi ne, %convert_element_type3A, %cond3A : i32
    scf.if %cond3A_18 {
      %mul3A_89 = arith.constant 1000 : i32
      %mul3A_90 = arith.muli %add3A_16, %mul3A_89 : i32
      %multiple_of3A_91 = tpu.assume_multiple %mul3A_90, 8 : i32
      %dma_start3A_92 = arith.constant 0 : i32
      %dma_start3A_93 = tpu.memref_slice %arg11[%multiple_of3A_91, %dma_start3A_92] : memref<10000x128xf32, #tpu.memory_space<vmem_shared>> -> memref<1000x128xf32, #tpu.memory_space<vmem_shared>>
      tpu.enqueue_dma source(%arg5 : memref<1000x128xf32, #tpu.memory_space<hbm>>) target(%dma_start3A_93 : memref<1000x128xf32, #tpu.memory_space<vmem_shared>>) target_semaphore(%arg14 : memref<!tpu.dma_semaphore, #tpu.memory_space<semaphore_mem>>)
    } else {
    }
    %scan3A_19 = arith.constant 1 : i32
    %scan3A_20 = arith.constant 0 : i32
    %mul3A_21 = arith.constant 1 : i32
    %mul3A_22 = arith.muli %scan3A_20, %mul3A_21 : i32
    %add3A_23 = arith.constant 0 : i32
    %add3A_24 = arith.addi %add3A_23, %mul3A_22 : i32
    %mul3A_25 = arith.constant 16 : i32
    %mul3A_26 = arith.muli %add3A_24, %mul3A_25 : i32
    %add3A_27 = arith.addi %arg1, %mul3A_26 : i32
    %lt3A_28 = arith.constant 10 : i32
    %lt3A_29 = arith.cmpi slt, %add3A_27, %lt3A_28 : i32
    %convert_element_type3A_30 = arith.extui %lt3A_29 : i1 to i32
    %cond3A_31 = arith.constant 0 : i32
    %cond3A_32 = arith.cmpi ne, %convert_element_type3A_30, %cond3A_31 : i32
    scf.if %cond3A_32 {
      %mul3A_89 = arith.constant 1000 : i32
      %mul3A_90 = arith.muli %add3A_27, %mul3A_89 : i32
      %multiple_of3A_91 = tpu.assume_multiple %mul3A_90, 8 : i32
      %dma_wait3A_92 = arith.constant 0 : i32
      %dma_wait3A_93 = tpu.memref_slice %arg11[%multiple_of3A_91, %dma_wait3A_92] : memref<10000x128xf32, #tpu.memory_space<vmem_shared>> -> memref<1000x128xf32, #tpu.memory_space<vmem_shared>>
      tpu.wait_dma2 semaphore(%arg14 : memref<!tpu.dma_semaphore, #tpu.memory_space<semaphore_mem>>) src(%arg5 : memref<1000x128xf32, #tpu.memory_space<hbm>>) dst(%dma_wait3A_93 : memref<1000x128xf32, #tpu.memory_space<vmem_shared>>)
    } else {
    }
    %scan3A_33 = arith.constant 1 : i32
    %dma_wait3A = arith.constant 0 : i32
    %dma_wait3A_34 = tpu.memref_slice %arg3[%multiple_of3A, %dma_wait3A] : memref<2560x125xi32, #tpu.memory_space<hbm>> -> memref<40x125xi32, #tpu.memory_space<hbm>>
    %dma_wait3A_35 = arith.constant 0 : i32
    %dma_wait3A_36 = tpu.memref_slice %arg3[%multiple_of3A, %dma_wait3A_35] : memref<2560x125xi32, #tpu.memory_space<hbm>> -> memref<40x125xi32, #tpu.memory_space<hbm>>
    tpu.wait_dma2 semaphore(%arg12 : memref<!tpu.dma_semaphore, #tpu.memory_space<semaphore_mem>>) src(%dma_wait3A_36 : memref<40x125xi32, #tpu.memory_space<hbm>>) dst(%arg7 : memref<40x125xi32, #tpu.memory_space<vmem>>)
    %dma_wait3A_37 = arith.constant 0 : i32
    %dma_wait3A_38 = tpu.memref_slice %arg4[%multiple_of3A, %dma_wait3A_37] : memref<2560x125xi32, #tpu.memory_space<hbm>> -> memref<40x125xi32, #tpu.memory_space<hbm>>
    %dma_wait3A_39 = arith.constant 0 : i32
    %dma_wait3A_40 = tpu.memref_slice %arg4[%multiple_of3A, %dma_wait3A_39] : memref<2560x125xi32, #tpu.memory_space<hbm>> -> memref<40x125xi32, #tpu.memory_space<hbm>>
    tpu.wait_dma2 semaphore(%arg13 : memref<!tpu.dma_semaphore, #tpu.memory_space<semaphore_mem>>) src(%dma_wait3A_40 : memref<40x125xi32, #tpu.memory_space<hbm>>) dst(%arg8 : memref<40x125xi32, #tpu.memory_space<vmem>>)
    %barrier3A = arith.constant 0 : index
    tpu.barrier barrier_id(%barrier3A)
    %dma_start3A_41 = arith.constant 0 : i32
    %dma_start3A_42 = arith.constant 0 : i32
    %dma_start3A_43 = tpu.memref_slice %arg7[%dma_start3A_41, %dma_start3A_42] : memref<40x125xi32, #tpu.memory_space<vmem>> -> memref<1x125xi32, #tpu.memory_space<vmem>>
    %dma_start3A_44 = tpu.memref_squeeze %dma_start3A_43 : memref<1x125xi32, #tpu.memory_space<vmem>> -> memref<125xi32, #tpu.memory_space<vmem>>
    %dma_start3A_45 = arith.constant 0 : i32
    %dma_start3A_46 = arith.constant 0 : i32
    %dma_start3A_47 = tpu.memref_slice %arg2[%dma_start3A_45, %dma_start3A_46] : memref<10000x128xf32, #tpu.memory_space<hbm>> -> memref<10000x128xf32, #tpu.memory_space<hbm>>
    tpu.enqueue_indirect_dma source(%dma_start3A_47 : memref<10000x128xf32, #tpu.memory_space<hbm>>) target(%arg9 : memref<125x128xf32, #tpu.memory_space<vmem>>) offsets(%dma_start3A_44 : memref<125xi32, #tpu.memory_space<vmem>>) semaphore(%arg12 : memref<!tpu.dma_semaphore, #tpu.memory_space<semaphore_mem>>)
    %dma_start3A_48 = arith.constant 1 : i32
    %dma_start3A_49 = arith.constant 0 : i32
    %dma_start3A_50 = tpu.memref_slice %arg7[%dma_start3A_48, %dma_start3A_49] : memref<40x125xi32, #tpu.memory_space<vmem>> -> memref<1x125xi32, #tpu.memory_space<vmem>>
    %dma_start3A_51 = tpu.memref_squeeze %dma_start3A_50 : memref<1x125xi32, #tpu.memory_space<vmem>> -> memref<125xi32, #tpu.memory_space<vmem>>
    %dma_start3A_52 = arith.constant 0 : i32
    %dma_start3A_53 = arith.constant 0 : i32
    %dma_start3A_54 = tpu.memref_slice %arg2[%dma_start3A_52, %dma_start3A_53] : memref<10000x128xf32, #tpu.memory_space<hbm>> -> memref<10000x128xf32, #tpu.memory_space<hbm>>
    tpu.enqueue_indirect_dma source(%dma_start3A_54 : memref<10000x128xf32, #tpu.memory_space<hbm>>) target(%arg10 : memref<125x128xf32, #tpu.memory_space<vmem>>) offsets(%dma_start3A_51 : memref<125xi32, #tpu.memory_space<vmem>>) semaphore(%arg13 : memref<!tpu.dma_semaphore, #tpu.memory_space<semaphore_mem>>)
    %scan3A_55 = arith.constant 0 : i32
    %scan3A_56 = arith.constant 40 : i32
    %scan3A_57 = arith.addi %scan3A_55, %scan3A_56 : i32
    %scan3A_58 = arith.constant 1 : i32
    scf.for %scan3A_89 = %scan3A_55 to %scan3A_57 step %scan3A_58  : i32 {
      %mul3A_90 = arith.constant 1 : i32
      %mul3A_91 = arith.muli %scan3A_89, %mul3A_90 : i32
      %add3A_92 = arith.constant 0 : i32
      %add3A_93 = arith.addi %add3A_92, %mul3A_91 : i32
      %mul3A_94 = arith.constant 2 : i32
      %mul3A_95 = arith.muli %mul3A_94, %add3A_93 : i32
      %eq3A = arith.constant 20 : i32
      %eq3A_96 = arith.cmpi eq, %add3A_93, %eq3A : i32
      %convert_element_type3A_97 = arith.extui %eq3A_96 : i1 to i32
      %cond3A_98 = arith.constant 0 : i32
      %cond3A_99 = arith.cmpi ne, %convert_element_type3A_97, %cond3A_98 : i32
      scf.if %cond3A_99 {
        %add3A_126 = arith.constant 40 : i32
        %add3A_127 = arith.addi %multiple_of3A, %add3A_126 : i32
        "tpu.region"() ({
          %run_scoped3A = tpu.sem_alloc : memref<!tpu.dma_semaphore, #tpu.memory_space<semaphore_mem>>
          %dma_start3A_144 = arith.constant 0 : i32
          %dma_start3A_145 = tpu.memref_slice %arg3[%add3A_127, %dma_start3A_144] : memref<2560x125xi32, #tpu.memory_space<hbm>> -> memref<40x125xi32, #tpu.memory_space<hbm>>
          %dma_start3A_146 = arith.constant 0 : i32
          %dma_start3A_147 = tpu.memref_slice %arg3[%add3A_127, %dma_start3A_146] : memref<2560x125xi32, #tpu.memory_space<hbm>> -> memref<40x125xi32, #tpu.memory_space<hbm>>
          tpu.enqueue_dma source(%dma_start3A_147 : memref<40x125xi32, #tpu.memory_space<hbm>>) target(%arg7 : memref<40x125xi32, #tpu.memory_space<vmem>>) target_semaphore(%run_scoped3A : memref<!tpu.dma_semaphore, #tpu.memory_space<semaphore_mem>>)
          %dma_wait3A_148 = arith.constant 0 : i32
          %dma_wait3A_149 = tpu.memref_slice %arg3[%add3A_127, %dma_wait3A_148] : memref<2560x125xi32, #tpu.memory_space<hbm>> -> memref<40x125xi32, #tpu.memory_space<hbm>>
          %dma_wait3A_150 = arith.constant 0 : i32
          %dma_wait3A_151 = tpu.memref_slice %arg3[%add3A_127, %dma_wait3A_150] : memref<2560x125xi32, #tpu.memory_space<hbm>> -> memref<40x125xi32, #tpu.memory_space<hbm>>
          tpu.wait_dma2 semaphore(%run_scoped3A : memref<!tpu.dma_semaphore, #tpu.memory_space<semaphore_mem>>) src(%dma_wait3A_151 : memref<40x125xi32, #tpu.memory_space<hbm>>) dst(%arg7 : memref<40x125xi32, #tpu.memory_space<vmem>>)
          tpu.yield
        }) : () -> ()
        %add3A_128 = arith.constant 40 : i32
        %add3A_129 = arith.addi %multiple_of3A, %add3A_128 : i32
        "tpu.region"() ({
          %run_scoped3A = tpu.sem_alloc : memref<!tpu.dma_semaphore, #tpu.memory_space<semaphore_mem>>
          %dma_start3A_144 = arith.constant 0 : i32
          %dma_start3A_145 = tpu.memref_slice %arg4[%add3A_129, %dma_start3A_144] : memref<2560x125xi32, #tpu.memory_space<hbm>> -> memref<40x125xi32, #tpu.memory_space<hbm>>
          %dma_start3A_146 = arith.constant 0 : i32
          %dma_start3A_147 = tpu.memref_slice %arg4[%add3A_129, %dma_start3A_146] : memref<2560x125xi32, #tpu.memory_space<hbm>> -> memref<40x125xi32, #tpu.memory_space<hbm>>
          tpu.enqueue_dma source(%dma_start3A_147 : memref<40x125xi32, #tpu.memory_space<hbm>>) target(%arg8 : memref<40x125xi32, #tpu.memory_space<vmem>>) target_semaphore(%run_scoped3A : memref<!tpu.dma_semaphore, #tpu.memory_space<semaphore_mem>>)
          %dma_wait3A_148 = arith.constant 0 : i32
          %dma_wait3A_149 = tpu.memref_slice %arg4[%add3A_129, %dma_wait3A_148] : memref<2560x125xi32, #tpu.memory_space<hbm>> -> memref<40x125xi32, #tpu.memory_space<hbm>>
          %dma_wait3A_150 = arith.constant 0 : i32
          %dma_wait3A_151 = tpu.memref_slice %arg4[%add3A_129, %dma_wait3A_150] : memref<2560x125xi32, #tpu.memory_space<hbm>> -> memref<40x125xi32, #tpu.memory_space<hbm>>
          tpu.wait_dma2 semaphore(%run_scoped3A : memref<!tpu.dma_semaphore, #tpu.memory_space<semaphore_mem>>) src(%dma_wait3A_151 : memref<40x125xi32, #tpu.memory_space<hbm>>) dst(%arg8 : memref<40x125xi32, #tpu.memory_space<vmem>>)
          tpu.yield
        }) : () -> ()
        %dma_start3A_130 = arith.constant 0 : i32
        %dma_start3A_131 = arith.constant 0 : i32
        %dma_start3A_132 = tpu.memref_slice %arg7[%dma_start3A_130, %dma_start3A_131] : memref<40x125xi32, #tpu.memory_space<vmem>> -> memref<1x125xi32, #tpu.memory_space<vmem>>
        %dma_start3A_133 = tpu.memref_squeeze %dma_start3A_132 : memref<1x125xi32, #tpu.memory_space<vmem>> -> memref<125xi32, #tpu.memory_space<vmem>>
        %dma_start3A_134 = arith.constant 0 : i32
        %dma_start3A_135 = arith.constant 0 : i32
        %dma_start3A_136 = tpu.memref_slice %arg2[%dma_start3A_134, %dma_start3A_135] : memref<10000x128xf32, #tpu.memory_space<hbm>> -> memref<10000x128xf32, #tpu.memory_space<hbm>>
        tpu.enqueue_indirect_dma source(%dma_start3A_136 : memref<10000x128xf32, #tpu.memory_space<hbm>>) target(%arg9 : memref<125x128xf32, #tpu.memory_space<vmem>>) offsets(%dma_start3A_133 : memref<125xi32, #tpu.memory_space<vmem>>) semaphore(%arg12 : memref<!tpu.dma_semaphore, #tpu.memory_space<semaphore_mem>>)
        %dma_start3A_137 = arith.constant 1 : i32
        %dma_start3A_138 = arith.constant 0 : i32
        %dma_start3A_139 = tpu.memref_slice %arg7[%dma_start3A_137, %dma_start3A_138] : memref<40x125xi32, #tpu.memory_space<vmem>> -> memref<1x125xi32, #tpu.memory_space<vmem>>
        %dma_start3A_140 = tpu.memref_squeeze %dma_start3A_139 : memref<1x125xi32, #tpu.memory_space<vmem>> -> memref<125xi32, #tpu.memory_space<vmem>>
        %dma_start3A_141 = arith.constant 0 : i32
        %dma_start3A_142 = arith.constant 0 : i32
        %dma_start3A_143 = tpu.memref_slice %arg2[%dma_start3A_141, %dma_start3A_142] : memref<10000x128xf32, #tpu.memory_space<hbm>> -> memref<10000x128xf32, #tpu.memory_space<hbm>>
        tpu.enqueue_indirect_dma source(%dma_start3A_143 : memref<10000x128xf32, #tpu.memory_space<hbm>>) target(%arg10 : memref<125x128xf32, #tpu.memory_space<vmem>>) offsets(%dma_start3A_140 : memref<125xi32, #tpu.memory_space<vmem>>) semaphore(%arg13 : memref<!tpu.dma_semaphore, #tpu.memory_space<semaphore_mem>>)
      } else {
      }
      %rem3A = arith.constant 40 : i32
      %rem3A_100 = arith.remsi %mul3A_95, %rem3A : i32
      %ne3A = arith.constant 19 : i32
      %ne3A_101 = arith.cmpi ne, %add3A_93, %ne3A : i32
      %ne3A_102 = arith.constant 39 : i32
      %ne3A_103 = arith.cmpi ne, %add3A_93, %ne3A_102 : i32
      %and3A = arith.andi %ne3A_101, %ne3A_103 : i1
      %dma_wait3A_104 = arith.constant 0 : i32
      %dma_wait3A_105 = tpu.memref_slice %arg7[%rem3A_100, %dma_wait3A_104] : memref<40x125xi32, #tpu.memory_space<vmem>> -> memref<1x125xi32, #tpu.memory_space<vmem>>
      %dma_wait3A_106 = tpu.memref_squeeze %dma_wait3A_105 : memref<1x125xi32, #tpu.memory_space<vmem>> -> memref<125xi32, #tpu.memory_space<vmem>>
      %dma_wait3A_107 = arith.constant 0 : i32
      %dma_wait3A_108 = arith.constant 0 : i32
      %dma_wait3A_109 = tpu.memref_slice %arg2[%dma_wait3A_107, %dma_wait3A_108] : memref<10000x128xf32, #tpu.memory_space<hbm>> -> memref<10000x128xf32, #tpu.memory_space<hbm>>
      tpu.wait_indirect_dma semaphore(%arg12 : memref<!tpu.dma_semaphore, #tpu.memory_space<semaphore_mem>>) src(%dma_wait3A_109 : memref<10000x128xf32, #tpu.memory_space<hbm>>) dst(%arg9 : memref<125x128xf32, #tpu.memory_space<vmem>>)
      "tpu.region"() ({
        %run_scoped3A = tpu.sem_alloc : memref<!tpu.dma_semaphore, #tpu.memory_space<semaphore_mem>>
        %dma_start3A_126 = arith.constant 0 : i32
        %dma_start3A_127 = tpu.memref_slice %arg8[%rem3A_100, %dma_start3A_126] : memref<40x125xi32, #tpu.memory_space<vmem>> -> memref<1x125xi32, #tpu.memory_space<vmem>>
        %dma_start3A_128 = tpu.memref_squeeze %dma_start3A_127 : memref<1x125xi32, #tpu.memory_space<vmem>> -> memref<125xi32, #tpu.memory_space<vmem>>
        %dma_start3A_129 = arith.constant 0 : i32
        %dma_start3A_130 = arith.constant 0 : i32
        %dma_start3A_131 = tpu.memref_slice %arg11[%dma_start3A_129, %dma_start3A_130] : memref<10000x128xf32, #tpu.memory_space<vmem_shared>> -> memref<10000x128xf32, #tpu.memory_space<vmem_shared>>
        tpu.enqueue_indirect_dma source(%arg9 : memref<125x128xf32, #tpu.memory_space<vmem>>) target(%dma_start3A_131 : memref<10000x128xf32, #tpu.memory_space<vmem_shared>>) offsets(%dma_start3A_128 : memref<125xi32, #tpu.memory_space<vmem>>) semaphore(%run_scoped3A : memref<!tpu.dma_semaphore, #tpu.memory_space<semaphore_mem>>) {add = true}
        %dma_wait3A_132 = arith.constant 0 : i32
        %dma_wait3A_133 = tpu.memref_slice %arg8[%rem3A_100, %dma_wait3A_132] : memref<40x125xi32, #tpu.memory_space<vmem>> -> memref<1x125xi32, #tpu.memory_space<vmem>>
        %dma_wait3A_134 = tpu.memref_squeeze %dma_wait3A_133 : memref<1x125xi32, #tpu.memory_space<vmem>> -> memref<125xi32, #tpu.memory_space<vmem>>
        %dma_wait3A_135 = arith.constant 0 : i32
        %dma_wait3A_136 = arith.constant 0 : i32
        %dma_wait3A_137 = tpu.memref_slice %arg11[%dma_wait3A_135, %dma_wait3A_136] : memref<10000x128xf32, #tpu.memory_space<vmem_shared>> -> memref<10000x128xf32, #tpu.memory_space<vmem_shared>>
        tpu.wait_indirect_dma semaphore(%run_scoped3A : memref<!tpu.dma_semaphore, #tpu.memory_space<semaphore_mem>>) src(%arg9 : memref<125x128xf32, #tpu.memory_space<vmem>>) dst(%dma_wait3A_137 : memref<10000x128xf32, #tpu.memory_space<vmem_shared>>)
        tpu.yield
      }) : () -> ()
      %convert_element_type3A_110 = arith.extui %and3A : i1 to i32
      %cond3A_111 = arith.constant 0 : i32
      %cond3A_112 = arith.cmpi ne, %convert_element_type3A_110, %cond3A_111 : i32
      scf.if %cond3A_112 {
        %add3A_126 = arith.constant 2 : i32
        %add3A_127 = arith.addi %rem3A_100, %add3A_126 : i32
        %dma_start3A_128 = arith.constant 0 : i32
        %dma_start3A_129 = tpu.memref_slice %arg7[%add3A_127, %dma_start3A_128] : memref<40x125xi32, #tpu.memory_space<vmem>> -> memref<1x125xi32, #tpu.memory_space<vmem>>
        %dma_start3A_130 = tpu.memref_squeeze %dma_start3A_129 : memref<1x125xi32, #tpu.memory_space<vmem>> -> memref<125xi32, #tpu.memory_space<vmem>>
        %dma_start3A_131 = arith.constant 0 : i32
        %dma_start3A_132 = arith.constant 0 : i32
        %dma_start3A_133 = tpu.memref_slice %arg2[%dma_start3A_131, %dma_start3A_132] : memref<10000x128xf32, #tpu.memory_space<hbm>> -> memref<10000x128xf32, #tpu.memory_space<hbm>>
        tpu.enqueue_indirect_dma source(%dma_start3A_133 : memref<10000x128xf32, #tpu.memory_space<hbm>>) target(%arg9 : memref<125x128xf32, #tpu.memory_space<vmem>>) offsets(%dma_start3A_130 : memref<125xi32, #tpu.memory_space<vmem>>) semaphore(%arg12 : memref<!tpu.dma_semaphore, #tpu.memory_space<semaphore_mem>>)
      } else {
      }
      %add3A_113 = arith.constant 1 : i32
      %add3A_114 = arith.addi %rem3A_100, %add3A_113 : i32
      %dma_wait3A_115 = arith.constant 0 : i32
      %dma_wait3A_116 = tpu.memref_slice %arg7[%add3A_114, %dma_wait3A_115] : memref<40x125xi32, #tpu.memory_space<vmem>> -> memref<1x125xi32, #tpu.memory_space<vmem>>
      %dma_wait3A_117 = tpu.memref_squeeze %dma_wait3A_116 : memref<1x125xi32, #tpu.memory_space<vmem>> -> memref<125xi32, #tpu.memory_space<vmem>>
      %dma_wait3A_118 = arith.constant 0 : i32
      %dma_wait3A_119 = arith.constant 0 : i32
      %dma_wait3A_120 = tpu.memref_slice %arg2[%dma_wait3A_118, %dma_wait3A_119] : memref<10000x128xf32, #tpu.memory_space<hbm>> -> memref<10000x128xf32, #tpu.memory_space<hbm>>
      tpu.wait_indirect_dma semaphore(%arg13 : memref<!tpu.dma_semaphore, #tpu.memory_space<semaphore_mem>>) src(%dma_wait3A_120 : memref<10000x128xf32, #tpu.memory_space<hbm>>) dst(%arg10 : memref<125x128xf32, #tpu.memory_space<vmem>>)
      %add3A_121 = arith.constant 1 : i32
      %add3A_122 = arith.addi %rem3A_100, %add3A_121 : i32
      "tpu.region"() ({
        %run_scoped3A = tpu.sem_alloc : memref<!tpu.dma_semaphore, #tpu.memory_space<semaphore_mem>>
        %dma_start3A_126 = arith.constant 0 : i32
        %dma_start3A_127 = tpu.memref_slice %arg8[%add3A_122, %dma_start3A_126] : memref<40x125xi32, #tpu.memory_space<vmem>> -> memref<1x125xi32, #tpu.memory_space<vmem>>
        %dma_start3A_128 = tpu.memref_squeeze %dma_start3A_127 : memref<1x125xi32, #tpu.memory_space<vmem>> -> memref<125xi32, #tpu.memory_space<vmem>>
        %dma_start3A_129 = arith.constant 0 : i32
        %dma_start3A_130 = arith.constant 0 : i32
        %dma_start3A_131 = tpu.memref_slice %arg11[%dma_start3A_129, %dma_start3A_130] : memref<10000x128xf32, #tpu.memory_space<vmem_shared>> -> memref<10000x128xf32, #tpu.memory_space<vmem_shared>>
        tpu.enqueue_indirect_dma source(%arg10 : memref<125x128xf32, #tpu.memory_space<vmem>>) target(%dma_start3A_131 : memref<10000x128xf32, #tpu.memory_space<vmem_shared>>) offsets(%dma_start3A_128 : memref<125xi32, #tpu.memory_space<vmem>>) semaphore(%run_scoped3A : memref<!tpu.dma_semaphore, #tpu.memory_space<semaphore_mem>>) {add = true}
        %dma_wait3A_132 = arith.constant 0 : i32
        %dma_wait3A_133 = tpu.memref_slice %arg8[%add3A_122, %dma_wait3A_132] : memref<40x125xi32, #tpu.memory_space<vmem>> -> memref<1x125xi32, #tpu.memory_space<vmem>>
        %dma_wait3A_134 = tpu.memref_squeeze %dma_wait3A_133 : memref<1x125xi32, #tpu.memory_space<vmem>> -> memref<125xi32, #tpu.memory_space<vmem>>
        %dma_wait3A_135 = arith.constant 0 : i32
        %dma_wait3A_136 = arith.constant 0 : i32
        %dma_wait3A_137 = tpu.memref_slice %arg11[%dma_wait3A_135, %dma_wait3A_136] : memref<10000x128xf32, #tpu.memory_space<vmem_shared>> -> memref<10000x128xf32, #tpu.memory_space<vmem_shared>>
        tpu.wait_indirect_dma semaphore(%run_scoped3A : memref<!tpu.dma_semaphore, #tpu.memory_space<semaphore_mem>>) src(%arg10 : memref<125x128xf32, #tpu.memory_space<vmem>>) dst(%dma_wait3A_137 : memref<10000x128xf32, #tpu.memory_space<vmem_shared>>)
        tpu.yield
      }) : () -> ()
      %convert_element_type3A_123 = arith.extui %and3A : i1 to i32
      %cond3A_124 = arith.constant 0 : i32
      %cond3A_125 = arith.cmpi ne, %convert_element_type3A_123, %cond3A_124 : i32
      scf.if %cond3A_125 {
        %add3A_126 = arith.constant 3 : i32
        %add3A_127 = arith.addi %rem3A_100, %add3A_126 : i32
        %dma_start3A_128 = arith.constant 0 : i32
        %dma_start3A_129 = tpu.memref_slice %arg7[%add3A_127, %dma_start3A_128] : memref<40x125xi32, #tpu.memory_space<vmem>> -> memref<1x125xi32, #tpu.memory_space<vmem>>
        %dma_start3A_130 = tpu.memref_squeeze %dma_start3A_129 : memref<1x125xi32, #tpu.memory_space<vmem>> -> memref<125xi32, #tpu.memory_space<vmem>>
        %dma_start3A_131 = arith.constant 0 : i32
        %dma_start3A_132 = arith.constant 0 : i32
        %dma_start3A_133 = tpu.memref_slice %arg2[%dma_start3A_131, %dma_start3A_132] : memref<10000x128xf32, #tpu.memory_space<hbm>> -> memref<10000x128xf32, #tpu.memory_space<hbm>>
        tpu.enqueue_indirect_dma source(%dma_start3A_133 : memref<10000x128xf32, #tpu.memory_space<hbm>>) target(%arg10 : memref<125x128xf32, #tpu.memory_space<vmem>>) offsets(%dma_start3A_130 : memref<125xi32, #tpu.memory_space<vmem>>) semaphore(%arg13 : memref<!tpu.dma_semaphore, #tpu.memory_space<semaphore_mem>>)
      } else {
      }
    }
    %scan3A_59 = arith.constant 40 : i32
    %barrier3A_60 = arith.constant 0 : index
    tpu.barrier barrier_id(%barrier3A_60)
    %scan3A_61 = arith.constant 0 : i32
    %mul3A_62 = arith.constant 1 : i32
    %mul3A_63 = arith.muli %scan3A_61, %mul3A_62 : i32
    %add3A_64 = arith.constant 0 : i32
    %add3A_65 = arith.addi %add3A_64, %mul3A_63 : i32
    %mul3A_66 = arith.constant 16 : i32
    %mul3A_67 = arith.muli %add3A_65, %mul3A_66 : i32
    %add3A_68 = arith.addi %arg1, %mul3A_67 : i32
    %lt3A_69 = arith.constant 10 : i32
    %lt3A_70 = arith.cmpi slt, %add3A_68, %lt3A_69 : i32
    %convert_element_type3A_71 = arith.extui %lt3A_70 : i1 to i32
    %cond3A_72 = arith.constant 0 : i32
    %cond3A_73 = arith.cmpi ne, %convert_element_type3A_71, %cond3A_72 : i32
    scf.if %cond3A_73 {
      %mul3A_89 = arith.constant 1000 : i32
      %mul3A_90 = arith.muli %add3A_68, %mul3A_89 : i32
      %multiple_of3A_91 = tpu.assume_multiple %mul3A_90, 8 : i32
      %mul3A_92 = arith.constant 10000 : i32
      %mul3A_93 = arith.muli %arg0, %mul3A_92 : i32
      %add3A_94 = arith.addi %mul3A_93, %multiple_of3A_91 : i32
      %dma_start3A_95 = arith.constant 0 : i32
      %dma_start3A_96 = tpu.memref_slice %arg6[%add3A_94, %dma_start3A_95] : memref<20000x128xf32, #tpu.memory_space<hbm>> -> memref<1000x128xf32, #tpu.memory_space<hbm>>
      %dma_start3A_97 = arith.constant 0 : i32
      %dma_start3A_98 = tpu.memref_slice %arg11[%multiple_of3A_91, %dma_start3A_97] : memref<10000x128xf32, #tpu.memory_space<vmem_shared>> -> memref<1000x128xf32, #tpu.memory_space<vmem_shared>>
      tpu.enqueue_dma source(%dma_start3A_98 : memref<1000x128xf32, #tpu.memory_space<vmem_shared>>) target(%dma_start3A_96 : memref<1000x128xf32, #tpu.memory_space<hbm>>) target_semaphore(%arg12 : memref<!tpu.dma_semaphore, #tpu.memory_space<semaphore_mem>>)
    } else {
    }
    %scan3A_74 = arith.constant 1 : i32
    %scan3A_75 = arith.constant 0 : i32
    %mul3A_76 = arith.constant 1 : i32
    %mul3A_77 = arith.muli %scan3A_75, %mul3A_76 : i32
    %add3A_78 = arith.constant 0 : i32
    %add3A_79 = arith.addi %add3A_78, %mul3A_77 : i32
    %mul3A_80 = arith.constant 16 : i32
    %mul3A_81 = arith.muli %add3A_79, %mul3A_80 : i32
    %add3A_82 = arith.addi %arg1, %mul3A_81 : i32
    %lt3A_83 = arith.constant 10 : i32
    %lt3A_84 = arith.cmpi slt, %add3A_82, %lt3A_83 : i32
    %convert_element_type3A_85 = arith.extui %lt3A_84 : i1 to i32
    %cond3A_86 = arith.constant 0 : i32
    %cond3A_87 = arith.cmpi ne, %convert_element_type3A_85, %cond3A_86 : i32
    scf.if %cond3A_87 {
      %mul3A_89 = arith.constant 1000 : i32
      %mul3A_90 = arith.muli %add3A_82, %mul3A_89 : i32
      %multiple_of3A_91 = tpu.assume_multiple %mul3A_90, 8 : i32
      %mul3A_92 = arith.constant 10000 : i32
      %mul3A_93 = arith.muli %arg0, %mul3A_92 : i32
      %add3A_94 = arith.addi %mul3A_93, %multiple_of3A_91 : i32
      %dma_wait3A_95 = arith.constant 0 : i32
      %dma_wait3A_96 = tpu.memref_slice %arg6[%add3A_94, %dma_wait3A_95] : memref<20000x128xf32, #tpu.memory_space<hbm>> -> memref<1000x128xf32, #tpu.memory_space<hbm>>
      %dma_wait3A_97 = arith.constant 0 : i32
      %dma_wait3A_98 = tpu.memref_slice %arg11[%multiple_of3A_91, %dma_wait3A_97] : memref<10000x128xf32, #tpu.memory_space<vmem_shared>> -> memref<1000x128xf32, #tpu.memory_space<vmem_shared>>
      tpu.wait_dma2 semaphore(%arg12 : memref<!tpu.dma_semaphore, #tpu.memory_space<semaphore_mem>>) src(%dma_wait3A_98 : memref<1000x128xf32, #tpu.memory_space<vmem_shared>>) dst(%dma_wait3A_96 : memref<1000x128xf32, #tpu.memory_space<hbm>>)
    } else {
    }
    %scan3A_88 = arith.constant 1 : i32
    return
  }
}

#map = affine_map<(d0, d1) -> (0, 0)>
module attributes {stable_mosaic.version = 14 : i64} {
  func.func @_sc_scatter_body(%arg0: i32, %arg1: i32, %arg2: memref<10000x128xf32, #tpu.memory_space<hbm>>, %arg3: memref<2560x125xi32, #tpu.memory_space<hbm>>, %arg4: memref<2560x125xi32, #tpu.memory_space<hbm>>, %arg5: memref<1000x128xf32, #tpu.memory_space<hbm>>, %arg6: memref<20000x128xf32, #tpu.memory_space<hbm>>, %arg7: memref<40x125xi32, #tpu.memory_space<vmem>>, %arg8: memref<40x125xi32, #tpu.memory_space<vmem>>, %arg9: memref<125x128xf32, #tpu.memory_space<vmem>>, %arg10: memref<125x128xf32, #tpu.memory_space<vmem>>, %arg11: memref<10000x128xf32, #tpu.memory_space<vmem_shared>>, %arg12: memref<!tpu.dma_semaphore, #tpu.memory_space<semaphore_mem>>, %arg13: memref<!tpu.dma_semaphore, #tpu.memory_space<semaphore_mem>>, %arg14: memref<!tpu.dma_semaphore, #tpu.memory_space<semaphore_mem>>) attributes {dimension_semantics = [#tpu.dimension_semantics<core_parallel>, #tpu.dimension_semantics<subcore_parallel>], iteration_bounds = array<i64: 2, 16>, scalar_prefetch = 0 : i64, scratch_operands = 8 : i64, tpu.core_type = #tpu.core_type<sc_vector_subcore>, window_params = [{transform_indices = #map}, {transform_indices = #map}, {transform_indices = #map}, {transform_indices = #map}, {transform_indices = #map}]} {
    %mul3A = arith.constant 2 : i32
    %mul3A_0 = arith.muli %arg1, %mul3A : i32
    %add3A = arith.addi %mul3A_0, %arg0 : i32
    %mul3A_1 = arith.constant 80 : i32
    %mul3A_2 = arith.muli %add3A, %mul3A_1 : i32
    %multiple_of3A = tpu.assume_multiple %mul3A_2, 8 : i32
    %dma_start3A = arith.constant 0 : i32
    %dma_start3A_3 = tpu.memref_slice %arg3[%multiple_of3A, %dma_start3A] : memref<2560x125xi32, #tpu.memory_space<hbm>> -> memref<40x125xi32, #tpu.memory_space<hbm>>
    %dma_start3A_4 = arith.constant 0 : i32
    %dma_start3A_5 = tpu.memref_slice %arg3[%multiple_of3A, %dma_start3A_4] : memref<2560x125xi32, #tpu.memory_space<hbm>> -> memref<40x125xi32, #tpu.memory_space<hbm>>
    tpu.enqueue_dma source(%dma_start3A_5 : memref<40x125xi32, #tpu.memory_space<hbm>>) target(%arg7 : memref<40x125xi32, #tpu.memory_space<vmem>>) target_semaphore(%arg12 : memref<!tpu.dma_semaphore, #tpu.memory_space<semaphore_mem>>)
    %dma_start3A_6 = arith.constant 0 : i32
    %dma_start3A_7 = tpu.memref_slice %arg4[%multiple_of3A, %dma_start3A_6] : memref<2560x125xi32, #tpu.memory_space<hbm>> -> memref<40x125xi32, #tpu.memory_space<hbm>>
    %dma_start3A_8 = arith.constant 0 : i32
    %dma_start3A_9 = tpu.memref_slice %arg4[%multiple_of3A, %dma_start3A_8] : memref<2560x125xi32, #tpu.memory_space<hbm>> -> memref<40x125xi32, #tpu.memory_space<hbm>>
    tpu.enqueue_dma source(%dma_start3A_9 : memref<40x125xi32, #tpu.memory_space<hbm>>) target(%arg8 : memref<40x125xi32, #tpu.memory_space<vmem>>) target_semaphore(%arg13 : memref<!tpu.dma_semaphore, #tpu.memory_space<semaphore_mem>>)
    %scan3A = arith.constant 0 : i32
    %mul3A_10 = arith.constant 1 : i32
    %mul3A_11 = arith.muli %scan3A, %mul3A_10 : i32
    %add3A_12 = arith.constant 0 : i32
    %add3A_13 = arith.addi %add3A_12, %mul3A_11 : i32
    %mul3A_14 = arith.constant 16 : i32
    %mul3A_15 = arith.muli %add3A_13, %mul3A_14 : i32
    %add3A_16 = arith.addi %arg1, %mul3A_15 : i32
    %lt3A = arith.constant 10 : i32
    %lt3A_17 = arith.cmpi slt, %add3A_16, %lt3A : i32
    %convert_element_type3A = arith.extui %lt3A_17 : i1 to i32
    %cond3A = arith.constant 0 : i32
    %cond3A_18 = arith.cmpi ne, %convert_element_type3A, %cond3A : i32
    scf.if %cond3A_18 {
      %mul3A_89 = arith.constant 1000 : i32
      %mul3A_90 = arith.muli %add3A_16, %mul3A_89 : i32
      %multiple_of3A_91 = tpu.assume_multiple %mul3A_90, 8 : i32
      %dma_start3A_92 = arith.constant 0 : i32
      %dma_start3A_93 = tpu.memref_slice %arg11[%multiple_of3A_91, %dma_start3A_92] : memref<10000x128xf32, #tpu.memory_space<vmem_shared>> -> memref<1000x128xf32, #tpu.memory_space<vmem_shared>>
      tpu.enqueue_dma source(%arg5 : memref<1000x128xf32, #tpu.memory_space<hbm>>) target(%dma_start3A_93 : memref<1000x128xf32, #tpu.memory_space<vmem_shared>>) target_semaphore(%arg14 : memref<!tpu.dma_semaphore, #tpu.memory_space<semaphore_mem>>)
    } else {
    }
    %scan3A_19 = arith.constant 1 : i32
    %scan3A_20 = arith.constant 0 : i32
    %mul3A_21 = arith.constant 1 : i32
    %mul3A_22 = arith.muli %scan3A_20, %mul3A_21 : i32
    %add3A_23 = arith.constant 0 : i32
    %add3A_24 = arith.addi %add3A_23, %mul3A_22 : i32
    %mul3A_25 = arith.constant 16 : i32
    %mul3A_26 = arith.muli %add3A_24, %mul3A_25 : i32
    %add3A_27 = arith.addi %arg1, %mul3A_26 : i32
    %lt3A_28 = arith.constant 10 : i32
    %lt3A_29 = arith.cmpi slt, %add3A_27, %lt3A_28 : i32
    %convert_element_type3A_30 = arith.extui %lt3A_29 : i1 to i32
    %cond3A_31 = arith.constant 0 : i32
    %cond3A_32 = arith.cmpi ne, %convert_element_type3A_30, %cond3A_31 : i32
    scf.if %cond3A_32 {
      %mul3A_89 = arith.constant 1000 : i32
      %mul3A_90 = arith.muli %add3A_27, %mul3A_89 : i32
      %multiple_of3A_91 = tpu.assume_multiple %mul3A_90, 8 : i32
      %dma_wait3A_92 = arith.constant 0 : i32
      %dma_wait3A_93 = tpu.memref_slice %arg11[%multiple_of3A_91, %dma_wait3A_92] : memref<10000x128xf32, #tpu.memory_space<vmem_shared>> -> memref<1000x128xf32, #tpu.memory_space<vmem_shared>>
      tpu.wait_dma2 semaphore(%arg14 : memref<!tpu.dma_semaphore, #tpu.memory_space<semaphore_mem>>) src(%arg5 : memref<1000x128xf32, #tpu.memory_space<hbm>>) dst(%dma_wait3A_93 : memref<1000x128xf32, #tpu.memory_space<vmem_shared>>)
    } else {
    }
    %scan3A_33 = arith.constant 1 : i32
    %dma_wait3A = arith.constant 0 : i32
    %dma_wait3A_34 = tpu.memref_slice %arg3[%multiple_of3A, %dma_wait3A] : memref<2560x125xi32, #tpu.memory_space<hbm>> -> memref<40x125xi32, #tpu.memory_space<hbm>>
    %dma_wait3A_35 = arith.constant 0 : i32
    %dma_wait3A_36 = tpu.memref_slice %arg3[%multiple_of3A, %dma_wait3A_35] : memref<2560x125xi32, #tpu.memory_space<hbm>> -> memref<40x125xi32, #tpu.memory_space<hbm>>
    tpu.wait_dma2 semaphore(%arg12 : memref<!tpu.dma_semaphore, #tpu.memory_space<semaphore_mem>>) src(%dma_wait3A_36 : memref<40x125xi32, #tpu.memory_space<hbm>>) dst(%arg7 : memref<40x125xi32, #tpu.memory_space<vmem>>)
    %dma_wait3A_37 = arith.constant 0 : i32
    %dma_wait3A_38 = tpu.memref_slice %arg4[%multiple_of3A, %dma_wait3A_37] : memref<2560x125xi32, #tpu.memory_space<hbm>> -> memref<40x125xi32, #tpu.memory_space<hbm>>
    %dma_wait3A_39 = arith.constant 0 : i32
    %dma_wait3A_40 = tpu.memref_slice %arg4[%multiple_of3A, %dma_wait3A_39] : memref<2560x125xi32, #tpu.memory_space<hbm>> -> memref<40x125xi32, #tpu.memory_space<hbm>>
    tpu.wait_dma2 semaphore(%arg13 : memref<!tpu.dma_semaphore, #tpu.memory_space<semaphore_mem>>) src(%dma_wait3A_40 : memref<40x125xi32, #tpu.memory_space<hbm>>) dst(%arg8 : memref<40x125xi32, #tpu.memory_space<vmem>>)
    %barrier3A = arith.constant 0 : index
    tpu.barrier barrier_id(%barrier3A)
    %dma_start3A_41 = arith.constant 0 : i32
    %dma_start3A_42 = arith.constant 0 : i32
    %dma_start3A_43 = tpu.memref_slice %arg7[%dma_start3A_41, %dma_start3A_42] : memref<40x125xi32, #tpu.memory_space<vmem>> -> memref<1x125xi32, #tpu.memory_space<vmem>>
    %dma_start3A_44 = tpu.memref_squeeze %dma_start3A_43 : memref<1x125xi32, #tpu.memory_space<vmem>> -> memref<125xi32, #tpu.memory_space<vmem>>
    %dma_start3A_45 = arith.constant 0 : i32
    %dma_start3A_46 = arith.constant 0 : i32
    %dma_start3A_47 = tpu.memref_slice %arg2[%dma_start3A_45, %dma_start3A_46] : memref<10000x128xf32, #tpu.memory_space<hbm>> -> memref<10000x128xf32, #tpu.memory_space<hbm>>
    tpu.enqueue_indirect_dma source(%dma_start3A_47 : memref<10000x128xf32, #tpu.memory_space<hbm>>) target(%arg9 : memref<125x128xf32, #tpu.memory_space<vmem>>) offsets(%dma_start3A_44 : memref<125xi32, #tpu.memory_space<vmem>>) semaphore(%arg12 : memref<!tpu.dma_semaphore, #tpu.memory_space<semaphore_mem>>)
    %dma_start3A_48 = arith.constant 1 : i32
    %dma_start3A_49 = arith.constant 0 : i32
    %dma_start3A_50 = tpu.memref_slice %arg7[%dma_start3A_48, %dma_start3A_49] : memref<40x125xi32, #tpu.memory_space<vmem>> -> memref<1x125xi32, #tpu.memory_space<vmem>>
    %dma_start3A_51 = tpu.memref_squeeze %dma_start3A_50 : memref<1x125xi32, #tpu.memory_space<vmem>> -> memref<125xi32, #tpu.memory_space<vmem>>
    %dma_start3A_52 = arith.constant 0 : i32
    %dma_start3A_53 = arith.constant 0 : i32
    %dma_start3A_54 = tpu.memref_slice %arg2[%dma_start3A_52, %dma_start3A_53] : memref<10000x128xf32, #tpu.memory_space<hbm>> -> memref<10000x128xf32, #tpu.memory_space<hbm>>
    tpu.enqueue_indirect_dma source(%dma_start3A_54 : memref<10000x128xf32, #tpu.memory_space<hbm>>) target(%arg10 : memref<125x128xf32, #tpu.memory_space<vmem>>) offsets(%dma_start3A_51 : memref<125xi32, #tpu.memory_space<vmem>>) semaphore(%arg13 : memref<!tpu.dma_semaphore, #tpu.memory_space<semaphore_mem>>)
    %scan3A_55 = arith.constant 0 : i32
    %scan3A_56 = arith.constant 40 : i32
    %scan3A_57 = arith.addi %scan3A_55, %scan3A_56 : i32
    %scan3A_58 = arith.constant 1 : i32
    scf.for %scan3A_89 = %scan3A_55 to %scan3A_57 step %scan3A_58  : i32 {
      %mul3A_90 = arith.constant 1 : i32
      %mul3A_91 = arith.muli %scan3A_89, %mul3A_90 : i32
      %add3A_92 = arith.constant 0 : i32
      %add3A_93 = arith.addi %add3A_92, %mul3A_91 : i32
      %mul3A_94 = arith.constant 2 : i32
      %mul3A_95 = arith.muli %mul3A_94, %add3A_93 : i32
      %eq3A = arith.constant 20 : i32
      %eq3A_96 = arith.cmpi eq, %add3A_93, %eq3A : i32
      %convert_element_type3A_97 = arith.extui %eq3A_96 : i1 to i32
      %cond3A_98 = arith.constant 0 : i32
      %cond3A_99 = arith.cmpi ne, %convert_element_type3A_97, %cond3A_98 : i32
      scf.if %cond3A_99 {
        %add3A_126 = arith.constant 40 : i32
        %add3A_127 = arith.addi %multiple_of3A, %add3A_126 : i32
        "tpu.region"() ({
          %run_scoped3A = tpu.sem_alloc : memref<!tpu.dma_semaphore, #tpu.memory_space<semaphore_mem>>
          %dma_start3A_144 = arith.constant 0 : i32
          %dma_start3A_145 = tpu.memref_slice %arg3[%add3A_127, %dma_start3A_144] : memref<2560x125xi32, #tpu.memory_space<hbm>> -> memref<40x125xi32, #tpu.memory_space<hbm>>
          %dma_start3A_146 = arith.constant 0 : i32
          %dma_start3A_147 = tpu.memref_slice %arg3[%add3A_127, %dma_start3A_146] : memref<2560x125xi32, #tpu.memory_space<hbm>> -> memref<40x125xi32, #tpu.memory_space<hbm>>
          tpu.enqueue_dma source(%dma_start3A_147 : memref<40x125xi32, #tpu.memory_space<hbm>>) target(%arg7 : memref<40x125xi32, #tpu.memory_space<vmem>>) target_semaphore(%run_scoped3A : memref<!tpu.dma_semaphore, #tpu.memory_space<semaphore_mem>>)
          %dma_wait3A_148 = arith.constant 0 : i32
          %dma_wait3A_149 = tpu.memref_slice %arg3[%add3A_127, %dma_wait3A_148] : memref<2560x125xi32, #tpu.memory_space<hbm>> -> memref<40x125xi32, #tpu.memory_space<hbm>>
          %dma_wait3A_150 = arith.constant 0 : i32
          %dma_wait3A_151 = tpu.memref_slice %arg3[%add3A_127, %dma_wait3A_150] : memref<2560x125xi32, #tpu.memory_space<hbm>> -> memref<40x125xi32, #tpu.memory_space<hbm>>
          tpu.wait_dma2 semaphore(%run_scoped3A : memref<!tpu.dma_semaphore, #tpu.memory_space<semaphore_mem>>) src(%dma_wait3A_151 : memref<40x125xi32, #tpu.memory_space<hbm>>) dst(%arg7 : memref<40x125xi32, #tpu.memory_space<vmem>>)
          tpu.yield
        }) : () -> ()
        %add3A_128 = arith.constant 40 : i32
        %add3A_129 = arith.addi %multiple_of3A, %add3A_128 : i32
        "tpu.region"() ({
          %run_scoped3A = tpu.sem_alloc : memref<!tpu.dma_semaphore, #tpu.memory_space<semaphore_mem>>
          %dma_start3A_144 = arith.constant 0 : i32
          %dma_start3A_145 = tpu.memref_slice %arg4[%add3A_129, %dma_start3A_144] : memref<2560x125xi32, #tpu.memory_space<hbm>> -> memref<40x125xi32, #tpu.memory_space<hbm>>
          %dma_start3A_146 = arith.constant 0 : i32
          %dma_start3A_147 = tpu.memref_slice %arg4[%add3A_129, %dma_start3A_146] : memref<2560x125xi32, #tpu.memory_space<hbm>> -> memref<40x125xi32, #tpu.memory_space<hbm>>
          tpu.enqueue_dma source(%dma_start3A_147 : memref<40x125xi32, #tpu.memory_space<hbm>>) target(%arg8 : memref<40x125xi32, #tpu.memory_space<vmem>>) target_semaphore(%run_scoped3A : memref<!tpu.dma_semaphore, #tpu.memory_space<semaphore_mem>>)
          %dma_wait3A_148 = arith.constant 0 : i32
          %dma_wait3A_149 = tpu.memref_slice %arg4[%add3A_129, %dma_wait3A_148] : memref<2560x125xi32, #tpu.memory_space<hbm>> -> memref<40x125xi32, #tpu.memory_space<hbm>>
          %dma_wait3A_150 = arith.constant 0 : i32
          %dma_wait3A_151 = tpu.memref_slice %arg4[%add3A_129, %dma_wait3A_150] : memref<2560x125xi32, #tpu.memory_space<hbm>> -> memref<40x125xi32, #tpu.memory_space<hbm>>
          tpu.wait_dma2 semaphore(%run_scoped3A : memref<!tpu.dma_semaphore, #tpu.memory_space<semaphore_mem>>) src(%dma_wait3A_151 : memref<40x125xi32, #tpu.memory_space<hbm>>) dst(%arg8 : memref<40x125xi32, #tpu.memory_space<vmem>>)
          tpu.yield
        }) : () -> ()
        %dma_start3A_130 = arith.constant 0 : i32
        %dma_start3A_131 = arith.constant 0 : i32
        %dma_start3A_132 = tpu.memref_slice %arg7[%dma_start3A_130, %dma_start3A_131] : memref<40x125xi32, #tpu.memory_space<vmem>> -> memref<1x125xi32, #tpu.memory_space<vmem>>
        %dma_start3A_133 = tpu.memref_squeeze %dma_start3A_132 : memref<1x125xi32, #tpu.memory_space<vmem>> -> memref<125xi32, #tpu.memory_space<vmem>>
        %dma_start3A_134 = arith.constant 0 : i32
        %dma_start3A_135 = arith.constant 0 : i32
        %dma_start3A_136 = tpu.memref_slice %arg2[%dma_start3A_134, %dma_start3A_135] : memref<10000x128xf32, #tpu.memory_space<hbm>> -> memref<10000x128xf32, #tpu.memory_space<hbm>>
        tpu.enqueue_indirect_dma source(%dma_start3A_136 : memref<10000x128xf32, #tpu.memory_space<hbm>>) target(%arg9 : memref<125x128xf32, #tpu.memory_space<vmem>>) offsets(%dma_start3A_133 : memref<125xi32, #tpu.memory_space<vmem>>) semaphore(%arg12 : memref<!tpu.dma_semaphore, #tpu.memory_space<semaphore_mem>>)
        %dma_start3A_137 = arith.constant 1 : i32
        %dma_start3A_138 = arith.constant 0 : i32
        %dma_start3A_139 = tpu.memref_slice %arg7[%dma_start3A_137, %dma_start3A_138] : memref<40x125xi32, #tpu.memory_space<vmem>> -> memref<1x125xi32, #tpu.memory_space<vmem>>
        %dma_start3A_140 = tpu.memref_squeeze %dma_start3A_139 : memref<1x125xi32, #tpu.memory_space<vmem>> -> memref<125xi32, #tpu.memory_space<vmem>>
        %dma_start3A_141 = arith.constant 0 : i32
        %dma_start3A_142 = arith.constant 0 : i32
        %dma_start3A_143 = tpu.memref_slice %arg2[%dma_start3A_141, %dma_start3A_142] : memref<10000x128xf32, #tpu.memory_space<hbm>> -> memref<10000x128xf32, #tpu.memory_space<hbm>>
        tpu.enqueue_indirect_dma source(%dma_start3A_143 : memref<10000x128xf32, #tpu.memory_space<hbm>>) target(%arg10 : memref<125x128xf32, #tpu.memory_space<vmem>>) offsets(%dma_start3A_140 : memref<125xi32, #tpu.memory_space<vmem>>) semaphore(%arg13 : memref<!tpu.dma_semaphore, #tpu.memory_space<semaphore_mem>>)
      } else {
      }
      %rem3A = arith.constant 40 : i32
      %rem3A_100 = arith.remsi %mul3A_95, %rem3A : i32
      %ne3A = arith.constant 19 : i32
      %ne3A_101 = arith.cmpi ne, %add3A_93, %ne3A : i32
      %ne3A_102 = arith.constant 39 : i32
      %ne3A_103 = arith.cmpi ne, %add3A_93, %ne3A_102 : i32
      %and3A = arith.andi %ne3A_101, %ne3A_103 : i1
      %dma_wait3A_104 = arith.constant 0 : i32
      %dma_wait3A_105 = tpu.memref_slice %arg7[%rem3A_100, %dma_wait3A_104] : memref<40x125xi32, #tpu.memory_space<vmem>> -> memref<1x125xi32, #tpu.memory_space<vmem>>
      %dma_wait3A_106 = tpu.memref_squeeze %dma_wait3A_105 : memref<1x125xi32, #tpu.memory_space<vmem>> -> memref<125xi32, #tpu.memory_space<vmem>>
      %dma_wait3A_107 = arith.constant 0 : i32
      %dma_wait3A_108 = arith.constant 0 : i32
      %dma_wait3A_109 = tpu.memref_slice %arg2[%dma_wait3A_107, %dma_wait3A_108] : memref<10000x128xf32, #tpu.memory_space<hbm>> -> memref<10000x128xf32, #tpu.memory_space<hbm>>
      tpu.wait_indirect_dma semaphore(%arg12 : memref<!tpu.dma_semaphore, #tpu.memory_space<semaphore_mem>>) src(%dma_wait3A_109 : memref<10000x128xf32, #tpu.memory_space<hbm>>) dst(%arg9 : memref<125x128xf32, #tpu.memory_space<vmem>>)
      "tpu.region"() ({
        %run_scoped3A = tpu.sem_alloc : memref<!tpu.dma_semaphore, #tpu.memory_space<semaphore_mem>>
        %dma_start3A_126 = arith.constant 0 : i32
        %dma_start3A_127 = tpu.memref_slice %arg8[%rem3A_100, %dma_start3A_126] : memref<40x125xi32, #tpu.memory_space<vmem>> -> memref<1x125xi32, #tpu.memory_space<vmem>>
        %dma_start3A_128 = tpu.memref_squeeze %dma_start3A_127 : memref<1x125xi32, #tpu.memory_space<vmem>> -> memref<125xi32, #tpu.memory_space<vmem>>
        %dma_start3A_129 = arith.constant 0 : i32
        %dma_start3A_130 = arith.constant 0 : i32
        %dma_start3A_131 = tpu.memref_slice %arg11[%dma_start3A_129, %dma_start3A_130] : memref<10000x128xf32, #tpu.memory_space<vmem_shared>> -> memref<10000x128xf32, #tpu.memory_space<vmem_shared>>
        tpu.enqueue_indirect_dma source(%arg9 : memref<125x128xf32, #tpu.memory_space<vmem>>) target(%dma_start3A_131 : memref<10000x128xf32, #tpu.memory_space<vmem_shared>>) offsets(%dma_start3A_128 : memref<125xi32, #tpu.memory_space<vmem>>) semaphore(%run_scoped3A : memref<!tpu.dma_semaphore, #tpu.memory_space<semaphore_mem>>) {add = true}
        %dma_wait3A_132 = arith.constant 0 : i32
        %dma_wait3A_133 = tpu.memref_slice %arg8[%rem3A_100, %dma_wait3A_132] : memref<40x125xi32, #tpu.memory_space<vmem>> -> memref<1x125xi32, #tpu.memory_space<vmem>>
        %dma_wait3A_134 = tpu.memref_squeeze %dma_wait3A_133 : memref<1x125xi32, #tpu.memory_space<vmem>> -> memref<125xi32, #tpu.memory_space<vmem>>
        %dma_wait3A_135 = arith.constant 0 : i32
        %dma_wait3A_136 = arith.constant 0 : i32
        %dma_wait3A_137 = tpu.memref_slice %arg11[%dma_wait3A_135, %dma_wait3A_136] : memref<10000x128xf32, #tpu.memory_space<vmem_shared>> -> memref<10000x128xf32, #tpu.memory_space<vmem_shared>>
        tpu.wait_indirect_dma semaphore(%run_scoped3A : memref<!tpu.dma_semaphore, #tpu.memory_space<semaphore_mem>>) src(%arg9 : memref<125x128xf32, #tpu.memory_space<vmem>>) dst(%dma_wait3A_137 : memref<10000x128xf32, #tpu.memory_space<vmem_shared>>)
        tpu.yield
      }) : () -> ()
      %convert_element_type3A_110 = arith.extui %and3A : i1 to i32
      %cond3A_111 = arith.constant 0 : i32
      %cond3A_112 = arith.cmpi ne, %convert_element_type3A_110, %cond3A_111 : i32
      scf.if %cond3A_112 {
        %add3A_126 = arith.constant 2 : i32
        %add3A_127 = arith.addi %rem3A_100, %add3A_126 : i32
        %dma_start3A_128 = arith.constant 0 : i32
        %dma_start3A_129 = tpu.memref_slice %arg7[%add3A_127, %dma_start3A_128] : memref<40x125xi32, #tpu.memory_space<vmem>> -> memref<1x125xi32, #tpu.memory_space<vmem>>
        %dma_start3A_130 = tpu.memref_squeeze %dma_start3A_129 : memref<1x125xi32, #tpu.memory_space<vmem>> -> memref<125xi32, #tpu.memory_space<vmem>>
        %dma_start3A_131 = arith.constant 0 : i32
        %dma_start3A_132 = arith.constant 0 : i32
        %dma_start3A_133 = tpu.memref_slice %arg2[%dma_start3A_131, %dma_start3A_132] : memref<10000x128xf32, #tpu.memory_space<hbm>> -> memref<10000x128xf32, #tpu.memory_space<hbm>>
        tpu.enqueue_indirect_dma source(%dma_start3A_133 : memref<10000x128xf32, #tpu.memory_space<hbm>>) target(%arg9 : memref<125x128xf32, #tpu.memory_space<vmem>>) offsets(%dma_start3A_130 : memref<125xi32, #tpu.memory_space<vmem>>) semaphore(%arg12 : memref<!tpu.dma_semaphore, #tpu.memory_space<semaphore_mem>>)
      } else {
      }
      %add3A_113 = arith.constant 1 : i32
      %add3A_114 = arith.addi %rem3A_100, %add3A_113 : i32
      %dma_wait3A_115 = arith.constant 0 : i32
      %dma_wait3A_116 = tpu.memref_slice %arg7[%add3A_114, %dma_wait3A_115] : memref<40x125xi32, #tpu.memory_space<vmem>> -> memref<1x125xi32, #tpu.memory_space<vmem>>
      %dma_wait3A_117 = tpu.memref_squeeze %dma_wait3A_116 : memref<1x125xi32, #tpu.memory_space<vmem>> -> memref<125xi32, #tpu.memory_space<vmem>>
      %dma_wait3A_118 = arith.constant 0 : i32
      %dma_wait3A_119 = arith.constant 0 : i32
      %dma_wait3A_120 = tpu.memref_slice %arg2[%dma_wait3A_118, %dma_wait3A_119] : memref<10000x128xf32, #tpu.memory_space<hbm>> -> memref<10000x128xf32, #tpu.memory_space<hbm>>
      tpu.wait_indirect_dma semaphore(%arg13 : memref<!tpu.dma_semaphore, #tpu.memory_space<semaphore_mem>>) src(%dma_wait3A_120 : memref<10000x128xf32, #tpu.memory_space<hbm>>) dst(%arg10 : memref<125x128xf32, #tpu.memory_space<vmem>>)
      %add3A_121 = arith.constant 1 : i32
      %add3A_122 = arith.addi %rem3A_100, %add3A_121 : i32
      "tpu.region"() ({
        %run_scoped3A = tpu.sem_alloc : memref<!tpu.dma_semaphore, #tpu.memory_space<semaphore_mem>>
        %dma_start3A_126 = arith.constant 0 : i32
        %dma_start3A_127 = tpu.memref_slice %arg8[%add3A_122, %dma_start3A_126] : memref<40x125xi32, #tpu.memory_space<vmem>> -> memref<1x125xi32, #tpu.memory_space<vmem>>
        %dma_start3A_128 = tpu.memref_squeeze %dma_start3A_127 : memref<1x125xi32, #tpu.memory_space<vmem>> -> memref<125xi32, #tpu.memory_space<vmem>>
        %dma_start3A_129 = arith.constant 0 : i32
        %dma_start3A_130 = arith.constant 0 : i32
        %dma_start3A_131 = tpu.memref_slice %arg11[%dma_start3A_129, %dma_start3A_130] : memref<10000x128xf32, #tpu.memory_space<vmem_shared>> -> memref<10000x128xf32, #tpu.memory_space<vmem_shared>>
        tpu.enqueue_indirect_dma source(%arg10 : memref<125x128xf32, #tpu.memory_space<vmem>>) target(%dma_start3A_131 : memref<10000x128xf32, #tpu.memory_space<vmem_shared>>) offsets(%dma_start3A_128 : memref<125xi32, #tpu.memory_space<vmem>>) semaphore(%run_scoped3A : memref<!tpu.dma_semaphore, #tpu.memory_space<semaphore_mem>>) {add = true}
        %dma_wait3A_132 = arith.constant 0 : i32
        %dma_wait3A_133 = tpu.memref_slice %arg8[%add3A_122, %dma_wait3A_132] : memref<40x125xi32, #tpu.memory_space<vmem>> -> memref<1x125xi32, #tpu.memory_space<vmem>>
        %dma_wait3A_134 = tpu.memref_squeeze %dma_wait3A_133 : memref<1x125xi32, #tpu.memory_space<vmem>> -> memref<125xi32, #tpu.memory_space<vmem>>
        %dma_wait3A_135 = arith.constant 0 : i32
        %dma_wait3A_136 = arith.constant 0 : i32
        %dma_wait3A_137 = tpu.memref_slice %arg11[%dma_wait3A_135, %dma_wait3A_136] : memref<10000x128xf32, #tpu.memory_space<vmem_shared>> -> memref<10000x128xf32, #tpu.memory_space<vmem_shared>>
        tpu.wait_indirect_dma semaphore(%run_scoped3A : memref<!tpu.dma_semaphore, #tpu.memory_space<semaphore_mem>>) src(%arg10 : memref<125x128xf32, #tpu.memory_space<vmem>>) dst(%dma_wait3A_137 : memref<10000x128xf32, #tpu.memory_space<vmem_shared>>)
        tpu.yield
      }) : () -> ()
      %convert_element_type3A_123 = arith.extui %and3A : i1 to i32
      %cond3A_124 = arith.constant 0 : i32
      %cond3A_125 = arith.cmpi ne, %convert_element_type3A_123, %cond3A_124 : i32
      scf.if %cond3A_125 {
        %add3A_126 = arith.constant 3 : i32
        %add3A_127 = arith.addi %rem3A_100, %add3A_126 : i32
        %dma_start3A_128 = arith.constant 0 : i32
        %dma_start3A_129 = tpu.memref_slice %arg7[%add3A_127, %dma_start3A_128] : memref<40x125xi32, #tpu.memory_space<vmem>> -> memref<1x125xi32, #tpu.memory_space<vmem>>
        %dma_start3A_130 = tpu.memref_squeeze %dma_start3A_129 : memref<1x125xi32, #tpu.memory_space<vmem>> -> memref<125xi32, #tpu.memory_space<vmem>>
        %dma_start3A_131 = arith.constant 0 : i32
        %dma_start3A_132 = arith.constant 0 : i32
        %dma_start3A_133 = tpu.memref_slice %arg2[%dma_start3A_131, %dma_start3A_132] : memref<10000x128xf32, #tpu.memory_space<hbm>> -> memref<10000x128xf32, #tpu.memory_space<hbm>>
        tpu.enqueue_indirect_dma source(%dma_start3A_133 : memref<10000x128xf32, #tpu.memory_space<hbm>>) target(%arg10 : memref<125x128xf32, #tpu.memory_space<vmem>>) offsets(%dma_start3A_130 : memref<125xi32, #tpu.memory_space<vmem>>) semaphore(%arg13 : memref<!tpu.dma_semaphore, #tpu.memory_space<semaphore_mem>>)
      } else {
      }
    }
    %scan3A_59 = arith.constant 40 : i32
    %barrier3A_60 = arith.constant 0 : index
    tpu.barrier barrier_id(%barrier3A_60)
    %scan3A_61 = arith.constant 0 : i32
    %mul3A_62 = arith.constant 1 : i32
    %mul3A_63 = arith.muli %scan3A_61, %mul3A_62 : i32
    %add3A_64 = arith.constant 0 : i32
    %add3A_65 = arith.addi %add3A_64, %mul3A_63 : i32
    %mul3A_66 = arith.constant 16 : i32
    %mul3A_67 = arith.muli %add3A_65, %mul3A_66 : i32
    %add3A_68 = arith.addi %arg1, %mul3A_67 : i32
    %lt3A_69 = arith.constant 10 : i32
    %lt3A_70 = arith.cmpi slt, %add3A_68, %lt3A_69 : i32
    %convert_element_type3A_71 = arith.extui %lt3A_70 : i1 to i32
    %cond3A_72 = arith.constant 0 : i32
    %cond3A_73 = arith.cmpi ne, %convert_element_type3A_71, %cond3A_72 : i32
    scf.if %cond3A_73 {
      %mul3A_89 = arith.constant 1000 : i32
      %mul3A_90 = arith.muli %add3A_68, %mul3A_89 : i32
      %multiple_of3A_91 = tpu.assume_multiple %mul3A_90, 8 : i32
      %mul3A_92 = arith.constant 10000 : i32
      %mul3A_93 = arith.muli %arg0, %mul3A_92 : i32
      %add3A_94 = arith.addi %mul3A_93, %multiple_of3A_91 : i32
      %dma_start3A_95 = arith.constant 0 : i32
      %dma_start3A_96 = tpu.memref_slice %arg6[%add3A_94, %dma_start3A_95] : memref<20000x128xf32, #tpu.memory_space<hbm>> -> memref<1000x128xf32, #tpu.memory_space<hbm>>
      %dma_start3A_97 = arith.constant 0 : i32
      %dma_start3A_98 = tpu.memref_slice %arg11[%multiple_of3A_91, %dma_start3A_97] : memref<10000x128xf32, #tpu.memory_space<vmem_shared>> -> memref<1000x128xf32, #tpu.memory_space<vmem_shared>>
      tpu.enqueue_dma source(%dma_start3A_98 : memref<1000x128xf32, #tpu.memory_space<vmem_shared>>) target(%dma_start3A_96 : memref<1000x128xf32, #tpu.memory_space<hbm>>) target_semaphore(%arg12 : memref<!tpu.dma_semaphore, #tpu.memory_space<semaphore_mem>>)
    } else {
    }
    %scan3A_74 = arith.constant 1 : i32
    %scan3A_75 = arith.constant 0 : i32
    %mul3A_76 = arith.constant 1 : i32
    %mul3A_77 = arith.muli %scan3A_75, %mul3A_76 : i32
    %add3A_78 = arith.constant 0 : i32
    %add3A_79 = arith.addi %add3A_78, %mul3A_77 : i32
    %mul3A_80 = arith.constant 16 : i32
    %mul3A_81 = arith.muli %add3A_79, %mul3A_80 : i32
    %add3A_82 = arith.addi %arg1, %mul3A_81 : i32
    %lt3A_83 = arith.constant 10 : i32
    %lt3A_84 = arith.cmpi slt, %add3A_82, %lt3A_83 : i32
    %convert_element_type3A_85 = arith.extui %lt3A_84 : i1 to i32
    %cond3A_86 = arith.constant 0 : i32
    %cond3A_87 = arith.cmpi ne, %convert_element_type3A_85, %cond3A_86 : i32
    scf.if %cond3A_87 {
      %mul3A_89 = arith.constant 1000 : i32
      %mul3A_90 = arith.muli %add3A_82, %mul3A_89 : i32
      %multiple_of3A_91 = tpu.assume_multiple %mul3A_90, 8 : i32
      %mul3A_92 = arith.constant 10000 : i32
      %mul3A_93 = arith.muli %arg0, %mul3A_92 : i32
      %add3A_94 = arith.addi %mul3A_93, %multiple_of3A_91 : i32
      %dma_wait3A_95 = arith.constant 0 : i32
      %dma_wait3A_96 = tpu.memref_slice %arg6[%add3A_94, %dma_wait3A_95] : memref<20000x128xf32, #tpu.memory_space<hbm>> -> memref<1000x128xf32, #tpu.memory_space<hbm>>
      %dma_wait3A_97 = arith.constant 0 : i32
      %dma_wait3A_98 = tpu.memref_slice %arg11[%multiple_of3A_91, %dma_wait3A_97] : memref<10000x128xf32, #tpu.memory_space<vmem_shared>> -> memref<1000x128xf32, #tpu.memory_space<vmem_shared>>
      tpu.wait_dma2 semaphore(%arg12 : memref<!tpu.dma_semaphore, #tpu.memory_space<semaphore_mem>>) src(%dma_wait3A_98 : memref<1000x128xf32, #tpu.memory_space<vmem_shared>>) dst(%dma_wait3A_96 : memref<1000x128xf32, #tpu.memory_space<hbm>>)
    } else {
    }
    %scan3A_88 = arith.constant 1 : i32
    return
  }
}

module attributes {stable_mosaic.version = 14 : i64} {
  func.func @_tmm_body(%arg0: i32, %arg1: memref<2000x128xf32, #tpu.memory_space<vmem>>, %arg2: memref<128x128xf32, #tpu.memory_space<vmem>>, %arg3: memref<2000x128xf32, #tpu.memory_space<vmem>>) attributes {dimension_semantics = [#tpu.dimension_semantics<arbitrary>], iteration_bounds = array<i64: 5>, scalar_prefetch = 0 : i64, scratch_operands = 0 : i64, tpu.core_type = #tpu.core_type<tc>, window_params = [{transform_indices = @transform_0, window_bounds = array<i64: 2000, 128>}, {pipeline_mode = #tpu.pipeline_mode<synchronous>, transform_indices = @transform_1, window_bounds = array<i64: 128, 128>}, {transform_indices = @transform_2, window_bounds = array<i64: 2000, 128>}]} {
    %get3A = arith.constant 0 : index
    %get3A_0 = arith.constant 0 : index
    %get3A_1 = vector.load %arg1[%get3A, %get3A_0] : memref<2000x128xf32, #tpu.memory_space<vmem>>, vector<2000x128xf32>
    %get3A_2 = arith.constant 0 : index
    %get3A_3 = arith.constant 0 : index
    %get3A_4 = vector.load %arg2[%get3A_2, %get3A_3] : memref<128x128xf32, #tpu.memory_space<vmem>>, vector<128x128xf32>
    %dot_general3A = arith.constant dense<0.000000e+00> : vector<2000x128xf32>
    %dot_general3A_5 = tpu.matmul %get3A_1, %get3A_4, %dot_general3A {dimension_numbers = #tpu.dot_dimension_numbers<[1], [0], [0], [1], [0, 0, 1, 1], [], []>, transpose_lhs_hint = false} : vector<2000x128xf32>, vector<128x128xf32>, vector<2000x128xf32> -> vector<2000x128xf32>
    %swap3A = arith.constant 0 : index
    %swap3A_6 = arith.constant 0 : index
    %swap3A_7 = vector.load %arg3[%swap3A, %swap3A_6] : memref<2000x128xf32, #tpu.memory_space<vmem>>, vector<2000x128xf32>
    tpu.vector_store %arg3[%swap3A, %swap3A_6], %dot_general3A_5 {strides = array<i32>} : memref<2000x128xf32, #tpu.memory_space<vmem>>, vector<2000x128xf32>,
    return
  }
  func.func @transform_0(%arg0: i32) -> (i32, i32) {
    %c0_i32 = arith.constant 0 : i32
    %c0_i32_0 = arith.constant 0 : i32
    return %arg0, %c0_i32 : i32, i32
  }
  func.func @transform_1(%arg0: i32) -> (i32, i32) {
    %c0_i32 = arith.constant 0 : i32
    %c0_i32_0 = arith.constant 0 : i32
    %c0_i32_1 = arith.constant 0 : i32
    return %c0_i32, %c0_i32_0 : i32, i32
  }
  func.func @transform_2(%arg0: i32) -> (i32, i32) {
    %c0_i32 = arith.constant 0 : i32
    %c0_i32_0 = arith.constant 0 : i32
    return %arg0, %c0_i32 : i32, i32
  }
}

module attributes {stable_mosaic.version = 14 : i64} {
  func.func @_t0_body(%arg0: i32, %arg1: memref<2000x128xf32, #tpu.memory_space<vmem>>, %arg2: memref<2000x128xf32, #tpu.memory_space<vmem>>, %arg3: memref<2000x128xf32, #tpu.memory_space<vmem>>, %arg4: memref<2000x128xf32, #tpu.memory_space<vmem>>, %arg5: memref<2000x128xf32, #tpu.memory_space<vmem>>) attributes {dimension_semantics = [#tpu.dimension_semantics<arbitrary>], iteration_bounds = array<i64: 5>, scalar_prefetch = 0 : i64, scratch_operands = 0 : i64, tpu.core_type = #tpu.core_type<tc>, window_params = [{transform_indices = @transform_0, window_bounds = array<i64: 2000, 128>}, {transform_indices = @transform_1, window_bounds = array<i64: 2000, 128>}, {transform_indices = @transform_2, window_bounds = array<i64: 2000, 128>}, {transform_indices = @transform_3, window_bounds = array<i64: 2000, 128>}, {transform_indices = @transform_4, window_bounds = array<i64: 2000, 128>}]} {
    %get3A = arith.constant 0 : index
    %get3A_0 = arith.constant 0 : index
    %get3A_1 = vector.load %arg2[%get3A, %get3A_0] : memref<2000x128xf32, #tpu.memory_space<vmem>>, vector<2000x128xf32>
    %slice3A = vector.extract_strided_slice %get3A_1 {offsets = [0, 0], sizes = [2000, 1], strides = [1, 1]} : vector<2000x128xf32> to vector<2000x1xf32>
    %get3A_2 = arith.constant 0 : index
    %get3A_3 = arith.constant 0 : index
    %get3A_4 = vector.load %arg3[%get3A_2, %get3A_3] : memref<2000x128xf32, #tpu.memory_space<vmem>>, vector<2000x128xf32>
    %slice3A_5 = vector.extract_strided_slice %get3A_4 {offsets = [0, 0], sizes = [2000, 1], strides = [1, 1]} : vector<2000x128xf32> to vector<2000x1xf32>
    %add3A = arith.addf %slice3A, %slice3A_5 : vector<2000x1xf32>
    %add3A_6 = arith.constant 1.000000e+00 : f32
    %add3A_7 = vector.broadcast %add3A_6 : f32 to vector<2000x1xf32>
    %add3A_8 = arith.addf %add3A_7, %add3A : vector<2000x1xf32>
    %rsqrt3A = math.rsqrt %add3A_8 : vector<2000x1xf32>
    %broadcast_in_dim3A = vector.shape_cast %rsqrt3A : vector<2000x1xf32> to vector<2000x1xf32>
    %broadcast_in_dim3A_9 = vector.broadcast %broadcast_in_dim3A : vector<2000x1xf32> to vector<2000x128xf32>
    %swap3A = arith.constant 0 : index
    %swap3A_10 = arith.constant 0 : index
    %swap3A_11 = vector.load %arg5[%swap3A, %swap3A_10] : memref<2000x128xf32, #tpu.memory_space<vmem>>, vector<2000x128xf32>
    tpu.vector_store %arg5[%swap3A, %swap3A_10], %broadcast_in_dim3A_9 {strides = array<i32>} : memref<2000x128xf32, #tpu.memory_space<vmem>>, vector<2000x128xf32>,
    %get3A_12 = arith.constant 0 : index
    %get3A_13 = arith.constant 0 : index
    %get3A_14 = vector.load %arg1[%get3A_12, %get3A_13] : memref<2000x128xf32, #tpu.memory_space<vmem>>, vector<2000x128xf32>
    %mul3A = arith.mulf %get3A_14, %broadcast_in_dim3A_9 : vector<2000x128xf32>
    %swap3A_15 = arith.constant 0 : index
    %swap3A_16 = arith.constant 0 : index
    %swap3A_17 = vector.load %arg4[%swap3A_15, %swap3A_16] : memref<2000x128xf32, #tpu.memory_space<vmem>>, vector<2000x128xf32>
    tpu.vector_store %arg4[%swap3A_15, %swap3A_16], %mul3A {strides = array<i32>} : memref<2000x128xf32, #tpu.memory_space<vmem>>, vector<2000x128xf32>,
    return
  }
  func.func @transform_0(%arg0: i32) -> (i32, i32) {
    %c0_i32 = arith.constant 0 : i32
    %c0_i32_0 = arith.constant 0 : i32
    return %arg0, %c0_i32 : i32, i32
  }
  func.func @transform_1(%arg0: i32) -> (i32, i32) {
    %c0_i32 = arith.constant 0 : i32
    %c0_i32_0 = arith.constant 0 : i32
    return %arg0, %c0_i32 : i32, i32
  }
  func.func @transform_2(%arg0: i32) -> (i32, i32) {
    %add3A = arith.constant 5 : i32
    %add3A_0 = arith.addi %arg0, %add3A : i32
    %c0_i32 = arith.constant 0 : i32
    %c0_i32_1 = arith.constant 0 : i32
    return %add3A_0, %c0_i32 : i32, i32
  }
  func.func @transform_3(%arg0: i32) -> (i32, i32) {
    %c0_i32 = arith.constant 0 : i32
    %c0_i32_0 = arith.constant 0 : i32
    return %arg0, %c0_i32 : i32, i32
  }
  func.func @transform_4(%arg0: i32) -> (i32, i32) {
    %c0_i32 = arith.constant 0 : i32
    %c0_i32_0 = arith.constant 0 : i32
    return %arg0, %c0_i32 : i32, i32
  }
}

module attributes {stable_mosaic.version = 14 : i64} {
  func.func @_tmid_body(%arg0: i32, %arg1: memref<2000x128xf32, #tpu.memory_space<vmem>>, %arg2: memref<2000x128xf32, #tpu.memory_space<vmem>>, %arg3: memref<2000x128xf32, #tpu.memory_space<vmem>>, %arg4: memref<2000x128xf32, #tpu.memory_space<vmem>>, %arg5: memref<1x128xf32, #tpu.memory_space<vmem>>, %arg6: memref<128x128xf32, #tpu.memory_space<vmem>>, %arg7: memref<2000x128xf32, #tpu.memory_space<vmem>>) attributes {dimension_semantics = [#tpu.dimension_semantics<arbitrary>], iteration_bounds = array<i64: 5>, scalar_prefetch = 0 : i64, scratch_operands = 0 : i64, tpu.core_type = #tpu.core_type<tc>, window_params = [{transform_indices = @transform_0, window_bounds = array<i64: 2000, 128>}, {transform_indices = @transform_1, window_bounds = array<i64: 2000, 128>}, {transform_indices = @transform_2, window_bounds = array<i64: 2000, 128>}, {transform_indices = @transform_3, window_bounds = array<i64: 2000, 128>}, {pipeline_mode = #tpu.pipeline_mode<synchronous>, transform_indices = @transform_4, window_bounds = array<i64: 1, 128>}, {pipeline_mode = #tpu.pipeline_mode<synchronous>, transform_indices = @transform_5, window_bounds = array<i64: 128, 128>}, {transform_indices = @transform_6, window_bounds = array<i64: 2000, 128>}]} {
    %get3A = arith.constant 0 : index
    %get3A_0 = arith.constant 0 : index
    %get3A_1 = vector.load %arg4[%get3A, %get3A_0] : memref<2000x128xf32, #tpu.memory_space<vmem>>, vector<2000x128xf32>
    %get3A_2 = arith.constant 0 : index
    %get3A_3 = arith.constant 0 : index
    %get3A_4 = vector.load %arg1[%get3A_2, %get3A_3] : memref<2000x128xf32, #tpu.memory_space<vmem>>, vector<2000x128xf32>
    %get3A_5 = arith.constant 0 : index
    %get3A_6 = arith.constant 0 : index
    %get3A_7 = vector.load %arg2[%get3A_5, %get3A_6] : memref<2000x128xf32, #tpu.memory_space<vmem>>, vector<2000x128xf32>
    %add3A = arith.addf %get3A_4, %get3A_7 : vector<2000x128xf32>
    %get3A_8 = arith.constant 0 : index
    %get3A_9 = arith.constant 0 : index
    %get3A_10 = vector.load %arg3[%get3A_8, %get3A_9] : memref<2000x128xf32, #tpu.memory_space<vmem>>, vector<2000x128xf32>
    %add3A_11 = arith.addf %add3A, %get3A_10 : vector<2000x128xf32>
    %mul3A = arith.mulf %get3A_1, %add3A_11 : vector<2000x128xf32>
    %get3A_12 = arith.constant 0 : index
    %get3A_13 = arith.constant 0 : index
    %get3A_14 = vector.load %arg5[%get3A_12, %get3A_13] : memref<1x128xf32, #tpu.memory_space<vmem>>, vector<1x128xf32>
    %add3A_15 = vector.broadcast %get3A_14 : vector<1x128xf32> to vector<2000x128xf32>
    %add3A_16 = arith.addf %mul3A, %add3A_15 : vector<2000x128xf32>
    %max3A = arith.constant 0.000000e+00 : f32
    %max3A_17 = vector.broadcast %max3A : f32 to vector<2000x128xf32>
    %max3A_18 = arith.maximumf %add3A_16, %max3A_17 : vector<2000x128xf32>
    %get3A_19 = arith.constant 0 : index
    %get3A_20 = arith.constant 0 : index
    %get3A_21 = vector.load %arg6[%get3A_19, %get3A_20] : memref<128x128xf32, #tpu.memory_space<vmem>>, vector<128x128xf32>
    %dot_general3A = arith.constant dense<0.000000e+00> : vector<2000x128xf32>
    %dot_general3A_22 = tpu.matmul %max3A_18, %get3A_21, %dot_general3A {dimension_numbers = #tpu.dot_dimension_numbers<[1], [0], [0], [1], [0, 0, 1, 1], [], []>, transpose_lhs_hint = false} : vector<2000x128xf32>, vector<128x128xf32>, vector<2000x128xf32> -> vector<2000x128xf32>
    %mul3A_23 = arith.mulf %dot_general3A_22, %get3A_1 : vector<2000x128xf32>
    %swap3A = arith.constant 0 : index
    %swap3A_24 = arith.constant 0 : index
    %swap3A_25 = vector.load %arg7[%swap3A, %swap3A_24] : memref<2000x128xf32, #tpu.memory_space<vmem>>, vector<2000x128xf32>
    tpu.vector_store %arg7[%swap3A, %swap3A_24], %mul3A_23 {strides = array<i32>} : memref<2000x128xf32, #tpu.memory_space<vmem>>, vector<2000x128xf32>,
    return
  }
  func.func @transform_0(%arg0: i32) -> (i32, i32) {
    %c0_i32 = arith.constant 0 : i32
    %c0_i32_0 = arith.constant 0 : i32
    return %arg0, %c0_i32 : i32, i32
  }
  func.func @transform_1(%arg0: i32) -> (i32, i32) {
    %add3A = arith.constant 5 : i32
    %add3A_0 = arith.addi %arg0, %add3A : i32
    %c0_i32 = arith.constant 0 : i32
    %c0_i32_1 = arith.constant 0 : i32
    return %add3A_0, %c0_i32 : i32, i32
  }
  func.func @transform_2(%arg0: i32) -> (i32, i32) {
    %c0_i32 = arith.constant 0 : i32
    %c0_i32_0 = arith.constant 0 : i32
    return %arg0, %c0_i32 : i32, i32
  }
  func.func @transform_3(%arg0: i32) -> (i32, i32) {
    %c0_i32 = arith.constant 0 : i32
    %c0_i32_0 = arith.constant 0 : i32
    return %arg0, %c0_i32 : i32, i32
  }
  func.func @transform_4(%arg0: i32) -> (i32, i32) {
    %c0_i32 = arith.constant 0 : i32
    %c0_i32_0 = arith.constant 0 : i32
    %c0_i32_1 = arith.constant 0 : i32
    return %c0_i32, %c0_i32_0 : i32, i32
  }
  func.func @transform_5(%arg0: i32) -> (i32, i32) {
    %c0_i32 = arith.constant 0 : i32
    %c0_i32_0 = arith.constant 0 : i32
    %c0_i32_1 = arith.constant 0 : i32
    return %c0_i32, %c0_i32_0 : i32, i32
  }
  func.func @transform_6(%arg0: i32) -> (i32, i32) {
    %c0_i32 = arith.constant 0 : i32
    %c0_i32_0 = arith.constant 0 : i32
    return %arg0, %c0_i32 : i32, i32
  }
}

module attributes {stable_mosaic.version = 14 : i64} {
  func.func @_t4_body(%arg0: i32, %arg1: memref<2000x128xf32, #tpu.memory_space<vmem>>, %arg2: memref<2000x128xf32, #tpu.memory_space<vmem>>, %arg3: memref<2000x128xf32, #tpu.memory_space<vmem>>, %arg4: memref<2000x128xf32, #tpu.memory_space<vmem>>, %arg5: memref<1x128xf32, #tpu.memory_space<vmem>>, %arg6: memref<2000x1xi32, #tpu.memory_space<vmem>>, %arg7: memref<128x128xf32, #tpu.memory_space<vmem>>, %arg8: memref<1x128xf32, #tpu.memory_space<vmem>>, %arg9: memref<64x128xf32, #tpu.memory_space<vmem>>, %arg10: memref<64x128xf32, #tpu.memory_space<vmem>>, %arg11: memref<64x128xf32, #tpu.memory_space<vmem>>) attributes {dimension_semantics = [#tpu.dimension_semantics<arbitrary>], iteration_bounds = array<i64: 5>, scalar_prefetch = 0 : i64, scratch_operands = 0 : i64, tpu.core_type = #tpu.core_type<tc>, window_params = [{transform_indices = @transform_0, window_bounds = array<i64: 2000, 128>}, {transform_indices = @transform_1, window_bounds = array<i64: 2000, 128>}, {transform_indices = @transform_2, window_bounds = array<i64: 2000, 128>}, {transform_indices = @transform_3, window_bounds = array<i64: 2000, 128>}, {pipeline_mode = #tpu.pipeline_mode<synchronous>, transform_indices = @transform_4, window_bounds = array<i64: 1, 128>}, {transform_indices = @transform_5, window_bounds = array<i64: 2000, 1>}, {pipeline_mode = #tpu.pipeline_mode<synchronous>, transform_indices = @transform_6, window_bounds = array<i64: 128, 128>}, {pipeline_mode = #tpu.pipeline_mode<synchronous>, transform_indices = @transform_7, window_bounds = array<i64: 1, 128>}, {pipeline_mode = #tpu.pipeline_mode<synchronous>, transform_indices = @transform_8, window_bounds = array<i64: 64, 128>}, {pipeline_mode = #tpu.pipeline_mode<synchronous>, transform_indices = @transform_9, window_bounds = array<i64: 64, 128>}, {pipeline_mode = #tpu.pipeline_mode<synchronous>, transform_indices = @transform_10, window_bounds = array<i64: 64, 128>}]} {
    %get3A = arith.constant 0 : index
    %get3A_0 = arith.constant 0 : index
    %get3A_1 = vector.load %arg4[%get3A, %get3A_0] : memref<2000x128xf32, #tpu.memory_space<vmem>>, vector<2000x128xf32>
    %get3A_2 = arith.constant 0 : index
    %get3A_3 = arith.constant 0 : index
    %get3A_4 = vector.load %arg1[%get3A_2, %get3A_3] : memref<2000x128xf32, #tpu.memory_space<vmem>>, vector<2000x128xf32>
    %get3A_5 = arith.constant 0 : index
    %get3A_6 = arith.constant 0 : index
    %get3A_7 = vector.load %arg2[%get3A_5, %get3A_6] : memref<2000x128xf32, #tpu.memory_space<vmem>>, vector<2000x128xf32>
    %add3A = arith.addf %get3A_4, %get3A_7 : vector<2000x128xf32>
    %get3A_8 = arith.constant 0 : index
    %get3A_9 = arith.constant 0 : index
    %get3A_10 = vector.load %arg3[%get3A_8, %get3A_9] : memref<2000x128xf32, #tpu.memory_space<vmem>>, vector<2000x128xf32>
    %add3A_11 = arith.addf %add3A, %get3A_10 : vector<2000x128xf32>
    %mul3A = arith.mulf %get3A_1, %add3A_11 : vector<2000x128xf32>
    %get3A_12 = arith.constant 0 : index
    %get3A_13 = arith.constant 0 : index
    %get3A_14 = vector.load %arg5[%get3A_12, %get3A_13] : memref<1x128xf32, #tpu.memory_space<vmem>>, vector<1x128xf32>
    %add3A_15 = vector.broadcast %get3A_14 : vector<1x128xf32> to vector<2000x128xf32>
    %add3A_16 = arith.addf %mul3A, %add3A_15 : vector<2000x128xf32>
    %iota3A = tpu.iota {dimensions = array<i32: 1>} : vector<2000x64xi32>
    %get3A_17 = arith.constant 0 : index
    %get3A_18 = arith.constant 0 : index
    %get3A_19 = vector.load %arg6[%get3A_17, %get3A_18] : memref<2000x1xi32, #tpu.memory_space<vmem>>, vector<2000x1xi32>
    %eq3A = vector.broadcast %get3A_19 : vector<2000x1xi32> to vector<2000x64xi32>
    %eq3A_20 = arith.cmpi eq, %eq3A, %iota3A : vector<2000x64xi32>
    %convert_element_type3A = arith.extui %eq3A_20 : vector<2000x64xi1> to vector<2000x64xi32>
    %convert_element_type3A_21 = arith.sitofp %convert_element_type3A : vector<2000x64xi32> to vector<2000x64xf32>
    %dot_general3A = arith.constant dense<0.000000e+00> : vector<64x128xf32>
    %dot_general3A_22 = tpu.matmul %convert_element_type3A_21, %add3A_16, %dot_general3A {dimension_numbers = #tpu.dot_dimension_numbers<[0], [0], [1], [1], [0, 1, 1, 1], [], []>, transpose_lhs_hint = false} : vector<2000x64xf32>, vector<2000x128xf32>, vector<64x128xf32> -> vector<64x128xf32>
    %reduce_sum3A = arith.constant dense<0.000000e+00> : vector<64xf32>
    %reduce_sum3A_23 = vector.multi_reduction <add>, %convert_element_type3A_21, %reduce_sum3A [0] : vector<2000x64xf32> to vector<64xf32>
    %broadcast_in_dim3A = vector.shape_cast %reduce_sum3A_23 : vector<64xf32> to vector<64x1xf32>
    %broadcast_in_dim3A_24 = vector.shape_cast %broadcast_in_dim3A : vector<64x1xf32> to vector<64x1xf32>
    %broadcast_in_dim3A_25 = vector.broadcast %broadcast_in_dim3A_24 : vector<64x1xf32> to vector<64x128xf32>
    %eq3A_26 = arith.constant 0 : i32
    %eq3A_27 = arith.cmpi eq, %arg0, %eq3A_26 : i32
    %convert_element_type3A_28 = arith.extui %eq3A_27 : i1 to i32
    %cond3A = arith.constant 0 : i32
    %cond3A_29 = arith.cmpi ne, %convert_element_type3A_28, %cond3A : i32
    scf.if %cond3A_29 {
      %swap3A = arith.constant 0 : index
      %swap3A_39 = arith.constant 0 : index
      %swap3A_40 = vector.load %arg9[%swap3A, %swap3A_39] : memref<64x128xf32, #tpu.memory_space<vmem>>, vector<64x128xf32>
      tpu.vector_store %arg9[%swap3A, %swap3A_39], %dot_general3A_22 {strides = array<i32>} : memref<64x128xf32, #tpu.memory_space<vmem>>, vector<64x128xf32>,
      %swap3A_41 = arith.constant 0 : index
      %swap3A_42 = arith.constant 0 : index
      %swap3A_43 = vector.load %arg10[%swap3A_41, %swap3A_42] : memref<64x128xf32, #tpu.memory_space<vmem>>, vector<64x128xf32>
      tpu.vector_store %arg10[%swap3A_41, %swap3A_42], %broadcast_in_dim3A_25 {strides = array<i32>} : memref<64x128xf32, #tpu.memory_space<vmem>>, vector<64x128xf32>,
    } else {
    }
    %gt3A = arith.constant 0 : i32
    %gt3A_30 = arith.cmpi sgt, %arg0, %gt3A : i32
    %convert_element_type3A_31 = arith.extui %gt3A_30 : i1 to i32
    %cond3A_32 = arith.constant 0 : i32
    %cond3A_33 = arith.cmpi ne, %convert_element_type3A_31, %cond3A_32 : i32
    scf.if %cond3A_33 {
      %get3A_39 = arith.constant 0 : index
      %get3A_40 = arith.constant 0 : index
      %get3A_41 = vector.load %arg9[%get3A_39, %get3A_40] : memref<64x128xf32, #tpu.memory_space<vmem>>, vector<64x128xf32>
      %add3A_42 = arith.addf %get3A_41, %dot_general3A_22 : vector<64x128xf32>
      %swap3A = arith.constant 0 : index
      %swap3A_43 = arith.constant 0 : index
      %swap3A_44 = vector.load %arg9[%swap3A, %swap3A_43] : memref<64x128xf32, #tpu.memory_space<vmem>>, vector<64x128xf32>
      tpu.vector_store %arg9[%swap3A, %swap3A_43], %add3A_42 {strides = array<i32>} : memref<64x128xf32, #tpu.memory_space<vmem>>, vector<64x128xf32>,
      %get3A_45 = arith.constant 0 : index
      %get3A_46 = arith.constant 0 : index
      %get3A_47 = vector.load %arg10[%get3A_45, %get3A_46] : memref<64x128xf32, #tpu.memory_space<vmem>>, vector<64x128xf32>
      %add3A_48 = arith.addf %get3A_47, %broadcast_in_dim3A_25 : vector<64x128xf32>
      %swap3A_49 = arith.constant 0 : index
      %swap3A_50 = arith.constant 0 : index
      %swap3A_51 = vector.load %arg10[%swap3A_49, %swap3A_50] : memref<64x128xf32, #tpu.memory_space<vmem>>, vector<64x128xf32>
      tpu.vector_store %arg10[%swap3A_49, %swap3A_50], %add3A_48 {strides = array<i32>} : memref<64x128xf32, #tpu.memory_space<vmem>>, vector<64x128xf32>,
    } else {
    }
    %eq3A_34 = arith.constant 4 : i32
    %eq3A_35 = arith.cmpi eq, %arg0, %eq3A_34 : i32
    %convert_element_type3A_36 = arith.extui %eq3A_35 : i1 to i32
    %cond3A_37 = arith.constant 0 : i32
    %cond3A_38 = arith.cmpi ne, %convert_element_type3A_36, %cond3A_37 : i32
    scf.if %cond3A_38 {
      %get3A_39 = arith.constant 0 : index
      %get3A_40 = arith.constant 0 : index
      %get3A_41 = vector.load %arg9[%get3A_39, %get3A_40] : memref<64x128xf32, #tpu.memory_space<vmem>>, vector<64x128xf32>
      %get3A_42 = arith.constant 0 : index
      %get3A_43 = arith.constant 0 : index
      %get3A_44 = vector.load %arg10[%get3A_42, %get3A_43] : memref<64x128xf32, #tpu.memory_space<vmem>>, vector<64x128xf32>
      %max3A = arith.constant 1.000000e+00 : f32
      %max3A_45 = vector.broadcast %max3A : f32 to vector<64x128xf32>
      %max3A_46 = arith.maximumf %get3A_44, %max3A_45 : vector<64x128xf32>
      %div3A = arith.divf %get3A_41, %max3A_46 : vector<64x128xf32>
      %get3A_47 = arith.constant 0 : index
      %get3A_48 = arith.constant 0 : index
      %get3A_49 = vector.load %arg7[%get3A_47, %get3A_48] : memref<128x128xf32, #tpu.memory_space<vmem>>, vector<128x128xf32>
      %dot_general3A_50 = arith.constant dense<0.000000e+00> : vector<64x128xf32>
      %dot_general3A_51 = tpu.matmul %div3A, %get3A_49, %dot_general3A_50 {dimension_numbers = #tpu.dot_dimension_numbers<[1], [0], [0], [1], [0, 0, 1, 1], [], []>, transpose_lhs_hint = false} : vector<64x128xf32>, vector<128x128xf32>, vector<64x128xf32> -> vector<64x128xf32>
      %get3A_52 = arith.constant 0 : index
      %get3A_53 = arith.constant 0 : index
      %get3A_54 = vector.load %arg8[%get3A_52, %get3A_53] : memref<1x128xf32, #tpu.memory_space<vmem>>, vector<1x128xf32>
      %add3A_55 = vector.broadcast %get3A_54 : vector<1x128xf32> to vector<64x128xf32>
      %add3A_56 = arith.addf %dot_general3A_51, %add3A_55 : vector<64x128xf32>
      %swap3A = arith.constant 0 : index
      %swap3A_57 = arith.constant 0 : index
      %swap3A_58 = vector.load %arg11[%swap3A, %swap3A_57] : memref<64x128xf32, #tpu.memory_space<vmem>>, vector<64x128xf32>
      tpu.vector_store %arg11[%swap3A, %swap3A_57], %add3A_56 {strides = array<i32>} : memref<64x128xf32, #tpu.memory_space<vmem>>, vector<64x128xf32>,
    } else {
    }
    return
  }
  func.func @transform_0(%arg0: i32) -> (i32, i32) {
    %c0_i32 = arith.constant 0 : i32
    %c0_i32_0 = arith.constant 0 : i32
    return %arg0, %c0_i32 : i32, i32
  }
  func.func @transform_1(%arg0: i32) -> (i32, i32) {
    %add3A = arith.constant 5 : i32
    %add3A_0 = arith.addi %arg0, %add3A : i32
    %c0_i32 = arith.constant 0 : i32
    %c0_i32_1 = arith.constant 0 : i32
    return %add3A_0, %c0_i32 : i32, i32
  }
  func.func @transform_2(%arg0: i32) -> (i32, i32) {
    %c0_i32 = arith.constant 0 : i32
    %c0_i32_0 = arith.constant 0 : i32
    return %arg0, %c0_i32 : i32, i32
  }
  func.func @transform_3(%arg0: i32) -> (i32, i32) {
    %c0_i32 = arith.constant 0 : i32
    %c0_i32_0 = arith.constant 0 : i32
    return %arg0, %c0_i32 : i32, i32
  }
  func.func @transform_4(%arg0: i32) -> (i32, i32) {
    %c0_i32 = arith.constant 0 : i32
    %c0_i32_0 = arith.constant 0 : i32
    %c0_i32_1 = arith.constant 0 : i32
    return %c0_i32, %c0_i32_0 : i32, i32
  }
  func.func @transform_5(%arg0: i32) -> (i32, i32) {
    %c0_i32 = arith.constant 0 : i32
    %c0_i32_0 = arith.constant 0 : i32
    return %arg0, %c0_i32 : i32, i32
  }
  func.func @transform_6(%arg0: i32) -> (i32, i32) {
    %c0_i32 = arith.constant 0 : i32
    %c0_i32_0 = arith.constant 0 : i32
    %c0_i32_1 = arith.constant 0 : i32
    return %c0_i32, %c0_i32_0 : i32, i32
  }
  func.func @transform_7(%arg0: i32) -> (i32, i32) {
    %c0_i32 = arith.constant 0 : i32
    %c0_i32_0 = arith.constant 0 : i32
    %c0_i32_1 = arith.constant 0 : i32
    return %c0_i32, %c0_i32_0 : i32, i32
  }
  func.func @transform_8(%arg0: i32) -> (i32, i32) {
    %c0_i32 = arith.constant 0 : i32
    %c0_i32_0 = arith.constant 0 : i32
    %c0_i32_1 = arith.constant 0 : i32
    return %c0_i32, %c0_i32_0 : i32, i32
  }
  func.func @transform_9(%arg0: i32) -> (i32, i32) {
    %c0_i32 = arith.constant 0 : i32
    %c0_i32_0 = arith.constant 0 : i32
    %c0_i32_1 = arith.constant 0 : i32
    return %c0_i32, %c0_i32_0 : i32, i32
  }
  func.func @transform_10(%arg0: i32) -> (i32, i32) {
    %c0_i32 = arith.constant 0 : i32
    %c0_i32_0 = arith.constant 0 : i32
    %c0_i32_1 = arith.constant 0 : i32
    return %c0_i32, %c0_i32_0 : i32, i32
  }
}

</mosaic_0001>

<sc_bundles>
// kernel: kernel.13.cloned.1.call-start
scs
__scs_entry_jumppad:
0x0: {  	(pc) =	sbr.rel $0x88, $3  }
0x1: {  	(tag) =	ssettag $0x0;
	lr =	simm.s32 $0x1  }
0x2: {  	[smem:$0x3F94] =	sst lr;
	_ =	strace $0xD0000000  }
0x3: {  	_ = 	snop  }
0x4: {  	_ = 	snop  }
0x5: {  	_ = 	snop  }
0x6: {  	_ = 	snop  }
0x7: {  	_ = 	snop  }
__scs_overlays_trampoline_lowered:
0x8: {  	[smem:$0x3FA3] =	sst s0  }
0x9: {  	[smem:$0x3FA4] =	sst s1  }
0xa: {  	[smem:$0x3FA5] =	sst s2  }
0xb: {  	[smem:$0x3FA6] =	sst s3  }
0xc: {  	[smem:$0x3FA7] =	sst s4  }
0xd: {  	[smem:$0x3FA8] =	sst s5  }
0xe: {  	[smem:$0x3FA9] =	sst s6  }
0xf: {  	[smem:$0x3FAA] =	sst s7  }
0x10: {  	[smem:$0x3FAB] =	sst s8  }
0x11: {  	[smem:$0x3FAC] =	sst s9;
	s0 =	simm.s32 @!p0 $0x0  }
0x12: {  	s1 =	sld [smem:$0x3F92];
	s0 =	simm.s32 @p0 $0x1  }
0x13: {  	[smem:$0x3FAD] =	sst s0;
	s0 =	simm.s32 @!p1 $0x0  }
0x14: {  	s2 =	sld [smem:$0x3F91];
	s0 =	simm.s32 @p1 $0x1  }
0x15: {  	[smem:$0x3FAE] =	sst s0;
	s0 =	simm.s32 @!p2 $0x0  }
0x16: {  	s3 =	sld [smem:$0x3FDB];
	s0 =	simm.s32 @p2 $0x1  }
0x17: {  	s4 =	simm.s32 $0x1BF5;
	[smem:$0x3FB0] =	sst s0  }
0x18: {  	s0 =	sld [smem:$0x3F93];
	_ =	swait.ge [sflag:s4], $0x0  }
0x19: {  	s7 =	sld [smem:$0x3F94]  }
0x1a: {  	s8 =	sadd.s32 $0xFFFFE003, lr  }
0x1b: {  	s9 =	sadd.s32 $0xFFFFFEF7, lr;
	s5 =	simm.s32 $0xFFFFFFFF;
	p2 =	slt.u32 s8, $0xFFFFF086  }
0x1c: {  	p1 =	slt.u32 s9, $0xF7A;
	s5 =	simm.s32 @!p2 $0x0  }
0x1d: {  	s5 =	simm.s32 @p1 $0x1;
	p0 =	seq.s32 s7, s2  }
0x1e: {  	s7 =	smul.u32 @!p0 $0xF7A, s2;
	p2 =	seq.s32 @!p0 s5, $0x0  }
0x1f: {  	s9 =	smul.u32 $0xF7A, s1;
	s8 =	simm.s32 @!p0 $0x1BF5;
	p2 =	por !p2, p0  }
0x20: {  	[sflag:s8] =	ssyncset.s32 @!p0 $0xFFFFF086;
	s6 =	sadd.s32 @!p0 s3, s7;
	s7 =	simm.s32 @!p0 $0x108  }
0x21: {  	s3 =	sadd.s32 s3, s9;
	s6 =	sadd.s32 @!p0 $0x88, s6;
	s7 =	simm.s32 @p2 $0x1082  }
0x22: {  	[simem:s7], [sflag:s8] =	dma.local @!p0 [hbm:s6], $0xF7A  }
0x23: {  	s9 =	sor.u32 $0xD0000000, s2;
	s6 =	simm.s32 $0x108;
	_ =	swait.ge @!p0 [sflag:s8], $0x0  }
0x24: {  	s3 =	sadd.s32 $0x88, s3;
	s6 =	simm.s32 @!p1 $0x1082;
	[sflag:s4] =	ssyncset.s32 $0xFFFFF086  }
0x25: {  	[simem:s6], [sflag:s4] =	dma.local [hbm:s3], $0xF7A  }
0x26: {  	[smem:$0x3F94] =	sst s1;
	(tag) =	ssettag s2;
	_ =	strace s9  }
0x27: {  	s1 =	sld [smem:$0x3FA4]  }
0x28: {  	s2 =	sld [smem:$0x3FA5]  }
0x29: {  	s4 =	sld [smem:$0x3FA7]  }
0x2a: {  	p0 =	seq.s32 s5, $0x0;
	s5 =	sld [smem:$0x3FA8]  }
0x2b: {  	s6 =	sld [smem:$0x3FA9]  }
0x2c: {  	s7 =	sld [smem:$0x3FAA]  }
0x2d: {  	s3 =	simm.s32 $0x108;
	s8 =	sld [smem:$0x3FAB]  }
0x2e: {  	s3 =	simm.s32 @!p0 $0x1082;
	s9 =	sld [smem:$0x3FAC]  }
0x2f: {  	lr =	sadd.s32 s0, s3;
	s0 =	sld [smem:$0x3FA3]  }
0x30: {  	s3 =	sld [smem:$0x3FA6]  }
0x31: {  	[smem:$0x3FAF] =	sst s10  }
0x32: {  	s10 =	sld [smem:$0x3FAD];
	_ =	sdelay $0x3  }
0x33: {  	p0 =	seq.s32 s10, $0x1;
	s10 =	sld [smem:$0x3FAF];
	_ =	sdelay $0x3  }
0x34: {  	[smem:$0x3FAF] =	sst s10  }
0x35: {  	s10 =	sld [smem:$0x3FAE];
	_ =	sdelay $0x3  }
0x36: {  	p1 =	seq.s32 s10, $0x1;
	s10 =	sld [smem:$0x3FAF];
	_ =	sdelay $0x3  }
0x37: {  	[smem:$0x3FAF] =	sst s10  }
0x38: {  	s10 =	sld [smem:$0x3FB0]  }
0x39: {  	_ = 	snop;
	(pc) =	sbr.ind lr, $3  }
0x3a: {  	_ = 	snop  }
0x3b: {  	_ = 	snop  }
0x3c: {  	p2 =	seq.s32 s10, $0x1;
	s10 =	sld [smem:$0x3FAF]  }
0x3d: {  	_ =	shalt  }
0x3e: {  	_ =	shalt  }
0x3f: {  	_ =	shalt  }
0x40: {  	_ =	shalt  }
0x41: {  	_ =	shalt  }
0x42: {  	_ =	shalt  }
0x43: {  	_ =	shalt  }
0x44: {  	_ =	shalt  }
0x45: {  	_ =	shalt  }
0x46: {  	_ =	shalt  }
0x47: {  	_ =	shalt  }
0x48: {  	_ =	shalt  }
0x49: {  	_ =	shalt  }
0x4a: {  	_ =	shalt  }
0x4b: {  	_ =	shalt  }
0x4c: {  	_ =	shalt  }
0x4d: {  	_ =	shalt  }
0x4e: {  	_ =	shalt  }
0x4f: {  	_ =	shalt  }
0x50: {  	_ =	shalt  }
0x51: {  	_ =	shalt  }
0x52: {  	_ =	shalt  }
0x53: {  	_ =	shalt  }
0x54: {  	_ =	shalt  }
0x55: {  	_ =	shalt  }
0x56: {  	_ =	shalt  }
0x57: {  	_ =	shalt  }
0x58: {  	_ =	shalt  }
0x59: {  	_ =	shalt  }
0x5a: {  	_ =	shalt  }
0x5b: {  	_ =	shalt  }
0x5c: {  	_ =	shalt  }
0x5d: {  	_ =	shalt  }
0x5e: {  	_ =	shalt  }
0x5f: {  	_ =	shalt  }
0x60: {  	_ =	shalt  }
0x61: {  	_ =	shalt  }
0x62: {  	_ =	shalt  }
0x63: {  	_ =	shalt  }
0x64: {  	_ =	shalt  }
0x65: {  	_ =	shalt  }
0x66: {  	_ =	shalt  }
0x67: {  	_ =	shalt  }
0x68: {  	_ =	shalt  }
0x69: {  	_ =	shalt  }
0x6a: {  	_ =	shalt  }
0x6b: {  	_ =	shalt  }
0x6c: {  	_ =	shalt  }
0x6d: {  	_ =	shalt  }
0x6e: {  	_ =	shalt  }
0x6f: {  	_ =	shalt  }
0x70: {  	_ =	shalt  }
0x71: {  	_ =	shalt  }
0x72: {  	_ =	shalt  }
0x73: {  	_ =	shalt  }
0x74: {  	_ =	shalt  }
0x75: {  	_ =	shalt  }
0x76: {  	_ =	shalt  }
0x77: {  	_ =	shalt  }
0x78: {  	_ =	shalt  }
0x79: {  	_ =	shalt  }
0x7a: {  	_ =	shalt  }
0x7b: {  	_ =	shalt  }
0x7c: {  	_ =	shalt  }
0x7d: {  	_ =	shalt  }
0x7e: {  	_ =	shalt  }
0x7f: {  	_ =	shalt  }
0x80: {  	_ =	shalt  }
0x81: {  	_ =	shalt  }
0x82: {  	_ =	shalt  }
0x83: {  	_ =	shalt  }
0x84: {  	_ =	shalt  }
0x85: {  	_ =	shalt  }
0x86: {  	_ =	shalt  }
0x87: {  	_ =	shalt  }
.Lfunc_end0:
.L_simem_size_0:
called_computation_lowered:
.L_overlay_start_0:
0x88: {  	s2 =	sld [smem:$0x3FD9]  }
0x89: {  	s3 =	sld [smem:$0x3FFE];
	_ =	sdelay $0x1  }
0x8a: {  	s1 =	srdreg.scid  }
0x8b: {  	s0 =	sand.u32 $0x1, s1  }
0x8c: {  	s16 =	sshll.u32 s0, $0xA;
	s2 =	sadd.s32 s3, s2  }
0x8d: {  	s2 =	sadd.s32 s2, s16  }
0x8e: {  	[smem:$0x3FBB] =	sst s2  }
0x8f: {  	_ = 	snop  }
0x90: {  	(tm) =	ssettm $0x1  }
0x91: {  	s17 =	sld [smem:$0x3FFB];
	_ =	sdelay $0x3  }
0x92: {  	_ =	strace s17  }
0x93: {  	s2 =	sld [smem:$0x3FFC];
	_ =	sdelay $0x3  }
0x94: {  	_ =	strace s2  }
0x95: {  	s2 =	sld [smem:$0x3FFD];
	_ =	sdelay $0x3  }
0x96: {  	_ =	strace s2  }
0x97: {  	_ =	strace $0x8FFFFFFF  }
0x98: {  	s18 =	sld [smem:$0x3FDB];
	_ =	sdelay $0x1  }
0x99: {  	s19 =	simm.s32 $_scs_section_size  }
0x9a: {  	s4 =	simm.s32 $_size__tile_overlayer_lowered;
	s5 =	simm.s32 $_tile_overlayer_lowered  }
0x9b: {  	s22 =	simm.s32 $0x1BFF;
	s21 =	sshll.u32 s5, $0x1;
	s2 =	sadd.s32 s19, s18  }
0x9c: {  	s6 =	simm.s32 $0x0;
	s20 =	sshll.u32 s4, $0x1;
	s4 =	sadd.s32 s21, s2  }
0x9d: {  	[timem:s6], [sflag:s22] =	dma.local [hbm:s4], s20  }
0x9e: {  	_ =	swait.ge [sflag:s22], s20  }
0x9f: {  	s3 =	ssub.s32 $0x0, s20;
	[sflag:s22] =	ssyncset.done $0x0  }
0xa0: {  	[sflag:s22] =	ssyncadd.s32 s3;
	_ =	sdelay $0x1  }
0xa1: {  	s23 =	simm.s32 $0x1B8B  }
0xa2: {  	_ =	swait.ge [sflag:s23], $0x1  }
0xa3: {  	[sflag:s23] =	ssyncset.done $0x0  }
0xa4: {  	s25 =	simm.s32 $0x1B8E;
	s24 =	sld [smem:$0x3FFE];
	[sflag:s23] =	ssyncadd.s32 $0xFFFFFFFF  }
0xa5: {  	s26 =	simm.s32 $execute0_lowered;
	[smem:$0x3FD2] =	sst s25  }
0xa6: {  	s4 =	sshll.u32 s26, $0x1;
	_ =	strace $0x80000046;
	[dreg:$0x1] =	wrdreg $0xFFFFFFFF  }
0xa7: {  	s28 =	simm.s32 $_size_execute0_lowered;
	s2 =	sadd.s32 s2, s4;
	[dreg:$0x0] =	wrdreg $0x0  }
0xa8: {  	s4 =	sshll.u32 s28, $0x1;
	[dreg:$0x2] =	wrdreg s2  }
0xa9: {  	[dreg:$0x3] =	wrdreg s4  }
0xaa: {  	[dreg:$0x4] =	wrdreg $0xC0  }
0xab: {  	_ =	task [dreg:s6], $0x5FFFF  }
0xac: {  	[dreg:$0x1] =	wrdreg $0xFFFFFFFF  }
0xad: {  	[dreg:$0x0] =	wrdreg $0x60  }
0xae: {  	[dreg:$0x2] =	wrdreg s24  }
0xaf: {  	[dreg:$0x3] =	wrdreg $0x68000  }
0xb0: {  	[dreg:$0x4] =	wrdreg $0x9  }
0xb1: {  	_ =	task.clear_ibuf [dreg:s6], $0x5FFFF;
	_ =	strace $0x90000046  }
0xb2: {  	s29 =	simm.s32 $0x9;
	_ =	strace $0x80000048  }
0xb3: {  	_ =	swait.ge [sflag:s29], $0x1  }
0xb4: {  	[sflag:s29] =	ssyncadd.s32 $0xFFFFFFFF  }
0xb5: {  	_ =	strace $0x90000048  }
0xb6: {  	_ =	sfence  }
0xb7: {  	s30 =	sld [smem:$0x0];
	_ =	sdelay $0x2  }
0xb8: {  	s31 =	sshll.u32 s1, $0xD;
	s1 =	sshrl.u32 s1, $0x2  }
0xb9: {  	s3 =	sand.u32 $0x4000, s31;
	s1 =	sadd.s32 s1, s30  }
0xba: {  	s0 =	sor.u32 s3, s0;
	s1 =	sshll.u32 s1, $0x11  }
0xbb: {  	s0 =	sor.u32 s1, s0  }
0xbc: {  	s0 =	sadd.s32 $0x8F2B, s0  }
0xbd: {  	[sflag:s0] =	ssyncadd.remote.s32 $0x1  }
0xbe: {  	_ =	sfence.sel $0xFFFF  }
0xbf: {  	[dreg:$0x0] =	wrdreg $0xFFFFFFFF;
	(pc) =	sbr.abs _section_cstart, $3  }
0xc0: {  	[dreg:$0x1] =	wrdreg $0xFFFFFFFF  }
0xc1: {  	_ =	task.clear_ibuf [dreg:s6], $0x2FFFF;
	_ =	strace $0x9FFFFFFF  }
0xc2: {  	(tm) =	ssettm $0x7FFFFFFF  }
0xc3: {  	_ =	shalt  }
tec
execute0_lowered:
.L_overlay_start_1:
0x0: {  	(tag) =	ssettag $0x1  }
0x1: {  	s1 =	srdreg.scid  }
0x2: {  	s0 =	stileid.u32;
	s6 =	rddreg [dreg:$0x0]  }
0x3: {  	s2 =	rddreg [dreg:$0x1];
	s3 =	simm.s32 $0x0;
	s13 =	simm.s32 $0x1  }
0x4: {  	s14 =	simm.s32 $0x7D;
	s15 =	simm.s32 $0x2;
	s17 =	simm.s32 $0x0  }
0x5: {  	s5 =	sand.u32 $0x1, s1;
	s1 =	rddreg [dreg:$0x2];
	s9 =	smul.u32 $0x3E80, s0  }
0x6: {  	s29 =	sshll.u32 s0, $0x1;
	[smem:$0x7FF] =	sst s3;
	s11 =	smul.u32 $0x7D000, s0  }
0x7: {  	p0 =	sgt.u32 s0, $0x9;
	s4 =	sor.u32 s5, s29;
	s7 =	smul.u32 $0x27100, s5  }
0x8: {  	_ =	strace $0x80000047;
	s10 =	ssub.s32 $0x2, s5;
	s5 =	sadd.s32 $0xD800, s6  }
0x9: {  	s16 =	sshll.u32 @!p0 s0, $0x6;
	s4 =	smul.u32 $0x500, s4;
	s30 =	sshrl.u32 s10, $0x1  }
0xa: {  	s31 =	sshrl.u32 s11, $0x2;
	s11 =	sor.u32 @!p0 $0x1C02, s16;
	s16 =	sor.u32 @!p0 $0x1C01, s16  }
0xb: {  	s7 =	sadd.s32 s9, s7;
	s9 =	ssub.s32 s10, s30;
	s12 =	sadd.s32 s31, s2  }
0xc: {  	s10 =	simm.s32 $0x3;
	s8 =	sadd.s32 s4, s6;
	s4 =	sadd.s32 $0x11800, s6  }
0xd: {  	s7 =	sadd.s32 s7, s6;
	s12 =	sshrl.u32 @!p0 s12, $0x3;
	s6 =	sadd.s32 $0x3800, s8  }
0xe: {  	s7 =	sadd.s32 $0x12000, s7;
	s8 =	smax.u32 s9, $0x1;
	s9 =	simm.s32 $0x2800  }
.LBB2_1:
0xf: {  	[tilespmem:s3], [sflag:$0x1] =	stream.linear.gather [hbm4b:s6+s3], $0x2800, $0x38;
	[tilespmem:$0x1A080] =	vst v63  }
0x10: {  	_ = 	snop  }
0x11: {  	[tilespmem:s9], [sflag:$0x3] =	stream.linear.gather [hbm4b:s4+s3], $0x3E80, $0x38;
	[tilespmem:$0x1A080] =	vst v63  }
0x12: {  	_ =	swait.ge [sflag:s10], $0x3E80  }
0x13: {  	[sflag:s10] =	ssyncset.done $0x0  }
0x14: {  	s18 =	simm.s32 @!p0 $0x2;
	[sflag:s10] =	ssyncadd.s32 $0xFFFFC180  }
0x15: {  	[spmem:s12], [sflag:s11] =	dma.local @!p0 [hbm:s5], $0x3E80  }
0x16: {  	_ =	swait.ge @!p0 [sflag:s18], $0x3E80  }
0x17: {  	[sflag:s18] =	ssyncset.done @!p0 $0x0  }
0x18: {  	[sflag:s18] =	ssyncadd.s32 @!p0 $0xFFFFC180  }
0x19: {  	_ =	swait.ge [sflag:s13], $0x2800  }
0x1a: {  	[sflag:s13] =	ssyncset.done $0x0  }
0x1b: {  	[sflag:s13] =	ssyncadd.s32 $0xFFFFD800  }
0x1c: {  	s28 =	simm.s32 $0x0;
	[bflag:$0x0] =	sbarrier.arrive $0xFFFF  }
0x1d: {  	[spmem:s2] =	stream.indirect.scatter.add.f32 [tilespmem:s9], [sflag:$0x2], $0x80, s28, s14, $0xb8;
	[tilespmem:$0x1A080] =	vst v63  }
0x1e: {  	s29 =	simm.s32 $0x80  }
0x1f: {  	[spmem:s2] =	stream.indirect.scatter.add.f32 [tilespmem:s9], [sflag:$0x2], $0x80, s29, s14, $0xb8;
	[tilespmem:$0x1A080] =	vst v63  }
0x20: {  	s30 =	simm.s32 $0x100  }
0x21: {  	[spmem:s2] =	stream.indirect.scatter.add.f32 [tilespmem:s9], [sflag:$0x2], $0x80, s30, s14, $0xb8;
	[tilespmem:$0x1A080] =	vst v63  }
0x22: {  	s31 =	simm.s32 $0x180  }
0x23: {  	[spmem:s2] =	stream.indirect.scatter.add.f32 [tilespmem:s9], [sflag:$0x2], $0x80, s31, s14, $0xb8;
	[tilespmem:$0x1A080] =	vst v63  }
0x24: {  	s19 =	simm.s32 $0x200  }
0x25: {  	[spmem:s2] =	stream.indirect.scatter.add.f32 [tilespmem:s9], [sflag:$0x2], $0x80, s19, s14, $0xb8;
	[tilespmem:$0x1A080] =	vst v63  }
0x26: {  	s20 =	simm.s32 $0x280  }
0x27: {  	[spmem:s2] =	stream.indirect.scatter.add.f32 [tilespmem:s9], [sflag:$0x2], $0x80, s20, s14, $0xb8;
	[tilespmem:$0x1A080] =	vst v63  }
0x28: {  	s21 =	simm.s32 $0x300  }
0x29: {  	[spmem:s2] =	stream.indirect.scatter.add.f32 [tilespmem:s9], [sflag:$0x2], $0x80, s21, s14, $0xb8;
	[tilespmem:$0x1A080] =	vst v63  }
0x2a: {  	s22 =	simm.s32 $0x380  }
0x2b: {  	[spmem:s2] =	stream.indirect.scatter.add.f32 [tilespmem:s9], [sflag:$0x2], $0x80, s22, s14, $0xb8;
	[tilespmem:$0x1A080] =	vst v63  }
0x2c: {  	s23 =	simm.s32 $0x400  }
0x2d: {  	[spmem:s2] =	stream.indirect.scatter.add.f32 [tilespmem:s9], [sflag:$0x2], $0x80, s23, s14, $0xb8;
	[tilespmem:$0x1A080] =	vst v63  }
0x2e: {  	s24 =	simm.s32 $0x480  }
0x2f: {  	[spmem:s2] =	stream.indirect.scatter.add.f32 [tilespmem:s9], [sflag:$0x2], $0x80, s24, s14, $0xb8;
	[tilespmem:$0x1A080] =	vst v63  }
0x30: {  	s25 =	simm.s32 $0x500  }
0x31: {  	[spmem:s2] =	stream.indirect.scatter.add.f32 [tilespmem:s9], [sflag:$0x2], $0x80, s25, s14, $0xb8;
	[tilespmem:$0x1A080] =	vst v63  }
0x32: {  	s26 =	simm.s32 $0x580  }
0x33: {  	[spmem:s2] =	stream.indirect.scatter.add.f32 [tilespmem:s9], [sflag:$0x2], $0x80, s26, s14, $0xb8;
	[tilespmem:$0x1A080] =	vst v63  }
0x34: {  	s28 =	simm.s32 $0x600  }
0x35: {  	[spmem:s2] =	stream.indirect.scatter.add.f32 [tilespmem:s9], [sflag:$0x2], $0x80, s28, s14, $0xb8;
	[tilespmem:$0x1A080] =	vst v63  }
0x36: {  	s29 =	simm.s32 $0x680  }
0x37: {  	[spmem:s2] =	stream.indirect.scatter.add.f32 [tilespmem:s9], [sflag:$0x2], $0x80, s29, s14, $0xb8;
	[tilespmem:$0x1A080] =	vst v63  }
0x38: {  	s30 =	simm.s32 $0x700  }
0x39: {  	[spmem:s2] =	stream.indirect.scatter.add.f32 [tilespmem:s9], [sflag:$0x2], $0x80, s30, s14, $0xb8;
	[tilespmem:$0x1A080] =	vst v63  }
0x3a: {  	s31 =	simm.s32 $0x780  }
0x3b: {  	[spmem:s2] =	stream.indirect.scatter.add.f32 [tilespmem:s9], [sflag:$0x2], $0x80, s31, s14, $0xb8;
	[tilespmem:$0x1A080] =	vst v63  }
0x3c: {  	_ =	swait.ge [sflag:s15], $0x3E80  }
0x3d: {  	[sflag:s15] =	ssyncset.done $0x0  }
0x3e: {  	[sflag:s15] =	ssyncadd.s32 $0xFFFFC180  }
0x3f: {  	_ =	swait.ge [sflag:s15], $0x3E80  }
0x40: {  	[sflag:s15] =	ssyncset.done $0x0  }
0x41: {  	[sflag:s15] =	ssyncadd.s32 $0xFFFFC180  }
0x42: {  	_ =	swait.ge [sflag:s15], $0x3E80  }
0x43: {  	[sflag:s15] =	ssyncset.done $0x0  }
0x44: {  	[sflag:s15] =	ssyncadd.s32 $0xFFFFC180  }
0x45: {  	_ =	swait.ge [sflag:s15], $0x3E80  }
0x46: {  	[sflag:s15] =	ssyncset.done $0x0  }
0x47: {  	[sflag:s15] =	ssyncadd.s32 $0xFFFFC180  }
0x48: {  	_ =	swait.ge [sflag:s15], $0x3E80  }
0x49: {  	[sflag:s15] =	ssyncset.done $0x0  }
0x4a: {  	[sflag:s15] =	ssyncadd.s32 $0xFFFFC180  }
0x4b: {  	_ =	swait.ge [sflag:s15], $0x3E80  }
0x4c: {  	[sflag:s15] =	ssyncset.done $0x0  }
0x4d: {  	[sflag:s15] =	ssyncadd.s32 $0xFFFFC180  }
0x4e: {  	_ =	swait.ge [sflag:s15], $0x3E80  }
0x4f: {  	[sflag:s15] =	ssyncset.done $0x0  }
0x50: {  	[sflag:s15] =	ssyncadd.s32 $0xFFFFC180  }
0x51: {  	_ =	swait.ge [sflag:s15], $0x3E80  }
0x52: {  	[sflag:s15] =	ssyncset.done $0x0  }
0x53: {  	[sflag:s15] =	ssyncadd.s32 $0xFFFFC180  }
0x54: {  	_ =	swait.ge [sflag:s15], $0x3E80  }
0x55: {  	[sflag:s15] =	ssyncset.done $0x0  }
0x56: {  	[sflag:s15] =	ssyncadd.s32 $0xFFFFC180  }
0x57: {  	_ =	swait.ge [sflag:s15], $0x3E80  }
0x58: {  	[sflag:s15] =	ssyncset.done $0x0  }
0x59: {  	[sflag:s15] =	ssyncadd.s32 $0xFFFFC180  }
0x5a: {  	_ =	swait.ge [sflag:s15], $0x3E80  }
0x5b: {  	[sflag:s15] =	ssyncset.done $0x0  }
0x5c: {  	[sflag:s15] =	ssyncadd.s32 $0xFFFFC180  }
0x5d: {  	_ =	swait.ge [sflag:s15], $0x3E80  }
0x5e: {  	[sflag:s15] =	ssyncset.done $0x0  }
0x5f: {  	[sflag:s15] =	ssyncadd.s32 $0xFFFFC180  }
0x60: {  	_ =	swait.ge [sflag:s15], $0x3E80  }
0x61: {  	[sflag:s15] =	ssyncset.done $0x0  }
0x62: {  	[sflag:s15] =	ssyncadd.s32 $0xFFFFC180  }
0x63: {  	_ =	swait.ge [sflag:s15], $0x3E80  }
0x64: {  	[sflag:s15] =	ssyncset.done $0x0  }
0x65: {  	[sflag:s15] =	ssyncadd.s32 $0xFFFFC180  }
0x66: {  	_ =	swait.ge [sflag:s15], $0x3E80  }
0x67: {  	[sflag:s15] =	ssyncset.done $0x0  }
0x68: {  	[sflag:s15] =	ssyncadd.s32 $0xFFFFC180  }
0x69: {  	_ =	swait.ge [sflag:s15], $0x3E80  }
0x6a: {  	s18 =	simm.s32 $0x2000;
	s21 =	simm.s32 $0x4000;
	[sflag:s15] =	ssyncset.done $0x0  }
.LBB2_2:
0x6b: {  	s20 =	sshra.s32 s18, $0x2  }
0x6c: {  	[sflag:s15] =	ssyncadd.s32 $0xFFFFC180;
	s18 =	smov.u32 s21;
	s19 =	sadd.s32 $0x2000, s21  }
0x6d: {  	[spmem:s2] =	stream.indirect.scatter.add.f32 [tilespmem:s9], [sflag:$0x2], $0x80, s20, s14, $0xb8;
	[tilespmem:$0x1A080] =	vst v63  }
0x6e: {  	p1 =	sne.s32 s21, $0x8000;
	s21 =	sadd.s32 $0x80, s20  }
0x6f: {  	[spmem:s2] =	stream.indirect.scatter.add.f32 [tilespmem:s9], [sflag:$0x2], $0x80, s21, s14, $0xb8;
	[tilespmem:$0x1A080] =	vst v63  }
0x70: {  	s21 =	sadd.s32 $0x100, s20  }
0x71: {  	[spmem:s2] =	stream.indirect.scatter.add.f32 [tilespmem:s9], [sflag:$0x2], $0x80, s21, s14, $0xb8;
	[tilespmem:$0x1A080] =	vst v63  }
0x72: {  	s21 =	sadd.s32 $0x180, s20  }
0x73: {  	[spmem:s2] =	stream.indirect.scatter.add.f32 [tilespmem:s9], [sflag:$0x2], $0x80, s21, s14, $0xb8;
	[tilespmem:$0x1A080] =	vst v63  }
0x74: {  	s21 =	sadd.s32 $0x200, s20  }
0x75: {  	[spmem:s2] =	stream.indirect.scatter.add.f32 [tilespmem:s9], [sflag:$0x2], $0x80, s21, s14, $0xb8;
	[tilespmem:$0x1A080] =	vst v63  }
0x76: {  	s21 =	sadd.s32 $0x280, s20  }
0x77: {  	[spmem:s2] =	stream.indirect.scatter.add.f32 [tilespmem:s9], [sflag:$0x2], $0x80, s21, s14, $0xb8;
	[tilespmem:$0x1A080] =	vst v63  }
0x78: {  	s21 =	sadd.s32 $0x300, s20  }
0x79: {  	[spmem:s2] =	stream.indirect.scatter.add.f32 [tilespmem:s9], [sflag:$0x2], $0x80, s21, s14, $0xb8;
	[tilespmem:$0x1A080] =	vst v63  }
0x7a: {  	s21 =	sadd.s32 $0x380, s20  }
0x7b: {  	[spmem:s2] =	stream.indirect.scatter.add.f32 [tilespmem:s9], [sflag:$0x2], $0x80, s21, s14, $0xb8;
	[tilespmem:$0x1A080] =	vst v63  }
0x7c: {  	s21 =	sadd.s32 $0x400, s20  }
0x7d: {  	[spmem:s2] =	stream.indirect.scatter.add.f32 [tilespmem:s9], [sflag:$0x2], $0x80, s21, s14, $0xb8;
	[tilespmem:$0x1A080] =	vst v63  }
0x7e: {  	s21 =	sadd.s32 $0x480, s20  }
0x7f: {  	[spmem:s2] =	stream.indirect.scatter.add.f32 [tilespmem:s9], [sflag:$0x2], $0x80, s21, s14, $0xb8;
	[tilespmem:$0x1A080] =	vst v63  }
0x80: {  	s21 =	sadd.s32 $0x500, s20  }
0x81: {  	[spmem:s2] =	stream.indirect.scatter.add.f32 [tilespmem:s9], [sflag:$0x2], $0x80, s21, s14, $0xb8;
	[tilespmem:$0x1A080] =	vst v63  }
0x82: {  	s21 =	sadd.s32 $0x580, s20  }
0x83: {  	[spmem:s2] =	stream.indirect.scatter.add.f32 [tilespmem:s9], [sflag:$0x2], $0x80, s21, s14, $0xb8;
	[tilespmem:$0x1A080] =	vst v63  }
0x84: {  	s21 =	sadd.s32 $0x600, s20  }
0x85: {  	[spmem:s2] =	stream.indirect.scatter.add.f32 [tilespmem:s9], [sflag:$0x2], $0x80, s21, s14, $0xb8;
	[tilespmem:$0x1A080] =	vst v63  }
0x86: {  	s21 =	sadd.s32 $0x680, s20  }
0x87: {  	[spmem:s2] =	stream.indirect.scatter.add.f32 [tilespmem:s9], [sflag:$0x2], $0x80, s21, s14, $0xb8;
	[tilespmem:$0x1A080] =	vst v63  }
0x88: {  	s21 =	sadd.s32 $0x700, s20  }
0x89: {  	[spmem:s2] =	stream.indirect.scatter.add.f32 [tilespmem:s9], [sflag:$0x2], $0x80, s21, s14, $0xb8;
	[tilespmem:$0x1A080] =	vst v63  }
0x8a: {  	s20 =	sadd.s32 $0x780, s20  }
0x8b: {  	[spmem:s2] =	stream.indirect.scatter.add.f32 [tilespmem:s9], [sflag:$0x2], $0x80, s20, s14, $0xb8;
	[tilespmem:$0x1A080] =	vst v63  }
0x8c: {  	_ =	swait.ge [sflag:s15], $0x3E80  }
0x8d: {  	[sflag:s15] =	ssyncset.done $0x0  }
0x8e: {  	[sflag:s15] =	ssyncadd.s32 $0xFFFFC180  }
0x8f: {  	_ =	swait.ge [sflag:s15], $0x3E80  }
0x90: {  	[sflag:s15] =	ssyncset.done $0x0  }
0x91: {  	[sflag:s15] =	ssyncadd.s32 $0xFFFFC180  }
0x92: {  	_ =	swait.ge [sflag:s15], $0x3E80  }
0x93: {  	[sflag:s15] =	ssyncset.done $0x0  }
0x94: {  	[sflag:s15] =	ssyncadd.s32 $0xFFFFC180  }
0x95: {  	_ =	swait.ge [sflag:s15], $0x3E80  }
0x96: {  	[sflag:s15] =	ssyncset.done $0x0  }
0x97: {  	[sflag:s15] =	ssyncadd.s32 $0xFFFFC180  }
0x98: {  	_ =	swait.ge [sflag:s15], $0x3E80  }
0x99: {  	[sflag:s15] =	ssyncset.done $0x0  }
0x9a: {  	[sflag:s15] =	ssyncadd.s32 $0xFFFFC180  }
0x9b: {  	_ =	swait.ge [sflag:s15], $0x3E80  }
0x9c: {  	[sflag:s15] =	ssyncset.done $0x0  }
0x9d: {  	[sflag:s15] =	ssyncadd.s32 $0xFFFFC180  }
0x9e: {  	_ =	swait.ge [sflag:s15], $0x3E80  }
0x9f: {  	[sflag:s15] =	ssyncset.done $0x0  }
0xa0: {  	[sflag:s15] =	ssyncadd.s32 $0xFFFFC180  }
0xa1: {  	_ =	swait.ge [sflag:s15], $0x3E80  }
0xa2: {  	[sflag:s15] =	ssyncset.done $0x0  }
0xa3: {  	[sflag:s15] =	ssyncadd.s32 $0xFFFFC180  }
0xa4: {  	_ =	swait.ge [sflag:s15], $0x3E80  }
0xa5: {  	[sflag:s15] =	ssyncset.done $0x0  }
0xa6: {  	[sflag:s15] =	ssyncadd.s32 $0xFFFFC180  }
0xa7: {  	_ =	swait.ge [sflag:s15], $0x3E80  }
0xa8: {  	[sflag:s15] =	ssyncset.done $0x0  }
0xa9: {  	[sflag:s15] =	ssyncadd.s32 $0xFFFFC180  }
0xaa: {  	_ =	swait.ge [sflag:s15], $0x3E80  }
0xab: {  	[sflag:s15] =	ssyncset.done $0x0  }
0xac: {  	[sflag:s15] =	ssyncadd.s32 $0xFFFFC180  }
0xad: {  	_ =	swait.ge [sflag:s15], $0x3E80  }
0xae: {  	[sflag:s15] =	ssyncset.done $0x0  }
0xaf: {  	[sflag:s15] =	ssyncadd.s32 $0xFFFFC180  }
0xb0: {  	_ =	swait.ge [sflag:s15], $0x3E80  }
0xb1: {  	[sflag:s15] =	ssyncset.done $0x0  }
0xb2: {  	[sflag:s15] =	ssyncadd.s32 $0xFFFFC180  }
0xb3: {  	_ =	swait.ge [sflag:s15], $0x3E80  }
0xb4: {  	[sflag:s15] =	ssyncset.done $0x0  }
0xb5: {  	[sflag:s15] =	ssyncadd.s32 $0xFFFFC180  }
.Ltmp0:
0xb6: {  	_ =	swait.ge [sflag:s15], $0x3E80;
	(pc) =	sbr.rel @p1 .LBB2_2-.Ltmp0, $4  }
0xb7: {  	[sflag:s15] =	ssyncset.done $0x0  }
0xb8: {  	[sflag:s15] =	ssyncadd.s32 $0xFFFFC180  }
0xb9: {  	_ =	swait.ge [sflag:s15], $0x3E80  }
0xba: {  	s21 =	smov.u32 s19;
	[sflag:s15] =	ssyncset.done $0x0  }
0xbb: {  	s18 =	sshra.s32 s18, $0x2;
	[sflag:s15] =	ssyncadd.s32 $0xFFFFC180  }
0xbc: {  	[spmem:s2] =	stream.indirect.scatter.add.f32 [tilespmem:s9], [sflag:$0x2], $0x80, s18, s14, $0xb8;
	[tilespmem:$0x1A080] =	vst v63  }
0xbd: {  	s19 =	sadd.s32 $0x80, s18  }
0xbe: {  	[spmem:s2] =	stream.indirect.scatter.add.f32 [tilespmem:s9], [sflag:$0x2], $0x80, s19, s14, $0xb8;
	[tilespmem:$0x1A080] =	vst v63  }
0xbf: {  	s30 =	sadd.s32 $0x100, s18  }
0xc0: {  	[spmem:s2] =	stream.indirect.scatter.add.f32 [tilespmem:s9], [sflag:$0x2], $0x80, s30, s14, $0xb8;
	[tilespmem:$0x1A080] =	vst v63  }
0xc1: {  	s31 =	sadd.s32 $0x180, s18  }
0xc2: {  	[spmem:s2] =	stream.indirect.scatter.add.f32 [tilespmem:s9], [sflag:$0x2], $0x80, s31, s14, $0xb8;
	[tilespmem:$0x1A080] =	vst v63  }
0xc3: {  	s20 =	sadd.s32 $0x200, s18  }
0xc4: {  	[spmem:s2] =	stream.indirect.scatter.add.f32 [tilespmem:s9], [sflag:$0x2], $0x80, s20, s14, $0xb8;
	[tilespmem:$0x1A080] =	vst v63  }
0xc5: {  	s21 =	sadd.s32 $0x280, s18  }
0xc6: {  	[spmem:s2] =	stream.indirect.scatter.add.f32 [tilespmem:s9], [sflag:$0x2], $0x80, s21, s14, $0xb8;
	[tilespmem:$0x1A080] =	vst v63  }
0xc7: {  	s22 =	sadd.s32 $0x300, s18  }
0xc8: {  	[spmem:s2] =	stream.indirect.scatter.add.f32 [tilespmem:s9], [sflag:$0x2], $0x80, s22, s14, $0xb8;
	[tilespmem:$0x1A080] =	vst v63  }
0xc9: {  	s23 =	sadd.s32 $0x380, s18  }
0xca: {  	[spmem:s2] =	stream.indirect.scatter.add.f32 [tilespmem:s9], [sflag:$0x2], $0x80, s23, s14, $0xb8;
	[tilespmem:$0x1A080] =	vst v63  }
0xcb: {  	s24 =	sadd.s32 $0x400, s18  }
0xcc: {  	[spmem:s2] =	stream.indirect.scatter.add.f32 [tilespmem:s9], [sflag:$0x2], $0x80, s24, s14, $0xb8;
	[tilespmem:$0x1A080] =	vst v63  }
0xcd: {  	s25 =	sadd.s32 $0x480, s18  }
0xce: {  	[spmem:s2] =	stream.indirect.scatter.add.f32 [tilespmem:s9], [sflag:$0x2], $0x80, s25, s14, $0xb8;
	[tilespmem:$0x1A080] =	vst v63  }
0xcf: {  	s26 =	sadd.s32 $0x500, s18  }
0xd0: {  	[spmem:s2] =	stream.indirect.scatter.add.f32 [tilespmem:s9], [sflag:$0x2], $0x80, s26, s14, $0xb8;
	[tilespmem:$0x1A080] =	vst v63  }
0xd1: {  	s28 =	sadd.s32 $0x580, s18  }
0xd2: {  	[spmem:s2] =	stream.indirect.scatter.add.f32 [tilespmem:s9], [sflag:$0x2], $0x80, s28, s14, $0xb8;
	[tilespmem:$0x1A080] =	vst v63  }
0xd3: {  	s29 =	sadd.s32 $0x600, s18  }
0xd4: {  	[spmem:s2] =	stream.indirect.scatter.add.f32 [tilespmem:s9], [sflag:$0x2], $0x80, s29, s14, $0xb8;
	[tilespmem:$0x1A080] =	vst v63  }
0xd5: {  	s30 =	sadd.s32 $0x680, s18  }
0xd6: {  	[spmem:s2] =	stream.indirect.scatter.add.f32 [tilespmem:s9], [sflag:$0x2], $0x80, s30, s14, $0xb8;
	[tilespmem:$0x1A080] =	vst v63  }
0xd7: {  	s31 =	sadd.s32 $0x700, s18  }
0xd8: {  	[spmem:s2] =	stream.indirect.scatter.add.f32 [tilespmem:s9], [sflag:$0x2], $0x80, s31, s14, $0xb8;
	[tilespmem:$0x1A080] =	vst v63  }
0xd9: {  	s18 =	sadd.s32 $0x780, s18  }
0xda: {  	[spmem:s2] =	stream.indirect.scatter.add.f32 [tilespmem:s9], [sflag:$0x2], $0x80, s18, s14, $0xb8;
	[tilespmem:$0x1A080] =	vst v63  }
0xdb: {  	_ =	swait.ge [sflag:s15], $0x3E80  }
0xdc: {  	[sflag:s15] =	ssyncset.done $0x0  }
0xdd: {  	[sflag:s15] =	ssyncadd.s32 $0xFFFFC180  }
0xde: {  	_ =	swait.ge [sflag:s15], $0x3E80  }
0xdf: {  	[sflag:s15] =	ssyncset.done $0x0  }
0xe0: {  	[sflag:s15] =	ssyncadd.s32 $0xFFFFC180  }
0xe1: {  	_ =	swait.ge [sflag:s15], $0x3E80  }
0xe2: {  	[sflag:s15] =	ssyncset.done $0x0  }
0xe3: {  	[sflag:s15] =	ssyncadd.s32 $0xFFFFC180  }
0xe4: {  	_ =	swait.ge [sflag:s15], $0x3E80  }
0xe5: {  	[sflag:s15] =	ssyncset.done $0x0  }
0xe6: {  	[sflag:s15] =	ssyncadd.s32 $0xFFFFC180  }
0xe7: {  	_ =	swait.ge [sflag:s15], $0x3E80  }
0xe8: {  	[sflag:s15] =	ssyncset.done $0x0  }
0xe9: {  	[sflag:s15] =	ssyncadd.s32 $0xFFFFC180  }
0xea: {  	_ =	swait.ge [sflag:s15], $0x3E80  }
0xeb: {  	[sflag:s15] =	ssyncset.done $0x0  }
0xec: {  	[sflag:s15] =	ssyncadd.s32 $0xFFFFC180  }
0xed: {  	_ =	swait.ge [sflag:s15], $0x3E80  }
0xee: {  	[sflag:s15] =	ssyncset.done $0x0  }
0xef: {  	[sflag:s15] =	ssyncadd.s32 $0xFFFFC180  }
0xf0: {  	_ =	swait.ge [sflag:s15], $0x3E80  }
0xf1: {  	[sflag:s15] =	ssyncset.done $0x0  }
0xf2: {  	[sflag:s15] =	ssyncadd.s32 $0xFFFFC180  }
0xf3: {  	_ =	swait.ge [sflag:s15], $0x3E80  }
0xf4: {  	[sflag:s15] =	ssyncset.done $0x0  }
0xf5: {  	[sflag:s15] =	ssyncadd.s32 $0xFFFFC180  }
0xf6: {  	_ =	swait.ge [sflag:s15], $0x3E80  }
0xf7: {  	[sflag:s15] =	ssyncset.done $0x0  }
0xf8: {  	[sflag:s15] =	ssyncadd.s32 $0xFFFFC180  }
0xf9: {  	_ =	swait.ge [sflag:s15], $0x3E80  }
0xfa: {  	[sflag:s15] =	ssyncset.done $0x0  }
0xfb: {  	[sflag:s15] =	ssyncadd.s32 $0xFFFFC180  }
0xfc: {  	_ =	swait.ge [sflag:s15], $0x3E80  }
0xfd: {  	[sflag:s15] =	ssyncset.done $0x0  }
0xfe: {  	[sflag:s15] =	ssyncadd.s32 $0xFFFFC180  }
0xff: {  	_ =	swait.ge [sflag:s15], $0x3E80  }
0x100: {  	[sflag:s15] =	ssyncset.done $0x0  }
0x101: {  	[sflag:s15] =	ssyncadd.s32 $0xFFFFC180  }
0x102: {  	_ =	swait.ge [sflag:s15], $0x3E80  }
0x103: {  	[sflag:s15] =	ssyncset.done $0x0  }
0x104: {  	[sflag:s15] =	ssyncadd.s32 $0xFFFFC180  }
0x105: {  	_ =	swait.ge [sflag:s15], $0x3E80  }
0x106: {  	[sflag:s15] =	ssyncset.done $0x0  }
0x107: {  	[sflag:s15] =	ssyncadd.s32 $0xFFFFC180  }
0x108: {  	_ =	swait.ge [sflag:s15], $0x3E80  }
0x109: {  	s17 =	sadd.s32 $0x1, s17;
	[sflag:s15] =	ssyncset.done $0x0  }
0x10a: {  	p1 =	sne.s32 s17, s8;
	[sflag:s15] =	ssyncadd.s32 $0xFFFFC180  }
.Ltmp1:
0x10b: {  	s18 =	simm.s32 @!p0 $0x1;
	[bflag:$0x0] =	sbarrier.arrive $0xFFFF;
	(pc) =	sbr.rel @p1 .LBB2_1-.Ltmp1, $4  }
0x10c: {  	[hbm:s7], [sflag:s16] =	dma.local @!p0 [spmem:s12], $0x3E80  }
0x10d: {  	_ =	swait.ge @!p0 [sflag:s18], $0x3E80  }
0x10e: {  	[sflag:s18] =	ssyncset.done @!p0 $0x0  }
0x10f: {  	[sflag:s18] =	ssyncadd.s32 @!p0 $0xFFFFC180  }
0x110: {  	_ =	sfence.sel $0x180000  }
0x111: {  	[bflag:$0x0] =	sbarrier.arrive $0xFFFF  }
0x112: {  	p0 =	sne.s32 s0, $0x0;
	_ =	strace $0x90000047  }
0x113: {  	s0 =	sadd.s32 @!p0 $0x100000, s1;
	[bflag:$0x2] =	sbarrier.arrive $0xFFFF  }
0x114: {  	[sflag:s0] =	ssyncadd.tile.s32 @!p0 $0x1;
	_ =	shalt  }
.Lfunc_end2:
_tile_overlayer_lowered:
.L_overlay_start_2:
0x115: {  	(tag) =	ssettag $0x2  }
0x116: {  	s0 =	rddreg [dreg:$0x0];
	s2 =	stileid.u32  }
0x117: {  	s1 =	rddreg [dreg:$0x1];
	p0 =	sne.s32 s2, $0x0  }
0x118: {  	s3 =	rddreg [dreg:$0x2];
	[bflag:$0x3] =	sbarrier.arrive $0xFFFF;
	s2 =	simm.s32 @!p0 $0x1C03  }
0x119: {  	[timem:s3], [sflag:s2] =	dma.local @!p0 [hbm:s0], s1  }
0x11a: {  	s0 =	simm.s32 @!p0 $0x3  }
0x11b: {  	_ =	swait.ge @!p0 [sflag:s0], s1  }
0x11c: {  	s1 =	ssub.s32 @!p0 $0x0, s1;
	[sflag:s0] =	ssyncset.done @!p0 $0x0  }
0x11d: {  	[sflag:s0] =	ssyncadd.s32 @!p0 s1  }
0x11e: {  	[bflag:$0x3] =	sbarrier.arrive $0xFFFF  }
0x11f: {  	_ =	shalt  }

// kernel: kernel.16.cloned.1.call-start
scs
__scs_entry_jumppad:
0x0: {  	(pc) =	sbr.rel $0x88, $3  }
0x1: {  	(tag) =	ssettag $0x0;
	lr =	simm.s32 $0x1  }
0x2: {  	[smem:$0x3F94] =	sst lr;
	_ =	strace $0xD0000000  }
0x3: {  	_ = 	snop  }
0x4: {  	_ = 	snop  }
0x5: {  	_ = 	snop  }
0x6: {  	_ = 	snop  }
0x7: {  	_ = 	snop  }
__scs_overlays_trampoline_lowered:
0x8: {  	[smem:$0x3FA3] =	sst s0  }
0x9: {  	[smem:$0x3FA4] =	sst s1  }
0xa: {  	[smem:$0x3FA5] =	sst s2  }
0xb: {  	[smem:$0x3FA6] =	sst s3  }
0xc: {  	[smem:$0x3FA7] =	sst s4  }
0xd: {  	[smem:$0x3FA8] =	sst s5  }
0xe: {  	[smem:$0x3FA9] =	sst s6  }
0xf: {  	[smem:$0x3FAA] =	sst s7  }
0x10: {  	[smem:$0x3FAB] =	sst s8  }
0x11: {  	[smem:$0x3FAC] =	sst s9;
	s0 =	simm.s32 @!p0 $0x0  }
0x12: {  	s1 =	sld [smem:$0x3F92];
	s0 =	simm.s32 @p0 $0x1  }
0x13: {  	[smem:$0x3FAD] =	sst s0;
	s0 =	simm.s32 @!p1 $0x0  }
0x14: {  	s2 =	sld [smem:$0x3F91];
	s0 =	simm.s32 @p1 $0x1  }
0x15: {  	[smem:$0x3FAE] =	sst s0;
	s0 =	simm.s32 @!p2 $0x0  }
0x16: {  	s3 =	sld [smem:$0x3FDB];
	s0 =	simm.s32 @p2 $0x1  }
0x17: {  	s4 =	simm.s32 $0x1BF5;
	[smem:$0x3FB0] =	sst s0  }
0x18: {  	s0 =	sld [smem:$0x3F93];
	_ =	swait.ge [sflag:s4], $0x0  }
0x19: {  	s7 =	sld [smem:$0x3F94]  }
0x1a: {  	s8 =	sadd.s32 $0xFFFFE003, lr  }
0x1b: {  	s9 =	sadd.s32 $0xFFFFFEF7, lr;
	s5 =	simm.s32 $0xFFFFFFFF;
	p2 =	slt.u32 s8, $0xFFFFF086  }
0x1c: {  	p1 =	slt.u32 s9, $0xF7A;
	s5 =	simm.s32 @!p2 $0x0  }
0x1d: {  	s5 =	simm.s32 @p1 $0x1;
	p0 =	seq.s32 s7, s2  }
0x1e: {  	s7 =	smul.u32 @!p0 $0xF7A, s2;
	p2 =	seq.s32 @!p0 s5, $0x0  }
0x1f: {  	s9 =	smul.u32 $0xF7A, s1;
	s8 =	simm.s32 @!p0 $0x1BF5;
	p2 =	por !p2, p0  }
0x20: {  	[sflag:s8] =	ssyncset.s32 @!p0 $0xFFFFF086;
	s6 =	sadd.s32 @!p0 s3, s7;
	s7 =	simm.s32 @!p0 $0x108  }
0x21: {  	s3 =	sadd.s32 s3, s9;
	s6 =	sadd.s32 @!p0 $0x88, s6;
	s7 =	simm.s32 @p2 $0x1082  }
0x22: {  	[simem:s7], [sflag:s8] =	dma.local @!p0 [hbm:s6], $0xF7A  }
0x23: {  	s9 =	sor.u32 $0xD0000000, s2;
	s6 =	simm.s32 $0x108;
	_ =	swait.ge @!p0 [sflag:s8], $0x0  }
0x24: {  	s3 =	sadd.s32 $0x88, s3;
	s6 =	simm.s32 @!p1 $0x1082;
	[sflag:s4] =	ssyncset.s32 $0xFFFFF086  }
0x25: {  	[simem:s6], [sflag:s4] =	dma.local [hbm:s3], $0xF7A  }
0x26: {  	[smem:$0x3F94] =	sst s1;
	(tag) =	ssettag s2;
	_ =	strace s9  }
0x27: {  	s1 =	sld [smem:$0x3FA4]  }
0x28: {  	s2 =	sld [smem:$0x3FA5]  }
0x29: {  	s4 =	sld [smem:$0x3FA7]  }
0x2a: {  	p0 =	seq.s32 s5, $0x0;
	s5 =	sld [smem:$0x3FA8]  }
0x2b: {  	s6 =	sld [smem:$0x3FA9]  }
0x2c: {  	s7 =	sld [smem:$0x3FAA]  }
0x2d: {  	s3 =	simm.s32 $0x108;
	s8 =	sld [smem:$0x3FAB]  }
0x2e: {  	s3 =	simm.s32 @!p0 $0x1082;
	s9 =	sld [smem:$0x3FAC]  }
0x2f: {  	lr =	sadd.s32 s0, s3;
	s0 =	sld [smem:$0x3FA3]  }
0x30: {  	s3 =	sld [smem:$0x3FA6]  }
0x31: {  	[smem:$0x3FAF] =	sst s10  }
0x32: {  	s10 =	sld [smem:$0x3FAD];
	_ =	sdelay $0x3  }
0x33: {  	p0 =	seq.s32 s10, $0x1;
	s10 =	sld [smem:$0x3FAF];
	_ =	sdelay $0x3  }
0x34: {  	[smem:$0x3FAF] =	sst s10  }
0x35: {  	s10 =	sld [smem:$0x3FAE];
	_ =	sdelay $0x3  }
0x36: {  	p1 =	seq.s32 s10, $0x1;
	s10 =	sld [smem:$0x3FAF];
	_ =	sdelay $0x3  }
0x37: {  	[smem:$0x3FAF] =	sst s10  }
0x38: {  	s10 =	sld [smem:$0x3FB0]  }
0x39: {  	_ = 	snop;
	(pc) =	sbr.ind lr, $3  }
0x3a: {  	_ = 	snop  }
0x3b: {  	_ = 	snop  }
0x3c: {  	p2 =	seq.s32 s10, $0x1;
	s10 =	sld [smem:$0x3FAF]  }
0x3d: {  	_ =	shalt  }
0x3e: {  	_ =	shalt  }
0x3f: {  	_ =	shalt  }
0x40: {  	_ =	shalt  }
0x41: {  	_ =	shalt  }
0x42: {  	_ =	shalt  }
0x43: {  	_ =	shalt  }
0x44: {  	_ =	shalt  }
0x45: {  	_ =	shalt  }
0x46: {  	_ =	shalt  }
0x47: {  	_ =	shalt  }
0x48: {  	_ =	shalt  }
0x49: {  	_ =	shalt  }
0x4a: {  	_ =	shalt  }
0x4b: {  	_ =	shalt  }
0x4c: {  	_ =	shalt  }
0x4d: {  	_ =	shalt  }
0x4e: {  	_ =	shalt  }
0x4f: {  	_ =	shalt  }
0x50: {  	_ =	shalt  }
0x51: {  	_ =	shalt  }
0x52: {  	_ =	shalt  }
0x53: {  	_ =	shalt  }
0x54: {  	_ =	shalt  }
0x55: {  	_ =	shalt  }
0x56: {  	_ =	shalt  }
0x57: {  	_ =	shalt  }
0x58: {  	_ =	shalt  }
0x59: {  	_ =	shalt  }
0x5a: {  	_ =	shalt  }
0x5b: {  	_ =	shalt  }
0x5c: {  	_ =	shalt  }
0x5d: {  	_ =	shalt  }
0x5e: {  	_ =	shalt  }
0x5f: {  	_ =	shalt  }
0x60: {  	_ =	shalt  }
0x61: {  	_ =	shalt  }
0x62: {  	_ =	shalt  }
0x63: {  	_ =	shalt  }
0x64: {  	_ =	shalt  }
0x65: {  	_ =	shalt  }
0x66: {  	_ =	shalt  }
0x67: {  	_ =	shalt  }
0x68: {  	_ =	shalt  }
0x69: {  	_ =	shalt  }
0x6a: {  	_ =	shalt  }
0x6b: {  	_ =	shalt  }
0x6c: {  	_ =	shalt  }
0x6d: {  	_ =	shalt  }
0x6e: {  	_ =	shalt  }
0x6f: {  	_ =	shalt  }
0x70: {  	_ =	shalt  }
0x71: {  	_ =	shalt  }
0x72: {  	_ =	shalt  }
0x73: {  	_ =	shalt  }
0x74: {  	_ =	shalt  }
0x75: {  	_ =	shalt  }
0x76: {  	_ =	shalt  }
0x77: {  	_ =	shalt  }
0x78: {  	_ =	shalt  }
0x79: {  	_ =	shalt  }
0x7a: {  	_ =	shalt  }
0x7b: {  	_ =	shalt  }
0x7c: {  	_ =	shalt  }
0x7d: {  	_ =	shalt  }
0x7e: {  	_ =	shalt  }
0x7f: {  	_ =	shalt  }
0x80: {  	_ =	shalt  }
0x81: {  	_ =	shalt  }
0x82: {  	_ =	shalt  }
0x83: {  	_ =	shalt  }
0x84: {  	_ =	shalt  }
0x85: {  	_ =	shalt  }
0x86: {  	_ =	shalt  }
0x87: {  	_ =	shalt  }
.Lfunc_end0:
.L_simem_size_0:
called_computation.1_lowered:
.L_overlay_start_0:
0x88: {  	s2 =	sld [smem:$0x3FD9]  }
0x89: {  	s3 =	sld [smem:$0x3FFE];
	_ =	sdelay $0x1  }
0x8a: {  	s1 =	srdreg.scid  }
0x8b: {  	s0 =	sand.u32 $0x1, s1  }
0x8c: {  	s16 =	sshll.u32 s0, $0xA;
	s2 =	sadd.s32 s3, s2  }
0x8d: {  	s2 =	sadd.s32 s2, s16  }
0x8e: {  	[smem:$0x3FBB] =	sst s2  }
0x8f: {  	_ = 	snop  }
0x90: {  	(tm) =	ssettm $0x1  }
0x91: {  	s17 =	sld [smem:$0x3FFB];
	_ =	sdelay $0x3  }
0x92: {  	_ =	strace s17  }
0x93: {  	s2 =	sld [smem:$0x3FFC];
	_ =	sdelay $0x3  }
0x94: {  	_ =	strace s2  }
0x95: {  	s2 =	sld [smem:$0x3FFD];
	_ =	sdelay $0x3  }
0x96: {  	_ =	strace s2  }
0x97: {  	_ =	strace $0x8FFFFFFF  }
0x98: {  	s18 =	sld [smem:$0x3FDB];
	_ =	sdelay $0x1  }
0x99: {  	s19 =	simm.s32 $_scs_section_size  }
0x9a: {  	s4 =	simm.s32 $_size__tile_overlayer_lowered;
	s5 =	simm.s32 $_tile_overlayer_lowered  }
0x9b: {  	s22 =	simm.s32 $0x1BFF;
	s21 =	sshll.u32 s5, $0x1;
	s2 =	sadd.s32 s19, s18  }
0x9c: {  	s6 =	simm.s32 $0x0;
	s20 =	sshll.u32 s4, $0x1;
	s4 =	sadd.s32 s21, s2  }
0x9d: {  	[timem:s6], [sflag:s22] =	dma.local [hbm:s4], s20  }
0x9e: {  	_ =	swait.ge [sflag:s22], s20  }
0x9f: {  	s3 =	ssub.s32 $0x0, s20;
	[sflag:s22] =	ssyncset.done $0x0  }
0xa0: {  	[sflag:s22] =	ssyncadd.s32 s3;
	_ =	sdelay $0x1  }
0xa1: {  	s23 =	simm.s32 $0x1B8B  }
0xa2: {  	_ =	swait.ge [sflag:s23], $0x1  }
0xa3: {  	[sflag:s23] =	ssyncset.done $0x0  }
0xa4: {  	s25 =	simm.s32 $0x1B8E;
	s24 =	sld [smem:$0x3FFE];
	[sflag:s23] =	ssyncadd.s32 $0xFFFFFFFF  }
0xa5: {  	s26 =	simm.s32 $execute0_lowered;
	[smem:$0x3FD2] =	sst s25  }
0xa6: {  	s4 =	sshll.u32 s26, $0x1;
	_ =	strace $0x80000049;
	[dreg:$0x1] =	wrdreg $0xFFFFFFFF  }
0xa7: {  	s28 =	simm.s32 $_size_execute0_lowered;
	s2 =	sadd.s32 s2, s4;
	[dreg:$0x0] =	wrdreg $0x0  }
0xa8: {  	s4 =	sshll.u32 s28, $0x1;
	[dreg:$0x2] =	wrdreg s2  }
0xa9: {  	[dreg:$0x3] =	wrdreg s4  }
0xaa: {  	[dreg:$0x4] =	wrdreg $0xC0  }
0xab: {  	_ =	task [dreg:s6], $0x5FFFF  }
0xac: {  	[dreg:$0x1] =	wrdreg $0xFFFFFFFF  }
0xad: {  	[dreg:$0x0] =	wrdreg $0x60  }
0xae: {  	[dreg:$0x2] =	wrdreg s24  }
0xaf: {  	[dreg:$0x3] =	wrdreg $0xA8000  }
0xb0: {  	[dreg:$0x4] =	wrdreg $0x9  }
0xb1: {  	_ =	task.clear_ibuf [dreg:s6], $0x5FFFF;
	_ =	strace $0x90000049  }
0xb2: {  	s29 =	simm.s32 $0x9;
	_ =	strace $0x8000004B  }
0xb3: {  	_ =	swait.ge [sflag:s29], $0x1  }
0xb4: {  	[sflag:s29] =	ssyncadd.s32 $0xFFFFFFFF  }
0xb5: {  	_ =	strace $0x9000004B  }
0xb6: {  	_ =	sfence  }
0xb7: {  	s30 =	sld [smem:$0x0];
	_ =	sdelay $0x2  }
0xb8: {  	s31 =	sshll.u32 s1, $0xD;
	s1 =	sshrl.u32 s1, $0x2  }
0xb9: {  	s3 =	sand.u32 $0x4000, s31;
	s1 =	sadd.s32 s1, s30  }
0xba: {  	s0 =	sor.u32 s3, s0;
	s1 =	sshll.u32 s1, $0x11  }
0xbb: {  	s0 =	sor.u32 s1, s0  }
0xbc: {  	s0 =	sadd.s32 $0x8F2B, s0  }
0xbd: {  	[sflag:s0] =	ssyncadd.remote.s32 $0x1  }
0xbe: {  	_ =	sfence.sel $0xFFFF  }
0xbf: {  	[dreg:$0x0] =	wrdreg $0xFFFFFFFF;
	(pc) =	sbr.abs _section_cstart, $3  }
0xc0: {  	[dreg:$0x1] =	wrdreg $0xFFFFFFFF  }
0xc1: {  	_ =	task.clear_ibuf [dreg:s6], $0x2FFFF;
	_ =	strace $0x9FFFFFFF  }
0xc2: {  	(tm) =	ssettm $0x7FFFFFFF  }
0xc3: {  	_ =	shalt  }
tec
execute0_lowered:
.L_overlay_start_1:
0x0: {  	(tag) =	ssettag $0x1  }
0x1: {  	s6 =	rddreg [dreg:$0x0]  }
0x2: {  	s1 =	rddreg [dreg:$0x1]  }
0x3: {  	s3 =	simm.s32 $0x0;
	s4 =	srdreg.scid;
	s2 =	stileid.u32  }
0x4: {  	s16 =	simm.s32 $0x1;
	s17 =	simm.s32 $0x2;
	s18 =	simm.s32 $0x7D  }
0x5: {  	s19 =	simm.s32 $0x2800;
	s20 =	simm.s32 $0x80;
	s21 =	simm.s32 $0x6800  }
0x6: {  	s22 =	simm.s32 $0x4;
	s23 =	simm.s32 $0x0;
	[smem:$0x7FF] =	sst s3  }
0x7: {  	s7 =	sand.u32 $0x1, s4;
	s4 =	sadd.s32 $0x11800, s6;
	s10 =	smul.u32 $0x3E80, s2  }
0x8: {  	s5 =	sshll.u32 s2, $0x1;
	s9 =	sadd.s32 $0x60200, s6;
	s31 =	smul.u32 $0x7D000, s2  }
0x9: {  	s12 =	sadd.s32 $0x3800, s6;
	s8 =	smul.u32 $0x27100, s7;
	s11 =	sor.u32 s7, s5  }
0xa: {  	p0 =	sgt.u32 s2, $0x9;
	_ =	strace $0x8000004A;
	s13 =	smul.u32 $0x500, s11  }
0xb: {  	s5 =	sadd.s32 $0xD800, s6;
	s7 =	ssub.s32 $0x2, s7;
	s28 =	smul.u32 $0x2800, s11  }
0xc: {  	s30 =	sshrl.u32 s7, $0x1;
	s11 =	sshll.u32 @!p0 s2, $0x6;
	s8 =	sadd.s32 s10, s8  }
0xd: {  	s14 =	ssub.s32 s7, s30;
	s29 =	sadd.s32 s8, s6;
	s6 =	sadd.s32 s9, s13  }
0xe: {  	s10 =	sshrl.u32 s28, $0x3;
	s7 =	sadd.s32 s12, s13;
	s8 =	sshrl.u32 s31, $0x2  }
0xf: {  	s13 =	simm.s32 $0x1400;
	s10 =	sadd.s32 $0x280, s10;
	s15 =	sadd.s32 s8, s1  }
0x10: {  	s8 =	sadd.s32 s9, s10;
	s9 =	sadd.s32 s12, s10;
	s10 =	sadd.s32 $0x6A200, s29  }
0x11: {  	s12 =	smax.u32 s14, $0x1;
	s14 =	sor.u32 @!p0 $0x1C03, s11;
	s15 =	sshrl.u32 @!p0 s15, $0x3  }
.LBB2_1:
0x12: {  	[tilespmem:s3], [sflag:$0x1] =	stream.linear.gather [hbm4b:s6+s3], $0x1400, $0x38;
	[tilespmem:$0x1E080] =	vst v63  }
0x13: {  	s24 =	simm.s32 @!p0 $0x3  }
0x14: {  	[tilespmem:s13], [sflag:$0x2] =	stream.linear.gather [hbm4b:s7+s3], $0x1400, $0x38;
	[tilespmem:$0x1E080] =	vst v63  }
0x15: {  	[spmem:s15], [sflag:s14] =	dma.local @!p0 [hbm:s5], $0x3E80  }
0x16: {  	_ =	swait.ge @!p0 [sflag:s24], $0x3E80  }
0x17: {  	[sflag:s24] =	ssyncset.done @!p0 $0x0  }
0x18: {  	[sflag:s24] =	ssyncadd.s32 @!p0 $0xFFFFC180  }
0x19: {  	_ =	swait.ge [sflag:s16], $0x1400  }
0x1a: {  	[sflag:s16] =	ssyncset.done $0x0  }
0x1b: {  	[sflag:s16] =	ssyncadd.s32 $0xFFFFEC00  }
0x1c: {  	_ =	swait.ge [sflag:s17], $0x1400  }
0x1d: {  	[sflag:s17] =	ssyncset.done $0x0  }
0x1e: {  	[sflag:s17] =	ssyncadd.s32 $0xFFFFEC00  }
0x1f: {  	p1 =	por $0x1, $0x1;
	[bflag:$0x0] =	sbarrier.arrive $0xFFFF  }
0x20: {  	[tilespmem:s19], [sflag:$0x1] =	stream.indirect.gather [hbm4b:s4+s18], $0x80, s3, s18, $0xb8;
	[tilespmem:$0x1E080] =	vst v63  }
0x21: {  	p1 =	por p1, p1  }
0x22: {  	[tilespmem:s21], [sflag:$0x2] =	stream.indirect.gather [hbm4b:s4+s18], $0x80, s20, s18, $0xb8;
	[tilespmem:$0x1E080] =	vst v63  }
0x23: {  	s25 =	simm.s32 @!p1 $0x4;
	s24 =	simm.s32 @!p1 $0x0  }
0x24: {  	[tilespmem:s24], [sflag:$0x4] =	stream.linear.gather @!p1 [hbm4b:s8+s24], $0x1400, $0x38;
	[tilespmem:$0x1E080] =	vst v63  }
0x25: {  	_ =	swait.ge @!p1 [sflag:s25], $0x1400  }
0x26: {  	[sflag:s25] =	ssyncset.done @!p1 $0x0  }
0x27: {  	s26 =	simm.s32 @!p1 $0x1400;
	[sflag:s25] =	ssyncadd.s32 @!p1 $0xFFFFEC00  }
0x28: {  	[tilespmem:s26], [sflag:$0x4] =	stream.linear.gather @!p1 [hbm4b:s9+s24], $0x1400, $0x38;
	[tilespmem:$0x1E080] =	vst v63  }
0x29: {  	_ =	swait.ge @!p1 [sflag:s25], $0x1400  }
0x2a: {  	s29 =	simm.s32 $0x0;
	p2 =	por $0x1, $0x1;
	[sflag:s25] =	ssyncset.done @!p1 $0x0  }
0x2b: {  	s28 =	simm.s32 @!p1 $0x2800;
	[sflag:s25] =	ssyncadd.s32 @!p1 $0xFFFFEC00;
	s25 =	simm.s32 @!p1 $0x7D  }
0x2c: {  	[tilespmem:s28], [sflag:$0x1] =	stream.indirect.gather @!p1 [hbm4b:s4+s25], $0x80, s24, s25, $0xb8;
	[tilespmem:$0x1E080] =	vst v63  }
0x2d: {  	s26 =	simm.s32 $0xFFFFB000;
	s24 =	simm.s32 @!p1 $0x80;
	s28 =	simm.s32 @!p1 $0x6800  }
0x2e: {  	[tilespmem:s28], [sflag:$0x2] =	stream.indirect.gather @!p1 [hbm4b:s4+s25], $0x80, s24, s25, $0xb8;
	[tilespmem:$0x1E080] =	vst v63  }
0x2f: {  	s26 =	smov.u32 @p2 s29;
	_ =	swait.ge [sflag:s16], $0x3E80  }
0x30: {  	s0 =	sshra.s32 s26, $0x2;
	p1 =	por $0x0, $0x0;
	[sflag:s16] =	ssyncset.done $0x0  }
0x31: {  	s31 =	sadd.s32 $0x1400, s0;
	p2 =	por @!p1 $0x0, $0x0;
	[sflag:s16] =	ssyncadd.s32 $0xFFFFC180  }
0x32: {  	[spmem:s1] =	stream.indirect.scatter.add.f32 [tilespmem:s19], [sflag:$0x4], $0x80, s31, s18, $0xb8;
	[tilespmem:$0x1E080] =	vst v63  }
0x33: {  	p3 =	por p2, p1;
	_ =	swait.ge [sflag:s22], $0x3E80  }
0x34: {  	s29 =	sshra.s32 @!p3 s26, $0x2;
	s25 =	simm.s32 @!p3 $0x2800;
	[sflag:s22] =	ssyncset.done $0x0  }
0x35: {  	s28 =	simm.s32 @!p3 $0x7D;
	s26 =	sadd.s32 @!p3 $0x100, s29;
	[sflag:s22] =	ssyncadd.s32 $0xFFFFC180  }
0x36: {  	[tilespmem:s25], [sflag:$0x1] =	stream.indirect.gather @!p3 [hbm4b:s4+s28], $0x80, s26, s28, $0xb8;
	[tilespmem:$0x1E080] =	vst v63  }
0x37: {  	_ =	swait.ge [sflag:s17], $0x3E80  }
0x38: {  	[sflag:s17] =	ssyncset.done $0x0  }
0x39: {  	p6 =	por $0x1, $0x1;
	s24 =	sadd.s32 $0x1480, s0;
	[sflag:s17] =	ssyncadd.s32 $0xFFFFC180  }
0x3a: {  	[spmem:s1] =	stream.indirect.scatter.add.f32 [tilespmem:s21], [sflag:$0x4], $0x80, s24, s18, $0xb8;
	[tilespmem:$0x1E080] =	vst v63  }
0x3b: {  	p1 =	por p6, p6;
	s30 =	simm.s32 @!p3 $0x6800;
	_ =	swait.ge [sflag:s22], $0x3E80  }
0x3c: {  	s29 =	sadd.s32 @!p3 $0x180, s29;
	s25 =	simm.s32 $0x1;
	[sflag:s22] =	ssyncset.done $0x0  }
0x3d: {  	s26 =	simm.s32 $0x2;
	s24 =	simm.s32 $0xFFFFB400;
	[sflag:s22] =	ssyncadd.s32 $0xFFFFC180  }
.LBB2_2:
0x3e: {  	[tilespmem:s30], [sflag:$0x2] =	stream.indirect.gather @!p3 [hbm4b:s4+s28], $0x80, s29, s28, $0xb8;
	[tilespmem:$0x1E080] =	vst v63  }
0x3f: {  	p4 =	sne.s32 s26, $0x14;
	s28 =	simm.s32 @!p1 $0x0;
	s29 =	simm.s32 @!p1 $0x4  }
0x40: {  	[tilespmem:s28], [sflag:$0x4] =	stream.linear.gather @!p1 [hbm4b:s8+s28], $0x1400, $0x38;
	[tilespmem:$0x1E080] =	vst v63  }
0x41: {  	s30 =	smov.u32 s26;
	s26 =	sadd.s32 $0x1, s26;
	_ =	swait.ge @!p1 [sflag:s29], $0x1400  }
0x42: {  	p2 =	sne.s32 s26, $0x28;
	[sflag:s29] =	ssyncset.done @!p1 $0x0  }
0x43: {  	s31 =	simm.s32 @!p1 $0x1400;
	[sflag:s29] =	ssyncadd.s32 @!p1 $0xFFFFEC00  }
0x44: {  	[tilespmem:s31], [sflag:$0x4] =	stream.linear.gather @!p1 [hbm4b:s9+s28], $0x1400, $0x38;
	[tilespmem:$0x1E080] =	vst v63  }
0x45: {  	s0 =	sadd.s32 $0x5000, s24;
	s31 =	simm.s32 @!p1 $0x2800;
	_ =	swait.ge @!p1 [sflag:s29], $0x1400  }
0x46: {  	p3 =	seq.s32 s25, $0x13;
	p6 =	slt.u32 s25, $0x14;
	[sflag:s29] =	ssyncset.done @!p1 $0x0  }
0x47: {  	p5 =	seq.s32 @!p3 s25, $0x27;
	[sflag:s29] =	ssyncadd.s32 @!p1 $0xFFFFEC00;
	s29 =	simm.s32 @!p1 $0x7D  }
0x48: {  	[tilespmem:s31], [sflag:$0x1] =	stream.indirect.gather @!p1 [hbm4b:s4+s29], $0x80, s28, s29, $0xb8;
	[tilespmem:$0x1E080] =	vst v63  }
0x49: {  	s25 =	smov.u32 s24;
	s28 =	simm.s32 @!p1 $0x80;
	s31 =	simm.s32 @!p1 $0x6800  }
0x4a: {  	[tilespmem:s31], [sflag:$0x2] =	stream.indirect.gather @!p1 [hbm4b:s4+s29], $0x80, s28, s29, $0xb8;
	[tilespmem:$0x1E080] =	vst v63  }
0x4b: {  	s25 =	smov.u32 @p6 s0;
	p3 =	por p5, p3;
	_ =	swait.ge [sflag:s16], $0x3E80  }
0x4c: {  	s0 =	sshra.s32 s25, $0x2;
	s29 =	sshra.s32 @!p3 s25, $0x2;
	[sflag:s16] =	ssyncset.done $0x0  }
0x4d: {  	s28 =	sadd.s32 $0x1400, s0;
	s25 =	smov.u32 s30;
	[sflag:s16] =	ssyncadd.s32 $0xFFFFC180  }
0x4e: {  	[spmem:s1] =	stream.indirect.scatter.add.f32 [tilespmem:s19], [sflag:$0x4], $0x80, s28, s18, $0xb8;
	[tilespmem:$0x1E080] =	vst v63  }
0x4f: {  	p1 =	por p4, p4;
	_ =	swait.ge [sflag:s22], $0x3E80  }
0x50: {  	s30 =	simm.s32 @!p3 $0x2800;
	[sflag:s22] =	ssyncset.done $0x0  }
0x51: {  	s31 =	sadd.s32 @!p3 $0x100, s29;
	s28 =	simm.s32 @!p3 $0x7D;
	[sflag:s22] =	ssyncadd.s32 $0xFFFFC180  }
0x52: {  	[tilespmem:s30], [sflag:$0x1] =	stream.indirect.gather @!p3 [hbm4b:s4+s28], $0x80, s31, s28, $0xb8;
	[tilespmem:$0x1E080] =	vst v63  }
0x53: {  	_ =	swait.ge [sflag:s17], $0x3E80  }
0x54: {  	[sflag:s17] =	ssyncset.done $0x0  }
.Ltmp0:
0x55: {  	s0 =	sadd.s32 $0x1480, s0;
	[sflag:s17] =	ssyncadd.s32 $0xFFFFC180;
	(pc) =	sbr.rel @p2 .LBB2_2-.Ltmp0, $4  }
0x56: {  	[spmem:s1] =	stream.indirect.scatter.add.f32 [tilespmem:s21], [sflag:$0x4], $0x80, s0, s18, $0xb8;
	[tilespmem:$0x1E080] =	vst v63  }
0x57: {  	_ =	swait.ge [sflag:s22], $0x3E80  }
0x58: {  	s24 =	sadd.s32 $0x400, s24;
	[sflag:s22] =	ssyncset.done $0x0  }
0x59: {  	s29 =	sadd.s32 @!p3 $0x180, s29;
	s30 =	simm.s32 @!p3 $0x6800;
	[sflag:s22] =	ssyncadd.s32 $0xFFFFC180  }
0x5a: {  	[tilespmem:s30], [sflag:$0x2] =	stream.indirect.gather @!p3 [hbm4b:s4+s28], $0x80, s29, s28, $0xb8;
	[tilespmem:$0x1E080] =	vst v63  }
0x5b: {  	s0 =	simm.s32 @!p1 $0x0;
	s26 =	simm.s32 @!p1 $0x4  }
0x5c: {  	[tilespmem:s0], [sflag:$0x4] =	stream.linear.gather @!p1 [hbm4b:s8+s0], $0x1400, $0x38;
	[tilespmem:$0x1E080] =	vst v63  }
0x5d: {  	_ =	swait.ge @!p1 [sflag:s26], $0x1400  }
0x5e: {  	[sflag:s26] =	ssyncset.done @!p1 $0x0  }
0x5f: {  	s28 =	simm.s32 @!p1 $0x1400;
	[sflag:s26] =	ssyncadd.s32 @!p1 $0xFFFFEC00  }
0x60: {  	[tilespmem:s28], [sflag:$0x4] =	stream.linear.gather @!p1 [hbm4b:s9+s0], $0x1400, $0x38;
	[tilespmem:$0x1E080] =	vst v63  }
0x61: {  	_ =	swait.ge @!p1 [sflag:s26], $0x1400  }
0x62: {  	s29 =	sadd.s32 $0x5000, s24;
	[sflag:s26] =	ssyncset.done @!p1 $0x0  }
0x63: {  	s28 =	simm.s32 @!p1 $0x2800;
	[sflag:s26] =	ssyncadd.s32 @!p1 $0xFFFFEC00;
	s26 =	simm.s32 @!p1 $0x7D  }
0x64: {  	[tilespmem:s28], [sflag:$0x1] =	stream.indirect.gather @!p1 [hbm4b:s4+s26], $0x80, s0, s26, $0xb8;
	[tilespmem:$0x1E080] =	vst v63  }
0x65: {  	p2 =	slt.u32 s25, $0x14;
	s0 =	simm.s32 @!p1 $0x80;
	s28 =	simm.s32 @!p1 $0x6800  }
0x66: {  	[tilespmem:s28], [sflag:$0x2] =	stream.indirect.gather @!p1 [hbm4b:s4+s26], $0x80, s0, s26, $0xb8;
	[tilespmem:$0x1E080] =	vst v63  }
0x67: {  	s24 =	smov.u32 @p2 s29;
	_ =	swait.ge [sflag:s16], $0x3E80  }
0x68: {  	s30 =	sshra.s32 s24, $0x2;
	p1 =	seq.s32 s25, $0x13;
	[sflag:s16] =	ssyncset.done $0x0  }
0x69: {  	s31 =	sadd.s32 $0x1400, s30;
	p2 =	seq.s32 @!p1 s25, $0x27;
	[sflag:s16] =	ssyncadd.s32 $0xFFFFC180  }
0x6a: {  	[spmem:s1] =	stream.indirect.scatter.add.f32 [tilespmem:s19], [sflag:$0x4], $0x80, s31, s18, $0xb8;
	[tilespmem:$0x1E080] =	vst v63  }
0x6b: {  	p1 =	por p2, p1;
	_ =	swait.ge [sflag:s22], $0x3E80  }
0x6c: {  	s24 =	sshra.s32 @!p1 s24, $0x2;
	s25 =	simm.s32 @!p1 $0x2800;
	[sflag:s22] =	ssyncset.done $0x0  }
0x6d: {  	s28 =	simm.s32 @!p1 $0x7D;
	s26 =	sadd.s32 @!p1 $0x100, s24;
	[sflag:s22] =	ssyncadd.s32 $0xFFFFC180  }
0x6e: {  	[tilespmem:s25], [sflag:$0x1] =	stream.indirect.gather @!p1 [hbm4b:s4+s28], $0x80, s26, s28, $0xb8;
	[tilespmem:$0x1E080] =	vst v63  }
0x6f: {  	_ =	swait.ge [sflag:s17], $0x3E80  }
0x70: {  	[sflag:s17] =	ssyncset.done $0x0  }
0x71: {  	s0 =	sadd.s32 $0x1480, s30;
	[sflag:s17] =	ssyncadd.s32 $0xFFFFC180  }
0x72: {  	[spmem:s1] =	stream.indirect.scatter.add.f32 [tilespmem:s21], [sflag:$0x4], $0x80, s0, s18, $0xb8;
	[tilespmem:$0x1E080] =	vst v63  }
0x73: {  	_ =	swait.ge [sflag:s22], $0x3E80  }
0x74: {  	s23 =	sadd.s32 $0x1, s23;
	[sflag:s22] =	ssyncset.done $0x0  }
0x75: {  	s0 =	sadd.s32 @!p1 $0x180, s24;
	s24 =	simm.s32 @!p1 $0x6800;
	[sflag:s22] =	ssyncadd.s32 $0xFFFFC180  }
0x76: {  	[tilespmem:s24], [sflag:$0x2] =	stream.indirect.gather @!p1 [hbm4b:s4+s28], $0x80, s0, s28, $0xb8;
	[tilespmem:$0x1E080] =	vst v63  }
0x77: {  	s0 =	sor.u32 @!p0 $0x1C01, s11;
	p1 =	sne.s32 s23, s12;
	[bflag:$0x0] =	sbarrier.arrive $0xFFFF  }
0x78: {  	[hbm:s10], [sflag:s0] =	dma.local @!p0 [spmem:s15], $0x3E80  }
.Ltmp1:
0x79: {  	_ = 	snop;
	(pc) =	sbr.rel @p1 .LBB2_1-.Ltmp1, $4  }
0x7a: {  	s0 =	simm.s32 @!p0 $0x1  }
0x7b: {  	_ =	swait.ge @!p0 [sflag:s0], $0x3E80  }
0x7c: {  	[sflag:s0] =	ssyncset.done @!p0 $0x0  }
0x7d: {  	[sflag:s0] =	ssyncadd.s32 @!p0 $0xFFFFC180  }
0x7e: {  	_ =	sfence.sel $0x180000  }
0x7f: {  	[bflag:$0x0] =	sbarrier.arrive $0xFFFF  }
0x80: {  	_ =	strace $0x9000004A  }
0x81: {  	[bflag:$0x2] =	sbarrier.arrive $0xFFFF  }
0x82: {  	p0 =	sne.s32 s2, $0x0;
	s0 =	rddreg [dreg:$0x2]  }
0x83: {  	s0 =	sadd.s32 @!p0 $0x100000, s0  }
0x84: {  	[sflag:s0] =	ssyncadd.tile.s32 @!p0 $0x1;
	_ =	shalt  }
.Lfunc_end2:
_tile_overlayer_lowered:
.L_overlay_start_2:
0x85: {  	(tag) =	ssettag $0x2  }
0x86: {  	s0 =	rddreg [dreg:$0x0];
	s2 =	stileid.u32  }
0x87: {  	s1 =	rddreg [dreg:$0x1];
	p0 =	sne.s32 s2, $0x0  }
0x88: {  	s3 =	rddreg [dreg:$0x2];
	[bflag:$0x3] =	sbarrier.arrive $0xFFFF;
	s2 =	simm.s32 @!p0 $0x1C04  }
0x89: {  	[timem:s3], [sflag:s2] =	dma.local @!p0 [hbm:s0], s1  }
0x8a: {  	s0 =	simm.s32 @!p0 $0x4  }
0x8b: {  	_ =	swait.ge @!p0 [sflag:s0], s1  }
0x8c: {  	s1 =	ssub.s32 @!p0 $0x0, s1;
	[sflag:s0] =	ssyncset.done @!p0 $0x0  }
0x8d: {  	[sflag:s0] =	ssyncadd.s32 @!p0 s1  }
0x8e: {  	[bflag:$0x3] =	sbarrier.arrive $0xFFFF  }
0x8f: {  	_ =	shalt  }

// kernel: kernel.19.cloned.1.call-start
scs
__scs_entry_jumppad:
0x0: {  	(pc) =	sbr.rel $0x88, $3  }
0x1: {  	(tag) =	ssettag $0x0;
	lr =	simm.s32 $0x1  }
0x2: {  	[smem:$0x3F94] =	sst lr;
	_ =	strace $0xD0000000  }
0x3: {  	_ = 	snop  }
0x4: {  	_ = 	snop  }
0x5: {  	_ = 	snop  }
0x6: {  	_ = 	snop  }
0x7: {  	_ = 	snop  }
__scs_overlays_trampoline_lowered:
0x8: {  	[smem:$0x3FA3] =	sst s0  }
0x9: {  	[smem:$0x3FA4] =	sst s1  }
0xa: {  	[smem:$0x3FA5] =	sst s2  }
0xb: {  	[smem:$0x3FA6] =	sst s3  }
0xc: {  	[smem:$0x3FA7] =	sst s4  }
0xd: {  	[smem:$0x3FA8] =	sst s5  }
0xe: {  	[smem:$0x3FA9] =	sst s6  }
0xf: {  	[smem:$0x3FAA] =	sst s7  }
0x10: {  	[smem:$0x3FAB] =	sst s8  }
0x11: {  	[smem:$0x3FAC] =	sst s9;
	s0 =	simm.s32 @!p0 $0x0  }
0x12: {  	s1 =	sld [smem:$0x3F92];
	s0 =	simm.s32 @p0 $0x1  }
0x13: {  	[smem:$0x3FAD] =	sst s0;
	s0 =	simm.s32 @!p1 $0x0  }
0x14: {  	s2 =	sld [smem:$0x3F91];
	s0 =	simm.s32 @p1 $0x1  }
0x15: {  	[smem:$0x3FAE] =	sst s0;
	s0 =	simm.s32 @!p2 $0x0  }
0x16: {  	s3 =	sld [smem:$0x3FDB];
	s0 =	simm.s32 @p2 $0x1  }
0x17: {  	s4 =	simm.s32 $0x1BF5;
	[smem:$0x3FB0] =	sst s0  }
0x18: {  	s0 =	sld [smem:$0x3F93];
	_ =	swait.ge [sflag:s4], $0x0  }
0x19: {  	s7 =	sld [smem:$0x3F94]  }
0x1a: {  	s8 =	sadd.s32 $0xFFFFE003, lr  }
0x1b: {  	s9 =	sadd.s32 $0xFFFFFEF7, lr;
	s5 =	simm.s32 $0xFFFFFFFF;
	p2 =	slt.u32 s8, $0xFFFFF086  }
0x1c: {  	p1 =	slt.u32 s9, $0xF7A;
	s5 =	simm.s32 @!p2 $0x0  }
0x1d: {  	s5 =	simm.s32 @p1 $0x1;
	p0 =	seq.s32 s7, s2  }
0x1e: {  	s7 =	smul.u32 @!p0 $0xF7A, s2;
	p2 =	seq.s32 @!p0 s5, $0x0  }
0x1f: {  	s9 =	smul.u32 $0xF7A, s1;
	s8 =	simm.s32 @!p0 $0x1BF5;
	p2 =	por !p2, p0  }
0x20: {  	[sflag:s8] =	ssyncset.s32 @!p0 $0xFFFFF086;
	s6 =	sadd.s32 @!p0 s3, s7;
	s7 =	simm.s32 @!p0 $0x108  }
0x21: {  	s3 =	sadd.s32 s3, s9;
	s6 =	sadd.s32 @!p0 $0x88, s6;
	s7 =	simm.s32 @p2 $0x1082  }
0x22: {  	[simem:s7], [sflag:s8] =	dma.local @!p0 [hbm:s6], $0xF7A  }
0x23: {  	s9 =	sor.u32 $0xD0000000, s2;
	s6 =	simm.s32 $0x108;
	_ =	swait.ge @!p0 [sflag:s8], $0x0  }
0x24: {  	s3 =	sadd.s32 $0x88, s3;
	s6 =	simm.s32 @!p1 $0x1082;
	[sflag:s4] =	ssyncset.s32 $0xFFFFF086  }
0x25: {  	[simem:s6], [sflag:s4] =	dma.local [hbm:s3], $0xF7A  }
0x26: {  	[smem:$0x3F94] =	sst s1;
	(tag) =	ssettag s2;
	_ =	strace s9  }
0x27: {  	s1 =	sld [smem:$0x3FA4]  }
0x28: {  	s2 =	sld [smem:$0x3FA5]  }
0x29: {  	s4 =	sld [smem:$0x3FA7]  }
0x2a: {  	p0 =	seq.s32 s5, $0x0;
	s5 =	sld [smem:$0x3FA8]  }
0x2b: {  	s6 =	sld [smem:$0x3FA9]  }
0x2c: {  	s7 =	sld [smem:$0x3FAA]  }
0x2d: {  	s3 =	simm.s32 $0x108;
	s8 =	sld [smem:$0x3FAB]  }
0x2e: {  	s3 =	simm.s32 @!p0 $0x1082;
	s9 =	sld [smem:$0x3FAC]  }
0x2f: {  	lr =	sadd.s32 s0, s3;
	s0 =	sld [smem:$0x3FA3]  }
0x30: {  	s3 =	sld [smem:$0x3FA6]  }
0x31: {  	[smem:$0x3FAF] =	sst s10  }
0x32: {  	s10 =	sld [smem:$0x3FAD];
	_ =	sdelay $0x3  }
0x33: {  	p0 =	seq.s32 s10, $0x1;
	s10 =	sld [smem:$0x3FAF];
	_ =	sdelay $0x3  }
0x34: {  	[smem:$0x3FAF] =	sst s10  }
0x35: {  	s10 =	sld [smem:$0x3FAE];
	_ =	sdelay $0x3  }
0x36: {  	p1 =	seq.s32 s10, $0x1;
	s10 =	sld [smem:$0x3FAF];
	_ =	sdelay $0x3  }
0x37: {  	[smem:$0x3FAF] =	sst s10  }
0x38: {  	s10 =	sld [smem:$0x3FB0]  }
0x39: {  	_ = 	snop;
	(pc) =	sbr.ind lr, $3  }
0x3a: {  	_ = 	snop  }
0x3b: {  	_ = 	snop  }
0x3c: {  	p2 =	seq.s32 s10, $0x1;
	s10 =	sld [smem:$0x3FAF]  }
0x3d: {  	_ =	shalt  }
0x3e: {  	_ =	shalt  }
0x3f: {  	_ =	shalt  }
0x40: {  	_ =	shalt  }
0x41: {  	_ =	shalt  }
0x42: {  	_ =	shalt  }
0x43: {  	_ =	shalt  }
0x44: {  	_ =	shalt  }
0x45: {  	_ =	shalt  }
0x46: {  	_ =	shalt  }
0x47: {  	_ =	shalt  }
0x48: {  	_ =	shalt  }
0x49: {  	_ =	shalt  }
0x4a: {  	_ =	shalt  }
0x4b: {  	_ =	shalt  }
0x4c: {  	_ =	shalt  }
0x4d: {  	_ =	shalt  }
0x4e: {  	_ =	shalt  }
0x4f: {  	_ =	shalt  }
0x50: {  	_ =	shalt  }
0x51: {  	_ =	shalt  }
0x52: {  	_ =	shalt  }
0x53: {  	_ =	shalt  }
0x54: {  	_ =	shalt  }
0x55: {  	_ =	shalt  }
0x56: {  	_ =	shalt  }
0x57: {  	_ =	shalt  }
0x58: {  	_ =	shalt  }
0x59: {  	_ =	shalt  }
0x5a: {  	_ =	shalt  }
0x5b: {  	_ =	shalt  }
0x5c: {  	_ =	shalt  }
0x5d: {  	_ =	shalt  }
0x5e: {  	_ =	shalt  }
0x5f: {  	_ =	shalt  }
0x60: {  	_ =	shalt  }
0x61: {  	_ =	shalt  }
0x62: {  	_ =	shalt  }
0x63: {  	_ =	shalt  }
0x64: {  	_ =	shalt  }
0x65: {  	_ =	shalt  }
0x66: {  	_ =	shalt  }
0x67: {  	_ =	shalt  }
0x68: {  	_ =	shalt  }
0x69: {  	_ =	shalt  }
0x6a: {  	_ =	shalt  }
0x6b: {  	_ =	shalt  }
0x6c: {  	_ =	shalt  }
0x6d: {  	_ =	shalt  }
0x6e: {  	_ =	shalt  }
0x6f: {  	_ =	shalt  }
0x70: {  	_ =	shalt  }
0x71: {  	_ =	shalt  }
0x72: {  	_ =	shalt  }
0x73: {  	_ =	shalt  }
0x74: {  	_ =	shalt  }
0x75: {  	_ =	shalt  }
0x76: {  	_ =	shalt  }
0x77: {  	_ =	shalt  }
0x78: {  	_ =	shalt  }
0x79: {  	_ =	shalt  }
0x7a: {  	_ =	shalt  }
0x7b: {  	_ =	shalt  }
0x7c: {  	_ =	shalt  }
0x7d: {  	_ =	shalt  }
0x7e: {  	_ =	shalt  }
0x7f: {  	_ =	shalt  }
0x80: {  	_ =	shalt  }
0x81: {  	_ =	shalt  }
0x82: {  	_ =	shalt  }
0x83: {  	_ =	shalt  }
0x84: {  	_ =	shalt  }
0x85: {  	_ =	shalt  }
0x86: {  	_ =	shalt  }
0x87: {  	_ =	shalt  }
.Lfunc_end0:
.L_simem_size_0:
called_computation.2_lowered:
.L_overlay_start_0:
0x88: {  	s2 =	sld [smem:$0x3FD9]  }
0x89: {  	s3 =	sld [smem:$0x3FFE];
	_ =	sdelay $0x1  }
0x8a: {  	s1 =	srdreg.scid  }
0x8b: {  	s0 =	sand.u32 $0x1, s1  }
0x8c: {  	s16 =	sshll.u32 s0, $0xA;
	s2 =	sadd.s32 s3, s2  }
0x8d: {  	s2 =	sadd.s32 s2, s16  }
0x8e: {  	[smem:$0x3FBB] =	sst s2  }
0x8f: {  	_ = 	snop  }
0x90: {  	(tm) =	ssettm $0x1  }
0x91: {  	s17 =	sld [smem:$0x3FFB];
	_ =	sdelay $0x3  }
0x92: {  	_ =	strace s17  }
0x93: {  	s2 =	sld [smem:$0x3FFC];
	_ =	sdelay $0x3  }
0x94: {  	_ =	strace s2  }
0x95: {  	s2 =	sld [smem:$0x3FFD];
	_ =	sdelay $0x3  }
0x96: {  	_ =	strace s2  }
0x97: {  	_ =	strace $0x8FFFFFFF  }
0x98: {  	s18 =	sld [smem:$0x3FDB];
	_ =	sdelay $0x1  }
0x99: {  	s19 =	simm.s32 $_scs_section_size  }
0x9a: {  	s4 =	simm.s32 $_size__tile_overlayer_lowered;
	s5 =	simm.s32 $_tile_overlayer_lowered  }
0x9b: {  	s22 =	simm.s32 $0x1BFF;
	s21 =	sshll.u32 s5, $0x1;
	s2 =	sadd.s32 s19, s18  }
0x9c: {  	s6 =	simm.s32 $0x0;
	s20 =	sshll.u32 s4, $0x1;
	s4 =	sadd.s32 s21, s2  }
0x9d: {  	[timem:s6], [sflag:s22] =	dma.local [hbm:s4], s20  }
0x9e: {  	_ =	swait.ge [sflag:s22], s20  }
0x9f: {  	s3 =	ssub.s32 $0x0, s20;
	[sflag:s22] =	ssyncset.done $0x0  }
0xa0: {  	[sflag:s22] =	ssyncadd.s32 s3;
	_ =	sdelay $0x1  }
0xa1: {  	s23 =	simm.s32 $0x1B8B  }
0xa2: {  	_ =	swait.ge [sflag:s23], $0x1  }
0xa3: {  	[sflag:s23] =	ssyncset.done $0x0  }
0xa4: {  	s25 =	simm.s32 $0x1B8E;
	s24 =	sld [smem:$0x3FFE];
	[sflag:s23] =	ssyncadd.s32 $0xFFFFFFFF  }
0xa5: {  	s26 =	simm.s32 $execute0_lowered;
	[smem:$0x3FD2] =	sst s25  }
0xa6: {  	s4 =	sshll.u32 s26, $0x1;
	_ =	strace $0x8000004C;
	[dreg:$0x1] =	wrdreg $0xFFFFFFFF  }
0xa7: {  	s28 =	simm.s32 $_size_execute0_lowered;
	s2 =	sadd.s32 s2, s4;
	[dreg:$0x0] =	wrdreg $0x0  }
0xa8: {  	s4 =	sshll.u32 s28, $0x1;
	[dreg:$0x2] =	wrdreg s2  }
0xa9: {  	[dreg:$0x3] =	wrdreg s4  }
0xaa: {  	[dreg:$0x4] =	wrdreg $0xC0  }
0xab: {  	_ =	task [dreg:s6], $0x5FFFF  }
0xac: {  	[dreg:$0x1] =	wrdreg $0xFFFFFFFF  }
0xad: {  	[dreg:$0x0] =	wrdreg $0x60  }
0xae: {  	[dreg:$0x2] =	wrdreg s24  }
0xaf: {  	[dreg:$0x3] =	wrdreg $0xA8000  }
0xb0: {  	[dreg:$0x4] =	wrdreg $0x9  }
0xb1: {  	_ =	task.clear_ibuf [dreg:s6], $0x5FFFF;
	_ =	strace $0x9000004C  }
0xb2: {  	s29 =	simm.s32 $0x9;
	_ =	strace $0x8000004E  }
0xb3: {  	_ =	swait.ge [sflag:s29], $0x1  }
0xb4: {  	[sflag:s29] =	ssyncadd.s32 $0xFFFFFFFF  }
0xb5: {  	_ =	strace $0x9000004E  }
0xb6: {  	_ =	sfence  }
0xb7: {  	s30 =	sld [smem:$0x0];
	_ =	sdelay $0x2  }
0xb8: {  	s31 =	sshll.u32 s1, $0xD;
	s1 =	sshrl.u32 s1, $0x2  }
0xb9: {  	s3 =	sand.u32 $0x4000, s31;
	s1 =	sadd.s32 s1, s30  }
0xba: {  	s0 =	sor.u32 s3, s0;
	s1 =	sshll.u32 s1, $0x11  }
0xbb: {  	s0 =	sor.u32 s1, s0  }
0xbc: {  	s0 =	sadd.s32 $0x8F2B, s0  }
0xbd: {  	[sflag:s0] =	ssyncadd.remote.s32 $0x1  }
0xbe: {  	_ =	sfence.sel $0xFFFF  }
0xbf: {  	[dreg:$0x0] =	wrdreg $0xFFFFFFFF;
	(pc) =	sbr.abs _section_cstart, $3  }
0xc0: {  	[dreg:$0x1] =	wrdreg $0xFFFFFFFF  }
0xc1: {  	_ =	task.clear_ibuf [dreg:s6], $0x2FFFF;
	_ =	strace $0x9FFFFFFF  }
0xc2: {  	(tm) =	ssettm $0x7FFFFFFF  }
0xc3: {  	_ =	shalt  }
tec
execute0_lowered:
.L_overlay_start_1:
0x0: {  	(tag) =	ssettag $0x1  }
0x1: {  	s6 =	rddreg [dreg:$0x0]  }
0x2: {  	s1 =	rddreg [dreg:$0x1]  }
0x3: {  	s3 =	simm.s32 $0x0;
	s4 =	srdreg.scid;
	s2 =	stileid.u32  }
0x4: {  	s16 =	simm.s32 $0x1;
	s17 =	simm.s32 $0x2;
	s18 =	simm.s32 $0x7D  }
0x5: {  	s19 =	simm.s32 $0x2800;
	s20 =	simm.s32 $0x80;
	s21 =	simm.s32 $0x6800  }
0x6: {  	s22 =	simm.s32 $0x4;
	s23 =	simm.s32 $0x0;
	[smem:$0x7FF] =	sst s3  }
0x7: {  	s7 =	sand.u32 $0x1, s4;
	s4 =	sadd.s32 $0x11800, s6;
	s10 =	smul.u32 $0x3E80, s2  }
0x8: {  	s5 =	sshll.u32 s2, $0x1;
	s9 =	sadd.s32 $0x60200, s6;
	s31 =	smul.u32 $0x7D000, s2  }
0x9: {  	s12 =	sadd.s32 $0x3800, s6;
	s8 =	smul.u32 $0x27100, s7;
	s11 =	sor.u32 s7, s5  }
0xa: {  	p0 =	sgt.u32 s2, $0x9;
	_ =	strace $0x8000004D;
	s13 =	smul.u32 $0x500, s11  }
0xb: {  	s5 =	sadd.s32 $0xD800, s6;
	s7 =	ssub.s32 $0x2, s7;
	s28 =	smul.u32 $0x2800, s11  }
0xc: {  	s30 =	sshrl.u32 s7, $0x1;
	s11 =	sshll.u32 @!p0 s2, $0x6;
	s8 =	sadd.s32 s10, s8  }
0xd: {  	s14 =	ssub.s32 s7, s30;
	s29 =	sadd.s32 s8, s6;
	s6 =	sadd.s32 s9, s13  }
0xe: {  	s10 =	sshrl.u32 s28, $0x3;
	s7 =	sadd.s32 s12, s13;
	s8 =	sshrl.u32 s31, $0x2  }
0xf: {  	s13 =	simm.s32 $0x1400;
	s10 =	sadd.s32 $0x280, s10;
	s15 =	sadd.s32 s8, s1  }
0x10: {  	s8 =	sadd.s32 s9, s10;
	s9 =	sadd.s32 s12, s10;
	s10 =	sadd.s32 $0x6A200, s29  }
0x11: {  	s12 =	smax.u32 s14, $0x1;
	s14 =	sor.u32 @!p0 $0x1C03, s11;
	s15 =	sshrl.u32 @!p0 s15, $0x3  }
.LBB2_1:
0x12: {  	[tilespmem:s3], [sflag:$0x1] =	stream.linear.gather [hbm4b:s6+s3], $0x1400, $0x38;
	[tilespmem:$0x1E080] =	vst v63  }
0x13: {  	s24 =	simm.s32 @!p0 $0x3  }
0x14: {  	[tilespmem:s13], [sflag:$0x2] =	stream.linear.gather [hbm4b:s7+s3], $0x1400, $0x38;
	[tilespmem:$0x1E080] =	vst v63  }
0x15: {  	[spmem:s15], [sflag:s14] =	dma.local @!p0 [hbm:s5], $0x3E80  }
0x16: {  	_ =	swait.ge @!p0 [sflag:s24], $0x3E80  }
0x17: {  	[sflag:s24] =	ssyncset.done @!p0 $0x0  }
0x18: {  	[sflag:s24] =	ssyncadd.s32 @!p0 $0xFFFFC180  }
0x19: {  	_ =	swait.ge [sflag:s16], $0x1400  }
0x1a: {  	[sflag:s16] =	ssyncset.done $0x0  }
0x1b: {  	[sflag:s16] =	ssyncadd.s32 $0xFFFFEC00  }
0x1c: {  	_ =	swait.ge [sflag:s17], $0x1400  }
0x1d: {  	[sflag:s17] =	ssyncset.done $0x0  }
0x1e: {  	[sflag:s17] =	ssyncadd.s32 $0xFFFFEC00  }
0x1f: {  	p1 =	por $0x1, $0x1;
	[bflag:$0x0] =	sbarrier.arrive $0xFFFF  }
0x20: {  	[tilespmem:s19], [sflag:$0x1] =	stream.indirect.gather [hbm4b:s4+s18], $0x80, s3, s18, $0xb8;
	[tilespmem:$0x1E080] =	vst v63  }
0x21: {  	p1 =	por p1, p1  }
0x22: {  	[tilespmem:s21], [sflag:$0x2] =	stream.indirect.gather [hbm4b:s4+s18], $0x80, s20, s18, $0xb8;
	[tilespmem:$0x1E080] =	vst v63  }
0x23: {  	s25 =	simm.s32 @!p1 $0x4;
	s24 =	simm.s32 @!p1 $0x0  }
0x24: {  	[tilespmem:s24], [sflag:$0x4] =	stream.linear.gather @!p1 [hbm4b:s8+s24], $0x1400, $0x38;
	[tilespmem:$0x1E080] =	vst v63  }
0x25: {  	_ =	swait.ge @!p1 [sflag:s25], $0x1400  }
0x26: {  	[sflag:s25] =	ssyncset.done @!p1 $0x0  }
0x27: {  	s26 =	simm.s32 @!p1 $0x1400;
	[sflag:s25] =	ssyncadd.s32 @!p1 $0xFFFFEC00  }
0x28: {  	[tilespmem:s26], [sflag:$0x4] =	stream.linear.gather @!p1 [hbm4b:s9+s24], $0x1400, $0x38;
	[tilespmem:$0x1E080] =	vst v63  }
0x29: {  	_ =	swait.ge @!p1 [sflag:s25], $0x1400  }
0x2a: {  	s29 =	simm.s32 $0x0;
	p2 =	por $0x1, $0x1;
	[sflag:s25] =	ssyncset.done @!p1 $0x0  }
0x2b: {  	s28 =	simm.s32 @!p1 $0x2800;
	[sflag:s25] =	ssyncadd.s32 @!p1 $0xFFFFEC00;
	s25 =	simm.s32 @!p1 $0x7D  }
0x2c: {  	[tilespmem:s28], [sflag:$0x1] =	stream.indirect.gather @!p1 [hbm4b:s4+s25], $0x80, s24, s25, $0xb8;
	[tilespmem:$0x1E080] =	vst v63  }
0x2d: {  	s26 =	simm.s32 $0xFFFFB000;
	s24 =	simm.s32 @!p1 $0x80;
	s28 =	simm.s32 @!p1 $0x6800  }
0x2e: {  	[tilespmem:s28], [sflag:$0x2] =	stream.indirect.gather @!p1 [hbm4b:s4+s25], $0x80, s24, s25, $0xb8;
	[tilespmem:$0x1E080] =	vst v63  }
0x2f: {  	s26 =	smov.u32 @p2 s29;
	_ =	swait.ge [sflag:s16], $0x3E80  }
0x30: {  	s0 =	sshra.s32 s26, $0x2;
	p1 =	por $0x0, $0x0;
	[sflag:s16] =	ssyncset.done $0x0  }
0x31: {  	s31 =	sadd.s32 $0x1400, s0;
	p2 =	por @!p1 $0x0, $0x0;
	[sflag:s16] =	ssyncadd.s32 $0xFFFFC180  }
0x32: {  	[spmem:s1] =	stream.indirect.scatter.add.f32 [tilespmem:s19], [sflag:$0x4], $0x80, s31, s18, $0xb8;
	[tilespmem:$0x1E080] =	vst v63  }
0x33: {  	p3 =	por p2, p1;
	_ =	swait.ge [sflag:s22], $0x3E80  }
0x34: {  	s29 =	sshra.s32 @!p3 s26, $0x2;
	s25 =	simm.s32 @!p3 $0x2800;
	[sflag:s22] =	ssyncset.done $0x0  }
0x35: {  	s28 =	simm.s32 @!p3 $0x7D;
	s26 =	sadd.s32 @!p3 $0x100, s29;
	[sflag:s22] =	ssyncadd.s32 $0xFFFFC180  }
0x36: {  	[tilespmem:s25], [sflag:$0x1] =	stream.indirect.gather @!p3 [hbm4b:s4+s28], $0x80, s26, s28, $0xb8;
	[tilespmem:$0x1E080] =	vst v63  }
0x37: {  	_ =	swait.ge [sflag:s17], $0x3E80  }
0x38: {  	[sflag:s17] =	ssyncset.done $0x0  }
0x39: {  	p6 =	por $0x1, $0x1;
	s24 =	sadd.s32 $0x1480, s0;
	[sflag:s17] =	ssyncadd.s32 $0xFFFFC180  }
0x3a: {  	[spmem:s1] =	stream.indirect.scatter.add.f32 [tilespmem:s21], [sflag:$0x4], $0x80, s24, s18, $0xb8;
	[tilespmem:$0x1E080] =	vst v63  }
0x3b: {  	p1 =	por p6, p6;
	s30 =	simm.s32 @!p3 $0x6800;
	_ =	swait.ge [sflag:s22], $0x3E80  }
0x3c: {  	s29 =	sadd.s32 @!p3 $0x180, s29;
	s25 =	simm.s32 $0x1;
	[sflag:s22] =	ssyncset.done $0x0  }
0x3d: {  	s26 =	simm.s32 $0x2;
	s24 =	simm.s32 $0xFFFFB400;
	[sflag:s22] =	ssyncadd.s32 $0xFFFFC180  }
.LBB2_2:
0x3e: {  	[tilespmem:s30], [sflag:$0x2] =	stream.indirect.gather @!p3 [hbm4b:s4+s28], $0x80, s29, s28, $0xb8;
	[tilespmem:$0x1E080] =	vst v63  }
0x3f: {  	p4 =	sne.s32 s26, $0x14;
	s28 =	simm.s32 @!p1 $0x0;
	s29 =	simm.s32 @!p1 $0x4  }
0x40: {  	[tilespmem:s28], [sflag:$0x4] =	stream.linear.gather @!p1 [hbm4b:s8+s28], $0x1400, $0x38;
	[tilespmem:$0x1E080] =	vst v63  }
0x41: {  	s30 =	smov.u32 s26;
	s26 =	sadd.s32 $0x1, s26;
	_ =	swait.ge @!p1 [sflag:s29], $0x1400  }
0x42: {  	p2 =	sne.s32 s26, $0x28;
	[sflag:s29] =	ssyncset.done @!p1 $0x0  }
0x43: {  	s31 =	simm.s32 @!p1 $0x1400;
	[sflag:s29] =	ssyncadd.s32 @!p1 $0xFFFFEC00  }
0x44: {  	[tilespmem:s31], [sflag:$0x4] =	stream.linear.gather @!p1 [hbm4b:s9+s28], $0x1400, $0x38;
	[tilespmem:$0x1E080] =	vst v63  }
0x45: {  	s0 =	sadd.s32 $0x5000, s24;
	s31 =	simm.s32 @!p1 $0x2800;
	_ =	swait.ge @!p1 [sflag:s29], $0x1400  }
0x46: {  	p3 =	seq.s32 s25, $0x13;
	p6 =	slt.u32 s25, $0x14;
	[sflag:s29] =	ssyncset.done @!p1 $0x0  }
0x47: {  	p5 =	seq.s32 @!p3 s25, $0x27;
	[sflag:s29] =	ssyncadd.s32 @!p1 $0xFFFFEC00;
	s29 =	simm.s32 @!p1 $0x7D  }
0x48: {  	[tilespmem:s31], [sflag:$0x1] =	stream.indirect.gather @!p1 [hbm4b:s4+s29], $0x80, s28, s29, $0xb8;
	[tilespmem:$0x1E080] =	vst v63  }
0x49: {  	s25 =	smov.u32 s24;
	s28 =	simm.s32 @!p1 $0x80;
	s31 =	simm.s32 @!p1 $0x6800  }
0x4a: {  	[tilespmem:s31], [sflag:$0x2] =	stream.indirect.gather @!p1 [hbm4b:s4+s29], $0x80, s28, s29, $0xb8;
	[tilespmem:$0x1E080] =	vst v63  }
0x4b: {  	s25 =	smov.u32 @p6 s0;
	p3 =	por p5, p3;
	_ =	swait.ge [sflag:s16], $0x3E80  }
0x4c: {  	s0 =	sshra.s32 s25, $0x2;
	s29 =	sshra.s32 @!p3 s25, $0x2;
	[sflag:s16] =	ssyncset.done $0x0  }
0x4d: {  	s28 =	sadd.s32 $0x1400, s0;
	s25 =	smov.u32 s30;
	[sflag:s16] =	ssyncadd.s32 $0xFFFFC180  }
0x4e: {  	[spmem:s1] =	stream.indirect.scatter.add.f32 [tilespmem:s19], [sflag:$0x4], $0x80, s28, s18, $0xb8;
	[tilespmem:$0x1E080] =	vst v63  }
0x4f: {  	p1 =	por p4, p4;
	_ =	swait.ge [sflag:s22], $0x3E80  }
0x50: {  	s30 =	simm.s32 @!p3 $0x2800;
	[sflag:s22] =	ssyncset.done $0x0  }
0x51: {  	s31 =	sadd.s32 @!p3 $0x100, s29;
	s28 =	simm.s32 @!p3 $0x7D;
	[sflag:s22] =	ssyncadd.s32 $0xFFFFC180  }
0x52: {  	[tilespmem:s30], [sflag:$0x1] =	stream.indirect.gather @!p3 [hbm4b:s4+s28], $0x80, s31, s28, $0xb8;
	[tilespmem:$0x1E080] =	vst v63  }
0x53: {  	_ =	swait.ge [sflag:s17], $0x3E80  }
0x54: {  	[sflag:s17] =	ssyncset.done $0x0  }
.Ltmp0:
0x55: {  	s0 =	sadd.s32 $0x1480, s0;
	[sflag:s17] =	ssyncadd.s32 $0xFFFFC180;
	(pc) =	sbr.rel @p2 .LBB2_2-.Ltmp0, $4  }
0x56: {  	[spmem:s1] =	stream.indirect.scatter.add.f32 [tilespmem:s21], [sflag:$0x4], $0x80, s0, s18, $0xb8;
	[tilespmem:$0x1E080] =	vst v63  }
0x57: {  	_ =	swait.ge [sflag:s22], $0x3E80  }
0x58: {  	s24 =	sadd.s32 $0x400, s24;
	[sflag:s22] =	ssyncset.done $0x0  }
0x59: {  	s29 =	sadd.s32 @!p3 $0x180, s29;
	s30 =	simm.s32 @!p3 $0x6800;
	[sflag:s22] =	ssyncadd.s32 $0xFFFFC180  }
0x5a: {  	[tilespmem:s30], [sflag:$0x2] =	stream.indirect.gather @!p3 [hbm4b:s4+s28], $0x80, s29, s28, $0xb8;
	[tilespmem:$0x1E080] =	vst v63  }
0x5b: {  	s0 =	simm.s32 @!p1 $0x0;
	s26 =	simm.s32 @!p1 $0x4  }
0x5c: {  	[tilespmem:s0], [sflag:$0x4] =	stream.linear.gather @!p1 [hbm4b:s8+s0], $0x1400, $0x38;
	[tilespmem:$0x1E080] =	vst v63  }
0x5d: {  	_ =	swait.ge @!p1 [sflag:s26], $0x1400  }
0x5e: {  	[sflag:s26] =	ssyncset.done @!p1 $0x0  }
0x5f: {  	s28 =	simm.s32 @!p1 $0x1400;
	[sflag:s26] =	ssyncadd.s32 @!p1 $0xFFFFEC00  }
0x60: {  	[tilespmem:s28], [sflag:$0x4] =	stream.linear.gather @!p1 [hbm4b:s9+s0], $0x1400, $0x38;
	[tilespmem:$0x1E080] =	vst v63  }
0x61: {  	_ =	swait.ge @!p1 [sflag:s26], $0x1400  }
0x62: {  	s29 =	sadd.s32 $0x5000, s24;
	[sflag:s26] =	ssyncset.done @!p1 $0x0  }
0x63: {  	s28 =	simm.s32 @!p1 $0x2800;
	[sflag:s26] =	ssyncadd.s32 @!p1 $0xFFFFEC00;
	s26 =	simm.s32 @!p1 $0x7D  }
0x64: {  	[tilespmem:s28], [sflag:$0x1] =	stream.indirect.gather @!p1 [hbm4b:s4+s26], $0x80, s0, s26, $0xb8;
	[tilespmem:$0x1E080] =	vst v63  }
0x65: {  	p2 =	slt.u32 s25, $0x14;
	s0 =	simm.s32 @!p1 $0x80;
	s28 =	simm.s32 @!p1 $0x6800  }
0x66: {  	[tilespmem:s28], [sflag:$0x2] =	stream.indirect.gather @!p1 [hbm4b:s4+s26], $0x80, s0, s26, $0xb8;
	[tilespmem:$0x1E080] =	vst v63  }
0x67: {  	s24 =	smov.u32 @p2 s29;
	_ =	swait.ge [sflag:s16], $0x3E80  }
0x68: {  	s30 =	sshra.s32 s24, $0x2;
	p1 =	seq.s32 s25, $0x13;
	[sflag:s16] =	ssyncset.done $0x0  }
0x69: {  	s31 =	sadd.s32 $0x1400, s30;
	p2 =	seq.s32 @!p1 s25, $0x27;
	[sflag:s16] =	ssyncadd.s32 $0xFFFFC180  }
0x6a: {  	[spmem:s1] =	stream.indirect.scatter.add.f32 [tilespmem:s19], [sflag:$0x4], $0x80, s31, s18, $0xb8;
	[tilespmem:$0x1E080] =	vst v63  }
0x6b: {  	p1 =	por p2, p1;
	_ =	swait.ge [sflag:s22], $0x3E80  }
0x6c: {  	s24 =	sshra.s32 @!p1 s24, $0x2;
	s25 =	simm.s32 @!p1 $0x2800;
	[sflag:s22] =	ssyncset.done $0x0  }
0x6d: {  	s28 =	simm.s32 @!p1 $0x7D;
	s26 =	sadd.s32 @!p1 $0x100, s24;
	[sflag:s22] =	ssyncadd.s32 $0xFFFFC180  }
0x6e: {  	[tilespmem:s25], [sflag:$0x1] =	stream.indirect.gather @!p1 [hbm4b:s4+s28], $0x80, s26, s28, $0xb8;
	[tilespmem:$0x1E080] =	vst v63  }
0x6f: {  	_ =	swait.ge [sflag:s17], $0x3E80  }
0x70: {  	[sflag:s17] =	ssyncset.done $0x0  }
0x71: {  	s0 =	sadd.s32 $0x1480, s30;
	[sflag:s17] =	ssyncadd.s32 $0xFFFFC180  }
0x72: {  	[spmem:s1] =	stream.indirect.scatter.add.f32 [tilespmem:s21], [sflag:$0x4], $0x80, s0, s18, $0xb8;
	[tilespmem:$0x1E080] =	vst v63  }
0x73: {  	_ =	swait.ge [sflag:s22], $0x3E80  }
0x74: {  	s23 =	sadd.s32 $0x1, s23;
	[sflag:s22] =	ssyncset.done $0x0  }
0x75: {  	s0 =	sadd.s32 @!p1 $0x180, s24;
	s24 =	simm.s32 @!p1 $0x6800;
	[sflag:s22] =	ssyncadd.s32 $0xFFFFC180  }
0x76: {  	[tilespmem:s24], [sflag:$0x2] =	stream.indirect.gather @!p1 [hbm4b:s4+s28], $0x80, s0, s28, $0xb8;
	[tilespmem:$0x1E080] =	vst v63  }
0x77: {  	s0 =	sor.u32 @!p0 $0x1C01, s11;
	p1 =	sne.s32 s23, s12;
	[bflag:$0x0] =	sbarrier.arrive $0xFFFF  }
0x78: {  	[hbm:s10], [sflag:s0] =	dma.local @!p0 [spmem:s15], $0x3E80  }
.Ltmp1:
0x79: {  	_ = 	snop;
	(pc) =	sbr.rel @p1 .LBB2_1-.Ltmp1, $4  }
0x7a: {  	s0 =	simm.s32 @!p0 $0x1  }
0x7b: {  	_ =	swait.ge @!p0 [sflag:s0], $0x3E80  }
0x7c: {  	[sflag:s0] =	ssyncset.done @!p0 $0x0  }
0x7d: {  	[sflag:s0] =	ssyncadd.s32 @!p0 $0xFFFFC180  }
0x7e: {  	_ =	sfence.sel $0x180000  }
0x7f: {  	[bflag:$0x0] =	sbarrier.arrive $0xFFFF  }
0x80: {  	_ =	strace $0x9000004D  }
0x81: {  	[bflag:$0x2] =	sbarrier.arrive $0xFFFF  }
0x82: {  	p0 =	sne.s32 s2, $0x0;
	s0 =	rddreg [dreg:$0x2]  }
0x83: {  	s0 =	sadd.s32 @!p0 $0x100000, s0  }
0x84: {  	[sflag:s0] =	ssyncadd.tile.s32 @!p0 $0x1;
	_ =	shalt  }
.Lfunc_end2:
_tile_overlayer_lowered:
.L_overlay_start_2:
0x85: {  	(tag) =	ssettag $0x2  }
0x86: {  	s0 =	rddreg [dreg:$0x0];
	s2 =	stileid.u32  }
0x87: {  	s1 =	rddreg [dreg:$0x1];
	p0 =	sne.s32 s2, $0x0  }
0x88: {  	s3 =	rddreg [dreg:$0x2];
	[bflag:$0x3] =	sbarrier.arrive $0xFFFF;
	s2 =	simm.s32 @!p0 $0x1C04  }
0x89: {  	[timem:s3], [sflag:s2] =	dma.local @!p0 [hbm:s0], s1  }
0x8a: {  	s0 =	simm.s32 @!p0 $0x4  }
0x8b: {  	_ =	swait.ge @!p0 [sflag:s0], s1  }
0x8c: {  	s1 =	ssub.s32 @!p0 $0x0, s1;
	[sflag:s0] =	ssyncset.done @!p0 $0x0  }
0x8d: {  	[sflag:s0] =	ssyncadd.s32 @!p0 s1  }
0x8e: {  	[bflag:$0x3] =	sbarrier.arrive $0xFFFF  }
0x8f: {  	_ =	shalt  }

// kernel: kernel.22.cloned.1.call-start
scs
__scs_entry_jumppad:
0x0: {  	(pc) =	sbr.rel $0x88, $3  }
0x1: {  	(tag) =	ssettag $0x0;
	lr =	simm.s32 $0x1  }
0x2: {  	[smem:$0x3F94] =	sst lr;
	_ =	strace $0xD0000000  }
0x3: {  	_ = 	snop  }
0x4: {  	_ = 	snop  }
0x5: {  	_ = 	snop  }
0x6: {  	_ = 	snop  }
0x7: {  	_ = 	snop  }
__scs_overlays_trampoline_lowered:
0x8: {  	[smem:$0x3FA3] =	sst s0  }
0x9: {  	[smem:$0x3FA4] =	sst s1  }
0xa: {  	[smem:$0x3FA5] =	sst s2  }
0xb: {  	[smem:$0x3FA6] =	sst s3  }
0xc: {  	[smem:$0x3FA7] =	sst s4  }
0xd: {  	[smem:$0x3FA8] =	sst s5  }
0xe: {  	[smem:$0x3FA9] =	sst s6  }
0xf: {  	[smem:$0x3FAA] =	sst s7  }
0x10: {  	[smem:$0x3FAB] =	sst s8  }
0x11: {  	[smem:$0x3FAC] =	sst s9;
	s0 =	simm.s32 @!p0 $0x0  }
0x12: {  	s1 =	sld [smem:$0x3F92];
	s0 =	simm.s32 @p0 $0x1  }
0x13: {  	[smem:$0x3FAD] =	sst s0;
	s0 =	simm.s32 @!p1 $0x0  }
0x14: {  	s2 =	sld [smem:$0x3F91];
	s0 =	simm.s32 @p1 $0x1  }
0x15: {  	[smem:$0x3FAE] =	sst s0;
	s0 =	simm.s32 @!p2 $0x0  }
0x16: {  	s3 =	sld [smem:$0x3FDB];
	s0 =	simm.s32 @p2 $0x1  }
0x17: {  	s4 =	simm.s32 $0x1BF5;
	[smem:$0x3FB0] =	sst s0  }
0x18: {  	s0 =	sld [smem:$0x3F93];
	_ =	swait.ge [sflag:s4], $0x0  }
0x19: {  	s7 =	sld [smem:$0x3F94]  }
0x1a: {  	s8 =	sadd.s32 $0xFFFFE003, lr  }
0x1b: {  	s9 =	sadd.s32 $0xFFFFFEF7, lr;
	s5 =	simm.s32 $0xFFFFFFFF;
	p2 =	slt.u32 s8, $0xFFFFF086  }
0x1c: {  	p1 =	slt.u32 s9, $0xF7A;
	s5 =	simm.s32 @!p2 $0x0  }
0x1d: {  	s5 =	simm.s32 @p1 $0x1;
	p0 =	seq.s32 s7, s2  }
0x1e: {  	s7 =	smul.u32 @!p0 $0xF7A, s2;
	p2 =	seq.s32 @!p0 s5, $0x0  }
0x1f: {  	s9 =	smul.u32 $0xF7A, s1;
	s8 =	simm.s32 @!p0 $0x1BF5;
	p2 =	por !p2, p0  }
0x20: {  	[sflag:s8] =	ssyncset.s32 @!p0 $0xFFFFF086;
	s6 =	sadd.s32 @!p0 s3, s7;
	s7 =	simm.s32 @!p0 $0x108  }
0x21: {  	s3 =	sadd.s32 s3, s9;
	s6 =	sadd.s32 @!p0 $0x88, s6;
	s7 =	simm.s32 @p2 $0x1082  }
0x22: {  	[simem:s7], [sflag:s8] =	dma.local @!p0 [hbm:s6], $0xF7A  }
0x23: {  	s9 =	sor.u32 $0xD0000000, s2;
	s6 =	simm.s32 $0x108;
	_ =	swait.ge @!p0 [sflag:s8], $0x0  }
0x24: {  	s3 =	sadd.s32 $0x88, s3;
	s6 =	simm.s32 @!p1 $0x1082;
	[sflag:s4] =	ssyncset.s32 $0xFFFFF086  }
0x25: {  	[simem:s6], [sflag:s4] =	dma.local [hbm:s3], $0xF7A  }
0x26: {  	[smem:$0x3F94] =	sst s1;
	(tag) =	ssettag s2;
	_ =	strace s9  }
0x27: {  	s1 =	sld [smem:$0x3FA4]  }
0x28: {  	s2 =	sld [smem:$0x3FA5]  }
0x29: {  	s4 =	sld [smem:$0x3FA7]  }
0x2a: {  	p0 =	seq.s32 s5, $0x0;
	s5 =	sld [smem:$0x3FA8]  }
0x2b: {  	s6 =	sld [smem:$0x3FA9]  }
0x2c: {  	s7 =	sld [smem:$0x3FAA]  }
0x2d: {  	s3 =	simm.s32 $0x108;
	s8 =	sld [smem:$0x3FAB]  }
0x2e: {  	s3 =	simm.s32 @!p0 $0x1082;
	s9 =	sld [smem:$0x3FAC]  }
0x2f: {  	lr =	sadd.s32 s0, s3;
	s0 =	sld [smem:$0x3FA3]  }
0x30: {  	s3 =	sld [smem:$0x3FA6]  }
0x31: {  	[smem:$0x3FAF] =	sst s10  }
0x32: {  	s10 =	sld [smem:$0x3FAD];
	_ =	sdelay $0x3  }
0x33: {  	p0 =	seq.s32 s10, $0x1;
	s10 =	sld [smem:$0x3FAF];
	_ =	sdelay $0x3  }
0x34: {  	[smem:$0x3FAF] =	sst s10  }
0x35: {  	s10 =	sld [smem:$0x3FAE];
	_ =	sdelay $0x3  }
0x36: {  	p1 =	seq.s32 s10, $0x1;
	s10 =	sld [smem:$0x3FAF];
	_ =	sdelay $0x3  }
0x37: {  	[smem:$0x3FAF] =	sst s10  }
0x38: {  	s10 =	sld [smem:$0x3FB0]  }
0x39: {  	_ = 	snop;
	(pc) =	sbr.ind lr, $3  }
0x3a: {  	_ = 	snop  }
0x3b: {  	_ = 	snop  }
0x3c: {  	p2 =	seq.s32 s10, $0x1;
	s10 =	sld [smem:$0x3FAF]  }
0x3d: {  	_ =	shalt  }
0x3e: {  	_ =	shalt  }
0x3f: {  	_ =	shalt  }
0x40: {  	_ =	shalt  }
0x41: {  	_ =	shalt  }
0x42: {  	_ =	shalt  }
0x43: {  	_ =	shalt  }
0x44: {  	_ =	shalt  }
0x45: {  	_ =	shalt  }
0x46: {  	_ =	shalt  }
0x47: {  	_ =	shalt  }
0x48: {  	_ =	shalt  }
0x49: {  	_ =	shalt  }
0x4a: {  	_ =	shalt  }
0x4b: {  	_ =	shalt  }
0x4c: {  	_ =	shalt  }
0x4d: {  	_ =	shalt  }
0x4e: {  	_ =	shalt  }
0x4f: {  	_ =	shalt  }
0x50: {  	_ =	shalt  }
0x51: {  	_ =	shalt  }
0x52: {  	_ =	shalt  }
0x53: {  	_ =	shalt  }
0x54: {  	_ =	shalt  }
0x55: {  	_ =	shalt  }
0x56: {  	_ =	shalt  }
0x57: {  	_ =	shalt  }
0x58: {  	_ =	shalt  }
0x59: {  	_ =	shalt  }
0x5a: {  	_ =	shalt  }
0x5b: {  	_ =	shalt  }
0x5c: {  	_ =	shalt  }
0x5d: {  	_ =	shalt  }
0x5e: {  	_ =	shalt  }
0x5f: {  	_ =	shalt  }
0x60: {  	_ =	shalt  }
0x61: {  	_ =	shalt  }
0x62: {  	_ =	shalt  }
0x63: {  	_ =	shalt  }
0x64: {  	_ =	shalt  }
0x65: {  	_ =	shalt  }
0x66: {  	_ =	shalt  }
0x67: {  	_ =	shalt  }
0x68: {  	_ =	shalt  }
0x69: {  	_ =	shalt  }
0x6a: {  	_ =	shalt  }
0x6b: {  	_ =	shalt  }
0x6c: {  	_ =	shalt  }
0x6d: {  	_ =	shalt  }
0x6e: {  	_ =	shalt  }
0x6f: {  	_ =	shalt  }
0x70: {  	_ =	shalt  }
0x71: {  	_ =	shalt  }
0x72: {  	_ =	shalt  }
0x73: {  	_ =	shalt  }
0x74: {  	_ =	shalt  }
0x75: {  	_ =	shalt  }
0x76: {  	_ =	shalt  }
0x77: {  	_ =	shalt  }
0x78: {  	_ =	shalt  }
0x79: {  	_ =	shalt  }
0x7a: {  	_ =	shalt  }
0x7b: {  	_ =	shalt  }
0x7c: {  	_ =	shalt  }
0x7d: {  	_ =	shalt  }
0x7e: {  	_ =	shalt  }
0x7f: {  	_ =	shalt  }
0x80: {  	_ =	shalt  }
0x81: {  	_ =	shalt  }
0x82: {  	_ =	shalt  }
0x83: {  	_ =	shalt  }
0x84: {  	_ =	shalt  }
0x85: {  	_ =	shalt  }
0x86: {  	_ =	shalt  }
0x87: {  	_ =	shalt  }
.Lfunc_end0:
.L_simem_size_0:
called_computation.3_lowered:
.L_overlay_start_0:
0x88: {  	s2 =	sld [smem:$0x3FD9]  }
0x89: {  	s3 =	sld [smem:$0x3FFE];
	_ =	sdelay $0x1  }
0x8a: {  	s1 =	srdreg.scid  }
0x8b: {  	s0 =	sand.u32 $0x1, s1  }
0x8c: {  	s16 =	sshll.u32 s0, $0xA;
	s2 =	sadd.s32 s3, s2  }
0x8d: {  	s2 =	sadd.s32 s2, s16  }
0x8e: {  	[smem:$0x3FBB] =	sst s2  }
0x8f: {  	_ = 	snop  }
0x90: {  	(tm) =	ssettm $0x1  }
0x91: {  	s17 =	sld [smem:$0x3FFB];
	_ =	sdelay $0x3  }
0x92: {  	_ =	strace s17  }
0x93: {  	s2 =	sld [smem:$0x3FFC];
	_ =	sdelay $0x3  }
0x94: {  	_ =	strace s2  }
0x95: {  	s2 =	sld [smem:$0x3FFD];
	_ =	sdelay $0x3  }
0x96: {  	_ =	strace s2  }
0x97: {  	_ =	strace $0x8FFFFFFF  }
0x98: {  	s18 =	sld [smem:$0x3FDB];
	_ =	sdelay $0x1  }
0x99: {  	s19 =	simm.s32 $_scs_section_size  }
0x9a: {  	s4 =	simm.s32 $_size__tile_overlayer_lowered;
	s5 =	simm.s32 $_tile_overlayer_lowered  }
0x9b: {  	s22 =	simm.s32 $0x1BFF;
	s21 =	sshll.u32 s5, $0x1;
	s2 =	sadd.s32 s19, s18  }
0x9c: {  	s6 =	simm.s32 $0x0;
	s20 =	sshll.u32 s4, $0x1;
	s4 =	sadd.s32 s21, s2  }
0x9d: {  	[timem:s6], [sflag:s22] =	dma.local [hbm:s4], s20  }
0x9e: {  	_ =	swait.ge [sflag:s22], s20  }
0x9f: {  	s3 =	ssub.s32 $0x0, s20;
	[sflag:s22] =	ssyncset.done $0x0  }
0xa0: {  	[sflag:s22] =	ssyncadd.s32 s3;
	_ =	sdelay $0x1  }
0xa1: {  	s23 =	simm.s32 $0x1B8B  }
0xa2: {  	_ =	swait.ge [sflag:s23], $0x1  }
0xa3: {  	[sflag:s23] =	ssyncset.done $0x0  }
0xa4: {  	s25 =	simm.s32 $0x1B8E;
	s24 =	sld [smem:$0x3FFE];
	[sflag:s23] =	ssyncadd.s32 $0xFFFFFFFF  }
0xa5: {  	s26 =	simm.s32 $execute0_lowered;
	[smem:$0x3FD2] =	sst s25  }
0xa6: {  	s4 =	sshll.u32 s26, $0x1;
	_ =	strace $0x8000004F;
	[dreg:$0x1] =	wrdreg $0xFFFFFFFF  }
0xa7: {  	s28 =	simm.s32 $_size_execute0_lowered;
	s2 =	sadd.s32 s2, s4;
	[dreg:$0x0] =	wrdreg $0x0  }
0xa8: {  	s4 =	sshll.u32 s28, $0x1;
	[dreg:$0x2] =	wrdreg s2  }
0xa9: {  	[dreg:$0x3] =	wrdreg s4  }
0xaa: {  	[dreg:$0x4] =	wrdreg $0xC0  }
0xab: {  	_ =	task [dreg:s6], $0x5FFFF  }
0xac: {  	[dreg:$0x1] =	wrdreg $0xFFFFFFFF  }
0xad: {  	[dreg:$0x0] =	wrdreg $0x60  }
0xae: {  	[dreg:$0x2] =	wrdreg s24  }
0xaf: {  	[dreg:$0x3] =	wrdreg $0xA8000  }
0xb0: {  	[dreg:$0x4] =	wrdreg $0x9  }
0xb1: {  	_ =	task.clear_ibuf [dreg:s6], $0x5FFFF;
	_ =	strace $0x9000004F  }
0xb2: {  	s29 =	simm.s32 $0x9;
	_ =	strace $0x80000051  }
0xb3: {  	_ =	swait.ge [sflag:s29], $0x1  }
0xb4: {  	[sflag:s29] =	ssyncadd.s32 $0xFFFFFFFF  }
0xb5: {  	_ =	strace $0x90000051  }
0xb6: {  	_ =	sfence  }
0xb7: {  	s30 =	sld [smem:$0x0];
	_ =	sdelay $0x2  }
0xb8: {  	s31 =	sshll.u32 s1, $0xD;
	s1 =	sshrl.u32 s1, $0x2  }
0xb9: {  	s3 =	sand.u32 $0x4000, s31;
	s1 =	sadd.s32 s1, s30  }
0xba: {  	s0 =	sor.u32 s3, s0;
	s1 =	sshll.u32 s1, $0x11  }
0xbb: {  	s0 =	sor.u32 s1, s0  }
0xbc: {  	s0 =	sadd.s32 $0x8F2B, s0  }
0xbd: {  	[sflag:s0] =	ssyncadd.remote.s32 $0x1  }
0xbe: {  	_ =	sfence.sel $0xFFFF  }
0xbf: {  	[dreg:$0x0] =	wrdreg $0xFFFFFFFF;
	(pc) =	sbr.abs _section_cstart, $3  }
0xc0: {  	[dreg:$0x1] =	wrdreg $0xFFFFFFFF  }
0xc1: {  	_ =	task.clear_ibuf [dreg:s6], $0x2FFFF;
	_ =	strace $0x9FFFFFFF  }
0xc2: {  	(tm) =	ssettm $0x7FFFFFFF  }
0xc3: {  	_ =	shalt  }
tec
execute0_lowered:
.L_overlay_start_1:
0x0: {  	(tag) =	ssettag $0x1  }
0x1: {  	s6 =	rddreg [dreg:$0x0]  }
0x2: {  	s1 =	rddreg [dreg:$0x1]  }
0x3: {  	s3 =	simm.s32 $0x0;
	s4 =	srdreg.scid;
	s2 =	stileid.u32  }
0x4: {  	s16 =	simm.s32 $0x1;
	s17 =	simm.s32 $0x2;
	s18 =	simm.s32 $0x7D  }
0x5: {  	s19 =	simm.s32 $0x2800;
	s20 =	simm.s32 $0x80;
	s21 =	simm.s32 $0x6800  }
0x6: {  	s22 =	simm.s32 $0x4;
	s23 =	simm.s32 $0x0;
	[smem:$0x7FF] =	sst s3  }
0x7: {  	s7 =	sand.u32 $0x1, s4;
	s4 =	sadd.s32 $0x11800, s6;
	s10 =	smul.u32 $0x3E80, s2  }
0x8: {  	s5 =	sshll.u32 s2, $0x1;
	s9 =	sadd.s32 $0x60200, s6;
	s31 =	smul.u32 $0x7D000, s2  }
0x9: {  	s12 =	sadd.s32 $0x3800, s6;
	s8 =	smul.u32 $0x27100, s7;
	s11 =	sor.u32 s7, s5  }
0xa: {  	p0 =	sgt.u32 s2, $0x9;
	_ =	strace $0x80000050;
	s13 =	smul.u32 $0x500, s11  }
0xb: {  	s5 =	sadd.s32 $0xD800, s6;
	s7 =	ssub.s32 $0x2, s7;
	s28 =	smul.u32 $0x2800, s11  }
0xc: {  	s30 =	sshrl.u32 s7, $0x1;
	s11 =	sshll.u32 @!p0 s2, $0x6;
	s8 =	sadd.s32 s10, s8  }
0xd: {  	s14 =	ssub.s32 s7, s30;
	s29 =	sadd.s32 s8, s6;
	s6 =	sadd.s32 s9, s13  }
0xe: {  	s10 =	sshrl.u32 s28, $0x3;
	s7 =	sadd.s32 s12, s13;
	s8 =	sshrl.u32 s31, $0x2  }
0xf: {  	s13 =	simm.s32 $0x1400;
	s10 =	sadd.s32 $0x280, s10;
	s15 =	sadd.s32 s8, s1  }
0x10: {  	s8 =	sadd.s32 s9, s10;
	s9 =	sadd.s32 s12, s10;
	s10 =	sadd.s32 $0x6A200, s29  }
0x11: {  	s12 =	smax.u32 s14, $0x1;
	s14 =	sor.u32 @!p0 $0x1C03, s11;
	s15 =	sshrl.u32 @!p0 s15, $0x3  }
.LBB2_1:
0x12: {  	[tilespmem:s3], [sflag:$0x1] =	stream.linear.gather [hbm4b:s6+s3], $0x1400, $0x38;
	[tilespmem:$0x1E080] =	vst v63  }
0x13: {  	s24 =	simm.s32 @!p0 $0x3  }
0x14: {  	[tilespmem:s13], [sflag:$0x2] =	stream.linear.gather [hbm4b:s7+s3], $0x1400, $0x38;
	[tilespmem:$0x1E080] =	vst v63  }
0x15: {  	[spmem:s15], [sflag:s14] =	dma.local @!p0 [hbm:s5], $0x3E80  }
0x16: {  	_ =	swait.ge @!p0 [sflag:s24], $0x3E80  }
0x17: {  	[sflag:s24] =	ssyncset.done @!p0 $0x0  }
0x18: {  	[sflag:s24] =	ssyncadd.s32 @!p0 $0xFFFFC180  }
0x19: {  	_ =	swait.ge [sflag:s16], $0x1400  }
0x1a: {  	[sflag:s16] =	ssyncset.done $0x0  }
0x1b: {  	[sflag:s16] =	ssyncadd.s32 $0xFFFFEC00  }
0x1c: {  	_ =	swait.ge [sflag:s17], $0x1400  }
0x1d: {  	[sflag:s17] =	ssyncset.done $0x0  }
0x1e: {  	[sflag:s17] =	ssyncadd.s32 $0xFFFFEC00  }
0x1f: {  	p1 =	por $0x1, $0x1;
	[bflag:$0x0] =	sbarrier.arrive $0xFFFF  }
0x20: {  	[tilespmem:s19], [sflag:$0x1] =	stream.indirect.gather [hbm4b:s4+s18], $0x80, s3, s18, $0xb8;
	[tilespmem:$0x1E080] =	vst v63  }
0x21: {  	p1 =	por p1, p1  }
0x22: {  	[tilespmem:s21], [sflag:$0x2] =	stream.indirect.gather [hbm4b:s4+s18], $0x80, s20, s18, $0xb8;
	[tilespmem:$0x1E080] =	vst v63  }
0x23: {  	s25 =	simm.s32 @!p1 $0x4;
	s24 =	simm.s32 @!p1 $0x0  }
0x24: {  	[tilespmem:s24], [sflag:$0x4] =	stream.linear.gather @!p1 [hbm4b:s8+s24], $0x1400, $0x38;
	[tilespmem:$0x1E080] =	vst v63  }
0x25: {  	_ =	swait.ge @!p1 [sflag:s25], $0x1400  }
0x26: {  	[sflag:s25] =	ssyncset.done @!p1 $0x0  }
0x27: {  	s26 =	simm.s32 @!p1 $0x1400;
	[sflag:s25] =	ssyncadd.s32 @!p1 $0xFFFFEC00  }
0x28: {  	[tilespmem:s26], [sflag:$0x4] =	stream.linear.gather @!p1 [hbm4b:s9+s24], $0x1400, $0x38;
	[tilespmem:$0x1E080] =	vst v63  }
0x29: {  	_ =	swait.ge @!p1 [sflag:s25], $0x1400  }
0x2a: {  	s29 =	simm.s32 $0x0;
	p2 =	por $0x1, $0x1;
	[sflag:s25] =	ssyncset.done @!p1 $0x0  }
0x2b: {  	s28 =	simm.s32 @!p1 $0x2800;
	[sflag:s25] =	ssyncadd.s32 @!p1 $0xFFFFEC00;
	s25 =	simm.s32 @!p1 $0x7D  }
0x2c: {  	[tilespmem:s28], [sflag:$0x1] =	stream.indirect.gather @!p1 [hbm4b:s4+s25], $0x80, s24, s25, $0xb8;
	[tilespmem:$0x1E080] =	vst v63  }
0x2d: {  	s26 =	simm.s32 $0xFFFFB000;
	s24 =	simm.s32 @!p1 $0x80;
	s28 =	simm.s32 @!p1 $0x6800  }
0x2e: {  	[tilespmem:s28], [sflag:$0x2] =	stream.indirect.gather @!p1 [hbm4b:s4+s25], $0x80, s24, s25, $0xb8;
	[tilespmem:$0x1E080] =	vst v63  }
0x2f: {  	s26 =	smov.u32 @p2 s29;
	_ =	swait.ge [sflag:s16], $0x3E80  }
0x30: {  	s0 =	sshra.s32 s26, $0x2;
	p1 =	por $0x0, $0x0;
	[sflag:s16] =	ssyncset.done $0x0  }
0x31: {  	s31 =	sadd.s32 $0x1400, s0;
	p2 =	por @!p1 $0x0, $0x0;
	[sflag:s16] =	ssyncadd.s32 $0xFFFFC180  }
0x32: {  	[spmem:s1] =	stream.indirect.scatter.add.f32 [tilespmem:s19], [sflag:$0x4], $0x80, s31, s18, $0xb8;
	[tilespmem:$0x1E080] =	vst v63  }
0x33: {  	p3 =	por p2, p1;
	_ =	swait.ge [sflag:s22], $0x3E80  }
0x34: {  	s29 =	sshra.s32 @!p3 s26, $0x2;
	s25 =	simm.s32 @!p3 $0x2800;
	[sflag:s22] =	ssyncset.done $0x0  }
0x35: {  	s28 =	simm.s32 @!p3 $0x7D;
	s26 =	sadd.s32 @!p3 $0x100, s29;
	[sflag:s22] =	ssyncadd.s32 $0xFFFFC180  }
0x36: {  	[tilespmem:s25], [sflag:$0x1] =	stream.indirect.gather @!p3 [hbm4b:s4+s28], $0x80, s26, s28, $0xb8;
	[tilespmem:$0x1E080] =	vst v63  }
0x37: {  	_ =	swait.ge [sflag:s17], $0x3E80  }
0x38: {  	[sflag:s17] =	ssyncset.done $0x0  }
0x39: {  	p6 =	por $0x1, $0x1;
	s24 =	sadd.s32 $0x1480, s0;
	[sflag:s17] =	ssyncadd.s32 $0xFFFFC180  }
0x3a: {  	[spmem:s1] =	stream.indirect.scatter.add.f32 [tilespmem:s21], [sflag:$0x4], $0x80, s24, s18, $0xb8;
	[tilespmem:$0x1E080] =	vst v63  }
0x3b: {  	p1 =	por p6, p6;
	s30 =	simm.s32 @!p3 $0x6800;
	_ =	swait.ge [sflag:s22], $0x3E80  }
0x3c: {  	s29 =	sadd.s32 @!p3 $0x180, s29;
	s25 =	simm.s32 $0x1;
	[sflag:s22] =	ssyncset.done $0x0  }
0x3d: {  	s26 =	simm.s32 $0x2;
	s24 =	simm.s32 $0xFFFFB400;
	[sflag:s22] =	ssyncadd.s32 $0xFFFFC180  }
.LBB2_2:
0x3e: {  	[tilespmem:s30], [sflag:$0x2] =	stream.indirect.gather @!p3 [hbm4b:s4+s28], $0x80, s29, s28, $0xb8;
	[tilespmem:$0x1E080] =	vst v63  }
0x3f: {  	p4 =	sne.s32 s26, $0x14;
	s28 =	simm.s32 @!p1 $0x0;
	s29 =	simm.s32 @!p1 $0x4  }
0x40: {  	[tilespmem:s28], [sflag:$0x4] =	stream.linear.gather @!p1 [hbm4b:s8+s28], $0x1400, $0x38;
	[tilespmem:$0x1E080] =	vst v63  }
0x41: {  	s30 =	smov.u32 s26;
	s26 =	sadd.s32 $0x1, s26;
	_ =	swait.ge @!p1 [sflag:s29], $0x1400  }
0x42: {  	p2 =	sne.s32 s26, $0x28;
	[sflag:s29] =	ssyncset.done @!p1 $0x0  }
0x43: {  	s31 =	simm.s32 @!p1 $0x1400;
	[sflag:s29] =	ssyncadd.s32 @!p1 $0xFFFFEC00  }
0x44: {  	[tilespmem:s31], [sflag:$0x4] =	stream.linear.gather @!p1 [hbm4b:s9+s28], $0x1400, $0x38;
	[tilespmem:$0x1E080] =	vst v63  }
0x45: {  	s0 =	sadd.s32 $0x5000, s24;
	s31 =	simm.s32 @!p1 $0x2800;
	_ =	swait.ge @!p1 [sflag:s29], $0x1400  }
0x46: {  	p3 =	seq.s32 s25, $0x13;
	p6 =	slt.u32 s25, $0x14;
	[sflag:s29] =	ssyncset.done @!p1 $0x0  }
0x47: {  	p5 =	seq.s32 @!p3 s25, $0x27;
	[sflag:s29] =	ssyncadd.s32 @!p1 $0xFFFFEC00;
	s29 =	simm.s32 @!p1 $0x7D  }
0x48: {  	[tilespmem:s31], [sflag:$0x1] =	stream.indirect.gather @!p1 [hbm4b:s4+s29], $0x80, s28, s29, $0xb8;
	[tilespmem:$0x1E080] =	vst v63  }
0x49: {  	s25 =	smov.u32 s24;
	s28 =	simm.s32 @!p1 $0x80;
	s31 =	simm.s32 @!p1 $0x6800  }
0x4a: {  	[tilespmem:s31], [sflag:$0x2] =	stream.indirect.gather @!p1 [hbm4b:s4+s29], $0x80, s28, s29, $0xb8;
	[tilespmem:$0x1E080] =	vst v63  }
0x4b: {  	s25 =	smov.u32 @p6 s0;
	p3 =	por p5, p3;
	_ =	swait.ge [sflag:s16], $0x3E80  }
0x4c: {  	s0 =	sshra.s32 s25, $0x2;
	s29 =	sshra.s32 @!p3 s25, $0x2;
	[sflag:s16] =	ssyncset.done $0x0  }
0x4d: {  	s28 =	sadd.s32 $0x1400, s0;
	s25 =	smov.u32 s30;
	[sflag:s16] =	ssyncadd.s32 $0xFFFFC180  }
0x4e: {  	[spmem:s1] =	stream.indirect.scatter.add.f32 [tilespmem:s19], [sflag:$0x4], $0x80, s28, s18, $0xb8;
	[tilespmem:$0x1E080] =	vst v63  }
0x4f: {  	p1 =	por p4, p4;
	_ =	swait.ge [sflag:s22], $0x3E80  }
0x50: {  	s30 =	simm.s32 @!p3 $0x2800;
	[sflag:s22] =	ssyncset.done $0x0  }
0x51: {  	s31 =	sadd.s32 @!p3 $0x100, s29;
	s28 =	simm.s32 @!p3 $0x7D;
	[sflag:s22] =	ssyncadd.s32 $0xFFFFC180  }
0x52: {  	[tilespmem:s30], [sflag:$0x1] =	stream.indirect.gather @!p3 [hbm4b:s4+s28], $0x80, s31, s28, $0xb8;
	[tilespmem:$0x1E080] =	vst v63  }
0x53: {  	_ =	swait.ge [sflag:s17], $0x3E80  }
0x54: {  	[sflag:s17] =	ssyncset.done $0x0  }
.Ltmp0:
0x55: {  	s0 =	sadd.s32 $0x1480, s0;
	[sflag:s17] =	ssyncadd.s32 $0xFFFFC180;
	(pc) =	sbr.rel @p2 .LBB2_2-.Ltmp0, $4  }
0x56: {  	[spmem:s1] =	stream.indirect.scatter.add.f32 [tilespmem:s21], [sflag:$0x4], $0x80, s0, s18, $0xb8;
	[tilespmem:$0x1E080] =	vst v63  }
0x57: {  	_ =	swait.ge [sflag:s22], $0x3E80  }
0x58: {  	s24 =	sadd.s32 $0x400, s24;
	[sflag:s22] =	ssyncset.done $0x0  }
0x59: {  	s29 =	sadd.s32 @!p3 $0x180, s29;
	s30 =	simm.s32 @!p3 $0x6800;
	[sflag:s22] =	ssyncadd.s32 $0xFFFFC180  }
0x5a: {  	[tilespmem:s30], [sflag:$0x2] =	stream.indirect.gather @!p3 [hbm4b:s4+s28], $0x80, s29, s28, $0xb8;
	[tilespmem:$0x1E080] =	vst v63  }
0x5b: {  	s0 =	simm.s32 @!p1 $0x0;
	s26 =	simm.s32 @!p1 $0x4  }
0x5c: {  	[tilespmem:s0], [sflag:$0x4] =	stream.linear.gather @!p1 [hbm4b:s8+s0], $0x1400, $0x38;
	[tilespmem:$0x1E080] =	vst v63  }
0x5d: {  	_ =	swait.ge @!p1 [sflag:s26], $0x1400  }
0x5e: {  	[sflag:s26] =	ssyncset.done @!p1 $0x0  }
0x5f: {  	s28 =	simm.s32 @!p1 $0x1400;
	[sflag:s26] =	ssyncadd.s32 @!p1 $0xFFFFEC00  }
0x60: {  	[tilespmem:s28], [sflag:$0x4] =	stream.linear.gather @!p1 [hbm4b:s9+s0], $0x1400, $0x38;
	[tilespmem:$0x1E080] =	vst v63  }
0x61: {  	_ =	swait.ge @!p1 [sflag:s26], $0x1400  }
0x62: {  	s29 =	sadd.s32 $0x5000, s24;
	[sflag:s26] =	ssyncset.done @!p1 $0x0  }
0x63: {  	s28 =	simm.s32 @!p1 $0x2800;
	[sflag:s26] =	ssyncadd.s32 @!p1 $0xFFFFEC00;
	s26 =	simm.s32 @!p1 $0x7D  }
0x64: {  	[tilespmem:s28], [sflag:$0x1] =	stream.indirect.gather @!p1 [hbm4b:s4+s26], $0x80, s0, s26, $0xb8;
	[tilespmem:$0x1E080] =	vst v63  }
0x65: {  	p2 =	slt.u32 s25, $0x14;
	s0 =	simm.s32 @!p1 $0x80;
	s28 =	simm.s32 @!p1 $0x6800  }
0x66: {  	[tilespmem:s28], [sflag:$0x2] =	stream.indirect.gather @!p1 [hbm4b:s4+s26], $0x80, s0, s26, $0xb8;
	[tilespmem:$0x1E080] =	vst v63  }
0x67: {  	s24 =	smov.u32 @p2 s29;
	_ =	swait.ge [sflag:s16], $0x3E80  }
0x68: {  	s30 =	sshra.s32 s24, $0x2;
	p1 =	seq.s32 s25, $0x13;
	[sflag:s16] =	ssyncset.done $0x0  }
0x69: {  	s31 =	sadd.s32 $0x1400, s30;
	p2 =	seq.s32 @!p1 s25, $0x27;
	[sflag:s16] =	ssyncadd.s32 $0xFFFFC180  }
0x6a: {  	[spmem:s1] =	stream.indirect.scatter.add.f32 [tilespmem:s19], [sflag:$0x4], $0x80, s31, s18, $0xb8;
	[tilespmem:$0x1E080] =	vst v63  }
0x6b: {  	p1 =	por p2, p1;
	_ =	swait.ge [sflag:s22], $0x3E80  }
0x6c: {  	s24 =	sshra.s32 @!p1 s24, $0x2;
	s25 =	simm.s32 @!p1 $0x2800;
	[sflag:s22] =	ssyncset.done $0x0  }
0x6d: {  	s28 =	simm.s32 @!p1 $0x7D;
	s26 =	sadd.s32 @!p1 $0x100, s24;
	[sflag:s22] =	ssyncadd.s32 $0xFFFFC180  }
0x6e: {  	[tilespmem:s25], [sflag:$0x1] =	stream.indirect.gather @!p1 [hbm4b:s4+s28], $0x80, s26, s28, $0xb8;
	[tilespmem:$0x1E080] =	vst v63  }
0x6f: {  	_ =	swait.ge [sflag:s17], $0x3E80  }
0x70: {  	[sflag:s17] =	ssyncset.done $0x0  }
0x71: {  	s0 =	sadd.s32 $0x1480, s30;
	[sflag:s17] =	ssyncadd.s32 $0xFFFFC180  }
0x72: {  	[spmem:s1] =	stream.indirect.scatter.add.f32 [tilespmem:s21], [sflag:$0x4], $0x80, s0, s18, $0xb8;
	[tilespmem:$0x1E080] =	vst v63  }
0x73: {  	_ =	swait.ge [sflag:s22], $0x3E80  }
0x74: {  	s23 =	sadd.s32 $0x1, s23;
	[sflag:s22] =	ssyncset.done $0x0  }
0x75: {  	s0 =	sadd.s32 @!p1 $0x180, s24;
	s24 =	simm.s32 @!p1 $0x6800;
	[sflag:s22] =	ssyncadd.s32 $0xFFFFC180  }
0x76: {  	[tilespmem:s24], [sflag:$0x2] =	stream.indirect.gather @!p1 [hbm4b:s4+s28], $0x80, s0, s28, $0xb8;
	[tilespmem:$0x1E080] =	vst v63  }
0x77: {  	s0 =	sor.u32 @!p0 $0x1C01, s11;
	p1 =	sne.s32 s23, s12;
	[bflag:$0x0] =	sbarrier.arrive $0xFFFF  }
0x78: {  	[hbm:s10], [sflag:s0] =	dma.local @!p0 [spmem:s15], $0x3E80  }
.Ltmp1:
0x79: {  	_ = 	snop;
	(pc) =	sbr.rel @p1 .LBB2_1-.Ltmp1, $4  }
0x7a: {  	s0 =	simm.s32 @!p0 $0x1  }
0x7b: {  	_ =	swait.ge @!p0 [sflag:s0], $0x3E80  }
0x7c: {  	[sflag:s0] =	ssyncset.done @!p0 $0x0  }
0x7d: {  	[sflag:s0] =	ssyncadd.s32 @!p0 $0xFFFFC180  }
0x7e: {  	_ =	sfence.sel $0x180000  }
0x7f: {  	[bflag:$0x0] =	sbarrier.arrive $0xFFFF  }
0x80: {  	_ =	strace $0x90000050  }
0x81: {  	[bflag:$0x2] =	sbarrier.arrive $0xFFFF  }
0x82: {  	p0 =	sne.s32 s2, $0x0;
	s0 =	rddreg [dreg:$0x2]  }
0x83: {  	s0 =	sadd.s32 @!p0 $0x100000, s0  }
0x84: {  	[sflag:s0] =	ssyncadd.tile.s32 @!p0 $0x1;
	_ =	shalt  }
.Lfunc_end2:
_tile_overlayer_lowered:
.L_overlay_start_2:
0x85: {  	(tag) =	ssettag $0x2  }
0x86: {  	s0 =	rddreg [dreg:$0x0];
	s2 =	stileid.u32  }
0x87: {  	s1 =	rddreg [dreg:$0x1];
	p0 =	sne.s32 s2, $0x0  }
0x88: {  	s3 =	rddreg [dreg:$0x2];
	[bflag:$0x3] =	sbarrier.arrive $0xFFFF;
	s2 =	simm.s32 @!p0 $0x1C04  }
0x89: {  	[timem:s3], [sflag:s2] =	dma.local @!p0 [hbm:s0], s1  }
0x8a: {  	s0 =	simm.s32 @!p0 $0x4  }
0x8b: {  	_ =	swait.ge @!p0 [sflag:s0], s1  }
0x8c: {  	s1 =	ssub.s32 @!p0 $0x0, s1;
	[sflag:s0] =	ssyncset.done @!p0 $0x0  }
0x8d: {  	[sflag:s0] =	ssyncadd.s32 @!p0 s1  }
0x8e: {  	[bflag:$0x3] =	sbarrier.arrive $0xFFFF  }
0x8f: {  	_ =	shalt  }

// kernel: kernel.25.cloned.1.call-start
scs
__scs_entry_jumppad:
0x0: {  	(pc) =	sbr.rel $0x88, $3  }
0x1: {  	(tag) =	ssettag $0x0;
	lr =	simm.s32 $0x1  }
0x2: {  	[smem:$0x3F94] =	sst lr;
	_ =	strace $0xD0000000  }
0x3: {  	_ = 	snop  }
0x4: {  	_ = 	snop  }
0x5: {  	_ = 	snop  }
0x6: {  	_ = 	snop  }
0x7: {  	_ = 	snop  }
__scs_overlays_trampoline_lowered:
0x8: {  	[smem:$0x3FA3] =	sst s0  }
0x9: {  	[smem:$0x3FA4] =	sst s1  }
0xa: {  	[smem:$0x3FA5] =	sst s2  }
0xb: {  	[smem:$0x3FA6] =	sst s3  }
0xc: {  	[smem:$0x3FA7] =	sst s4  }
0xd: {  	[smem:$0x3FA8] =	sst s5  }
0xe: {  	[smem:$0x3FA9] =	sst s6  }
0xf: {  	[smem:$0x3FAA] =	sst s7  }
0x10: {  	[smem:$0x3FAB] =	sst s8  }
0x11: {  	[smem:$0x3FAC] =	sst s9;
	s0 =	simm.s32 @!p0 $0x0  }
0x12: {  	s1 =	sld [smem:$0x3F92];
	s0 =	simm.s32 @p0 $0x1  }
0x13: {  	[smem:$0x3FAD] =	sst s0;
	s0 =	simm.s32 @!p1 $0x0  }
0x14: {  	s2 =	sld [smem:$0x3F91];
	s0 =	simm.s32 @p1 $0x1  }
0x15: {  	[smem:$0x3FAE] =	sst s0;
	s0 =	simm.s32 @!p2 $0x0  }
0x16: {  	s3 =	sld [smem:$0x3FDB];
	s0 =	simm.s32 @p2 $0x1  }
0x17: {  	s4 =	simm.s32 $0x1BF5;
	[smem:$0x3FB0] =	sst s0  }
0x18: {  	s0 =	sld [smem:$0x3F93];
	_ =	swait.ge [sflag:s4], $0x0  }
0x19: {  	s7 =	sld [smem:$0x3F94]  }
0x1a: {  	s8 =	sadd.s32 $0xFFFFE003, lr  }
0x1b: {  	s9 =	sadd.s32 $0xFFFFFEF7, lr;
	s5 =	simm.s32 $0xFFFFFFFF;
	p2 =	slt.u32 s8, $0xFFFFF086  }
0x1c: {  	p1 =	slt.u32 s9, $0xF7A;
	s5 =	simm.s32 @!p2 $0x0  }
0x1d: {  	s5 =	simm.s32 @p1 $0x1;
	p0 =	seq.s32 s7, s2  }
0x1e: {  	s7 =	smul.u32 @!p0 $0xF7A, s2;
	p2 =	seq.s32 @!p0 s5, $0x0  }
0x1f: {  	s9 =	smul.u32 $0xF7A, s1;
	s8 =	simm.s32 @!p0 $0x1BF5;
	p2 =	por !p2, p0  }
0x20: {  	[sflag:s8] =	ssyncset.s32 @!p0 $0xFFFFF086;
	s6 =	sadd.s32 @!p0 s3, s7;
	s7 =	simm.s32 @!p0 $0x108  }
0x21: {  	s3 =	sadd.s32 s3, s9;
	s6 =	sadd.s32 @!p0 $0x88, s6;
	s7 =	simm.s32 @p2 $0x1082  }
0x22: {  	[simem:s7], [sflag:s8] =	dma.local @!p0 [hbm:s6], $0xF7A  }
0x23: {  	s9 =	sor.u32 $0xD0000000, s2;
	s6 =	simm.s32 $0x108;
	_ =	swait.ge @!p0 [sflag:s8], $0x0  }
0x24: {  	s3 =	sadd.s32 $0x88, s3;
	s6 =	simm.s32 @!p1 $0x1082;
	[sflag:s4] =	ssyncset.s32 $0xFFFFF086  }
0x25: {  	[simem:s6], [sflag:s4] =	dma.local [hbm:s3], $0xF7A  }
0x26: {  	[smem:$0x3F94] =	sst s1;
	(tag) =	ssettag s2;
	_ =	strace s9  }
0x27: {  	s1 =	sld [smem:$0x3FA4]  }
0x28: {  	s2 =	sld [smem:$0x3FA5]  }
0x29: {  	s4 =	sld [smem:$0x3FA7]  }
0x2a: {  	p0 =	seq.s32 s5, $0x0;
	s5 =	sld [smem:$0x3FA8]  }
0x2b: {  	s6 =	sld [smem:$0x3FA9]  }
0x2c: {  	s7 =	sld [smem:$0x3FAA]  }
0x2d: {  	s3 =	simm.s32 $0x108;
	s8 =	sld [smem:$0x3FAB]  }
0x2e: {  	s3 =	simm.s32 @!p0 $0x1082;
	s9 =	sld [smem:$0x3FAC]  }
0x2f: {  	lr =	sadd.s32 s0, s3;
	s0 =	sld [smem:$0x3FA3]  }
0x30: {  	s3 =	sld [smem:$0x3FA6]  }
0x31: {  	[smem:$0x3FAF] =	sst s10  }
0x32: {  	s10 =	sld [smem:$0x3FAD];
	_ =	sdelay $0x3  }
0x33: {  	p0 =	seq.s32 s10, $0x1;
	s10 =	sld [smem:$0x3FAF];
	_ =	sdelay $0x3  }
0x34: {  	[smem:$0x3FAF] =	sst s10  }
0x35: {  	s10 =	sld [smem:$0x3FAE];
	_ =	sdelay $0x3  }
0x36: {  	p1 =	seq.s32 s10, $0x1;
	s10 =	sld [smem:$0x3FAF];
	_ =	sdelay $0x3  }
0x37: {  	[smem:$0x3FAF] =	sst s10  }
0x38: {  	s10 =	sld [smem:$0x3FB0]  }
0x39: {  	_ = 	snop;
	(pc) =	sbr.ind lr, $3  }
0x3a: {  	_ = 	snop  }
0x3b: {  	_ = 	snop  }
0x3c: {  	p2 =	seq.s32 s10, $0x1;
	s10 =	sld [smem:$0x3FAF]  }
0x3d: {  	_ =	shalt  }
0x3e: {  	_ =	shalt  }
0x3f: {  	_ =	shalt  }
0x40: {  	_ =	shalt  }
0x41: {  	_ =	shalt  }
0x42: {  	_ =	shalt  }
0x43: {  	_ =	shalt  }
0x44: {  	_ =	shalt  }
0x45: {  	_ =	shalt  }
0x46: {  	_ =	shalt  }
0x47: {  	_ =	shalt  }
0x48: {  	_ =	shalt  }
0x49: {  	_ =	shalt  }
0x4a: {  	_ =	shalt  }
0x4b: {  	_ =	shalt  }
0x4c: {  	_ =	shalt  }
0x4d: {  	_ =	shalt  }
0x4e: {  	_ =	shalt  }
0x4f: {  	_ =	shalt  }
0x50: {  	_ =	shalt  }
0x51: {  	_ =	shalt  }
0x52: {  	_ =	shalt  }
0x53: {  	_ =	shalt  }
0x54: {  	_ =	shalt  }
0x55: {  	_ =	shalt  }
0x56: {  	_ =	shalt  }
0x57: {  	_ =	shalt  }
0x58: {  	_ =	shalt  }
0x59: {  	_ =	shalt  }
0x5a: {  	_ =	shalt  }
0x5b: {  	_ =	shalt  }
0x5c: {  	_ =	shalt  }
0x5d: {  	_ =	shalt  }
0x5e: {  	_ =	shalt  }
0x5f: {  	_ =	shalt  }
0x60: {  	_ =	shalt  }
0x61: {  	_ =	shalt  }
0x62: {  	_ =	shalt  }
0x63: {  	_ =	shalt  }
0x64: {  	_ =	shalt  }
0x65: {  	_ =	shalt  }
0x66: {  	_ =	shalt  }
0x67: {  	_ =	shalt  }
0x68: {  	_ =	shalt  }
0x69: {  	_ =	shalt  }
0x6a: {  	_ =	shalt  }
0x6b: {  	_ =	shalt  }
0x6c: {  	_ =	shalt  }
0x6d: {  	_ =	shalt  }
0x6e: {  	_ =	shalt  }
0x6f: {  	_ =	shalt  }
0x70: {  	_ =	shalt  }
0x71: {  	_ =	shalt  }
0x72: {  	_ =	shalt  }
0x73: {  	_ =	shalt  }
0x74: {  	_ =	shalt  }
0x75: {  	_ =	shalt  }
0x76: {  	_ =	shalt  }
0x77: {  	_ =	shalt  }
0x78: {  	_ =	shalt  }
0x79: {  	_ =	shalt  }
0x7a: {  	_ =	shalt  }
0x7b: {  	_ =	shalt  }
0x7c: {  	_ =	shalt  }
0x7d: {  	_ =	shalt  }
0x7e: {  	_ =	shalt  }
0x7f: {  	_ =	shalt  }
0x80: {  	_ =	shalt  }
0x81: {  	_ =	shalt  }
0x82: {  	_ =	shalt  }
0x83: {  	_ =	shalt  }
0x84: {  	_ =	shalt  }
0x85: {  	_ =	shalt  }
0x86: {  	_ =	shalt  }
0x87: {  	_ =	shalt  }
.Lfunc_end0:
.L_simem_size_0:
called_computation.4_lowered:
.L_overlay_start_0:
0x88: {  	s2 =	sld [smem:$0x3FD9]  }
0x89: {  	s3 =	sld [smem:$0x3FFE];
	_ =	sdelay $0x1  }
0x8a: {  	s1 =	srdreg.scid  }
0x8b: {  	s0 =	sand.u32 $0x1, s1  }
0x8c: {  	s16 =	sshll.u32 s0, $0xA;
	s2 =	sadd.s32 s3, s2  }
0x8d: {  	s2 =	sadd.s32 s2, s16  }
0x8e: {  	[smem:$0x3FBB] =	sst s2  }
0x8f: {  	_ = 	snop  }
0x90: {  	(tm) =	ssettm $0x1  }
0x91: {  	s17 =	sld [smem:$0x3FFB];
	_ =	sdelay $0x3  }
0x92: {  	_ =	strace s17  }
0x93: {  	s2 =	sld [smem:$0x3FFC];
	_ =	sdelay $0x3  }
0x94: {  	_ =	strace s2  }
0x95: {  	s2 =	sld [smem:$0x3FFD];
	_ =	sdelay $0x3  }
0x96: {  	_ =	strace s2  }
0x97: {  	_ =	strace $0x8FFFFFFF  }
0x98: {  	s18 =	sld [smem:$0x3FDB];
	_ =	sdelay $0x1  }
0x99: {  	s19 =	simm.s32 $_scs_section_size  }
0x9a: {  	s4 =	simm.s32 $_size__tile_overlayer_lowered;
	s5 =	simm.s32 $_tile_overlayer_lowered  }
0x9b: {  	s22 =	simm.s32 $0x1BFF;
	s21 =	sshll.u32 s5, $0x1;
	s2 =	sadd.s32 s19, s18  }
0x9c: {  	s6 =	simm.s32 $0x0;
	s20 =	sshll.u32 s4, $0x1;
	s4 =	sadd.s32 s21, s2  }
0x9d: {  	[timem:s6], [sflag:s22] =	dma.local [hbm:s4], s20  }
0x9e: {  	_ =	swait.ge [sflag:s22], s20  }
0x9f: {  	s3 =	ssub.s32 $0x0, s20;
	[sflag:s22] =	ssyncset.done $0x0  }
0xa0: {  	[sflag:s22] =	ssyncadd.s32 s3;
	_ =	sdelay $0x1  }
0xa1: {  	s23 =	simm.s32 $0x1B8B  }
0xa2: {  	_ =	swait.ge [sflag:s23], $0x1  }
0xa3: {  	[sflag:s23] =	ssyncset.done $0x0  }
0xa4: {  	s25 =	simm.s32 $0x1B8E;
	s24 =	sld [smem:$0x3FFE];
	[sflag:s23] =	ssyncadd.s32 $0xFFFFFFFF  }
0xa5: {  	s26 =	simm.s32 $execute0_lowered;
	[smem:$0x3FD2] =	sst s25  }
0xa6: {  	s4 =	sshll.u32 s26, $0x1;
	_ =	strace $0x80000052;
	[dreg:$0x1] =	wrdreg $0xFFFFFFFF  }
0xa7: {  	s28 =	simm.s32 $_size_execute0_lowered;
	s2 =	sadd.s32 s2, s4;
	[dreg:$0x0] =	wrdreg $0x0  }
0xa8: {  	s4 =	sshll.u32 s28, $0x1;
	[dreg:$0x2] =	wrdreg s2  }
0xa9: {  	[dreg:$0x3] =	wrdreg s4  }
0xaa: {  	[dreg:$0x4] =	wrdreg $0xC0  }
0xab: {  	_ =	task [dreg:s6], $0x5FFFF  }
0xac: {  	[dreg:$0x1] =	wrdreg $0xFFFFFFFF  }
0xad: {  	[dreg:$0x0] =	wrdreg $0x60  }
0xae: {  	[dreg:$0x2] =	wrdreg s24  }
0xaf: {  	[dreg:$0x3] =	wrdreg $0xA8000  }
0xb0: {  	[dreg:$0x4] =	wrdreg $0x9  }
0xb1: {  	_ =	task.clear_ibuf [dreg:s6], $0x5FFFF;
	_ =	strace $0x90000052  }
0xb2: {  	s29 =	simm.s32 $0x9;
	_ =	strace $0x80000054  }
0xb3: {  	_ =	swait.ge [sflag:s29], $0x1  }
0xb4: {  	[sflag:s29] =	ssyncadd.s32 $0xFFFFFFFF  }
0xb5: {  	_ =	strace $0x90000054  }
0xb6: {  	_ =	sfence  }
0xb7: {  	s30 =	sld [smem:$0x0];
	_ =	sdelay $0x2  }
0xb8: {  	s31 =	sshll.u32 s1, $0xD;
	s1 =	sshrl.u32 s1, $0x2  }
0xb9: {  	s3 =	sand.u32 $0x4000, s31;
	s1 =	sadd.s32 s1, s30  }
0xba: {  	s0 =	sor.u32 s3, s0;
	s1 =	sshll.u32 s1, $0x11  }
0xbb: {  	s0 =	sor.u32 s1, s0  }
0xbc: {  	s0 =	sadd.s32 $0x8F2B, s0  }
0xbd: {  	[sflag:s0] =	ssyncadd.remote.s32 $0x1  }
0xbe: {  	_ =	sfence.sel $0xFFFF  }
0xbf: {  	[dreg:$0x0] =	wrdreg $0xFFFFFFFF;
	(pc) =	sbr.abs _section_cstart, $3  }
0xc0: {  	[dreg:$0x1] =	wrdreg $0xFFFFFFFF  }
0xc1: {  	_ =	task.clear_ibuf [dreg:s6], $0x2FFFF;
	_ =	strace $0x9FFFFFFF  }
0xc2: {  	(tm) =	ssettm $0x7FFFFFFF  }
0xc3: {  	_ =	shalt  }
tec
execute0_lowered:
.L_overlay_start_1:
0x0: {  	(tag) =	ssettag $0x1  }
0x1: {  	s6 =	rddreg [dreg:$0x0]  }
0x2: {  	s1 =	rddreg [dreg:$0x1]  }
0x3: {  	s3 =	simm.s32 $0x0;
	s4 =	srdreg.scid;
	s2 =	stileid.u32  }
0x4: {  	s16 =	simm.s32 $0x1;
	s17 =	simm.s32 $0x2;
	s18 =	simm.s32 $0x7D  }
0x5: {  	s19 =	simm.s32 $0x2800;
	s20 =	simm.s32 $0x80;
	s21 =	simm.s32 $0x6800  }
0x6: {  	s22 =	simm.s32 $0x4;
	s23 =	simm.s32 $0x0;
	[smem:$0x7FF] =	sst s3  }
0x7: {  	s7 =	sand.u32 $0x1, s4;
	s4 =	sadd.s32 $0x11800, s6;
	s10 =	smul.u32 $0x3E80, s2  }
0x8: {  	s5 =	sshll.u32 s2, $0x1;
	s9 =	sadd.s32 $0x60200, s6;
	s31 =	smul.u32 $0x7D000, s2  }
0x9: {  	s12 =	sadd.s32 $0x3800, s6;
	s8 =	smul.u32 $0x27100, s7;
	s11 =	sor.u32 s7, s5  }
0xa: {  	p0 =	sgt.u32 s2, $0x9;
	_ =	strace $0x80000053;
	s13 =	smul.u32 $0x500, s11  }
0xb: {  	s5 =	sadd.s32 $0xD800, s6;
	s7 =	ssub.s32 $0x2, s7;
	s28 =	smul.u32 $0x2800, s11  }
0xc: {  	s30 =	sshrl.u32 s7, $0x1;
	s11 =	sshll.u32 @!p0 s2, $0x6;
	s8 =	sadd.s32 s10, s8  }
0xd: {  	s14 =	ssub.s32 s7, s30;
	s29 =	sadd.s32 s8, s6;
	s6 =	sadd.s32 s9, s13  }
0xe: {  	s10 =	sshrl.u32 s28, $0x3;
	s7 =	sadd.s32 s12, s13;
	s8 =	sshrl.u32 s31, $0x2  }
0xf: {  	s13 =	simm.s32 $0x1400;
	s10 =	sadd.s32 $0x280, s10;
	s15 =	sadd.s32 s8, s1  }
0x10: {  	s8 =	sadd.s32 s9, s10;
	s9 =	sadd.s32 s12, s10;
	s10 =	sadd.s32 $0x6A200, s29  }
0x11: {  	s12 =	smax.u32 s14, $0x1;
	s14 =	sor.u32 @!p0 $0x1C03, s11;
	s15 =	sshrl.u32 @!p0 s15, $0x3  }
.LBB2_1:
0x12: {  	[tilespmem:s3], [sflag:$0x1] =	stream.linear.gather [hbm4b:s6+s3], $0x1400, $0x38;
	[tilespmem:$0x1E080] =	vst v63  }
0x13: {  	s24 =	simm.s32 @!p0 $0x3  }
0x14: {  	[tilespmem:s13], [sflag:$0x2] =	stream.linear.gather [hbm4b:s7+s3], $0x1400, $0x38;
	[tilespmem:$0x1E080] =	vst v63  }
0x15: {  	[spmem:s15], [sflag:s14] =	dma.local @!p0 [hbm:s5], $0x3E80  }
0x16: {  	_ =	swait.ge @!p0 [sflag:s24], $0x3E80  }
0x17: {  	[sflag:s24] =	ssyncset.done @!p0 $0x0  }
0x18: {  	[sflag:s24] =	ssyncadd.s32 @!p0 $0xFFFFC180  }
0x19: {  	_ =	swait.ge [sflag:s16], $0x1400  }
0x1a: {  	[sflag:s16] =	ssyncset.done $0x0  }
0x1b: {  	[sflag:s16] =	ssyncadd.s32 $0xFFFFEC00  }
0x1c: {  	_ =	swait.ge [sflag:s17], $0x1400  }
0x1d: {  	[sflag:s17] =	ssyncset.done $0x0  }
0x1e: {  	[sflag:s17] =	ssyncadd.s32 $0xFFFFEC00  }
0x1f: {  	p1 =	por $0x1, $0x1;
	[bflag:$0x0] =	sbarrier.arrive $0xFFFF  }
0x20: {  	[tilespmem:s19], [sflag:$0x1] =	stream.indirect.gather [hbm4b:s4+s18], $0x80, s3, s18, $0xb8;
	[tilespmem:$0x1E080] =	vst v63  }
0x21: {  	p1 =	por p1, p1  }
0x22: {  	[tilespmem:s21], [sflag:$0x2] =	stream.indirect.gather [hbm4b:s4+s18], $0x80, s20, s18, $0xb8;
	[tilespmem:$0x1E080] =	vst v63  }
0x23: {  	s25 =	simm.s32 @!p1 $0x4;
	s24 =	simm.s32 @!p1 $0x0  }
0x24: {  	[tilespmem:s24], [sflag:$0x4] =	stream.linear.gather @!p1 [hbm4b:s8+s24], $0x1400, $0x38;
	[tilespmem:$0x1E080] =	vst v63  }
0x25: {  	_ =	swait.ge @!p1 [sflag:s25], $0x1400  }
0x26: {  	[sflag:s25] =	ssyncset.done @!p1 $0x0  }
0x27: {  	s26 =	simm.s32 @!p1 $0x1400;
	[sflag:s25] =	ssyncadd.s32 @!p1 $0xFFFFEC00  }
0x28: {  	[tilespmem:s26], [sflag:$0x4] =	stream.linear.gather @!p1 [hbm4b:s9+s24], $0x1400, $0x38;
	[tilespmem:$0x1E080] =	vst v63  }
0x29: {  	_ =	swait.ge @!p1 [sflag:s25], $0x1400  }
0x2a: {  	s29 =	simm.s32 $0x0;
	p2 =	por $0x1, $0x1;
	[sflag:s25] =	ssyncset.done @!p1 $0x0  }
0x2b: {  	s28 =	simm.s32 @!p1 $0x2800;
	[sflag:s25] =	ssyncadd.s32 @!p1 $0xFFFFEC00;
	s25 =	simm.s32 @!p1 $0x7D  }
0x2c: {  	[tilespmem:s28], [sflag:$0x1] =	stream.indirect.gather @!p1 [hbm4b:s4+s25], $0x80, s24, s25, $0xb8;
	[tilespmem:$0x1E080] =	vst v63  }
0x2d: {  	s26 =	simm.s32 $0xFFFFB000;
	s24 =	simm.s32 @!p1 $0x80;
	s28 =	simm.s32 @!p1 $0x6800  }
0x2e: {  	[tilespmem:s28], [sflag:$0x2] =	stream.indirect.gather @!p1 [hbm4b:s4+s25], $0x80, s24, s25, $0xb8;
	[tilespmem:$0x1E080] =	vst v63  }
0x2f: {  	s26 =	smov.u32 @p2 s29;
	_ =	swait.ge [sflag:s16], $0x3E80  }
0x30: {  	s0 =	sshra.s32 s26, $0x2;
	p1 =	por $0x0, $0x0;
	[sflag:s16] =	ssyncset.done $0x0  }
0x31: {  	s31 =	sadd.s32 $0x1400, s0;
	p2 =	por @!p1 $0x0, $0x0;
	[sflag:s16] =	ssyncadd.s32 $0xFFFFC180  }
0x32: {  	[spmem:s1] =	stream.indirect.scatter.add.f32 [tilespmem:s19], [sflag:$0x4], $0x80, s31, s18, $0xb8;
	[tilespmem:$0x1E080] =	vst v63  }
0x33: {  	p3 =	por p2, p1;
	_ =	swait.ge [sflag:s22], $0x3E80  }
0x34: {  	s29 =	sshra.s32 @!p3 s26, $0x2;
	s25 =	simm.s32 @!p3 $0x2800;
	[sflag:s22] =	ssyncset.done $0x0  }
0x35: {  	s28 =	simm.s32 @!p3 $0x7D;
	s26 =	sadd.s32 @!p3 $0x100, s29;
	[sflag:s22] =	ssyncadd.s32 $0xFFFFC180  }
0x36: {  	[tilespmem:s25], [sflag:$0x1] =	stream.indirect.gather @!p3 [hbm4b:s4+s28], $0x80, s26, s28, $0xb8;
	[tilespmem:$0x1E080] =	vst v63  }
0x37: {  	_ =	swait.ge [sflag:s17], $0x3E80  }
0x38: {  	[sflag:s17] =	ssyncset.done $0x0  }
0x39: {  	p6 =	por $0x1, $0x1;
	s24 =	sadd.s32 $0x1480, s0;
	[sflag:s17] =	ssyncadd.s32 $0xFFFFC180  }
0x3a: {  	[spmem:s1] =	stream.indirect.scatter.add.f32 [tilespmem:s21], [sflag:$0x4], $0x80, s24, s18, $0xb8;
	[tilespmem:$0x1E080] =	vst v63  }
0x3b: {  	p1 =	por p6, p6;
	s30 =	simm.s32 @!p3 $0x6800;
	_ =	swait.ge [sflag:s22], $0x3E80  }
0x3c: {  	s29 =	sadd.s32 @!p3 $0x180, s29;
	s25 =	simm.s32 $0x1;
	[sflag:s22] =	ssyncset.done $0x0  }
0x3d: {  	s26 =	simm.s32 $0x2;
	s24 =	simm.s32 $0xFFFFB400;
	[sflag:s22] =	ssyncadd.s32 $0xFFFFC180  }
.LBB2_2:
0x3e: {  	[tilespmem:s30], [sflag:$0x2] =	stream.indirect.gather @!p3 [hbm4b:s4+s28], $0x80, s29, s28, $0xb8;
	[tilespmem:$0x1E080] =	vst v63  }
0x3f: {  	p4 =	sne.s32 s26, $0x14;
	s28 =	simm.s32 @!p1 $0x0;
	s29 =	simm.s32 @!p1 $0x4  }
0x40: {  	[tilespmem:s28], [sflag:$0x4] =	stream.linear.gather @!p1 [hbm4b:s8+s28], $0x1400, $0x38;
	[tilespmem:$0x1E080] =	vst v63  }
0x41: {  	s30 =	smov.u32 s26;
	s26 =	sadd.s32 $0x1, s26;
	_ =	swait.ge @!p1 [sflag:s29], $0x1400  }
0x42: {  	p2 =	sne.s32 s26, $0x28;
	[sflag:s29] =	ssyncset.done @!p1 $0x0  }
0x43: {  	s31 =	simm.s32 @!p1 $0x1400;
	[sflag:s29] =	ssyncadd.s32 @!p1 $0xFFFFEC00  }
0x44: {  	[tilespmem:s31], [sflag:$0x4] =	stream.linear.gather @!p1 [hbm4b:s9+s28], $0x1400, $0x38;
	[tilespmem:$0x1E080] =	vst v63  }
0x45: {  	s0 =	sadd.s32 $0x5000, s24;
	s31 =	simm.s32 @!p1 $0x2800;
	_ =	swait.ge @!p1 [sflag:s29], $0x1400  }
0x46: {  	p3 =	seq.s32 s25, $0x13;
	p6 =	slt.u32 s25, $0x14;
	[sflag:s29] =	ssyncset.done @!p1 $0x0  }
0x47: {  	p5 =	seq.s32 @!p3 s25, $0x27;
	[sflag:s29] =	ssyncadd.s32 @!p1 $0xFFFFEC00;
	s29 =	simm.s32 @!p1 $0x7D  }
0x48: {  	[tilespmem:s31], [sflag:$0x1] =	stream.indirect.gather @!p1 [hbm4b:s4+s29], $0x80, s28, s29, $0xb8;
	[tilespmem:$0x1E080] =	vst v63  }
0x49: {  	s25 =	smov.u32 s24;
	s28 =	simm.s32 @!p1 $0x80;
	s31 =	simm.s32 @!p1 $0x6800  }
0x4a: {  	[tilespmem:s31], [sflag:$0x2] =	stream.indirect.gather @!p1 [hbm4b:s4+s29], $0x80, s28, s29, $0xb8;
	[tilespmem:$0x1E080] =	vst v63  }
0x4b: {  	s25 =	smov.u32 @p6 s0;
	p3 =	por p5, p3;
	_ =	swait.ge [sflag:s16], $0x3E80  }
0x4c: {  	s0 =	sshra.s32 s25, $0x2;
	s29 =	sshra.s32 @!p3 s25, $0x2;
	[sflag:s16] =	ssyncset.done $0x0  }
0x4d: {  	s28 =	sadd.s32 $0x1400, s0;
	s25 =	smov.u32 s30;
	[sflag:s16] =	ssyncadd.s32 $0xFFFFC180  }
0x4e: {  	[spmem:s1] =	stream.indirect.scatter.add.f32 [tilespmem:s19], [sflag:$0x4], $0x80, s28, s18, $0xb8;
	[tilespmem:$0x1E080] =	vst v63  }
0x4f: {  	p1 =	por p4, p4;
	_ =	swait.ge [sflag:s22], $0x3E80  }
0x50: {  	s30 =	simm.s32 @!p3 $0x2800;
	[sflag:s22] =	ssyncset.done $0x0  }
0x51: {  	s31 =	sadd.s32 @!p3 $0x100, s29;
	s28 =	simm.s32 @!p3 $0x7D;
	[sflag:s22] =	ssyncadd.s32 $0xFFFFC180  }
0x52: {  	[tilespmem:s30], [sflag:$0x1] =	stream.indirect.gather @!p3 [hbm4b:s4+s28], $0x80, s31, s28, $0xb8;
	[tilespmem:$0x1E080] =	vst v63  }
0x53: {  	_ =	swait.ge [sflag:s17], $0x3E80  }
0x54: {  	[sflag:s17] =	ssyncset.done $0x0  }
.Ltmp0:
0x55: {  	s0 =	sadd.s32 $0x1480, s0;
	[sflag:s17] =	ssyncadd.s32 $0xFFFFC180;
	(pc) =	sbr.rel @p2 .LBB2_2-.Ltmp0, $4  }
0x56: {  	[spmem:s1] =	stream.indirect.scatter.add.f32 [tilespmem:s21], [sflag:$0x4], $0x80, s0, s18, $0xb8;
	[tilespmem:$0x1E080] =	vst v63  }
0x57: {  	_ =	swait.ge [sflag:s22], $0x3E80  }
0x58: {  	s24 =	sadd.s32 $0x400, s24;
	[sflag:s22] =	ssyncset.done $0x0  }
0x59: {  	s29 =	sadd.s32 @!p3 $0x180, s29;
	s30 =	simm.s32 @!p3 $0x6800;
	[sflag:s22] =	ssyncadd.s32 $0xFFFFC180  }
0x5a: {  	[tilespmem:s30], [sflag:$0x2] =	stream.indirect.gather @!p3 [hbm4b:s4+s28], $0x80, s29, s28, $0xb8;
	[tilespmem:$0x1E080] =	vst v63  }
0x5b: {  	s0 =	simm.s32 @!p1 $0x0;
	s26 =	simm.s32 @!p1 $0x4  }
0x5c: {  	[tilespmem:s0], [sflag:$0x4] =	stream.linear.gather @!p1 [hbm4b:s8+s0], $0x1400, $0x38;
	[tilespmem:$0x1E080] =	vst v63  }
0x5d: {  	_ =	swait.ge @!p1 [sflag:s26], $0x1400  }
0x5e: {  	[sflag:s26] =	ssyncset.done @!p1 $0x0  }
0x5f: {  	s28 =	simm.s32 @!p1 $0x1400;
	[sflag:s26] =	ssyncadd.s32 @!p1 $0xFFFFEC00  }
0x60: {  	[tilespmem:s28], [sflag:$0x4] =	stream.linear.gather @!p1 [hbm4b:s9+s0], $0x1400, $0x38;
	[tilespmem:$0x1E080] =	vst v63  }
0x61: {  	_ =	swait.ge @!p1 [sflag:s26], $0x1400  }
0x62: {  	s29 =	sadd.s32 $0x5000, s24;
	[sflag:s26] =	ssyncset.done @!p1 $0x0  }
0x63: {  	s28 =	simm.s32 @!p1 $0x2800;
	[sflag:s26] =	ssyncadd.s32 @!p1 $0xFFFFEC00;
	s26 =	simm.s32 @!p1 $0x7D  }
0x64: {  	[tilespmem:s28], [sflag:$0x1] =	stream.indirect.gather @!p1 [hbm4b:s4+s26], $0x80, s0, s26, $0xb8;
	[tilespmem:$0x1E080] =	vst v63  }
0x65: {  	p2 =	slt.u32 s25, $0x14;
	s0 =	simm.s32 @!p1 $0x80;
	s28 =	simm.s32 @!p1 $0x6800  }
0x66: {  	[tilespmem:s28], [sflag:$0x2] =	stream.indirect.gather @!p1 [hbm4b:s4+s26], $0x80, s0, s26, $0xb8;
	[tilespmem:$0x1E080] =	vst v63  }
0x67: {  	s24 =	smov.u32 @p2 s29;
	_ =	swait.ge [sflag:s16], $0x3E80  }
0x68: {  	s30 =	sshra.s32 s24, $0x2;
	p1 =	seq.s32 s25, $0x13;
	[sflag:s16] =	ssyncset.done $0x0  }
0x69: {  	s31 =	sadd.s32 $0x1400, s30;
	p2 =	seq.s32 @!p1 s25, $0x27;
	[sflag:s16] =	ssyncadd.s32 $0xFFFFC180  }
0x6a: {  	[spmem:s1] =	stream.indirect.scatter.add.f32 [tilespmem:s19], [sflag:$0x4], $0x80, s31, s18, $0xb8;
	[tilespmem:$0x1E080] =	vst v63  }
0x6b: {  	p1 =	por p2, p1;
	_ =	swait.ge [sflag:s22], $0x3E80  }
0x6c: {  	s24 =	sshra.s32 @!p1 s24, $0x2;
	s25 =	simm.s32 @!p1 $0x2800;
	[sflag:s22] =	ssyncset.done $0x0  }
0x6d: {  	s28 =	simm.s32 @!p1 $0x7D;
	s26 =	sadd.s32 @!p1 $0x100, s24;
	[sflag:s22] =	ssyncadd.s32 $0xFFFFC180  }
0x6e: {  	[tilespmem:s25], [sflag:$0x1] =	stream.indirect.gather @!p1 [hbm4b:s4+s28], $0x80, s26, s28, $0xb8;
	[tilespmem:$0x1E080] =	vst v63  }
0x6f: {  	_ =	swait.ge [sflag:s17], $0x3E80  }
0x70: {  	[sflag:s17] =	ssyncset.done $0x0  }
0x71: {  	s0 =	sadd.s32 $0x1480, s30;
	[sflag:s17] =	ssyncadd.s32 $0xFFFFC180  }
0x72: {  	[spmem:s1] =	stream.indirect.scatter.add.f32 [tilespmem:s21], [sflag:$0x4], $0x80, s0, s18, $0xb8;
	[tilespmem:$0x1E080] =	vst v63  }
0x73: {  	_ =	swait.ge [sflag:s22], $0x3E80  }
0x74: {  	s23 =	sadd.s32 $0x1, s23;
	[sflag:s22] =	ssyncset.done $0x0  }
0x75: {  	s0 =	sadd.s32 @!p1 $0x180, s24;
	s24 =	simm.s32 @!p1 $0x6800;
	[sflag:s22] =	ssyncadd.s32 $0xFFFFC180  }
0x76: {  	[tilespmem:s24], [sflag:$0x2] =	stream.indirect.gather @!p1 [hbm4b:s4+s28], $0x80, s0, s28, $0xb8;
	[tilespmem:$0x1E080] =	vst v63  }
0x77: {  	s0 =	sor.u32 @!p0 $0x1C01, s11;
	p1 =	sne.s32 s23, s12;
	[bflag:$0x0] =	sbarrier.arrive $0xFFFF  }
0x78: {  	[hbm:s10], [sflag:s0] =	dma.local @!p0 [spmem:s15], $0x3E80  }
.Ltmp1:
0x79: {  	_ = 	snop;
	(pc) =	sbr.rel @p1 .LBB2_1-.Ltmp1, $4  }
0x7a: {  	s0 =	simm.s32 @!p0 $0x1  }
0x7b: {  	_ =	swait.ge @!p0 [sflag:s0], $0x3E80  }
0x7c: {  	[sflag:s0] =	ssyncset.done @!p0 $0x0  }
0x7d: {  	[sflag:s0] =	ssyncadd.s32 @!p0 $0xFFFFC180  }
0x7e: {  	_ =	sfence.sel $0x180000  }
0x7f: {  	[bflag:$0x0] =	sbarrier.arrive $0xFFFF  }
0x80: {  	_ =	strace $0x90000053  }
0x81: {  	[bflag:$0x2] =	sbarrier.arrive $0xFFFF  }
0x82: {  	p0 =	sne.s32 s2, $0x0;
	s0 =	rddreg [dreg:$0x2]  }
0x83: {  	s0 =	sadd.s32 @!p0 $0x100000, s0  }
0x84: {  	[sflag:s0] =	ssyncadd.tile.s32 @!p0 $0x1;
	_ =	shalt  }
.Lfunc_end2:
_tile_overlayer_lowered:
.L_overlay_start_2:
0x85: {  	(tag) =	ssettag $0x2  }
0x86: {  	s0 =	rddreg [dreg:$0x0];
	s2 =	stileid.u32  }
0x87: {  	s1 =	rddreg [dreg:$0x1];
	p0 =	sne.s32 s2, $0x0  }
0x88: {  	s3 =	rddreg [dreg:$0x2];
	[bflag:$0x3] =	sbarrier.arrive $0xFFFF;
	s2 =	simm.s32 @!p0 $0x1C04  }
0x89: {  	[timem:s3], [sflag:s2] =	dma.local @!p0 [hbm:s0], s1  }
0x8a: {  	s0 =	simm.s32 @!p0 $0x4  }
0x8b: {  	_ =	swait.ge @!p0 [sflag:s0], s1  }
0x8c: {  	s1 =	ssub.s32 @!p0 $0x0, s1;
	[sflag:s0] =	ssyncset.done @!p0 $0x0  }
0x8d: {  	[sflag:s0] =	ssyncadd.s32 @!p0 s1  }
0x8e: {  	[bflag:$0x3] =	sbarrier.arrive $0xFFFF  }
0x8f: {  	_ =	shalt  }

</sc_bundles>
